<compile_context>
chip_gen: v7x
topology: tpu7x:2x2x1
jax: 0.10.2.dev20260603
libtpu: 0.0.44.dev20260713+nightly
codegen_flags: <defaults>
</compile_context>

<pallas_src>
import functools

import jax
import jax.numpy as jnp
from jax import lax
from jax.experimental import pallas as pl
from jax.experimental.pallas import tpu as pltpu
from jax.experimental.pallas import tpu_sc as plsc

B = 4
L = 4096
D = 1024
TABLE = 4096

NC = 2
NS = 16
NW = NC * NS
TOTAL = B * L
B_PER_W = TOTAL // NW
W_PER_ROW = L // B_PER_W
FILL = 4
NFILL = B_PER_W // FILL
NGRP = B_PER_W // 16


@functools.cache
def _build_fused():
    return pl.kernel(
        _fused_body,
        out_type=jax.ShapeDtypeStruct((TOTAL, D), jnp.float32),
        mesh=plsc.VectorSubcoreMesh(core_axis_name="c", subcore_axis_name="s"),
        scratch_types=[
            pltpu.VMEM((1, B_PER_W), jnp.int32),
            pltpu.VMEM((16,), jnp.int32),
            pltpu.VMEM((16,), jnp.int32),
            pltpu.VMEM((NS, 16), jnp.int32),
            pltpu.VMEM((FILL, D), jnp.float32),
            pltpu.VMEM((1, D), jnp.float32),
            pltpu.VMEM_SHARED((NS, 16), jnp.int32),
            pltpu.SemaphoreType.DMA,
            pltpu.SemaphoreType.DMA,
        ],
    )


def _digit_lanes(vec):
    dm = jnp.where((vec >= 48) & (vec <= 57), 1, 0).astype(jnp.int32)
    return [dm[r] for r in range(16)]


def _fused_body(ids_hbm, table_hbm, out_hbm, ids_v, zidx_v, pub_v, puball_v,
                buf_v, fix_v, shared, gsem, ssem):
    c = lax.axis_index("c")
    s = lax.axis_index("s")
    wid = c * NS + s
    base = wid * B_PER_W
    row = wid // W_PER_ROW
    j0 = (wid % W_PER_ROW) * B_PER_W
    ids_cp = pltpu.async_copy(
        ids_hbm.at[pl.ds(row, 1), pl.ds(j0, B_PER_W)], ids_v, gsem
    )
    zidx_v[pl.ds(0, 16)] = jnp.zeros((16,), jnp.int32)
    tmpl_cp = pltpu.async_copy(
        table_hbm.at[zidx_v.at[pl.ds(0, FILL)]], buf_v, gsem
    )
    tmpl_cp.wait()
    fills = []
    for j in range(NFILL):
        fills.append(pltpu.async_copy(
            buf_v, out_hbm.at[pl.ds(base + j * FILL, FILL)], ssem
        ))
    ids_cp.wait()

    def lastnd_group(g, last_nd):
        d = _digit_lanes(ids_v[0, pl.ds(g * 16, 16)])
        for r in range(16):
            last_nd = jnp.where(d[r] == 0, g * 16 + r, last_nd)
        return last_nd

    tail_run = (B_PER_W - 1) - lax.fori_loop(
        0, NGRP, lastnd_group, jnp.int32(-1)
    )
    lanes16 = lax.iota(jnp.int32, 16)
    pub_v[pl.ds(0, 16)] = jnp.where(lanes16 == 0, tail_run, 0)
    pltpu.sync_copy(pub_v, shared.at[s])
    plsc.subcore_barrier()
    pltpu.sync_copy(shared, puball_v)
    tails = [puball_v[j, pl.ds(0, 16)][0] for j in range(NS)]
    row_start = (s // W_PER_ROW) * W_PER_ROW
    carry = jnp.int32(0)
    alive = jnp.int32(1)
    for k in range(1, W_PER_ROW):
        pk = s - k
        spk = jnp.int32(0)
        for j in range(NS):
            spk = spk + jnp.where(pk == j, tails[j], 0)
        take = alive * jnp.where(pk >= row_start, 1, 0)
        carry = carry + take * spk
        alive = take * jnp.where(spk == B_PER_W, 1, 0)

    for f in fills:
        f.wait()

    def group(g, rl):
        vec = ids_v[0, pl.ds(g * 16, 16)]
        d = _digit_lanes(vec)
        any_d = d[0]
        for r in range(1, 16):
            any_d = any_d | d[r]
        pos = []
        for r in range(16):
            rl = d[r] * (rl + 1)
            pos.append(rl)

        @pl.when(any_d > 0)
        def _():
            for r in range(16):
                @pl.when(d[r] > 0)
                def _(r=r, p=pos[r]):
                    p = jnp.minimum(p, TABLE - 1)
                    pltpu.sync_copy(table_hbm.at[pl.ds(p, 1)], fix_v)
                    pltpu.sync_copy(
                        fix_v, out_hbm.at[pl.ds(base + g * 16 + r, 1)]
                    )
        return rl

    lax.fori_loop(0, NGRP, group, carry)


def kernel(input_ids, embedding):
    out = _build_fused()(input_ids, embedding)
    return out.reshape(B, L, D)

# --- scband reference (transcript-rebuilt; emitter-appended) ---
"""Pipeline reference for scband-abacus-26783416057974 (READ-ONLY COPY).

The authoritative reference and input builder live on the scoring server;
editing this copy changes nothing except your own understanding.
"""

import jax, jax.numpy as jnp
import numpy as np

# Digit token ids: stand-in for tokenizer.convert_tokens_to_ids(['0'..'9']).
# We use ASCII codes 48..57 as the digit token ids.
DIGITS = jnp.array([48, 49, 50, 51, 52, 53, 54, 55, 56, 57], dtype=jnp.int32)

BATCH = 4
SEQ_LEN = 4096
EMBED_DIM = 1024
MAX_SEQ_LENGTH = 4096
VOCAB = 50257


def setup_inputs(seed: int = 0) -> dict:
    key = jax.random.key(seed)
    k1, k2 = jax.random.split(key)
    input_ids = jax.random.randint(k1, (BATCH, SEQ_LEN), 0, VOCAB, dtype=jnp.int32)
    embedding = jax.random.normal(k2, (MAX_SEQ_LENGTH, EMBED_DIM), dtype=jnp.float32) * 0.02
    return {"input_ids": input_ids, "embedding": embedding}


def _abacus_positions(input_ids):
    # mask of digit locations
    B, L = input_ids.shape
    mask = (input_ids[:, :, None] == DIGITS[None, None, :]).any(axis=-1)
    # shift mask right by one (prepend zeros column)
    shifted_mask = jnp.concatenate(
        [jnp.zeros((B, 1), dtype=mask.dtype), mask[:, :-1]], axis=1
    )
    starts = (shifted_mask != mask) & mask
    starts_i = starts.astype(jnp.int32)
    segment_ids = jnp.cumsum(starts_i, axis=1)
    index = jnp.broadcast_to(jnp.arange(L, dtype=jnp.int32)[None, :], (B, L))
    second_term = index * starts_i
    # scatter_add along dim 1: reset_index[b, segment_ids[b, j]] += second_term[b, j]
    bidx = jnp.arange(B, dtype=jnp.int32)[:, None]
    reset_index = jnp.zeros((B, L), dtype=jnp.int32).at[bidx, segment_ids].add(second_term)
    # gather along dim 1
    gathered = jnp.take_along_axis(reset_index, segment_ids, axis=1)
    positions = index - gathered + 1
    result = positions * mask.astype(jnp.int32)
    return result


def reference(input_ids, embedding):
    # eval mode: k = 0 (no random shift)
    out_idx = _abacus_positions(input_ids)
    return jnp.take(embedding, out_idx, axis=0)

if __name__ == "__main__":
    import jax
    _d = setup_inputs()
    print(jax.jit(kernel)(*tuple(_d.values())))

</pallas_src>

<mosaic_0001>
#map = affine_map<(d0, d1) -> (0, 0)>
module attributes {stable_mosaic.version = 14 : i64} {
  func.func @_fused_body(%arg0: i32, %arg1: i32, %arg2: memref<4x4096xi32, #tpu.memory_space<hbm>>, %arg3: memref<4096x1024xf32, #tpu.memory_space<hbm>>, %arg4: memref<16384x1024xf32, #tpu.memory_space<hbm>>, %arg5: memref<1x512xi32, #tpu.memory_space<vmem>>, %arg6: memref<16xi32, #tpu.memory_space<vmem>>, %arg7: memref<16xi32, #tpu.memory_space<vmem>>, %arg8: memref<16x16xi32, #tpu.memory_space<vmem>>, %arg9: memref<4x1024xf32, #tpu.memory_space<vmem>>, %arg10: memref<1x1024xf32, #tpu.memory_space<vmem>>, %arg11: memref<16x16xi32, #tpu.memory_space<vmem_shared>>, %arg12: memref<!tpu.dma_semaphore, #tpu.memory_space<semaphore_mem>>, %arg13: memref<!tpu.dma_semaphore, #tpu.memory_space<semaphore_mem>>) attributes {dimension_semantics = [#tpu.dimension_semantics<core_parallel>, #tpu.dimension_semantics<subcore_parallel>], iteration_bounds = array<i64: 2, 16>, scalar_prefetch = 0 : i64, scratch_operands = 9 : i64, tpu.core_type = #tpu.core_type<sc_vector_subcore>, window_params = [{transform_indices = #map}, {transform_indices = #map}, {transform_indices = #map}]} {
    %mul3A = arith.constant 16 : i32
    %mul3A_0 = arith.muli %arg0, %mul3A : i32
    %add3A = arith.addi %mul3A_0, %arg1 : i32
    %mul3A_1 = arith.constant 512 : i32
    %mul3A_2 = arith.muli %add3A, %mul3A_1 : i32
    %jit3A = arith.constant 8 : i32
    %div3A = arith.divsi %add3A, %jit3A : i32
    %sign3A = arith.constant 0 : i32
    %sign3A_3 = arith.cmpi sgt, %add3A, %sign3A : i32
    %sign3A_4 = arith.extui %sign3A_3 : i1 to i32
    %sign3A_5 = arith.constant 0 : i32
    %sign3A_6 = arith.cmpi slt, %add3A, %sign3A_5 : i32
    %sign3A_7 = arith.extui %sign3A_6 : i1 to i32
    %sign3A_8 = arith.subi %sign3A_4, %sign3A_7 : i32
    %sign3A_9 = arith.constant 0 : i32
    %sign3A_10 = arith.cmpi sgt, %jit3A, %sign3A_9 : i32
    %sign3A_11 = arith.extui %sign3A_10 : i1 to i32
    %sign3A_12 = arith.constant 0 : i32
    %sign3A_13 = arith.cmpi slt, %jit3A, %sign3A_12 : i32
    %sign3A_14 = arith.extui %sign3A_13 : i1 to i32
    %sign3A_15 = arith.subi %sign3A_11, %sign3A_14 : i32
    %ne3A = arith.cmpi ne, %sign3A_8, %sign3A_15 : i32
    %rem3A = arith.remsi %add3A, %jit3A : i32
    %ne3A_16 = arith.constant 0 : i32
    %ne3A_17 = arith.cmpi ne, %rem3A, %ne3A_16 : i32
    %and3A = arith.andi %ne3A, %ne3A_17 : i1
    %sub3A = arith.constant 1 : i32
    %sub3A_18 = arith.subi %div3A, %sub3A : i32
    %select_n3A = arith.select %and3A, %sub3A_18, %div3A : i32
    %jit3A_19 = arith.constant 8 : i32
    %eq3A = arith.constant 0 : i32
    %eq3A_20 = arith.cmpi eq, %jit3A_19, %eq3A : i32
    %jit3A_21 = arith.constant 1 : i32
    %select_n3A_22 = arith.select %eq3A_20, %jit3A_21, %jit3A_19 : i32
    %rem3A_23 = arith.remsi %add3A, %select_n3A_22 : i32
    %ne3A_24 = arith.constant 0 : i32
    %ne3A_25 = arith.cmpi ne, %rem3A_23, %ne3A_24 : i32
    %lt3A = arith.constant 0 : i32
    %lt3A_26 = arith.cmpi slt, %rem3A_23, %lt3A : i32
    %lt3A_27 = arith.constant 0 : i32
    %lt3A_28 = arith.cmpi slt, %select_n3A_22, %lt3A_27 : i32
    %ne3A_29 = arith.xori %lt3A_26, %lt3A_28 : i1
    %and3A_30 = arith.andi %ne3A_29, %ne3A_25 : i1
    %add3A_31 = arith.addi %rem3A_23, %select_n3A_22 : i32
    %select_n3A_32 = arith.select %and3A_30, %add3A_31, %rem3A_23 : i32
    %mul3A_33 = arith.constant 512 : i32
    %mul3A_34 = arith.muli %select_n3A_32, %mul3A_33 : i32
    %dma_start3A = tpu.memref_slice %arg2[%select_n3A, %mul3A_34] : memref<4x4096xi32, #tpu.memory_space<hbm>> -> memref<1x512xi32, #tpu.memory_space<hbm>>
    %dma_start3A_35 = tpu.memref_slice %arg2[%select_n3A, %mul3A_34] : memref<4x4096xi32, #tpu.memory_space<hbm>> -> memref<1x512xi32, #tpu.memory_space<hbm>>
    tpu.enqueue_dma source(%dma_start3A_35 : memref<1x512xi32, #tpu.memory_space<hbm>>) target(%arg5 : memref<1x512xi32, #tpu.memory_space<vmem>>) target_semaphore(%arg12 : memref<!tpu.dma_semaphore, #tpu.memory_space<semaphore_mem>>)
    %broadcast_in_dim3A = arith.constant 0 : i32
    %broadcast_in_dim3A_36 = vector.broadcast %broadcast_in_dim3A : i32 to vector<16xi32>
    %swap3A = arith.constant 0 : index
    %swap3A_37 = tpu.vector_load %arg6[%swap3A] {strides = array<i32>} : memref<16xi32, #tpu.memory_space<vmem>>, vector<16xi32>,
    %swap3A_38 = vector.shape_cast %swap3A_37 : vector<16xi32> to vector<16xi32>
    %swap3A_39 = vector.shape_cast %broadcast_in_dim3A_36 : vector<16xi32> to vector<16xi32>
    tpu.vector_store %arg6[%swap3A], %swap3A_39 {strides = array<i32>} : memref<16xi32, #tpu.memory_space<vmem>>, vector<16xi32>,
    %dma_start3A_40 = arith.constant 0 : i32
    %dma_start3A_41 = tpu.memref_slice %arg6[%dma_start3A_40] : memref<16xi32, #tpu.memory_space<vmem>> -> memref<4xi32, #tpu.memory_space<vmem>>
    %dma_start3A_42 = arith.constant 0 : i32
    %dma_start3A_43 = arith.constant 0 : i32
    %dma_start3A_44 = tpu.memref_slice %arg3[%dma_start3A_42, %dma_start3A_43] : memref<4096x1024xf32, #tpu.memory_space<hbm>> -> memref<4096x1024xf32, #tpu.memory_space<hbm>>
    tpu.enqueue_indirect_dma source(%dma_start3A_44 : memref<4096x1024xf32, #tpu.memory_space<hbm>>) target(%arg9 : memref<4x1024xf32, #tpu.memory_space<vmem>>) offsets(%dma_start3A_41 : memref<4xi32, #tpu.memory_space<vmem>>) semaphore(%arg12 : memref<!tpu.dma_semaphore, #tpu.memory_space<semaphore_mem>>)
    %dma_wait3A = arith.constant 0 : i32
    %dma_wait3A_45 = tpu.memref_slice %arg6[%dma_wait3A] : memref<16xi32, #tpu.memory_space<vmem>> -> memref<4xi32, #tpu.memory_space<vmem>>
    %dma_wait3A_46 = arith.constant 0 : i32
    %dma_wait3A_47 = arith.constant 0 : i32
    %dma_wait3A_48 = tpu.memref_slice %arg3[%dma_wait3A_46, %dma_wait3A_47] : memref<4096x1024xf32, #tpu.memory_space<hbm>> -> memref<4096x1024xf32, #tpu.memory_space<hbm>>
    tpu.wait_indirect_dma semaphore(%arg12 : memref<!tpu.dma_semaphore, #tpu.memory_space<semaphore_mem>>) src(%dma_wait3A_48 : memref<4096x1024xf32, #tpu.memory_space<hbm>>) dst(%arg9 : memref<4x1024xf32, #tpu.memory_space<vmem>>)
    %add3A_49 = arith.constant 0 : i32
    %add3A_50 = arith.addi %mul3A_2, %add3A_49 : i32
    %dma_start3A_51 = arith.constant 0 : i32
    %dma_start3A_52 = tpu.memref_slice %arg4[%add3A_50, %dma_start3A_51] : memref<16384x1024xf32, #tpu.memory_space<hbm>> -> memref<4x1024xf32, #tpu.memory_space<hbm>>
    %dma_start3A_53 = arith.constant 0 : i32
    %dma_start3A_54 = tpu.memref_slice %arg4[%add3A_50, %dma_start3A_53] : memref<16384x1024xf32, #tpu.memory_space<hbm>> -> memref<4x1024xf32, #tpu.memory_space<hbm>>
    tpu.enqueue_dma source(%arg9 : memref<4x1024xf32, #tpu.memory_space<vmem>>) target(%dma_start3A_54 : memref<4x1024xf32, #tpu.memory_space<hbm>>) target_semaphore(%arg13 : memref<!tpu.dma_semaphore, #tpu.memory_space<semaphore_mem>>)
    %add3A_55 = arith.constant 4 : i32
    %add3A_56 = arith.addi %mul3A_2, %add3A_55 : i32
    %dma_start3A_57 = arith.constant 0 : i32
    %dma_start3A_58 = tpu.memref_slice %arg4[%add3A_56, %dma_start3A_57] : memref<16384x1024xf32, #tpu.memory_space<hbm>> -> memref<4x1024xf32, #tpu.memory_space<hbm>>
    %dma_start3A_59 = arith.constant 0 : i32
    %dma_start3A_60 = tpu.memref_slice %arg4[%add3A_56, %dma_start3A_59] : memref<16384x1024xf32, #tpu.memory_space<hbm>> -> memref<4x1024xf32, #tpu.memory_space<hbm>>
    tpu.enqueue_dma source(%arg9 : memref<4x1024xf32, #tpu.memory_space<vmem>>) target(%dma_start3A_60 : memref<4x1024xf32, #tpu.memory_space<hbm>>) target_semaphore(%arg13 : memref<!tpu.dma_semaphore, #tpu.memory_space<semaphore_mem>>)
    %add3A_61 = arith.constant 8 : i32
    %add3A_62 = arith.addi %mul3A_2, %add3A_61 : i32
    %dma_start3A_63 = arith.constant 0 : i32
    %dma_start3A_64 = tpu.memref_slice %arg4[%add3A_62, %dma_start3A_63] : memref<16384x1024xf32, #tpu.memory_space<hbm>> -> memref<4x1024xf32, #tpu.memory_space<hbm>>
    %dma_start3A_65 = arith.constant 0 : i32
    %dma_start3A_66 = tpu.memref_slice %arg4[%add3A_62, %dma_start3A_65] : memref<16384x1024xf32, #tpu.memory_space<hbm>> -> memref<4x1024xf32, #tpu.memory_space<hbm>>
    tpu.enqueue_dma source(%arg9 : memref<4x1024xf32, #tpu.memory_space<vmem>>) target(%dma_start3A_66 : memref<4x1024xf32, #tpu.memory_space<hbm>>) target_semaphore(%arg13 : memref<!tpu.dma_semaphore, #tpu.memory_space<semaphore_mem>>)
    %add3A_67 = arith.constant 12 : i32
    %add3A_68 = arith.addi %mul3A_2, %add3A_67 : i32
    %dma_start3A_69 = arith.constant 0 : i32
    %dma_start3A_70 = tpu.memref_slice %arg4[%add3A_68, %dma_start3A_69] : memref<16384x1024xf32, #tpu.memory_space<hbm>> -> memref<4x1024xf32, #tpu.memory_space<hbm>>
    %dma_start3A_71 = arith.constant 0 : i32
    %dma_start3A_72 = tpu.memref_slice %arg4[%add3A_68, %dma_start3A_71] : memref<16384x1024xf32, #tpu.memory_space<hbm>> -> memref<4x1024xf32, #tpu.memory_space<hbm>>
    tpu.enqueue_dma source(%arg9 : memref<4x1024xf32, #tpu.memory_space<vmem>>) target(%dma_start3A_72 : memref<4x1024xf32, #tpu.memory_space<hbm>>) target_semaphore(%arg13 : memref<!tpu.dma_semaphore, #tpu.memory_space<semaphore_mem>>)
    %add3A_73 = arith.constant 16 : i32
    %add3A_74 = arith.addi %mul3A_2, %add3A_73 : i32
    %dma_start3A_75 = arith.constant 0 : i32
    %dma_start3A_76 = tpu.memref_slice %arg4[%add3A_74, %dma_start3A_75] : memref<16384x1024xf32, #tpu.memory_space<hbm>> -> memref<4x1024xf32, #tpu.memory_space<hbm>>
    %dma_start3A_77 = arith.constant 0 : i32
    %dma_start3A_78 = tpu.memref_slice %arg4[%add3A_74, %dma_start3A_77] : memref<16384x1024xf32, #tpu.memory_space<hbm>> -> memref<4x1024xf32, #tpu.memory_space<hbm>>
    tpu.enqueue_dma source(%arg9 : memref<4x1024xf32, #tpu.memory_space<vmem>>) target(%dma_start3A_78 : memref<4x1024xf32, #tpu.memory_space<hbm>>) target_semaphore(%arg13 : memref<!tpu.dma_semaphore, #tpu.memory_space<semaphore_mem>>)
    %add3A_79 = arith.constant 20 : i32
    %add3A_80 = arith.addi %mul3A_2, %add3A_79 : i32
    %dma_start3A_81 = arith.constant 0 : i32
    %dma_start3A_82 = tpu.memref_slice %arg4[%add3A_80, %dma_start3A_81] : memref<16384x1024xf32, #tpu.memory_space<hbm>> -> memref<4x1024xf32, #tpu.memory_space<hbm>>
    %dma_start3A_83 = arith.constant 0 : i32
    %dma_start3A_84 = tpu.memref_slice %arg4[%add3A_80, %dma_start3A_83] : memref<16384x1024xf32, #tpu.memory_space<hbm>> -> memref<4x1024xf32, #tpu.memory_space<hbm>>
    tpu.enqueue_dma source(%arg9 : memref<4x1024xf32, #tpu.memory_space<vmem>>) target(%dma_start3A_84 : memref<4x1024xf32, #tpu.memory_space<hbm>>) target_semaphore(%arg13 : memref<!tpu.dma_semaphore, #tpu.memory_space<semaphore_mem>>)
    %add3A_85 = arith.constant 24 : i32
    %add3A_86 = arith.addi %mul3A_2, %add3A_85 : i32
    %dma_start3A_87 = arith.constant 0 : i32
    %dma_start3A_88 = tpu.memref_slice %arg4[%add3A_86, %dma_start3A_87] : memref<16384x1024xf32, #tpu.memory_space<hbm>> -> memref<4x1024xf32, #tpu.memory_space<hbm>>
    %dma_start3A_89 = arith.constant 0 : i32
    %dma_start3A_90 = tpu.memref_slice %arg4[%add3A_86, %dma_start3A_89] : memref<16384x1024xf32, #tpu.memory_space<hbm>> -> memref<4x1024xf32, #tpu.memory_space<hbm>>
    tpu.enqueue_dma source(%arg9 : memref<4x1024xf32, #tpu.memory_space<vmem>>) target(%dma_start3A_90 : memref<4x1024xf32, #tpu.memory_space<hbm>>) target_semaphore(%arg13 : memref<!tpu.dma_semaphore, #tpu.memory_space<semaphore_mem>>)
    %add3A_91 = arith.constant 28 : i32
    %add3A_92 = arith.addi %mul3A_2, %add3A_91 : i32
    %dma_start3A_93 = arith.constant 0 : i32
    %dma_start3A_94 = tpu.memref_slice %arg4[%add3A_92, %dma_start3A_93] : memref<16384x1024xf32, #tpu.memory_space<hbm>> -> memref<4x1024xf32, #tpu.memory_space<hbm>>
    %dma_start3A_95 = arith.constant 0 : i32
    %dma_start3A_96 = tpu.memref_slice %arg4[%add3A_92, %dma_start3A_95] : memref<16384x1024xf32, #tpu.memory_space<hbm>> -> memref<4x1024xf32, #tpu.memory_space<hbm>>
    tpu.enqueue_dma source(%arg9 : memref<4x1024xf32, #tpu.memory_space<vmem>>) target(%dma_start3A_96 : memref<4x1024xf32, #tpu.memory_space<hbm>>) target_semaphore(%arg13 : memref<!tpu.dma_semaphore, #tpu.memory_space<semaphore_mem>>)
    %add3A_97 = arith.constant 32 : i32
    %add3A_98 = arith.addi %mul3A_2, %add3A_97 : i32
    %dma_start3A_99 = arith.constant 0 : i32
    %dma_start3A_100 = tpu.memref_slice %arg4[%add3A_98, %dma_start3A_99] : memref<16384x1024xf32, #tpu.memory_space<hbm>> -> memref<4x1024xf32, #tpu.memory_space<hbm>>
    %dma_start3A_101 = arith.constant 0 : i32
    %dma_start3A_102 = tpu.memref_slice %arg4[%add3A_98, %dma_start3A_101] : memref<16384x1024xf32, #tpu.memory_space<hbm>> -> memref<4x1024xf32, #tpu.memory_space<hbm>>
    tpu.enqueue_dma source(%arg9 : memref<4x1024xf32, #tpu.memory_space<vmem>>) target(%dma_start3A_102 : memref<4x1024xf32, #tpu.memory_space<hbm>>) target_semaphore(%arg13 : memref<!tpu.dma_semaphore, #tpu.memory_space<semaphore_mem>>)
    %add3A_103 = arith.constant 36 : i32
    %add3A_104 = arith.addi %mul3A_2, %add3A_103 : i32
    %dma_start3A_105 = arith.constant 0 : i32
    %dma_start3A_106 = tpu.memref_slice %arg4[%add3A_104, %dma_start3A_105] : memref<16384x1024xf32, #tpu.memory_space<hbm>> -> memref<4x1024xf32, #tpu.memory_space<hbm>>
    %dma_start3A_107 = arith.constant 0 : i32
    %dma_start3A_108 = tpu.memref_slice %arg4[%add3A_104, %dma_start3A_107] : memref<16384x1024xf32, #tpu.memory_space<hbm>> -> memref<4x1024xf32, #tpu.memory_space<hbm>>
    tpu.enqueue_dma source(%arg9 : memref<4x1024xf32, #tpu.memory_space<vmem>>) target(%dma_start3A_108 : memref<4x1024xf32, #tpu.memory_space<hbm>>) target_semaphore(%arg13 : memref<!tpu.dma_semaphore, #tpu.memory_space<semaphore_mem>>)
    %add3A_109 = arith.constant 40 : i32
    %add3A_110 = arith.addi %mul3A_2, %add3A_109 : i32
    %dma_start3A_111 = arith.constant 0 : i32
    %dma_start3A_112 = tpu.memref_slice %arg4[%add3A_110, %dma_start3A_111] : memref<16384x1024xf32, #tpu.memory_space<hbm>> -> memref<4x1024xf32, #tpu.memory_space<hbm>>
    %dma_start3A_113 = arith.constant 0 : i32
    %dma_start3A_114 = tpu.memref_slice %arg4[%add3A_110, %dma_start3A_113] : memref<16384x1024xf32, #tpu.memory_space<hbm>> -> memref<4x1024xf32, #tpu.memory_space<hbm>>
    tpu.enqueue_dma source(%arg9 : memref<4x1024xf32, #tpu.memory_space<vmem>>) target(%dma_start3A_114 : memref<4x1024xf32, #tpu.memory_space<hbm>>) target_semaphore(%arg13 : memref<!tpu.dma_semaphore, #tpu.memory_space<semaphore_mem>>)
    %add3A_115 = arith.constant 44 : i32
    %add3A_116 = arith.addi %mul3A_2, %add3A_115 : i32
    %dma_start3A_117 = arith.constant 0 : i32
    %dma_start3A_118 = tpu.memref_slice %arg4[%add3A_116, %dma_start3A_117] : memref<16384x1024xf32, #tpu.memory_space<hbm>> -> memref<4x1024xf32, #tpu.memory_space<hbm>>
    %dma_start3A_119 = arith.constant 0 : i32
    %dma_start3A_120 = tpu.memref_slice %arg4[%add3A_116, %dma_start3A_119] : memref<16384x1024xf32, #tpu.memory_space<hbm>> -> memref<4x1024xf32, #tpu.memory_space<hbm>>
    tpu.enqueue_dma source(%arg9 : memref<4x1024xf32, #tpu.memory_space<vmem>>) target(%dma_start3A_120 : memref<4x1024xf32, #tpu.memory_space<hbm>>) target_semaphore(%arg13 : memref<!tpu.dma_semaphore, #tpu.memory_space<semaphore_mem>>)
    %add3A_121 = arith.constant 48 : i32
    %add3A_122 = arith.addi %mul3A_2, %add3A_121 : i32
    %dma_start3A_123 = arith.constant 0 : i32
    %dma_start3A_124 = tpu.memref_slice %arg4[%add3A_122, %dma_start3A_123] : memref<16384x1024xf32, #tpu.memory_space<hbm>> -> memref<4x1024xf32, #tpu.memory_space<hbm>>
    %dma_start3A_125 = arith.constant 0 : i32
    %dma_start3A_126 = tpu.memref_slice %arg4[%add3A_122, %dma_start3A_125] : memref<16384x1024xf32, #tpu.memory_space<hbm>> -> memref<4x1024xf32, #tpu.memory_space<hbm>>
    tpu.enqueue_dma source(%arg9 : memref<4x1024xf32, #tpu.memory_space<vmem>>) target(%dma_start3A_126 : memref<4x1024xf32, #tpu.memory_space<hbm>>) target_semaphore(%arg13 : memref<!tpu.dma_semaphore, #tpu.memory_space<semaphore_mem>>)
    %add3A_127 = arith.constant 52 : i32
    %add3A_128 = arith.addi %mul3A_2, %add3A_127 : i32
    %dma_start3A_129 = arith.constant 0 : i32
    %dma_start3A_130 = tpu.memref_slice %arg4[%add3A_128, %dma_start3A_129] : memref<16384x1024xf32, #tpu.memory_space<hbm>> -> memref<4x1024xf32, #tpu.memory_space<hbm>>
    %dma_start3A_131 = arith.constant 0 : i32
    %dma_start3A_132 = tpu.memref_slice %arg4[%add3A_128, %dma_start3A_131] : memref<16384x1024xf32, #tpu.memory_space<hbm>> -> memref<4x1024xf32, #tpu.memory_space<hbm>>
    tpu.enqueue_dma source(%arg9 : memref<4x1024xf32, #tpu.memory_space<vmem>>) target(%dma_start3A_132 : memref<4x1024xf32, #tpu.memory_space<hbm>>) target_semaphore(%arg13 : memref<!tpu.dma_semaphore, #tpu.memory_space<semaphore_mem>>)
    %add3A_133 = arith.constant 56 : i32
    %add3A_134 = arith.addi %mul3A_2, %add3A_133 : i32
    %dma_start3A_135 = arith.constant 0 : i32
    %dma_start3A_136 = tpu.memref_slice %arg4[%add3A_134, %dma_start3A_135] : memref<16384x1024xf32, #tpu.memory_space<hbm>> -> memref<4x1024xf32, #tpu.memory_space<hbm>>
    %dma_start3A_137 = arith.constant 0 : i32
    %dma_start3A_138 = tpu.memref_slice %arg4[%add3A_134, %dma_start3A_137] : memref<16384x1024xf32, #tpu.memory_space<hbm>> -> memref<4x1024xf32, #tpu.memory_space<hbm>>
    tpu.enqueue_dma source(%arg9 : memref<4x1024xf32, #tpu.memory_space<vmem>>) target(%dma_start3A_138 : memref<4x1024xf32, #tpu.memory_space<hbm>>) target_semaphore(%arg13 : memref<!tpu.dma_semaphore, #tpu.memory_space<semaphore_mem>>)
    %add3A_139 = arith.constant 60 : i32
    %add3A_140 = arith.addi %mul3A_2, %add3A_139 : i32
    %dma_start3A_141 = arith.constant 0 : i32
    %dma_start3A_142 = tpu.memref_slice %arg4[%add3A_140, %dma_start3A_141] : memref<16384x1024xf32, #tpu.memory_space<hbm>> -> memref<4x1024xf32, #tpu.memory_space<hbm>>
    %dma_start3A_143 = arith.constant 0 : i32
    %dma_start3A_144 = tpu.memref_slice %arg4[%add3A_140, %dma_start3A_143] : memref<16384x1024xf32, #tpu.memory_space<hbm>> -> memref<4x1024xf32, #tpu.memory_space<hbm>>
    tpu.enqueue_dma source(%arg9 : memref<4x1024xf32, #tpu.memory_space<vmem>>) target(%dma_start3A_144 : memref<4x1024xf32, #tpu.memory_space<hbm>>) target_semaphore(%arg13 : memref<!tpu.dma_semaphore, #tpu.memory_space<semaphore_mem>>)
    %add3A_145 = arith.constant 64 : i32
    %add3A_146 = arith.addi %mul3A_2, %add3A_145 : i32
    %dma_start3A_147 = arith.constant 0 : i32
    %dma_start3A_148 = tpu.memref_slice %arg4[%add3A_146, %dma_start3A_147] : memref<16384x1024xf32, #tpu.memory_space<hbm>> -> memref<4x1024xf32, #tpu.memory_space<hbm>>
    %dma_start3A_149 = arith.constant 0 : i32
    %dma_start3A_150 = tpu.memref_slice %arg4[%add3A_146, %dma_start3A_149] : memref<16384x1024xf32, #tpu.memory_space<hbm>> -> memref<4x1024xf32, #tpu.memory_space<hbm>>
    tpu.enqueue_dma source(%arg9 : memref<4x1024xf32, #tpu.memory_space<vmem>>) target(%dma_start3A_150 : memref<4x1024xf32, #tpu.memory_space<hbm>>) target_semaphore(%arg13 : memref<!tpu.dma_semaphore, #tpu.memory_space<semaphore_mem>>)
    %add3A_151 = arith.constant 68 : i32
    %add3A_152 = arith.addi %mul3A_2, %add3A_151 : i32
    %dma_start3A_153 = arith.constant 0 : i32
    %dma_start3A_154 = tpu.memref_slice %arg4[%add3A_152, %dma_start3A_153] : memref<16384x1024xf32, #tpu.memory_space<hbm>> -> memref<4x1024xf32, #tpu.memory_space<hbm>>
    %dma_start3A_155 = arith.constant 0 : i32
    %dma_start3A_156 = tpu.memref_slice %arg4[%add3A_152, %dma_start3A_155] : memref<16384x1024xf32, #tpu.memory_space<hbm>> -> memref<4x1024xf32, #tpu.memory_space<hbm>>
    tpu.enqueue_dma source(%arg9 : memref<4x1024xf32, #tpu.memory_space<vmem>>) target(%dma_start3A_156 : memref<4x1024xf32, #tpu.memory_space<hbm>>) target_semaphore(%arg13 : memref<!tpu.dma_semaphore, #tpu.memory_space<semaphore_mem>>)
    %add3A_157 = arith.constant 72 : i32
    %add3A_158 = arith.addi %mul3A_2, %add3A_157 : i32
    %dma_start3A_159 = arith.constant 0 : i32
    %dma_start3A_160 = tpu.memref_slice %arg4[%add3A_158, %dma_start3A_159] : memref<16384x1024xf32, #tpu.memory_space<hbm>> -> memref<4x1024xf32, #tpu.memory_space<hbm>>
    %dma_start3A_161 = arith.constant 0 : i32
    %dma_start3A_162 = tpu.memref_slice %arg4[%add3A_158, %dma_start3A_161] : memref<16384x1024xf32, #tpu.memory_space<hbm>> -> memref<4x1024xf32, #tpu.memory_space<hbm>>
    tpu.enqueue_dma source(%arg9 : memref<4x1024xf32, #tpu.memory_space<vmem>>) target(%dma_start3A_162 : memref<4x1024xf32, #tpu.memory_space<hbm>>) target_semaphore(%arg13 : memref<!tpu.dma_semaphore, #tpu.memory_space<semaphore_mem>>)
    %add3A_163 = arith.constant 76 : i32
    %add3A_164 = arith.addi %mul3A_2, %add3A_163 : i32
    %dma_start3A_165 = arith.constant 0 : i32
    %dma_start3A_166 = tpu.memref_slice %arg4[%add3A_164, %dma_start3A_165] : memref<16384x1024xf32, #tpu.memory_space<hbm>> -> memref<4x1024xf32, #tpu.memory_space<hbm>>
    %dma_start3A_167 = arith.constant 0 : i32
    %dma_start3A_168 = tpu.memref_slice %arg4[%add3A_164, %dma_start3A_167] : memref<16384x1024xf32, #tpu.memory_space<hbm>> -> memref<4x1024xf32, #tpu.memory_space<hbm>>
    tpu.enqueue_dma source(%arg9 : memref<4x1024xf32, #tpu.memory_space<vmem>>) target(%dma_start3A_168 : memref<4x1024xf32, #tpu.memory_space<hbm>>) target_semaphore(%arg13 : memref<!tpu.dma_semaphore, #tpu.memory_space<semaphore_mem>>)
    %add3A_169 = arith.constant 80 : i32
    %add3A_170 = arith.addi %mul3A_2, %add3A_169 : i32
    %dma_start3A_171 = arith.constant 0 : i32
    %dma_start3A_172 = tpu.memref_slice %arg4[%add3A_170, %dma_start3A_171] : memref<16384x1024xf32, #tpu.memory_space<hbm>> -> memref<4x1024xf32, #tpu.memory_space<hbm>>
    %dma_start3A_173 = arith.constant 0 : i32
    %dma_start3A_174 = tpu.memref_slice %arg4[%add3A_170, %dma_start3A_173] : memref<16384x1024xf32, #tpu.memory_space<hbm>> -> memref<4x1024xf32, #tpu.memory_space<hbm>>
    tpu.enqueue_dma source(%arg9 : memref<4x1024xf32, #tpu.memory_space<vmem>>) target(%dma_start3A_174 : memref<4x1024xf32, #tpu.memory_space<hbm>>) target_semaphore(%arg13 : memref<!tpu.dma_semaphore, #tpu.memory_space<semaphore_mem>>)
    %add3A_175 = arith.constant 84 : i32
    %add3A_176 = arith.addi %mul3A_2, %add3A_175 : i32
    %dma_start3A_177 = arith.constant 0 : i32
    %dma_start3A_178 = tpu.memref_slice %arg4[%add3A_176, %dma_start3A_177] : memref<16384x1024xf32, #tpu.memory_space<hbm>> -> memref<4x1024xf32, #tpu.memory_space<hbm>>
    %dma_start3A_179 = arith.constant 0 : i32
    %dma_start3A_180 = tpu.memref_slice %arg4[%add3A_176, %dma_start3A_179] : memref<16384x1024xf32, #tpu.memory_space<hbm>> -> memref<4x1024xf32, #tpu.memory_space<hbm>>
    tpu.enqueue_dma source(%arg9 : memref<4x1024xf32, #tpu.memory_space<vmem>>) target(%dma_start3A_180 : memref<4x1024xf32, #tpu.memory_space<hbm>>) target_semaphore(%arg13 : memref<!tpu.dma_semaphore, #tpu.memory_space<semaphore_mem>>)
    %add3A_181 = arith.constant 88 : i32
    %add3A_182 = arith.addi %mul3A_2, %add3A_181 : i32
    %dma_start3A_183 = arith.constant 0 : i32
    %dma_start3A_184 = tpu.memref_slice %arg4[%add3A_182, %dma_start3A_183] : memref<16384x1024xf32, #tpu.memory_space<hbm>> -> memref<4x1024xf32, #tpu.memory_space<hbm>>
    %dma_start3A_185 = arith.constant 0 : i32
    %dma_start3A_186 = tpu.memref_slice %arg4[%add3A_182, %dma_start3A_185] : memref<16384x1024xf32, #tpu.memory_space<hbm>> -> memref<4x1024xf32, #tpu.memory_space<hbm>>
    tpu.enqueue_dma source(%arg9 : memref<4x1024xf32, #tpu.memory_space<vmem>>) target(%dma_start3A_186 : memref<4x1024xf32, #tpu.memory_space<hbm>>) target_semaphore(%arg13 : memref<!tpu.dma_semaphore, #tpu.memory_space<semaphore_mem>>)
    %add3A_187 = arith.constant 92 : i32
    %add3A_188 = arith.addi %mul3A_2, %add3A_187 : i32
    %dma_start3A_189 = arith.constant 0 : i32
    %dma_start3A_190 = tpu.memref_slice %arg4[%add3A_188, %dma_start3A_189] : memref<16384x1024xf32, #tpu.memory_space<hbm>> -> memref<4x1024xf32, #tpu.memory_space<hbm>>
    %dma_start3A_191 = arith.constant 0 : i32
    %dma_start3A_192 = tpu.memref_slice %arg4[%add3A_188, %dma_start3A_191] : memref<16384x1024xf32, #tpu.memory_space<hbm>> -> memref<4x1024xf32, #tpu.memory_space<hbm>>
    tpu.enqueue_dma source(%arg9 : memref<4x1024xf32, #tpu.memory_space<vmem>>) target(%dma_start3A_192 : memref<4x1024xf32, #tpu.memory_space<hbm>>) target_semaphore(%arg13 : memref<!tpu.dma_semaphore, #tpu.memory_space<semaphore_mem>>)
    %add3A_193 = arith.constant 96 : i32
    %add3A_194 = arith.addi %mul3A_2, %add3A_193 : i32
    %dma_start3A_195 = arith.constant 0 : i32
    %dma_start3A_196 = tpu.memref_slice %arg4[%add3A_194, %dma_start3A_195] : memref<16384x1024xf32, #tpu.memory_space<hbm>> -> memref<4x1024xf32, #tpu.memory_space<hbm>>
    %dma_start3A_197 = arith.constant 0 : i32
    %dma_start3A_198 = tpu.memref_slice %arg4[%add3A_194, %dma_start3A_197] : memref<16384x1024xf32, #tpu.memory_space<hbm>> -> memref<4x1024xf32, #tpu.memory_space<hbm>>
    tpu.enqueue_dma source(%arg9 : memref<4x1024xf32, #tpu.memory_space<vmem>>) target(%dma_start3A_198 : memref<4x1024xf32, #tpu.memory_space<hbm>>) target_semaphore(%arg13 : memref<!tpu.dma_semaphore, #tpu.memory_space<semaphore_mem>>)
    %add3A_199 = arith.constant 100 : i32
    %add3A_200 = arith.addi %mul3A_2, %add3A_199 : i32
    %dma_start3A_201 = arith.constant 0 : i32
    %dma_start3A_202 = tpu.memref_slice %arg4[%add3A_200, %dma_start3A_201] : memref<16384x1024xf32, #tpu.memory_space<hbm>> -> memref<4x1024xf32, #tpu.memory_space<hbm>>
    %dma_start3A_203 = arith.constant 0 : i32
    %dma_start3A_204 = tpu.memref_slice %arg4[%add3A_200, %dma_start3A_203] : memref<16384x1024xf32, #tpu.memory_space<hbm>> -> memref<4x1024xf32, #tpu.memory_space<hbm>>
    tpu.enqueue_dma source(%arg9 : memref<4x1024xf32, #tpu.memory_space<vmem>>) target(%dma_start3A_204 : memref<4x1024xf32, #tpu.memory_space<hbm>>) target_semaphore(%arg13 : memref<!tpu.dma_semaphore, #tpu.memory_space<semaphore_mem>>)
    %add3A_205 = arith.constant 104 : i32
    %add3A_206 = arith.addi %mul3A_2, %add3A_205 : i32
    %dma_start3A_207 = arith.constant 0 : i32
    %dma_start3A_208 = tpu.memref_slice %arg4[%add3A_206, %dma_start3A_207] : memref<16384x1024xf32, #tpu.memory_space<hbm>> -> memref<4x1024xf32, #tpu.memory_space<hbm>>
    %dma_start3A_209 = arith.constant 0 : i32
    %dma_start3A_210 = tpu.memref_slice %arg4[%add3A_206, %dma_start3A_209] : memref<16384x1024xf32, #tpu.memory_space<hbm>> -> memref<4x1024xf32, #tpu.memory_space<hbm>>
    tpu.enqueue_dma source(%arg9 : memref<4x1024xf32, #tpu.memory_space<vmem>>) target(%dma_start3A_210 : memref<4x1024xf32, #tpu.memory_space<hbm>>) target_semaphore(%arg13 : memref<!tpu.dma_semaphore, #tpu.memory_space<semaphore_mem>>)
    %add3A_211 = arith.constant 108 : i32
    %add3A_212 = arith.addi %mul3A_2, %add3A_211 : i32
    %dma_start3A_213 = arith.constant 0 : i32
    %dma_start3A_214 = tpu.memref_slice %arg4[%add3A_212, %dma_start3A_213] : memref<16384x1024xf32, #tpu.memory_space<hbm>> -> memref<4x1024xf32, #tpu.memory_space<hbm>>
    %dma_start3A_215 = arith.constant 0 : i32
    %dma_start3A_216 = tpu.memref_slice %arg4[%add3A_212, %dma_start3A_215] : memref<16384x1024xf32, #tpu.memory_space<hbm>> -> memref<4x1024xf32, #tpu.memory_space<hbm>>
    tpu.enqueue_dma source(%arg9 : memref<4x1024xf32, #tpu.memory_space<vmem>>) target(%dma_start3A_216 : memref<4x1024xf32, #tpu.memory_space<hbm>>) target_semaphore(%arg13 : memref<!tpu.dma_semaphore, #tpu.memory_space<semaphore_mem>>)
    %add3A_217 = arith.constant 112 : i32
    %add3A_218 = arith.addi %mul3A_2, %add3A_217 : i32
    %dma_start3A_219 = arith.constant 0 : i32
    %dma_start3A_220 = tpu.memref_slice %arg4[%add3A_218, %dma_start3A_219] : memref<16384x1024xf32, #tpu.memory_space<hbm>> -> memref<4x1024xf32, #tpu.memory_space<hbm>>
    %dma_start3A_221 = arith.constant 0 : i32
    %dma_start3A_222 = tpu.memref_slice %arg4[%add3A_218, %dma_start3A_221] : memref<16384x1024xf32, #tpu.memory_space<hbm>> -> memref<4x1024xf32, #tpu.memory_space<hbm>>
    tpu.enqueue_dma source(%arg9 : memref<4x1024xf32, #tpu.memory_space<vmem>>) target(%dma_start3A_222 : memref<4x1024xf32, #tpu.memory_space<hbm>>) target_semaphore(%arg13 : memref<!tpu.dma_semaphore, #tpu.memory_space<semaphore_mem>>)
    %add3A_223 = arith.constant 116 : i32
    %add3A_224 = arith.addi %mul3A_2, %add3A_223 : i32
    %dma_start3A_225 = arith.constant 0 : i32
    %dma_start3A_226 = tpu.memref_slice %arg4[%add3A_224, %dma_start3A_225] : memref<16384x1024xf32, #tpu.memory_space<hbm>> -> memref<4x1024xf32, #tpu.memory_space<hbm>>
    %dma_start3A_227 = arith.constant 0 : i32
    %dma_start3A_228 = tpu.memref_slice %arg4[%add3A_224, %dma_start3A_227] : memref<16384x1024xf32, #tpu.memory_space<hbm>> -> memref<4x1024xf32, #tpu.memory_space<hbm>>
    tpu.enqueue_dma source(%arg9 : memref<4x1024xf32, #tpu.memory_space<vmem>>) target(%dma_start3A_228 : memref<4x1024xf32, #tpu.memory_space<hbm>>) target_semaphore(%arg13 : memref<!tpu.dma_semaphore, #tpu.memory_space<semaphore_mem>>)
    %add3A_229 = arith.constant 120 : i32
    %add3A_230 = arith.addi %mul3A_2, %add3A_229 : i32
    %dma_start3A_231 = arith.constant 0 : i32
    %dma_start3A_232 = tpu.memref_slice %arg4[%add3A_230, %dma_start3A_231] : memref<16384x1024xf32, #tpu.memory_space<hbm>> -> memref<4x1024xf32, #tpu.memory_space<hbm>>
    %dma_start3A_233 = arith.constant 0 : i32
    %dma_start3A_234 = tpu.memref_slice %arg4[%add3A_230, %dma_start3A_233] : memref<16384x1024xf32, #tpu.memory_space<hbm>> -> memref<4x1024xf32, #tpu.memory_space<hbm>>
    tpu.enqueue_dma source(%arg9 : memref<4x1024xf32, #tpu.memory_space<vmem>>) target(%dma_start3A_234 : memref<4x1024xf32, #tpu.memory_space<hbm>>) target_semaphore(%arg13 : memref<!tpu.dma_semaphore, #tpu.memory_space<semaphore_mem>>)
    %add3A_235 = arith.constant 124 : i32
    %add3A_236 = arith.addi %mul3A_2, %add3A_235 : i32
    %dma_start3A_237 = arith.constant 0 : i32
    %dma_start3A_238 = tpu.memref_slice %arg4[%add3A_236, %dma_start3A_237] : memref<16384x1024xf32, #tpu.memory_space<hbm>> -> memref<4x1024xf32, #tpu.memory_space<hbm>>
    %dma_start3A_239 = arith.constant 0 : i32
    %dma_start3A_240 = tpu.memref_slice %arg4[%add3A_236, %dma_start3A_239] : memref<16384x1024xf32, #tpu.memory_space<hbm>> -> memref<4x1024xf32, #tpu.memory_space<hbm>>
    tpu.enqueue_dma source(%arg9 : memref<4x1024xf32, #tpu.memory_space<vmem>>) target(%dma_start3A_240 : memref<4x1024xf32, #tpu.memory_space<hbm>>) target_semaphore(%arg13 : memref<!tpu.dma_semaphore, #tpu.memory_space<semaphore_mem>>)
    %add3A_241 = arith.constant 128 : i32
    %add3A_242 = arith.addi %mul3A_2, %add3A_241 : i32
    %dma_start3A_243 = arith.constant 0 : i32
    %dma_start3A_244 = tpu.memref_slice %arg4[%add3A_242, %dma_start3A_243] : memref<16384x1024xf32, #tpu.memory_space<hbm>> -> memref<4x1024xf32, #tpu.memory_space<hbm>>
    %dma_start3A_245 = arith.constant 0 : i32
    %dma_start3A_246 = tpu.memref_slice %arg4[%add3A_242, %dma_start3A_245] : memref<16384x1024xf32, #tpu.memory_space<hbm>> -> memref<4x1024xf32, #tpu.memory_space<hbm>>
    tpu.enqueue_dma source(%arg9 : memref<4x1024xf32, #tpu.memory_space<vmem>>) target(%dma_start3A_246 : memref<4x1024xf32, #tpu.memory_space<hbm>>) target_semaphore(%arg13 : memref<!tpu.dma_semaphore, #tpu.memory_space<semaphore_mem>>)
    %add3A_247 = arith.constant 132 : i32
    %add3A_248 = arith.addi %mul3A_2, %add3A_247 : i32
    %dma_start3A_249 = arith.constant 0 : i32
    %dma_start3A_250 = tpu.memref_slice %arg4[%add3A_248, %dma_start3A_249] : memref<16384x1024xf32, #tpu.memory_space<hbm>> -> memref<4x1024xf32, #tpu.memory_space<hbm>>
    %dma_start3A_251 = arith.constant 0 : i32
    %dma_start3A_252 = tpu.memref_slice %arg4[%add3A_248, %dma_start3A_251] : memref<16384x1024xf32, #tpu.memory_space<hbm>> -> memref<4x1024xf32, #tpu.memory_space<hbm>>
    tpu.enqueue_dma source(%arg9 : memref<4x1024xf32, #tpu.memory_space<vmem>>) target(%dma_start3A_252 : memref<4x1024xf32, #tpu.memory_space<hbm>>) target_semaphore(%arg13 : memref<!tpu.dma_semaphore, #tpu.memory_space<semaphore_mem>>)
    %add3A_253 = arith.constant 136 : i32
    %add3A_254 = arith.addi %mul3A_2, %add3A_253 : i32
    %dma_start3A_255 = arith.constant 0 : i32
    %dma_start3A_256 = tpu.memref_slice %arg4[%add3A_254, %dma_start3A_255] : memref<16384x1024xf32, #tpu.memory_space<hbm>> -> memref<4x1024xf32, #tpu.memory_space<hbm>>
    %dma_start3A_257 = arith.constant 0 : i32
    %dma_start3A_258 = tpu.memref_slice %arg4[%add3A_254, %dma_start3A_257] : memref<16384x1024xf32, #tpu.memory_space<hbm>> -> memref<4x1024xf32, #tpu.memory_space<hbm>>
    tpu.enqueue_dma source(%arg9 : memref<4x1024xf32, #tpu.memory_space<vmem>>) target(%dma_start3A_258 : memref<4x1024xf32, #tpu.memory_space<hbm>>) target_semaphore(%arg13 : memref<!tpu.dma_semaphore, #tpu.memory_space<semaphore_mem>>)
    %add3A_259 = arith.constant 140 : i32
    %add3A_260 = arith.addi %mul3A_2, %add3A_259 : i32
    %dma_start3A_261 = arith.constant 0 : i32
    %dma_start3A_262 = tpu.memref_slice %arg4[%add3A_260, %dma_start3A_261] : memref<16384x1024xf32, #tpu.memory_space<hbm>> -> memref<4x1024xf32, #tpu.memory_space<hbm>>
    %dma_start3A_263 = arith.constant 0 : i32
    %dma_start3A_264 = tpu.memref_slice %arg4[%add3A_260, %dma_start3A_263] : memref<16384x1024xf32, #tpu.memory_space<hbm>> -> memref<4x1024xf32, #tpu.memory_space<hbm>>
    tpu.enqueue_dma source(%arg9 : memref<4x1024xf32, #tpu.memory_space<vmem>>) target(%dma_start3A_264 : memref<4x1024xf32, #tpu.memory_space<hbm>>) target_semaphore(%arg13 : memref<!tpu.dma_semaphore, #tpu.memory_space<semaphore_mem>>)
    %add3A_265 = arith.constant 144 : i32
    %add3A_266 = arith.addi %mul3A_2, %add3A_265 : i32
    %dma_start3A_267 = arith.constant 0 : i32
    %dma_start3A_268 = tpu.memref_slice %arg4[%add3A_266, %dma_start3A_267] : memref<16384x1024xf32, #tpu.memory_space<hbm>> -> memref<4x1024xf32, #tpu.memory_space<hbm>>
    %dma_start3A_269 = arith.constant 0 : i32
    %dma_start3A_270 = tpu.memref_slice %arg4[%add3A_266, %dma_start3A_269] : memref<16384x1024xf32, #tpu.memory_space<hbm>> -> memref<4x1024xf32, #tpu.memory_space<hbm>>
    tpu.enqueue_dma source(%arg9 : memref<4x1024xf32, #tpu.memory_space<vmem>>) target(%dma_start3A_270 : memref<4x1024xf32, #tpu.memory_space<hbm>>) target_semaphore(%arg13 : memref<!tpu.dma_semaphore, #tpu.memory_space<semaphore_mem>>)
    %add3A_271 = arith.constant 148 : i32
    %add3A_272 = arith.addi %mul3A_2, %add3A_271 : i32
    %dma_start3A_273 = arith.constant 0 : i32
    %dma_start3A_274 = tpu.memref_slice %arg4[%add3A_272, %dma_start3A_273] : memref<16384x1024xf32, #tpu.memory_space<hbm>> -> memref<4x1024xf32, #tpu.memory_space<hbm>>
    %dma_start3A_275 = arith.constant 0 : i32
    %dma_start3A_276 = tpu.memref_slice %arg4[%add3A_272, %dma_start3A_275] : memref<16384x1024xf32, #tpu.memory_space<hbm>> -> memref<4x1024xf32, #tpu.memory_space<hbm>>
    tpu.enqueue_dma source(%arg9 : memref<4x1024xf32, #tpu.memory_space<vmem>>) target(%dma_start3A_276 : memref<4x1024xf32, #tpu.memory_space<hbm>>) target_semaphore(%arg13 : memref<!tpu.dma_semaphore, #tpu.memory_space<semaphore_mem>>)
    %add3A_277 = arith.constant 152 : i32
    %add3A_278 = arith.addi %mul3A_2, %add3A_277 : i32
    %dma_start3A_279 = arith.constant 0 : i32
    %dma_start3A_280 = tpu.memref_slice %arg4[%add3A_278, %dma_start3A_279] : memref<16384x1024xf32, #tpu.memory_space<hbm>> -> memref<4x1024xf32, #tpu.memory_space<hbm>>
    %dma_start3A_281 = arith.constant 0 : i32
    %dma_start3A_282 = tpu.memref_slice %arg4[%add3A_278, %dma_start3A_281] : memref<16384x1024xf32, #tpu.memory_space<hbm>> -> memref<4x1024xf32, #tpu.memory_space<hbm>>
    tpu.enqueue_dma source(%arg9 : memref<4x1024xf32, #tpu.memory_space<vmem>>) target(%dma_start3A_282 : memref<4x1024xf32, #tpu.memory_space<hbm>>) target_semaphore(%arg13 : memref<!tpu.dma_semaphore, #tpu.memory_space<semaphore_mem>>)
    %add3A_283 = arith.constant 156 : i32
    %add3A_284 = arith.addi %mul3A_2, %add3A_283 : i32
    %dma_start3A_285 = arith.constant 0 : i32
    %dma_start3A_286 = tpu.memref_slice %arg4[%add3A_284, %dma_start3A_285] : memref<16384x1024xf32, #tpu.memory_space<hbm>> -> memref<4x1024xf32, #tpu.memory_space<hbm>>
    %dma_start3A_287 = arith.constant 0 : i32
    %dma_start3A_288 = tpu.memref_slice %arg4[%add3A_284, %dma_start3A_287] : memref<16384x1024xf32, #tpu.memory_space<hbm>> -> memref<4x1024xf32, #tpu.memory_space<hbm>>
    tpu.enqueue_dma source(%arg9 : memref<4x1024xf32, #tpu.memory_space<vmem>>) target(%dma_start3A_288 : memref<4x1024xf32, #tpu.memory_space<hbm>>) target_semaphore(%arg13 : memref<!tpu.dma_semaphore, #tpu.memory_space<semaphore_mem>>)
    %add3A_289 = arith.constant 160 : i32
    %add3A_290 = arith.addi %mul3A_2, %add3A_289 : i32
    %dma_start3A_291 = arith.constant 0 : i32
    %dma_start3A_292 = tpu.memref_slice %arg4[%add3A_290, %dma_start3A_291] : memref<16384x1024xf32, #tpu.memory_space<hbm>> -> memref<4x1024xf32, #tpu.memory_space<hbm>>
    %dma_start3A_293 = arith.constant 0 : i32
    %dma_start3A_294 = tpu.memref_slice %arg4[%add3A_290, %dma_start3A_293] : memref<16384x1024xf32, #tpu.memory_space<hbm>> -> memref<4x1024xf32, #tpu.memory_space<hbm>>
    tpu.enqueue_dma source(%arg9 : memref<4x1024xf32, #tpu.memory_space<vmem>>) target(%dma_start3A_294 : memref<4x1024xf32, #tpu.memory_space<hbm>>) target_semaphore(%arg13 : memref<!tpu.dma_semaphore, #tpu.memory_space<semaphore_mem>>)
    %add3A_295 = arith.constant 164 : i32
    %add3A_296 = arith.addi %mul3A_2, %add3A_295 : i32
    %dma_start3A_297 = arith.constant 0 : i32
    %dma_start3A_298 = tpu.memref_slice %arg4[%add3A_296, %dma_start3A_297] : memref<16384x1024xf32, #tpu.memory_space<hbm>> -> memref<4x1024xf32, #tpu.memory_space<hbm>>
    %dma_start3A_299 = arith.constant 0 : i32
    %dma_start3A_300 = tpu.memref_slice %arg4[%add3A_296, %dma_start3A_299] : memref<16384x1024xf32, #tpu.memory_space<hbm>> -> memref<4x1024xf32, #tpu.memory_space<hbm>>
    tpu.enqueue_dma source(%arg9 : memref<4x1024xf32, #tpu.memory_space<vmem>>) target(%dma_start3A_300 : memref<4x1024xf32, #tpu.memory_space<hbm>>) target_semaphore(%arg13 : memref<!tpu.dma_semaphore, #tpu.memory_space<semaphore_mem>>)
    %add3A_301 = arith.constant 168 : i32
    %add3A_302 = arith.addi %mul3A_2, %add3A_301 : i32
    %dma_start3A_303 = arith.constant 0 : i32
    %dma_start3A_304 = tpu.memref_slice %arg4[%add3A_302, %dma_start3A_303] : memref<16384x1024xf32, #tpu.memory_space<hbm>> -> memref<4x1024xf32, #tpu.memory_space<hbm>>
    %dma_start3A_305 = arith.constant 0 : i32
    %dma_start3A_306 = tpu.memref_slice %arg4[%add3A_302, %dma_start3A_305] : memref<16384x1024xf32, #tpu.memory_space<hbm>> -> memref<4x1024xf32, #tpu.memory_space<hbm>>
    tpu.enqueue_dma source(%arg9 : memref<4x1024xf32, #tpu.memory_space<vmem>>) target(%dma_start3A_306 : memref<4x1024xf32, #tpu.memory_space<hbm>>) target_semaphore(%arg13 : memref<!tpu.dma_semaphore, #tpu.memory_space<semaphore_mem>>)
    %add3A_307 = arith.constant 172 : i32
    %add3A_308 = arith.addi %mul3A_2, %add3A_307 : i32
    %dma_start3A_309 = arith.constant 0 : i32
    %dma_start3A_310 = tpu.memref_slice %arg4[%add3A_308, %dma_start3A_309] : memref<16384x1024xf32, #tpu.memory_space<hbm>> -> memref<4x1024xf32, #tpu.memory_space<hbm>>
    %dma_start3A_311 = arith.constant 0 : i32
    %dma_start3A_312 = tpu.memref_slice %arg4[%add3A_308, %dma_start3A_311] : memref<16384x1024xf32, #tpu.memory_space<hbm>> -> memref<4x1024xf32, #tpu.memory_space<hbm>>
    tpu.enqueue_dma source(%arg9 : memref<4x1024xf32, #tpu.memory_space<vmem>>) target(%dma_start3A_312 : memref<4x1024xf32, #tpu.memory_space<hbm>>) target_semaphore(%arg13 : memref<!tpu.dma_semaphore, #tpu.memory_space<semaphore_mem>>)
    %add3A_313 = arith.constant 176 : i32
    %add3A_314 = arith.addi %mul3A_2, %add3A_313 : i32
    %dma_start3A_315 = arith.constant 0 : i32
    %dma_start3A_316 = tpu.memref_slice %arg4[%add3A_314, %dma_start3A_315] : memref<16384x1024xf32, #tpu.memory_space<hbm>> -> memref<4x1024xf32, #tpu.memory_space<hbm>>
    %dma_start3A_317 = arith.constant 0 : i32
    %dma_start3A_318 = tpu.memref_slice %arg4[%add3A_314, %dma_start3A_317] : memref<16384x1024xf32, #tpu.memory_space<hbm>> -> memref<4x1024xf32, #tpu.memory_space<hbm>>
    tpu.enqueue_dma source(%arg9 : memref<4x1024xf32, #tpu.memory_space<vmem>>) target(%dma_start3A_318 : memref<4x1024xf32, #tpu.memory_space<hbm>>) target_semaphore(%arg13 : memref<!tpu.dma_semaphore, #tpu.memory_space<semaphore_mem>>)
    %add3A_319 = arith.constant 180 : i32
    %add3A_320 = arith.addi %mul3A_2, %add3A_319 : i32
    %dma_start3A_321 = arith.constant 0 : i32
    %dma_start3A_322 = tpu.memref_slice %arg4[%add3A_320, %dma_start3A_321] : memref<16384x1024xf32, #tpu.memory_space<hbm>> -> memref<4x1024xf32, #tpu.memory_space<hbm>>
    %dma_start3A_323 = arith.constant 0 : i32
    %dma_start3A_324 = tpu.memref_slice %arg4[%add3A_320, %dma_start3A_323] : memref<16384x1024xf32, #tpu.memory_space<hbm>> -> memref<4x1024xf32, #tpu.memory_space<hbm>>
    tpu.enqueue_dma source(%arg9 : memref<4x1024xf32, #tpu.memory_space<vmem>>) target(%dma_start3A_324 : memref<4x1024xf32, #tpu.memory_space<hbm>>) target_semaphore(%arg13 : memref<!tpu.dma_semaphore, #tpu.memory_space<semaphore_mem>>)
    %add3A_325 = arith.constant 184 : i32
    %add3A_326 = arith.addi %mul3A_2, %add3A_325 : i32
    %dma_start3A_327 = arith.constant 0 : i32
    %dma_start3A_328 = tpu.memref_slice %arg4[%add3A_326, %dma_start3A_327] : memref<16384x1024xf32, #tpu.memory_space<hbm>> -> memref<4x1024xf32, #tpu.memory_space<hbm>>
    %dma_start3A_329 = arith.constant 0 : i32
    %dma_start3A_330 = tpu.memref_slice %arg4[%add3A_326, %dma_start3A_329] : memref<16384x1024xf32, #tpu.memory_space<hbm>> -> memref<4x1024xf32, #tpu.memory_space<hbm>>
    tpu.enqueue_dma source(%arg9 : memref<4x1024xf32, #tpu.memory_space<vmem>>) target(%dma_start3A_330 : memref<4x1024xf32, #tpu.memory_space<hbm>>) target_semaphore(%arg13 : memref<!tpu.dma_semaphore, #tpu.memory_space<semaphore_mem>>)
    %add3A_331 = arith.constant 188 : i32
    %add3A_332 = arith.addi %mul3A_2, %add3A_331 : i32
    %dma_start3A_333 = arith.constant 0 : i32
    %dma_start3A_334 = tpu.memref_slice %arg4[%add3A_332, %dma_start3A_333] : memref<16384x1024xf32, #tpu.memory_space<hbm>> -> memref<4x1024xf32, #tpu.memory_space<hbm>>
    %dma_start3A_335 = arith.constant 0 : i32
    %dma_start3A_336 = tpu.memref_slice %arg4[%add3A_332, %dma_start3A_335] : memref<16384x1024xf32, #tpu.memory_space<hbm>> -> memref<4x1024xf32, #tpu.memory_space<hbm>>
    tpu.enqueue_dma source(%arg9 : memref<4x1024xf32, #tpu.memory_space<vmem>>) target(%dma_start3A_336 : memref<4x1024xf32, #tpu.memory_space<hbm>>) target_semaphore(%arg13 : memref<!tpu.dma_semaphore, #tpu.memory_space<semaphore_mem>>)
    %add3A_337 = arith.constant 192 : i32
    %add3A_338 = arith.addi %mul3A_2, %add3A_337 : i32
    %dma_start3A_339 = arith.constant 0 : i32
    %dma_start3A_340 = tpu.memref_slice %arg4[%add3A_338, %dma_start3A_339] : memref<16384x1024xf32, #tpu.memory_space<hbm>> -> memref<4x1024xf32, #tpu.memory_space<hbm>>
    %dma_start3A_341 = arith.constant 0 : i32
    %dma_start3A_342 = tpu.memref_slice %arg4[%add3A_338, %dma_start3A_341] : memref<16384x1024xf32, #tpu.memory_space<hbm>> -> memref<4x1024xf32, #tpu.memory_space<hbm>>
    tpu.enqueue_dma source(%arg9 : memref<4x1024xf32, #tpu.memory_space<vmem>>) target(%dma_start3A_342 : memref<4x1024xf32, #tpu.memory_space<hbm>>) target_semaphore(%arg13 : memref<!tpu.dma_semaphore, #tpu.memory_space<semaphore_mem>>)
    %add3A_343 = arith.constant 196 : i32
    %add3A_344 = arith.addi %mul3A_2, %add3A_343 : i32
    %dma_start3A_345 = arith.constant 0 : i32
    %dma_start3A_346 = tpu.memref_slice %arg4[%add3A_344, %dma_start3A_345] : memref<16384x1024xf32, #tpu.memory_space<hbm>> -> memref<4x1024xf32, #tpu.memory_space<hbm>>
    %dma_start3A_347 = arith.constant 0 : i32
    %dma_start3A_348 = tpu.memref_slice %arg4[%add3A_344, %dma_start3A_347] : memref<16384x1024xf32, #tpu.memory_space<hbm>> -> memref<4x1024xf32, #tpu.memory_space<hbm>>
    tpu.enqueue_dma source(%arg9 : memref<4x1024xf32, #tpu.memory_space<vmem>>) target(%dma_start3A_348 : memref<4x1024xf32, #tpu.memory_space<hbm>>) target_semaphore(%arg13 : memref<!tpu.dma_semaphore, #tpu.memory_space<semaphore_mem>>)
    %add3A_349 = arith.constant 200 : i32
    %add3A_350 = arith.addi %mul3A_2, %add3A_349 : i32
    %dma_start3A_351 = arith.constant 0 : i32
    %dma_start3A_352 = tpu.memref_slice %arg4[%add3A_350, %dma_start3A_351] : memref<16384x1024xf32, #tpu.memory_space<hbm>> -> memref<4x1024xf32, #tpu.memory_space<hbm>>
    %dma_start3A_353 = arith.constant 0 : i32
    %dma_start3A_354 = tpu.memref_slice %arg4[%add3A_350, %dma_start3A_353] : memref<16384x1024xf32, #tpu.memory_space<hbm>> -> memref<4x1024xf32, #tpu.memory_space<hbm>>
    tpu.enqueue_dma source(%arg9 : memref<4x1024xf32, #tpu.memory_space<vmem>>) target(%dma_start3A_354 : memref<4x1024xf32, #tpu.memory_space<hbm>>) target_semaphore(%arg13 : memref<!tpu.dma_semaphore, #tpu.memory_space<semaphore_mem>>)
    %add3A_355 = arith.constant 204 : i32
    %add3A_356 = arith.addi %mul3A_2, %add3A_355 : i32
    %dma_start3A_357 = arith.constant 0 : i32
    %dma_start3A_358 = tpu.memref_slice %arg4[%add3A_356, %dma_start3A_357] : memref<16384x1024xf32, #tpu.memory_space<hbm>> -> memref<4x1024xf32, #tpu.memory_space<hbm>>
    %dma_start3A_359 = arith.constant 0 : i32
    %dma_start3A_360 = tpu.memref_slice %arg4[%add3A_356, %dma_start3A_359] : memref<16384x1024xf32, #tpu.memory_space<hbm>> -> memref<4x1024xf32, #tpu.memory_space<hbm>>
    tpu.enqueue_dma source(%arg9 : memref<4x1024xf32, #tpu.memory_space<vmem>>) target(%dma_start3A_360 : memref<4x1024xf32, #tpu.memory_space<hbm>>) target_semaphore(%arg13 : memref<!tpu.dma_semaphore, #tpu.memory_space<semaphore_mem>>)
    %add3A_361 = arith.constant 208 : i32
    %add3A_362 = arith.addi %mul3A_2, %add3A_361 : i32
    %dma_start3A_363 = arith.constant 0 : i32
    %dma_start3A_364 = tpu.memref_slice %arg4[%add3A_362, %dma_start3A_363] : memref<16384x1024xf32, #tpu.memory_space<hbm>> -> memref<4x1024xf32, #tpu.memory_space<hbm>>
    %dma_start3A_365 = arith.constant 0 : i32
    %dma_start3A_366 = tpu.memref_slice %arg4[%add3A_362, %dma_start3A_365] : memref<16384x1024xf32, #tpu.memory_space<hbm>> -> memref<4x1024xf32, #tpu.memory_space<hbm>>
    tpu.enqueue_dma source(%arg9 : memref<4x1024xf32, #tpu.memory_space<vmem>>) target(%dma_start3A_366 : memref<4x1024xf32, #tpu.memory_space<hbm>>) target_semaphore(%arg13 : memref<!tpu.dma_semaphore, #tpu.memory_space<semaphore_mem>>)
    %add3A_367 = arith.constant 212 : i32
    %add3A_368 = arith.addi %mul3A_2, %add3A_367 : i32
    %dma_start3A_369 = arith.constant 0 : i32
    %dma_start3A_370 = tpu.memref_slice %arg4[%add3A_368, %dma_start3A_369] : memref<16384x1024xf32, #tpu.memory_space<hbm>> -> memref<4x1024xf32, #tpu.memory_space<hbm>>
    %dma_start3A_371 = arith.constant 0 : i32
    %dma_start3A_372 = tpu.memref_slice %arg4[%add3A_368, %dma_start3A_371] : memref<16384x1024xf32, #tpu.memory_space<hbm>> -> memref<4x1024xf32, #tpu.memory_space<hbm>>
    tpu.enqueue_dma source(%arg9 : memref<4x1024xf32, #tpu.memory_space<vmem>>) target(%dma_start3A_372 : memref<4x1024xf32, #tpu.memory_space<hbm>>) target_semaphore(%arg13 : memref<!tpu.dma_semaphore, #tpu.memory_space<semaphore_mem>>)
    %add3A_373 = arith.constant 216 : i32
    %add3A_374 = arith.addi %mul3A_2, %add3A_373 : i32
    %dma_start3A_375 = arith.constant 0 : i32
    %dma_start3A_376 = tpu.memref_slice %arg4[%add3A_374, %dma_start3A_375] : memref<16384x1024xf32, #tpu.memory_space<hbm>> -> memref<4x1024xf32, #tpu.memory_space<hbm>>
    %dma_start3A_377 = arith.constant 0 : i32
    %dma_start3A_378 = tpu.memref_slice %arg4[%add3A_374, %dma_start3A_377] : memref<16384x1024xf32, #tpu.memory_space<hbm>> -> memref<4x1024xf32, #tpu.memory_space<hbm>>
    tpu.enqueue_dma source(%arg9 : memref<4x1024xf32, #tpu.memory_space<vmem>>) target(%dma_start3A_378 : memref<4x1024xf32, #tpu.memory_space<hbm>>) target_semaphore(%arg13 : memref<!tpu.dma_semaphore, #tpu.memory_space<semaphore_mem>>)
    %add3A_379 = arith.constant 220 : i32
    %add3A_380 = arith.addi %mul3A_2, %add3A_379 : i32
    %dma_start3A_381 = arith.constant 0 : i32
    %dma_start3A_382 = tpu.memref_slice %arg4[%add3A_380, %dma_start3A_381] : memref<16384x1024xf32, #tpu.memory_space<hbm>> -> memref<4x1024xf32, #tpu.memory_space<hbm>>
    %dma_start3A_383 = arith.constant 0 : i32
    %dma_start3A_384 = tpu.memref_slice %arg4[%add3A_380, %dma_start3A_383] : memref<16384x1024xf32, #tpu.memory_space<hbm>> -> memref<4x1024xf32, #tpu.memory_space<hbm>>
    tpu.enqueue_dma source(%arg9 : memref<4x1024xf32, #tpu.memory_space<vmem>>) target(%dma_start3A_384 : memref<4x1024xf32, #tpu.memory_space<hbm>>) target_semaphore(%arg13 : memref<!tpu.dma_semaphore, #tpu.memory_space<semaphore_mem>>)
    %add3A_385 = arith.constant 224 : i32
    %add3A_386 = arith.addi %mul3A_2, %add3A_385 : i32
    %dma_start3A_387 = arith.constant 0 : i32
    %dma_start3A_388 = tpu.memref_slice %arg4[%add3A_386, %dma_start3A_387] : memref<16384x1024xf32, #tpu.memory_space<hbm>> -> memref<4x1024xf32, #tpu.memory_space<hbm>>
    %dma_start3A_389 = arith.constant 0 : i32
    %dma_start3A_390 = tpu.memref_slice %arg4[%add3A_386, %dma_start3A_389] : memref<16384x1024xf32, #tpu.memory_space<hbm>> -> memref<4x1024xf32, #tpu.memory_space<hbm>>
    tpu.enqueue_dma source(%arg9 : memref<4x1024xf32, #tpu.memory_space<vmem>>) target(%dma_start3A_390 : memref<4x1024xf32, #tpu.memory_space<hbm>>) target_semaphore(%arg13 : memref<!tpu.dma_semaphore, #tpu.memory_space<semaphore_mem>>)
    %add3A_391 = arith.constant 228 : i32
    %add3A_392 = arith.addi %mul3A_2, %add3A_391 : i32
    %dma_start3A_393 = arith.constant 0 : i32
    %dma_start3A_394 = tpu.memref_slice %arg4[%add3A_392, %dma_start3A_393] : memref<16384x1024xf32, #tpu.memory_space<hbm>> -> memref<4x1024xf32, #tpu.memory_space<hbm>>
    %dma_start3A_395 = arith.constant 0 : i32
    %dma_start3A_396 = tpu.memref_slice %arg4[%add3A_392, %dma_start3A_395] : memref<16384x1024xf32, #tpu.memory_space<hbm>> -> memref<4x1024xf32, #tpu.memory_space<hbm>>
    tpu.enqueue_dma source(%arg9 : memref<4x1024xf32, #tpu.memory_space<vmem>>) target(%dma_start3A_396 : memref<4x1024xf32, #tpu.memory_space<hbm>>) target_semaphore(%arg13 : memref<!tpu.dma_semaphore, #tpu.memory_space<semaphore_mem>>)
    %add3A_397 = arith.constant 232 : i32
    %add3A_398 = arith.addi %mul3A_2, %add3A_397 : i32
    %dma_start3A_399 = arith.constant 0 : i32
    %dma_start3A_400 = tpu.memref_slice %arg4[%add3A_398, %dma_start3A_399] : memref<16384x1024xf32, #tpu.memory_space<hbm>> -> memref<4x1024xf32, #tpu.memory_space<hbm>>
    %dma_start3A_401 = arith.constant 0 : i32
    %dma_start3A_402 = tpu.memref_slice %arg4[%add3A_398, %dma_start3A_401] : memref<16384x1024xf32, #tpu.memory_space<hbm>> -> memref<4x1024xf32, #tpu.memory_space<hbm>>
    tpu.enqueue_dma source(%arg9 : memref<4x1024xf32, #tpu.memory_space<vmem>>) target(%dma_start3A_402 : memref<4x1024xf32, #tpu.memory_space<hbm>>) target_semaphore(%arg13 : memref<!tpu.dma_semaphore, #tpu.memory_space<semaphore_mem>>)
    %add3A_403 = arith.constant 236 : i32
    %add3A_404 = arith.addi %mul3A_2, %add3A_403 : i32
    %dma_start3A_405 = arith.constant 0 : i32
    %dma_start3A_406 = tpu.memref_slice %arg4[%add3A_404, %dma_start3A_405] : memref<16384x1024xf32, #tpu.memory_space<hbm>> -> memref<4x1024xf32, #tpu.memory_space<hbm>>
    %dma_start3A_407 = arith.constant 0 : i32
    %dma_start3A_408 = tpu.memref_slice %arg4[%add3A_404, %dma_start3A_407] : memref<16384x1024xf32, #tpu.memory_space<hbm>> -> memref<4x1024xf32, #tpu.memory_space<hbm>>
    tpu.enqueue_dma source(%arg9 : memref<4x1024xf32, #tpu.memory_space<vmem>>) target(%dma_start3A_408 : memref<4x1024xf32, #tpu.memory_space<hbm>>) target_semaphore(%arg13 : memref<!tpu.dma_semaphore, #tpu.memory_space<semaphore_mem>>)
    %add3A_409 = arith.constant 240 : i32
    %add3A_410 = arith.addi %mul3A_2, %add3A_409 : i32
    %dma_start3A_411 = arith.constant 0 : i32
    %dma_start3A_412 = tpu.memref_slice %arg4[%add3A_410, %dma_start3A_411] : memref<16384x1024xf32, #tpu.memory_space<hbm>> -> memref<4x1024xf32, #tpu.memory_space<hbm>>
    %dma_start3A_413 = arith.constant 0 : i32
    %dma_start3A_414 = tpu.memref_slice %arg4[%add3A_410, %dma_start3A_413] : memref<16384x1024xf32, #tpu.memory_space<hbm>> -> memref<4x1024xf32, #tpu.memory_space<hbm>>
    tpu.enqueue_dma source(%arg9 : memref<4x1024xf32, #tpu.memory_space<vmem>>) target(%dma_start3A_414 : memref<4x1024xf32, #tpu.memory_space<hbm>>) target_semaphore(%arg13 : memref<!tpu.dma_semaphore, #tpu.memory_space<semaphore_mem>>)
    %add3A_415 = arith.constant 244 : i32
    %add3A_416 = arith.addi %mul3A_2, %add3A_415 : i32
    %dma_start3A_417 = arith.constant 0 : i32
    %dma_start3A_418 = tpu.memref_slice %arg4[%add3A_416, %dma_start3A_417] : memref<16384x1024xf32, #tpu.memory_space<hbm>> -> memref<4x1024xf32, #tpu.memory_space<hbm>>
    %dma_start3A_419 = arith.constant 0 : i32
    %dma_start3A_420 = tpu.memref_slice %arg4[%add3A_416, %dma_start3A_419] : memref<16384x1024xf32, #tpu.memory_space<hbm>> -> memref<4x1024xf32, #tpu.memory_space<hbm>>
    tpu.enqueue_dma source(%arg9 : memref<4x1024xf32, #tpu.memory_space<vmem>>) target(%dma_start3A_420 : memref<4x1024xf32, #tpu.memory_space<hbm>>) target_semaphore(%arg13 : memref<!tpu.dma_semaphore, #tpu.memory_space<semaphore_mem>>)
    %add3A_421 = arith.constant 248 : i32
    %add3A_422 = arith.addi %mul3A_2, %add3A_421 : i32
    %dma_start3A_423 = arith.constant 0 : i32
    %dma_start3A_424 = tpu.memref_slice %arg4[%add3A_422, %dma_start3A_423] : memref<16384x1024xf32, #tpu.memory_space<hbm>> -> memref<4x1024xf32, #tpu.memory_space<hbm>>
    %dma_start3A_425 = arith.constant 0 : i32
    %dma_start3A_426 = tpu.memref_slice %arg4[%add3A_422, %dma_start3A_425] : memref<16384x1024xf32, #tpu.memory_space<hbm>> -> memref<4x1024xf32, #tpu.memory_space<hbm>>
    tpu.enqueue_dma source(%arg9 : memref<4x1024xf32, #tpu.memory_space<vmem>>) target(%dma_start3A_426 : memref<4x1024xf32, #tpu.memory_space<hbm>>) target_semaphore(%arg13 : memref<!tpu.dma_semaphore, #tpu.memory_space<semaphore_mem>>)
    %add3A_427 = arith.constant 252 : i32
    %add3A_428 = arith.addi %mul3A_2, %add3A_427 : i32
    %dma_start3A_429 = arith.constant 0 : i32
    %dma_start3A_430 = tpu.memref_slice %arg4[%add3A_428, %dma_start3A_429] : memref<16384x1024xf32, #tpu.memory_space<hbm>> -> memref<4x1024xf32, #tpu.memory_space<hbm>>
    %dma_start3A_431 = arith.constant 0 : i32
    %dma_start3A_432 = tpu.memref_slice %arg4[%add3A_428, %dma_start3A_431] : memref<16384x1024xf32, #tpu.memory_space<hbm>> -> memref<4x1024xf32, #tpu.memory_space<hbm>>
    tpu.enqueue_dma source(%arg9 : memref<4x1024xf32, #tpu.memory_space<vmem>>) target(%dma_start3A_432 : memref<4x1024xf32, #tpu.memory_space<hbm>>) target_semaphore(%arg13 : memref<!tpu.dma_semaphore, #tpu.memory_space<semaphore_mem>>)
    %add3A_433 = arith.constant 256 : i32
    %add3A_434 = arith.addi %mul3A_2, %add3A_433 : i32
    %dma_start3A_435 = arith.constant 0 : i32
    %dma_start3A_436 = tpu.memref_slice %arg4[%add3A_434, %dma_start3A_435] : memref<16384x1024xf32, #tpu.memory_space<hbm>> -> memref<4x1024xf32, #tpu.memory_space<hbm>>
    %dma_start3A_437 = arith.constant 0 : i32
    %dma_start3A_438 = tpu.memref_slice %arg4[%add3A_434, %dma_start3A_437] : memref<16384x1024xf32, #tpu.memory_space<hbm>> -> memref<4x1024xf32, #tpu.memory_space<hbm>>
    tpu.enqueue_dma source(%arg9 : memref<4x1024xf32, #tpu.memory_space<vmem>>) target(%dma_start3A_438 : memref<4x1024xf32, #tpu.memory_space<hbm>>) target_semaphore(%arg13 : memref<!tpu.dma_semaphore, #tpu.memory_space<semaphore_mem>>)
    %add3A_439 = arith.constant 260 : i32
    %add3A_440 = arith.addi %mul3A_2, %add3A_439 : i32
    %dma_start3A_441 = arith.constant 0 : i32
    %dma_start3A_442 = tpu.memref_slice %arg4[%add3A_440, %dma_start3A_441] : memref<16384x1024xf32, #tpu.memory_space<hbm>> -> memref<4x1024xf32, #tpu.memory_space<hbm>>
    %dma_start3A_443 = arith.constant 0 : i32
    %dma_start3A_444 = tpu.memref_slice %arg4[%add3A_440, %dma_start3A_443] : memref<16384x1024xf32, #tpu.memory_space<hbm>> -> memref<4x1024xf32, #tpu.memory_space<hbm>>
    tpu.enqueue_dma source(%arg9 : memref<4x1024xf32, #tpu.memory_space<vmem>>) target(%dma_start3A_444 : memref<4x1024xf32, #tpu.memory_space<hbm>>) target_semaphore(%arg13 : memref<!tpu.dma_semaphore, #tpu.memory_space<semaphore_mem>>)
    %add3A_445 = arith.constant 264 : i32
    %add3A_446 = arith.addi %mul3A_2, %add3A_445 : i32
    %dma_start3A_447 = arith.constant 0 : i32
    %dma_start3A_448 = tpu.memref_slice %arg4[%add3A_446, %dma_start3A_447] : memref<16384x1024xf32, #tpu.memory_space<hbm>> -> memref<4x1024xf32, #tpu.memory_space<hbm>>
    %dma_start3A_449 = arith.constant 0 : i32
    %dma_start3A_450 = tpu.memref_slice %arg4[%add3A_446, %dma_start3A_449] : memref<16384x1024xf32, #tpu.memory_space<hbm>> -> memref<4x1024xf32, #tpu.memory_space<hbm>>
    tpu.enqueue_dma source(%arg9 : memref<4x1024xf32, #tpu.memory_space<vmem>>) target(%dma_start3A_450 : memref<4x1024xf32, #tpu.memory_space<hbm>>) target_semaphore(%arg13 : memref<!tpu.dma_semaphore, #tpu.memory_space<semaphore_mem>>)
    %add3A_451 = arith.constant 268 : i32
    %add3A_452 = arith.addi %mul3A_2, %add3A_451 : i32
    %dma_start3A_453 = arith.constant 0 : i32
    %dma_start3A_454 = tpu.memref_slice %arg4[%add3A_452, %dma_start3A_453] : memref<16384x1024xf32, #tpu.memory_space<hbm>> -> memref<4x1024xf32, #tpu.memory_space<hbm>>
    %dma_start3A_455 = arith.constant 0 : i32
    %dma_start3A_456 = tpu.memref_slice %arg4[%add3A_452, %dma_start3A_455] : memref<16384x1024xf32, #tpu.memory_space<hbm>> -> memref<4x1024xf32, #tpu.memory_space<hbm>>
    tpu.enqueue_dma source(%arg9 : memref<4x1024xf32, #tpu.memory_space<vmem>>) target(%dma_start3A_456 : memref<4x1024xf32, #tpu.memory_space<hbm>>) target_semaphore(%arg13 : memref<!tpu.dma_semaphore, #tpu.memory_space<semaphore_mem>>)
    %add3A_457 = arith.constant 272 : i32
    %add3A_458 = arith.addi %mul3A_2, %add3A_457 : i32
    %dma_start3A_459 = arith.constant 0 : i32
    %dma_start3A_460 = tpu.memref_slice %arg4[%add3A_458, %dma_start3A_459] : memref<16384x1024xf32, #tpu.memory_space<hbm>> -> memref<4x1024xf32, #tpu.memory_space<hbm>>
    %dma_start3A_461 = arith.constant 0 : i32
    %dma_start3A_462 = tpu.memref_slice %arg4[%add3A_458, %dma_start3A_461] : memref<16384x1024xf32, #tpu.memory_space<hbm>> -> memref<4x1024xf32, #tpu.memory_space<hbm>>
    tpu.enqueue_dma source(%arg9 : memref<4x1024xf32, #tpu.memory_space<vmem>>) target(%dma_start3A_462 : memref<4x1024xf32, #tpu.memory_space<hbm>>) target_semaphore(%arg13 : memref<!tpu.dma_semaphore, #tpu.memory_space<semaphore_mem>>)
    %add3A_463 = arith.constant 276 : i32
    %add3A_464 = arith.addi %mul3A_2, %add3A_463 : i32
    %dma_start3A_465 = arith.constant 0 : i32
    %dma_start3A_466 = tpu.memref_slice %arg4[%add3A_464, %dma_start3A_465] : memref<16384x1024xf32, #tpu.memory_space<hbm>> -> memref<4x1024xf32, #tpu.memory_space<hbm>>
    %dma_start3A_467 = arith.constant 0 : i32
    %dma_start3A_468 = tpu.memref_slice %arg4[%add3A_464, %dma_start3A_467] : memref<16384x1024xf32, #tpu.memory_space<hbm>> -> memref<4x1024xf32, #tpu.memory_space<hbm>>
    tpu.enqueue_dma source(%arg9 : memref<4x1024xf32, #tpu.memory_space<vmem>>) target(%dma_start3A_468 : memref<4x1024xf32, #tpu.memory_space<hbm>>) target_semaphore(%arg13 : memref<!tpu.dma_semaphore, #tpu.memory_space<semaphore_mem>>)
    %add3A_469 = arith.constant 280 : i32
    %add3A_470 = arith.addi %mul3A_2, %add3A_469 : i32
    %dma_start3A_471 = arith.constant 0 : i32
    %dma_start3A_472 = tpu.memref_slice %arg4[%add3A_470, %dma_start3A_471] : memref<16384x1024xf32, #tpu.memory_space<hbm>> -> memref<4x1024xf32, #tpu.memory_space<hbm>>
    %dma_start3A_473 = arith.constant 0 : i32
    %dma_start3A_474 = tpu.memref_slice %arg4[%add3A_470, %dma_start3A_473] : memref<16384x1024xf32, #tpu.memory_space<hbm>> -> memref<4x1024xf32, #tpu.memory_space<hbm>>
    tpu.enqueue_dma source(%arg9 : memref<4x1024xf32, #tpu.memory_space<vmem>>) target(%dma_start3A_474 : memref<4x1024xf32, #tpu.memory_space<hbm>>) target_semaphore(%arg13 : memref<!tpu.dma_semaphore, #tpu.memory_space<semaphore_mem>>)
    %add3A_475 = arith.constant 284 : i32
    %add3A_476 = arith.addi %mul3A_2, %add3A_475 : i32
    %dma_start3A_477 = arith.constant 0 : i32
    %dma_start3A_478 = tpu.memref_slice %arg4[%add3A_476, %dma_start3A_477] : memref<16384x1024xf32, #tpu.memory_space<hbm>> -> memref<4x1024xf32, #tpu.memory_space<hbm>>
    %dma_start3A_479 = arith.constant 0 : i32
    %dma_start3A_480 = tpu.memref_slice %arg4[%add3A_476, %dma_start3A_479] : memref<16384x1024xf32, #tpu.memory_space<hbm>> -> memref<4x1024xf32, #tpu.memory_space<hbm>>
    tpu.enqueue_dma source(%arg9 : memref<4x1024xf32, #tpu.memory_space<vmem>>) target(%dma_start3A_480 : memref<4x1024xf32, #tpu.memory_space<hbm>>) target_semaphore(%arg13 : memref<!tpu.dma_semaphore, #tpu.memory_space<semaphore_mem>>)
    %add3A_481 = arith.constant 288 : i32
    %add3A_482 = arith.addi %mul3A_2, %add3A_481 : i32
    %dma_start3A_483 = arith.constant 0 : i32
    %dma_start3A_484 = tpu.memref_slice %arg4[%add3A_482, %dma_start3A_483] : memref<16384x1024xf32, #tpu.memory_space<hbm>> -> memref<4x1024xf32, #tpu.memory_space<hbm>>
    %dma_start3A_485 = arith.constant 0 : i32
    %dma_start3A_486 = tpu.memref_slice %arg4[%add3A_482, %dma_start3A_485] : memref<16384x1024xf32, #tpu.memory_space<hbm>> -> memref<4x1024xf32, #tpu.memory_space<hbm>>
    tpu.enqueue_dma source(%arg9 : memref<4x1024xf32, #tpu.memory_space<vmem>>) target(%dma_start3A_486 : memref<4x1024xf32, #tpu.memory_space<hbm>>) target_semaphore(%arg13 : memref<!tpu.dma_semaphore, #tpu.memory_space<semaphore_mem>>)
    %add3A_487 = arith.constant 292 : i32
    %add3A_488 = arith.addi %mul3A_2, %add3A_487 : i32
    %dma_start3A_489 = arith.constant 0 : i32
    %dma_start3A_490 = tpu.memref_slice %arg4[%add3A_488, %dma_start3A_489] : memref<16384x1024xf32, #tpu.memory_space<hbm>> -> memref<4x1024xf32, #tpu.memory_space<hbm>>
    %dma_start3A_491 = arith.constant 0 : i32
    %dma_start3A_492 = tpu.memref_slice %arg4[%add3A_488, %dma_start3A_491] : memref<16384x1024xf32, #tpu.memory_space<hbm>> -> memref<4x1024xf32, #tpu.memory_space<hbm>>
    tpu.enqueue_dma source(%arg9 : memref<4x1024xf32, #tpu.memory_space<vmem>>) target(%dma_start3A_492 : memref<4x1024xf32, #tpu.memory_space<hbm>>) target_semaphore(%arg13 : memref<!tpu.dma_semaphore, #tpu.memory_space<semaphore_mem>>)
    %add3A_493 = arith.constant 296 : i32
    %add3A_494 = arith.addi %mul3A_2, %add3A_493 : i32
    %dma_start3A_495 = arith.constant 0 : i32
    %dma_start3A_496 = tpu.memref_slice %arg4[%add3A_494, %dma_start3A_495] : memref<16384x1024xf32, #tpu.memory_space<hbm>> -> memref<4x1024xf32, #tpu.memory_space<hbm>>
    %dma_start3A_497 = arith.constant 0 : i32
    %dma_start3A_498 = tpu.memref_slice %arg4[%add3A_494, %dma_start3A_497] : memref<16384x1024xf32, #tpu.memory_space<hbm>> -> memref<4x1024xf32, #tpu.memory_space<hbm>>
    tpu.enqueue_dma source(%arg9 : memref<4x1024xf32, #tpu.memory_space<vmem>>) target(%dma_start3A_498 : memref<4x1024xf32, #tpu.memory_space<hbm>>) target_semaphore(%arg13 : memref<!tpu.dma_semaphore, #tpu.memory_space<semaphore_mem>>)
    %add3A_499 = arith.constant 300 : i32
    %add3A_500 = arith.addi %mul3A_2, %add3A_499 : i32
    %dma_start3A_501 = arith.constant 0 : i32
    %dma_start3A_502 = tpu.memref_slice %arg4[%add3A_500, %dma_start3A_501] : memref<16384x1024xf32, #tpu.memory_space<hbm>> -> memref<4x1024xf32, #tpu.memory_space<hbm>>
    %dma_start3A_503 = arith.constant 0 : i32
    %dma_start3A_504 = tpu.memref_slice %arg4[%add3A_500, %dma_start3A_503] : memref<16384x1024xf32, #tpu.memory_space<hbm>> -> memref<4x1024xf32, #tpu.memory_space<hbm>>
    tpu.enqueue_dma source(%arg9 : memref<4x1024xf32, #tpu.memory_space<vmem>>) target(%dma_start3A_504 : memref<4x1024xf32, #tpu.memory_space<hbm>>) target_semaphore(%arg13 : memref<!tpu.dma_semaphore, #tpu.memory_space<semaphore_mem>>)
    %add3A_505 = arith.constant 304 : i32
    %add3A_506 = arith.addi %mul3A_2, %add3A_505 : i32
    %dma_start3A_507 = arith.constant 0 : i32
    %dma_start3A_508 = tpu.memref_slice %arg4[%add3A_506, %dma_start3A_507] : memref<16384x1024xf32, #tpu.memory_space<hbm>> -> memref<4x1024xf32, #tpu.memory_space<hbm>>
    %dma_start3A_509 = arith.constant 0 : i32
    %dma_start3A_510 = tpu.memref_slice %arg4[%add3A_506, %dma_start3A_509] : memref<16384x1024xf32, #tpu.memory_space<hbm>> -> memref<4x1024xf32, #tpu.memory_space<hbm>>
    tpu.enqueue_dma source(%arg9 : memref<4x1024xf32, #tpu.memory_space<vmem>>) target(%dma_start3A_510 : memref<4x1024xf32, #tpu.memory_space<hbm>>) target_semaphore(%arg13 : memref<!tpu.dma_semaphore, #tpu.memory_space<semaphore_mem>>)
    %add3A_511 = arith.constant 308 : i32
    %add3A_512 = arith.addi %mul3A_2, %add3A_511 : i32
    %dma_start3A_513 = arith.constant 0 : i32
    %dma_start3A_514 = tpu.memref_slice %arg4[%add3A_512, %dma_start3A_513] : memref<16384x1024xf32, #tpu.memory_space<hbm>> -> memref<4x1024xf32, #tpu.memory_space<hbm>>
    %dma_start3A_515 = arith.constant 0 : i32
    %dma_start3A_516 = tpu.memref_slice %arg4[%add3A_512, %dma_start3A_515] : memref<16384x1024xf32, #tpu.memory_space<hbm>> -> memref<4x1024xf32, #tpu.memory_space<hbm>>
    tpu.enqueue_dma source(%arg9 : memref<4x1024xf32, #tpu.memory_space<vmem>>) target(%dma_start3A_516 : memref<4x1024xf32, #tpu.memory_space<hbm>>) target_semaphore(%arg13 : memref<!tpu.dma_semaphore, #tpu.memory_space<semaphore_mem>>)
    %add3A_517 = arith.constant 312 : i32
    %add3A_518 = arith.addi %mul3A_2, %add3A_517 : i32
    %dma_start3A_519 = arith.constant 0 : i32
    %dma_start3A_520 = tpu.memref_slice %arg4[%add3A_518, %dma_start3A_519] : memref<16384x1024xf32, #tpu.memory_space<hbm>> -> memref<4x1024xf32, #tpu.memory_space<hbm>>
    %dma_start3A_521 = arith.constant 0 : i32
    %dma_start3A_522 = tpu.memref_slice %arg4[%add3A_518, %dma_start3A_521] : memref<16384x1024xf32, #tpu.memory_space<hbm>> -> memref<4x1024xf32, #tpu.memory_space<hbm>>
    tpu.enqueue_dma source(%arg9 : memref<4x1024xf32, #tpu.memory_space<vmem>>) target(%dma_start3A_522 : memref<4x1024xf32, #tpu.memory_space<hbm>>) target_semaphore(%arg13 : memref<!tpu.dma_semaphore, #tpu.memory_space<semaphore_mem>>)
    %add3A_523 = arith.constant 316 : i32
    %add3A_524 = arith.addi %mul3A_2, %add3A_523 : i32
    %dma_start3A_525 = arith.constant 0 : i32
    %dma_start3A_526 = tpu.memref_slice %arg4[%add3A_524, %dma_start3A_525] : memref<16384x1024xf32, #tpu.memory_space<hbm>> -> memref<4x1024xf32, #tpu.memory_space<hbm>>
    %dma_start3A_527 = arith.constant 0 : i32
    %dma_start3A_528 = tpu.memref_slice %arg4[%add3A_524, %dma_start3A_527] : memref<16384x1024xf32, #tpu.memory_space<hbm>> -> memref<4x1024xf32, #tpu.memory_space<hbm>>
    tpu.enqueue_dma source(%arg9 : memref<4x1024xf32, #tpu.memory_space<vmem>>) target(%dma_start3A_528 : memref<4x1024xf32, #tpu.memory_space<hbm>>) target_semaphore(%arg13 : memref<!tpu.dma_semaphore, #tpu.memory_space<semaphore_mem>>)
    %add3A_529 = arith.constant 320 : i32
    %add3A_530 = arith.addi %mul3A_2, %add3A_529 : i32
    %dma_start3A_531 = arith.constant 0 : i32
    %dma_start3A_532 = tpu.memref_slice %arg4[%add3A_530, %dma_start3A_531] : memref<16384x1024xf32, #tpu.memory_space<hbm>> -> memref<4x1024xf32, #tpu.memory_space<hbm>>
    %dma_start3A_533 = arith.constant 0 : i32
    %dma_start3A_534 = tpu.memref_slice %arg4[%add3A_530, %dma_start3A_533] : memref<16384x1024xf32, #tpu.memory_space<hbm>> -> memref<4x1024xf32, #tpu.memory_space<hbm>>
    tpu.enqueue_dma source(%arg9 : memref<4x1024xf32, #tpu.memory_space<vmem>>) target(%dma_start3A_534 : memref<4x1024xf32, #tpu.memory_space<hbm>>) target_semaphore(%arg13 : memref<!tpu.dma_semaphore, #tpu.memory_space<semaphore_mem>>)
    %add3A_535 = arith.constant 324 : i32
    %add3A_536 = arith.addi %mul3A_2, %add3A_535 : i32
    %dma_start3A_537 = arith.constant 0 : i32
    %dma_start3A_538 = tpu.memref_slice %arg4[%add3A_536, %dma_start3A_537] : memref<16384x1024xf32, #tpu.memory_space<hbm>> -> memref<4x1024xf32, #tpu.memory_space<hbm>>
    %dma_start3A_539 = arith.constant 0 : i32
    %dma_start3A_540 = tpu.memref_slice %arg4[%add3A_536, %dma_start3A_539] : memref<16384x1024xf32, #tpu.memory_space<hbm>> -> memref<4x1024xf32, #tpu.memory_space<hbm>>
    tpu.enqueue_dma source(%arg9 : memref<4x1024xf32, #tpu.memory_space<vmem>>) target(%dma_start3A_540 : memref<4x1024xf32, #tpu.memory_space<hbm>>) target_semaphore(%arg13 : memref<!tpu.dma_semaphore, #tpu.memory_space<semaphore_mem>>)
    %add3A_541 = arith.constant 328 : i32
    %add3A_542 = arith.addi %mul3A_2, %add3A_541 : i32
    %dma_start3A_543 = arith.constant 0 : i32
    %dma_start3A_544 = tpu.memref_slice %arg4[%add3A_542, %dma_start3A_543] : memref<16384x1024xf32, #tpu.memory_space<hbm>> -> memref<4x1024xf32, #tpu.memory_space<hbm>>
    %dma_start3A_545 = arith.constant 0 : i32
    %dma_start3A_546 = tpu.memref_slice %arg4[%add3A_542, %dma_start3A_545] : memref<16384x1024xf32, #tpu.memory_space<hbm>> -> memref<4x1024xf32, #tpu.memory_space<hbm>>
    tpu.enqueue_dma source(%arg9 : memref<4x1024xf32, #tpu.memory_space<vmem>>) target(%dma_start3A_546 : memref<4x1024xf32, #tpu.memory_space<hbm>>) target_semaphore(%arg13 : memref<!tpu.dma_semaphore, #tpu.memory_space<semaphore_mem>>)
    %add3A_547 = arith.constant 332 : i32
    %add3A_548 = arith.addi %mul3A_2, %add3A_547 : i32
    %dma_start3A_549 = arith.constant 0 : i32
    %dma_start3A_550 = tpu.memref_slice %arg4[%add3A_548, %dma_start3A_549] : memref<16384x1024xf32, #tpu.memory_space<hbm>> -> memref<4x1024xf32, #tpu.memory_space<hbm>>
    %dma_start3A_551 = arith.constant 0 : i32
    %dma_start3A_552 = tpu.memref_slice %arg4[%add3A_548, %dma_start3A_551] : memref<16384x1024xf32, #tpu.memory_space<hbm>> -> memref<4x1024xf32, #tpu.memory_space<hbm>>
    tpu.enqueue_dma source(%arg9 : memref<4x1024xf32, #tpu.memory_space<vmem>>) target(%dma_start3A_552 : memref<4x1024xf32, #tpu.memory_space<hbm>>) target_semaphore(%arg13 : memref<!tpu.dma_semaphore, #tpu.memory_space<semaphore_mem>>)
    %add3A_553 = arith.constant 336 : i32
    %add3A_554 = arith.addi %mul3A_2, %add3A_553 : i32
    %dma_start3A_555 = arith.constant 0 : i32
    %dma_start3A_556 = tpu.memref_slice %arg4[%add3A_554, %dma_start3A_555] : memref<16384x1024xf32, #tpu.memory_space<hbm>> -> memref<4x1024xf32, #tpu.memory_space<hbm>>
    %dma_start3A_557 = arith.constant 0 : i32
    %dma_start3A_558 = tpu.memref_slice %arg4[%add3A_554, %dma_start3A_557] : memref<16384x1024xf32, #tpu.memory_space<hbm>> -> memref<4x1024xf32, #tpu.memory_space<hbm>>
    tpu.enqueue_dma source(%arg9 : memref<4x1024xf32, #tpu.memory_space<vmem>>) target(%dma_start3A_558 : memref<4x1024xf32, #tpu.memory_space<hbm>>) target_semaphore(%arg13 : memref<!tpu.dma_semaphore, #tpu.memory_space<semaphore_mem>>)
    %add3A_559 = arith.constant 340 : i32
    %add3A_560 = arith.addi %mul3A_2, %add3A_559 : i32
    %dma_start3A_561 = arith.constant 0 : i32
    %dma_start3A_562 = tpu.memref_slice %arg4[%add3A_560, %dma_start3A_561] : memref<16384x1024xf32, #tpu.memory_space<hbm>> -> memref<4x1024xf32, #tpu.memory_space<hbm>>
    %dma_start3A_563 = arith.constant 0 : i32
    %dma_start3A_564 = tpu.memref_slice %arg4[%add3A_560, %dma_start3A_563] : memref<16384x1024xf32, #tpu.memory_space<hbm>> -> memref<4x1024xf32, #tpu.memory_space<hbm>>
    tpu.enqueue_dma source(%arg9 : memref<4x1024xf32, #tpu.memory_space<vmem>>) target(%dma_start3A_564 : memref<4x1024xf32, #tpu.memory_space<hbm>>) target_semaphore(%arg13 : memref<!tpu.dma_semaphore, #tpu.memory_space<semaphore_mem>>)
    %add3A_565 = arith.constant 344 : i32
    %add3A_566 = arith.addi %mul3A_2, %add3A_565 : i32
    %dma_start3A_567 = arith.constant 0 : i32
    %dma_start3A_568 = tpu.memref_slice %arg4[%add3A_566, %dma_start3A_567] : memref<16384x1024xf32, #tpu.memory_space<hbm>> -> memref<4x1024xf32, #tpu.memory_space<hbm>>
    %dma_start3A_569 = arith.constant 0 : i32
    %dma_start3A_570 = tpu.memref_slice %arg4[%add3A_566, %dma_start3A_569] : memref<16384x1024xf32, #tpu.memory_space<hbm>> -> memref<4x1024xf32, #tpu.memory_space<hbm>>
    tpu.enqueue_dma source(%arg9 : memref<4x1024xf32, #tpu.memory_space<vmem>>) target(%dma_start3A_570 : memref<4x1024xf32, #tpu.memory_space<hbm>>) target_semaphore(%arg13 : memref<!tpu.dma_semaphore, #tpu.memory_space<semaphore_mem>>)
    %add3A_571 = arith.constant 348 : i32
    %add3A_572 = arith.addi %mul3A_2, %add3A_571 : i32
    %dma_start3A_573 = arith.constant 0 : i32
    %dma_start3A_574 = tpu.memref_slice %arg4[%add3A_572, %dma_start3A_573] : memref<16384x1024xf32, #tpu.memory_space<hbm>> -> memref<4x1024xf32, #tpu.memory_space<hbm>>
    %dma_start3A_575 = arith.constant 0 : i32
    %dma_start3A_576 = tpu.memref_slice %arg4[%add3A_572, %dma_start3A_575] : memref<16384x1024xf32, #tpu.memory_space<hbm>> -> memref<4x1024xf32, #tpu.memory_space<hbm>>
    tpu.enqueue_dma source(%arg9 : memref<4x1024xf32, #tpu.memory_space<vmem>>) target(%dma_start3A_576 : memref<4x1024xf32, #tpu.memory_space<hbm>>) target_semaphore(%arg13 : memref<!tpu.dma_semaphore, #tpu.memory_space<semaphore_mem>>)
    %add3A_577 = arith.constant 352 : i32
    %add3A_578 = arith.addi %mul3A_2, %add3A_577 : i32
    %dma_start3A_579 = arith.constant 0 : i32
    %dma_start3A_580 = tpu.memref_slice %arg4[%add3A_578, %dma_start3A_579] : memref<16384x1024xf32, #tpu.memory_space<hbm>> -> memref<4x1024xf32, #tpu.memory_space<hbm>>
    %dma_start3A_581 = arith.constant 0 : i32
    %dma_start3A_582 = tpu.memref_slice %arg4[%add3A_578, %dma_start3A_581] : memref<16384x1024xf32, #tpu.memory_space<hbm>> -> memref<4x1024xf32, #tpu.memory_space<hbm>>
    tpu.enqueue_dma source(%arg9 : memref<4x1024xf32, #tpu.memory_space<vmem>>) target(%dma_start3A_582 : memref<4x1024xf32, #tpu.memory_space<hbm>>) target_semaphore(%arg13 : memref<!tpu.dma_semaphore, #tpu.memory_space<semaphore_mem>>)
    %add3A_583 = arith.constant 356 : i32
    %add3A_584 = arith.addi %mul3A_2, %add3A_583 : i32
    %dma_start3A_585 = arith.constant 0 : i32
    %dma_start3A_586 = tpu.memref_slice %arg4[%add3A_584, %dma_start3A_585] : memref<16384x1024xf32, #tpu.memory_space<hbm>> -> memref<4x1024xf32, #tpu.memory_space<hbm>>
    %dma_start3A_587 = arith.constant 0 : i32
    %dma_start3A_588 = tpu.memref_slice %arg4[%add3A_584, %dma_start3A_587] : memref<16384x1024xf32, #tpu.memory_space<hbm>> -> memref<4x1024xf32, #tpu.memory_space<hbm>>
    tpu.enqueue_dma source(%arg9 : memref<4x1024xf32, #tpu.memory_space<vmem>>) target(%dma_start3A_588 : memref<4x1024xf32, #tpu.memory_space<hbm>>) target_semaphore(%arg13 : memref<!tpu.dma_semaphore, #tpu.memory_space<semaphore_mem>>)
    %add3A_589 = arith.constant 360 : i32
    %add3A_590 = arith.addi %mul3A_2, %add3A_589 : i32
    %dma_start3A_591 = arith.constant 0 : i32
    %dma_start3A_592 = tpu.memref_slice %arg4[%add3A_590, %dma_start3A_591] : memref<16384x1024xf32, #tpu.memory_space<hbm>> -> memref<4x1024xf32, #tpu.memory_space<hbm>>
    %dma_start3A_593 = arith.constant 0 : i32
    %dma_start3A_594 = tpu.memref_slice %arg4[%add3A_590, %dma_start3A_593] : memref<16384x1024xf32, #tpu.memory_space<hbm>> -> memref<4x1024xf32, #tpu.memory_space<hbm>>
    tpu.enqueue_dma source(%arg9 : memref<4x1024xf32, #tpu.memory_space<vmem>>) target(%dma_start3A_594 : memref<4x1024xf32, #tpu.memory_space<hbm>>) target_semaphore(%arg13 : memref<!tpu.dma_semaphore, #tpu.memory_space<semaphore_mem>>)
    %add3A_595 = arith.constant 364 : i32
    %add3A_596 = arith.addi %mul3A_2, %add3A_595 : i32
    %dma_start3A_597 = arith.constant 0 : i32
    %dma_start3A_598 = tpu.memref_slice %arg4[%add3A_596, %dma_start3A_597] : memref<16384x1024xf32, #tpu.memory_space<hbm>> -> memref<4x1024xf32, #tpu.memory_space<hbm>>
    %dma_start3A_599 = arith.constant 0 : i32
    %dma_start3A_600 = tpu.memref_slice %arg4[%add3A_596, %dma_start3A_599] : memref<16384x1024xf32, #tpu.memory_space<hbm>> -> memref<4x1024xf32, #tpu.memory_space<hbm>>
    tpu.enqueue_dma source(%arg9 : memref<4x1024xf32, #tpu.memory_space<vmem>>) target(%dma_start3A_600 : memref<4x1024xf32, #tpu.memory_space<hbm>>) target_semaphore(%arg13 : memref<!tpu.dma_semaphore, #tpu.memory_space<semaphore_mem>>)
    %add3A_601 = arith.constant 368 : i32
    %add3A_602 = arith.addi %mul3A_2, %add3A_601 : i32
    %dma_start3A_603 = arith.constant 0 : i32
    %dma_start3A_604 = tpu.memref_slice %arg4[%add3A_602, %dma_start3A_603] : memref<16384x1024xf32, #tpu.memory_space<hbm>> -> memref<4x1024xf32, #tpu.memory_space<hbm>>
    %dma_start3A_605 = arith.constant 0 : i32
    %dma_start3A_606 = tpu.memref_slice %arg4[%add3A_602, %dma_start3A_605] : memref<16384x1024xf32, #tpu.memory_space<hbm>> -> memref<4x1024xf32, #tpu.memory_space<hbm>>
    tpu.enqueue_dma source(%arg9 : memref<4x1024xf32, #tpu.memory_space<vmem>>) target(%dma_start3A_606 : memref<4x1024xf32, #tpu.memory_space<hbm>>) target_semaphore(%arg13 : memref<!tpu.dma_semaphore, #tpu.memory_space<semaphore_mem>>)
    %add3A_607 = arith.constant 372 : i32
    %add3A_608 = arith.addi %mul3A_2, %add3A_607 : i32
    %dma_start3A_609 = arith.constant 0 : i32
    %dma_start3A_610 = tpu.memref_slice %arg4[%add3A_608, %dma_start3A_609] : memref<16384x1024xf32, #tpu.memory_space<hbm>> -> memref<4x1024xf32, #tpu.memory_space<hbm>>
    %dma_start3A_611 = arith.constant 0 : i32
    %dma_start3A_612 = tpu.memref_slice %arg4[%add3A_608, %dma_start3A_611] : memref<16384x1024xf32, #tpu.memory_space<hbm>> -> memref<4x1024xf32, #tpu.memory_space<hbm>>
    tpu.enqueue_dma source(%arg9 : memref<4x1024xf32, #tpu.memory_space<vmem>>) target(%dma_start3A_612 : memref<4x1024xf32, #tpu.memory_space<hbm>>) target_semaphore(%arg13 : memref<!tpu.dma_semaphore, #tpu.memory_space<semaphore_mem>>)
    %add3A_613 = arith.constant 376 : i32
    %add3A_614 = arith.addi %mul3A_2, %add3A_613 : i32
    %dma_start3A_615 = arith.constant 0 : i32
    %dma_start3A_616 = tpu.memref_slice %arg4[%add3A_614, %dma_start3A_615] : memref<16384x1024xf32, #tpu.memory_space<hbm>> -> memref<4x1024xf32, #tpu.memory_space<hbm>>
    %dma_start3A_617 = arith.constant 0 : i32
    %dma_start3A_618 = tpu.memref_slice %arg4[%add3A_614, %dma_start3A_617] : memref<16384x1024xf32, #tpu.memory_space<hbm>> -> memref<4x1024xf32, #tpu.memory_space<hbm>>
    tpu.enqueue_dma source(%arg9 : memref<4x1024xf32, #tpu.memory_space<vmem>>) target(%dma_start3A_618 : memref<4x1024xf32, #tpu.memory_space<hbm>>) target_semaphore(%arg13 : memref<!tpu.dma_semaphore, #tpu.memory_space<semaphore_mem>>)
    %add3A_619 = arith.constant 380 : i32
    %add3A_620 = arith.addi %mul3A_2, %add3A_619 : i32
    %dma_start3A_621 = arith.constant 0 : i32
    %dma_start3A_622 = tpu.memref_slice %arg4[%add3A_620, %dma_start3A_621] : memref<16384x1024xf32, #tpu.memory_space<hbm>> -> memref<4x1024xf32, #tpu.memory_space<hbm>>
    %dma_start3A_623 = arith.constant 0 : i32
    %dma_start3A_624 = tpu.memref_slice %arg4[%add3A_620, %dma_start3A_623] : memref<16384x1024xf32, #tpu.memory_space<hbm>> -> memref<4x1024xf32, #tpu.memory_space<hbm>>
    tpu.enqueue_dma source(%arg9 : memref<4x1024xf32, #tpu.memory_space<vmem>>) target(%dma_start3A_624 : memref<4x1024xf32, #tpu.memory_space<hbm>>) target_semaphore(%arg13 : memref<!tpu.dma_semaphore, #tpu.memory_space<semaphore_mem>>)
    %add3A_625 = arith.constant 384 : i32
    %add3A_626 = arith.addi %mul3A_2, %add3A_625 : i32
    %dma_start3A_627 = arith.constant 0 : i32
    %dma_start3A_628 = tpu.memref_slice %arg4[%add3A_626, %dma_start3A_627] : memref<16384x1024xf32, #tpu.memory_space<hbm>> -> memref<4x1024xf32, #tpu.memory_space<hbm>>
    %dma_start3A_629 = arith.constant 0 : i32
    %dma_start3A_630 = tpu.memref_slice %arg4[%add3A_626, %dma_start3A_629] : memref<16384x1024xf32, #tpu.memory_space<hbm>> -> memref<4x1024xf32, #tpu.memory_space<hbm>>
    tpu.enqueue_dma source(%arg9 : memref<4x1024xf32, #tpu.memory_space<vmem>>) target(%dma_start3A_630 : memref<4x1024xf32, #tpu.memory_space<hbm>>) target_semaphore(%arg13 : memref<!tpu.dma_semaphore, #tpu.memory_space<semaphore_mem>>)
    %add3A_631 = arith.constant 388 : i32
    %add3A_632 = arith.addi %mul3A_2, %add3A_631 : i32
    %dma_start3A_633 = arith.constant 0 : i32
    %dma_start3A_634 = tpu.memref_slice %arg4[%add3A_632, %dma_start3A_633] : memref<16384x1024xf32, #tpu.memory_space<hbm>> -> memref<4x1024xf32, #tpu.memory_space<hbm>>
    %dma_start3A_635 = arith.constant 0 : i32
    %dma_start3A_636 = tpu.memref_slice %arg4[%add3A_632, %dma_start3A_635] : memref<16384x1024xf32, #tpu.memory_space<hbm>> -> memref<4x1024xf32, #tpu.memory_space<hbm>>
    tpu.enqueue_dma source(%arg9 : memref<4x1024xf32, #tpu.memory_space<vmem>>) target(%dma_start3A_636 : memref<4x1024xf32, #tpu.memory_space<hbm>>) target_semaphore(%arg13 : memref<!tpu.dma_semaphore, #tpu.memory_space<semaphore_mem>>)
    %add3A_637 = arith.constant 392 : i32
    %add3A_638 = arith.addi %mul3A_2, %add3A_637 : i32
    %dma_start3A_639 = arith.constant 0 : i32
    %dma_start3A_640 = tpu.memref_slice %arg4[%add3A_638, %dma_start3A_639] : memref<16384x1024xf32, #tpu.memory_space<hbm>> -> memref<4x1024xf32, #tpu.memory_space<hbm>>
    %dma_start3A_641 = arith.constant 0 : i32
    %dma_start3A_642 = tpu.memref_slice %arg4[%add3A_638, %dma_start3A_641] : memref<16384x1024xf32, #tpu.memory_space<hbm>> -> memref<4x1024xf32, #tpu.memory_space<hbm>>
    tpu.enqueue_dma source(%arg9 : memref<4x1024xf32, #tpu.memory_space<vmem>>) target(%dma_start3A_642 : memref<4x1024xf32, #tpu.memory_space<hbm>>) target_semaphore(%arg13 : memref<!tpu.dma_semaphore, #tpu.memory_space<semaphore_mem>>)
    %add3A_643 = arith.constant 396 : i32
    %add3A_644 = arith.addi %mul3A_2, %add3A_643 : i32
    %dma_start3A_645 = arith.constant 0 : i32
    %dma_start3A_646 = tpu.memref_slice %arg4[%add3A_644, %dma_start3A_645] : memref<16384x1024xf32, #tpu.memory_space<hbm>> -> memref<4x1024xf32, #tpu.memory_space<hbm>>
    %dma_start3A_647 = arith.constant 0 : i32
    %dma_start3A_648 = tpu.memref_slice %arg4[%add3A_644, %dma_start3A_647] : memref<16384x1024xf32, #tpu.memory_space<hbm>> -> memref<4x1024xf32, #tpu.memory_space<hbm>>
    tpu.enqueue_dma source(%arg9 : memref<4x1024xf32, #tpu.memory_space<vmem>>) target(%dma_start3A_648 : memref<4x1024xf32, #tpu.memory_space<hbm>>) target_semaphore(%arg13 : memref<!tpu.dma_semaphore, #tpu.memory_space<semaphore_mem>>)
    %add3A_649 = arith.constant 400 : i32
    %add3A_650 = arith.addi %mul3A_2, %add3A_649 : i32
    %dma_start3A_651 = arith.constant 0 : i32
    %dma_start3A_652 = tpu.memref_slice %arg4[%add3A_650, %dma_start3A_651] : memref<16384x1024xf32, #tpu.memory_space<hbm>> -> memref<4x1024xf32, #tpu.memory_space<hbm>>
    %dma_start3A_653 = arith.constant 0 : i32
    %dma_start3A_654 = tpu.memref_slice %arg4[%add3A_650, %dma_start3A_653] : memref<16384x1024xf32, #tpu.memory_space<hbm>> -> memref<4x1024xf32, #tpu.memory_space<hbm>>
    tpu.enqueue_dma source(%arg9 : memref<4x1024xf32, #tpu.memory_space<vmem>>) target(%dma_start3A_654 : memref<4x1024xf32, #tpu.memory_space<hbm>>) target_semaphore(%arg13 : memref<!tpu.dma_semaphore, #tpu.memory_space<semaphore_mem>>)
    %add3A_655 = arith.constant 404 : i32
    %add3A_656 = arith.addi %mul3A_2, %add3A_655 : i32
    %dma_start3A_657 = arith.constant 0 : i32
    %dma_start3A_658 = tpu.memref_slice %arg4[%add3A_656, %dma_start3A_657] : memref<16384x1024xf32, #tpu.memory_space<hbm>> -> memref<4x1024xf32, #tpu.memory_space<hbm>>
    %dma_start3A_659 = arith.constant 0 : i32
    %dma_start3A_660 = tpu.memref_slice %arg4[%add3A_656, %dma_start3A_659] : memref<16384x1024xf32, #tpu.memory_space<hbm>> -> memref<4x1024xf32, #tpu.memory_space<hbm>>
    tpu.enqueue_dma source(%arg9 : memref<4x1024xf32, #tpu.memory_space<vmem>>) target(%dma_start3A_660 : memref<4x1024xf32, #tpu.memory_space<hbm>>) target_semaphore(%arg13 : memref<!tpu.dma_semaphore, #tpu.memory_space<semaphore_mem>>)
    %add3A_661 = arith.constant 408 : i32
    %add3A_662 = arith.addi %mul3A_2, %add3A_661 : i32
    %dma_start3A_663 = arith.constant 0 : i32
    %dma_start3A_664 = tpu.memref_slice %arg4[%add3A_662, %dma_start3A_663] : memref<16384x1024xf32, #tpu.memory_space<hbm>> -> memref<4x1024xf32, #tpu.memory_space<hbm>>
    %dma_start3A_665 = arith.constant 0 : i32
    %dma_start3A_666 = tpu.memref_slice %arg4[%add3A_662, %dma_start3A_665] : memref<16384x1024xf32, #tpu.memory_space<hbm>> -> memref<4x1024xf32, #tpu.memory_space<hbm>>
    tpu.enqueue_dma source(%arg9 : memref<4x1024xf32, #tpu.memory_space<vmem>>) target(%dma_start3A_666 : memref<4x1024xf32, #tpu.memory_space<hbm>>) target_semaphore(%arg13 : memref<!tpu.dma_semaphore, #tpu.memory_space<semaphore_mem>>)
    %add3A_667 = arith.constant 412 : i32
    %add3A_668 = arith.addi %mul3A_2, %add3A_667 : i32
    %dma_start3A_669 = arith.constant 0 : i32
    %dma_start3A_670 = tpu.memref_slice %arg4[%add3A_668, %dma_start3A_669] : memref<16384x1024xf32, #tpu.memory_space<hbm>> -> memref<4x1024xf32, #tpu.memory_space<hbm>>
    %dma_start3A_671 = arith.constant 0 : i32
    %dma_start3A_672 = tpu.memref_slice %arg4[%add3A_668, %dma_start3A_671] : memref<16384x1024xf32, #tpu.memory_space<hbm>> -> memref<4x1024xf32, #tpu.memory_space<hbm>>
    tpu.enqueue_dma source(%arg9 : memref<4x1024xf32, #tpu.memory_space<vmem>>) target(%dma_start3A_672 : memref<4x1024xf32, #tpu.memory_space<hbm>>) target_semaphore(%arg13 : memref<!tpu.dma_semaphore, #tpu.memory_space<semaphore_mem>>)
    %add3A_673 = arith.constant 416 : i32
    %add3A_674 = arith.addi %mul3A_2, %add3A_673 : i32
    %dma_start3A_675 = arith.constant 0 : i32
    %dma_start3A_676 = tpu.memref_slice %arg4[%add3A_674, %dma_start3A_675] : memref<16384x1024xf32, #tpu.memory_space<hbm>> -> memref<4x1024xf32, #tpu.memory_space<hbm>>
    %dma_start3A_677 = arith.constant 0 : i32
    %dma_start3A_678 = tpu.memref_slice %arg4[%add3A_674, %dma_start3A_677] : memref<16384x1024xf32, #tpu.memory_space<hbm>> -> memref<4x1024xf32, #tpu.memory_space<hbm>>
    tpu.enqueue_dma source(%arg9 : memref<4x1024xf32, #tpu.memory_space<vmem>>) target(%dma_start3A_678 : memref<4x1024xf32, #tpu.memory_space<hbm>>) target_semaphore(%arg13 : memref<!tpu.dma_semaphore, #tpu.memory_space<semaphore_mem>>)
    %add3A_679 = arith.constant 420 : i32
    %add3A_680 = arith.addi %mul3A_2, %add3A_679 : i32
    %dma_start3A_681 = arith.constant 0 : i32
    %dma_start3A_682 = tpu.memref_slice %arg4[%add3A_680, %dma_start3A_681] : memref<16384x1024xf32, #tpu.memory_space<hbm>> -> memref<4x1024xf32, #tpu.memory_space<hbm>>
    %dma_start3A_683 = arith.constant 0 : i32
    %dma_start3A_684 = tpu.memref_slice %arg4[%add3A_680, %dma_start3A_683] : memref<16384x1024xf32, #tpu.memory_space<hbm>> -> memref<4x1024xf32, #tpu.memory_space<hbm>>
    tpu.enqueue_dma source(%arg9 : memref<4x1024xf32, #tpu.memory_space<vmem>>) target(%dma_start3A_684 : memref<4x1024xf32, #tpu.memory_space<hbm>>) target_semaphore(%arg13 : memref<!tpu.dma_semaphore, #tpu.memory_space<semaphore_mem>>)
    %add3A_685 = arith.constant 424 : i32
    %add3A_686 = arith.addi %mul3A_2, %add3A_685 : i32
    %dma_start3A_687 = arith.constant 0 : i32
    %dma_start3A_688 = tpu.memref_slice %arg4[%add3A_686, %dma_start3A_687] : memref<16384x1024xf32, #tpu.memory_space<hbm>> -> memref<4x1024xf32, #tpu.memory_space<hbm>>
    %dma_start3A_689 = arith.constant 0 : i32
    %dma_start3A_690 = tpu.memref_slice %arg4[%add3A_686, %dma_start3A_689] : memref<16384x1024xf32, #tpu.memory_space<hbm>> -> memref<4x1024xf32, #tpu.memory_space<hbm>>
    tpu.enqueue_dma source(%arg9 : memref<4x1024xf32, #tpu.memory_space<vmem>>) target(%dma_start3A_690 : memref<4x1024xf32, #tpu.memory_space<hbm>>) target_semaphore(%arg13 : memref<!tpu.dma_semaphore, #tpu.memory_space<semaphore_mem>>)
    %add3A_691 = arith.constant 428 : i32
    %add3A_692 = arith.addi %mul3A_2, %add3A_691 : i32
    %dma_start3A_693 = arith.constant 0 : i32
    %dma_start3A_694 = tpu.memref_slice %arg4[%add3A_692, %dma_start3A_693] : memref<16384x1024xf32, #tpu.memory_space<hbm>> -> memref<4x1024xf32, #tpu.memory_space<hbm>>
    %dma_start3A_695 = arith.constant 0 : i32
    %dma_start3A_696 = tpu.memref_slice %arg4[%add3A_692, %dma_start3A_695] : memref<16384x1024xf32, #tpu.memory_space<hbm>> -> memref<4x1024xf32, #tpu.memory_space<hbm>>
    tpu.enqueue_dma source(%arg9 : memref<4x1024xf32, #tpu.memory_space<vmem>>) target(%dma_start3A_696 : memref<4x1024xf32, #tpu.memory_space<hbm>>) target_semaphore(%arg13 : memref<!tpu.dma_semaphore, #tpu.memory_space<semaphore_mem>>)
    %add3A_697 = arith.constant 432 : i32
    %add3A_698 = arith.addi %mul3A_2, %add3A_697 : i32
    %dma_start3A_699 = arith.constant 0 : i32
    %dma_start3A_700 = tpu.memref_slice %arg4[%add3A_698, %dma_start3A_699] : memref<16384x1024xf32, #tpu.memory_space<hbm>> -> memref<4x1024xf32, #tpu.memory_space<hbm>>
    %dma_start3A_701 = arith.constant 0 : i32
    %dma_start3A_702 = tpu.memref_slice %arg4[%add3A_698, %dma_start3A_701] : memref<16384x1024xf32, #tpu.memory_space<hbm>> -> memref<4x1024xf32, #tpu.memory_space<hbm>>
    tpu.enqueue_dma source(%arg9 : memref<4x1024xf32, #tpu.memory_space<vmem>>) target(%dma_start3A_702 : memref<4x1024xf32, #tpu.memory_space<hbm>>) target_semaphore(%arg13 : memref<!tpu.dma_semaphore, #tpu.memory_space<semaphore_mem>>)
    %add3A_703 = arith.constant 436 : i32
    %add3A_704 = arith.addi %mul3A_2, %add3A_703 : i32
    %dma_start3A_705 = arith.constant 0 : i32
    %dma_start3A_706 = tpu.memref_slice %arg4[%add3A_704, %dma_start3A_705] : memref<16384x1024xf32, #tpu.memory_space<hbm>> -> memref<4x1024xf32, #tpu.memory_space<hbm>>
    %dma_start3A_707 = arith.constant 0 : i32
    %dma_start3A_708 = tpu.memref_slice %arg4[%add3A_704, %dma_start3A_707] : memref<16384x1024xf32, #tpu.memory_space<hbm>> -> memref<4x1024xf32, #tpu.memory_space<hbm>>
    tpu.enqueue_dma source(%arg9 : memref<4x1024xf32, #tpu.memory_space<vmem>>) target(%dma_start3A_708 : memref<4x1024xf32, #tpu.memory_space<hbm>>) target_semaphore(%arg13 : memref<!tpu.dma_semaphore, #tpu.memory_space<semaphore_mem>>)
    %add3A_709 = arith.constant 440 : i32
    %add3A_710 = arith.addi %mul3A_2, %add3A_709 : i32
    %dma_start3A_711 = arith.constant 0 : i32
    %dma_start3A_712 = tpu.memref_slice %arg4[%add3A_710, %dma_start3A_711] : memref<16384x1024xf32, #tpu.memory_space<hbm>> -> memref<4x1024xf32, #tpu.memory_space<hbm>>
    %dma_start3A_713 = arith.constant 0 : i32
    %dma_start3A_714 = tpu.memref_slice %arg4[%add3A_710, %dma_start3A_713] : memref<16384x1024xf32, #tpu.memory_space<hbm>> -> memref<4x1024xf32, #tpu.memory_space<hbm>>
    tpu.enqueue_dma source(%arg9 : memref<4x1024xf32, #tpu.memory_space<vmem>>) target(%dma_start3A_714 : memref<4x1024xf32, #tpu.memory_space<hbm>>) target_semaphore(%arg13 : memref<!tpu.dma_semaphore, #tpu.memory_space<semaphore_mem>>)
    %add3A_715 = arith.constant 444 : i32
    %add3A_716 = arith.addi %mul3A_2, %add3A_715 : i32
    %dma_start3A_717 = arith.constant 0 : i32
    %dma_start3A_718 = tpu.memref_slice %arg4[%add3A_716, %dma_start3A_717] : memref<16384x1024xf32, #tpu.memory_space<hbm>> -> memref<4x1024xf32, #tpu.memory_space<hbm>>
    %dma_start3A_719 = arith.constant 0 : i32
    %dma_start3A_720 = tpu.memref_slice %arg4[%add3A_716, %dma_start3A_719] : memref<16384x1024xf32, #tpu.memory_space<hbm>> -> memref<4x1024xf32, #tpu.memory_space<hbm>>
    tpu.enqueue_dma source(%arg9 : memref<4x1024xf32, #tpu.memory_space<vmem>>) target(%dma_start3A_720 : memref<4x1024xf32, #tpu.memory_space<hbm>>) target_semaphore(%arg13 : memref<!tpu.dma_semaphore, #tpu.memory_space<semaphore_mem>>)
    %add3A_721 = arith.constant 448 : i32
    %add3A_722 = arith.addi %mul3A_2, %add3A_721 : i32
    %dma_start3A_723 = arith.constant 0 : i32
    %dma_start3A_724 = tpu.memref_slice %arg4[%add3A_722, %dma_start3A_723] : memref<16384x1024xf32, #tpu.memory_space<hbm>> -> memref<4x1024xf32, #tpu.memory_space<hbm>>
    %dma_start3A_725 = arith.constant 0 : i32
    %dma_start3A_726 = tpu.memref_slice %arg4[%add3A_722, %dma_start3A_725] : memref<16384x1024xf32, #tpu.memory_space<hbm>> -> memref<4x1024xf32, #tpu.memory_space<hbm>>
    tpu.enqueue_dma source(%arg9 : memref<4x1024xf32, #tpu.memory_space<vmem>>) target(%dma_start3A_726 : memref<4x1024xf32, #tpu.memory_space<hbm>>) target_semaphore(%arg13 : memref<!tpu.dma_semaphore, #tpu.memory_space<semaphore_mem>>)
    %add3A_727 = arith.constant 452 : i32
    %add3A_728 = arith.addi %mul3A_2, %add3A_727 : i32
    %dma_start3A_729 = arith.constant 0 : i32
    %dma_start3A_730 = tpu.memref_slice %arg4[%add3A_728, %dma_start3A_729] : memref<16384x1024xf32, #tpu.memory_space<hbm>> -> memref<4x1024xf32, #tpu.memory_space<hbm>>
    %dma_start3A_731 = arith.constant 0 : i32
    %dma_start3A_732 = tpu.memref_slice %arg4[%add3A_728, %dma_start3A_731] : memref<16384x1024xf32, #tpu.memory_space<hbm>> -> memref<4x1024xf32, #tpu.memory_space<hbm>>
    tpu.enqueue_dma source(%arg9 : memref<4x1024xf32, #tpu.memory_space<vmem>>) target(%dma_start3A_732 : memref<4x1024xf32, #tpu.memory_space<hbm>>) target_semaphore(%arg13 : memref<!tpu.dma_semaphore, #tpu.memory_space<semaphore_mem>>)
    %add3A_733 = arith.constant 456 : i32
    %add3A_734 = arith.addi %mul3A_2, %add3A_733 : i32
    %dma_start3A_735 = arith.constant 0 : i32
    %dma_start3A_736 = tpu.memref_slice %arg4[%add3A_734, %dma_start3A_735] : memref<16384x1024xf32, #tpu.memory_space<hbm>> -> memref<4x1024xf32, #tpu.memory_space<hbm>>
    %dma_start3A_737 = arith.constant 0 : i32
    %dma_start3A_738 = tpu.memref_slice %arg4[%add3A_734, %dma_start3A_737] : memref<16384x1024xf32, #tpu.memory_space<hbm>> -> memref<4x1024xf32, #tpu.memory_space<hbm>>
    tpu.enqueue_dma source(%arg9 : memref<4x1024xf32, #tpu.memory_space<vmem>>) target(%dma_start3A_738 : memref<4x1024xf32, #tpu.memory_space<hbm>>) target_semaphore(%arg13 : memref<!tpu.dma_semaphore, #tpu.memory_space<semaphore_mem>>)
    %add3A_739 = arith.constant 460 : i32
    %add3A_740 = arith.addi %mul3A_2, %add3A_739 : i32
    %dma_start3A_741 = arith.constant 0 : i32
    %dma_start3A_742 = tpu.memref_slice %arg4[%add3A_740, %dma_start3A_741] : memref<16384x1024xf32, #tpu.memory_space<hbm>> -> memref<4x1024xf32, #tpu.memory_space<hbm>>
    %dma_start3A_743 = arith.constant 0 : i32
    %dma_start3A_744 = tpu.memref_slice %arg4[%add3A_740, %dma_start3A_743] : memref<16384x1024xf32, #tpu.memory_space<hbm>> -> memref<4x1024xf32, #tpu.memory_space<hbm>>
    tpu.enqueue_dma source(%arg9 : memref<4x1024xf32, #tpu.memory_space<vmem>>) target(%dma_start3A_744 : memref<4x1024xf32, #tpu.memory_space<hbm>>) target_semaphore(%arg13 : memref<!tpu.dma_semaphore, #tpu.memory_space<semaphore_mem>>)
    %add3A_745 = arith.constant 464 : i32
    %add3A_746 = arith.addi %mul3A_2, %add3A_745 : i32
    %dma_start3A_747 = arith.constant 0 : i32
    %dma_start3A_748 = tpu.memref_slice %arg4[%add3A_746, %dma_start3A_747] : memref<16384x1024xf32, #tpu.memory_space<hbm>> -> memref<4x1024xf32, #tpu.memory_space<hbm>>
    %dma_start3A_749 = arith.constant 0 : i32
    %dma_start3A_750 = tpu.memref_slice %arg4[%add3A_746, %dma_start3A_749] : memref<16384x1024xf32, #tpu.memory_space<hbm>> -> memref<4x1024xf32, #tpu.memory_space<hbm>>
    tpu.enqueue_dma source(%arg9 : memref<4x1024xf32, #tpu.memory_space<vmem>>) target(%dma_start3A_750 : memref<4x1024xf32, #tpu.memory_space<hbm>>) target_semaphore(%arg13 : memref<!tpu.dma_semaphore, #tpu.memory_space<semaphore_mem>>)
    %add3A_751 = arith.constant 468 : i32
    %add3A_752 = arith.addi %mul3A_2, %add3A_751 : i32
    %dma_start3A_753 = arith.constant 0 : i32
    %dma_start3A_754 = tpu.memref_slice %arg4[%add3A_752, %dma_start3A_753] : memref<16384x1024xf32, #tpu.memory_space<hbm>> -> memref<4x1024xf32, #tpu.memory_space<hbm>>
    %dma_start3A_755 = arith.constant 0 : i32
    %dma_start3A_756 = tpu.memref_slice %arg4[%add3A_752, %dma_start3A_755] : memref<16384x1024xf32, #tpu.memory_space<hbm>> -> memref<4x1024xf32, #tpu.memory_space<hbm>>
    tpu.enqueue_dma source(%arg9 : memref<4x1024xf32, #tpu.memory_space<vmem>>) target(%dma_start3A_756 : memref<4x1024xf32, #tpu.memory_space<hbm>>) target_semaphore(%arg13 : memref<!tpu.dma_semaphore, #tpu.memory_space<semaphore_mem>>)
    %add3A_757 = arith.constant 472 : i32
    %add3A_758 = arith.addi %mul3A_2, %add3A_757 : i32
    %dma_start3A_759 = arith.constant 0 : i32
    %dma_start3A_760 = tpu.memref_slice %arg4[%add3A_758, %dma_start3A_759] : memref<16384x1024xf32, #tpu.memory_space<hbm>> -> memref<4x1024xf32, #tpu.memory_space<hbm>>
    %dma_start3A_761 = arith.constant 0 : i32
    %dma_start3A_762 = tpu.memref_slice %arg4[%add3A_758, %dma_start3A_761] : memref<16384x1024xf32, #tpu.memory_space<hbm>> -> memref<4x1024xf32, #tpu.memory_space<hbm>>
    tpu.enqueue_dma source(%arg9 : memref<4x1024xf32, #tpu.memory_space<vmem>>) target(%dma_start3A_762 : memref<4x1024xf32, #tpu.memory_space<hbm>>) target_semaphore(%arg13 : memref<!tpu.dma_semaphore, #tpu.memory_space<semaphore_mem>>)
    %add3A_763 = arith.constant 476 : i32
    %add3A_764 = arith.addi %mul3A_2, %add3A_763 : i32
    %dma_start3A_765 = arith.constant 0 : i32
    %dma_start3A_766 = tpu.memref_slice %arg4[%add3A_764, %dma_start3A_765] : memref<16384x1024xf32, #tpu.memory_space<hbm>> -> memref<4x1024xf32, #tpu.memory_space<hbm>>
    %dma_start3A_767 = arith.constant 0 : i32
    %dma_start3A_768 = tpu.memref_slice %arg4[%add3A_764, %dma_start3A_767] : memref<16384x1024xf32, #tpu.memory_space<hbm>> -> memref<4x1024xf32, #tpu.memory_space<hbm>>
    tpu.enqueue_dma source(%arg9 : memref<4x1024xf32, #tpu.memory_space<vmem>>) target(%dma_start3A_768 : memref<4x1024xf32, #tpu.memory_space<hbm>>) target_semaphore(%arg13 : memref<!tpu.dma_semaphore, #tpu.memory_space<semaphore_mem>>)
    %add3A_769 = arith.constant 480 : i32
    %add3A_770 = arith.addi %mul3A_2, %add3A_769 : i32
    %dma_start3A_771 = arith.constant 0 : i32
    %dma_start3A_772 = tpu.memref_slice %arg4[%add3A_770, %dma_start3A_771] : memref<16384x1024xf32, #tpu.memory_space<hbm>> -> memref<4x1024xf32, #tpu.memory_space<hbm>>
    %dma_start3A_773 = arith.constant 0 : i32
    %dma_start3A_774 = tpu.memref_slice %arg4[%add3A_770, %dma_start3A_773] : memref<16384x1024xf32, #tpu.memory_space<hbm>> -> memref<4x1024xf32, #tpu.memory_space<hbm>>
    tpu.enqueue_dma source(%arg9 : memref<4x1024xf32, #tpu.memory_space<vmem>>) target(%dma_start3A_774 : memref<4x1024xf32, #tpu.memory_space<hbm>>) target_semaphore(%arg13 : memref<!tpu.dma_semaphore, #tpu.memory_space<semaphore_mem>>)
    %add3A_775 = arith.constant 484 : i32
    %add3A_776 = arith.addi %mul3A_2, %add3A_775 : i32
    %dma_start3A_777 = arith.constant 0 : i32
    %dma_start3A_778 = tpu.memref_slice %arg4[%add3A_776, %dma_start3A_777] : memref<16384x1024xf32, #tpu.memory_space<hbm>> -> memref<4x1024xf32, #tpu.memory_space<hbm>>
    %dma_start3A_779 = arith.constant 0 : i32
    %dma_start3A_780 = tpu.memref_slice %arg4[%add3A_776, %dma_start3A_779] : memref<16384x1024xf32, #tpu.memory_space<hbm>> -> memref<4x1024xf32, #tpu.memory_space<hbm>>
    tpu.enqueue_dma source(%arg9 : memref<4x1024xf32, #tpu.memory_space<vmem>>) target(%dma_start3A_780 : memref<4x1024xf32, #tpu.memory_space<hbm>>) target_semaphore(%arg13 : memref<!tpu.dma_semaphore, #tpu.memory_space<semaphore_mem>>)
    %add3A_781 = arith.constant 488 : i32
    %add3A_782 = arith.addi %mul3A_2, %add3A_781 : i32
    %dma_start3A_783 = arith.constant 0 : i32
    %dma_start3A_784 = tpu.memref_slice %arg4[%add3A_782, %dma_start3A_783] : memref<16384x1024xf32, #tpu.memory_space<hbm>> -> memref<4x1024xf32, #tpu.memory_space<hbm>>
    %dma_start3A_785 = arith.constant 0 : i32
    %dma_start3A_786 = tpu.memref_slice %arg4[%add3A_782, %dma_start3A_785] : memref<16384x1024xf32, #tpu.memory_space<hbm>> -> memref<4x1024xf32, #tpu.memory_space<hbm>>
    tpu.enqueue_dma source(%arg9 : memref<4x1024xf32, #tpu.memory_space<vmem>>) target(%dma_start3A_786 : memref<4x1024xf32, #tpu.memory_space<hbm>>) target_semaphore(%arg13 : memref<!tpu.dma_semaphore, #tpu.memory_space<semaphore_mem>>)
    %add3A_787 = arith.constant 492 : i32
    %add3A_788 = arith.addi %mul3A_2, %add3A_787 : i32
    %dma_start3A_789 = arith.constant 0 : i32
    %dma_start3A_790 = tpu.memref_slice %arg4[%add3A_788, %dma_start3A_789] : memref<16384x1024xf32, #tpu.memory_space<hbm>> -> memref<4x1024xf32, #tpu.memory_space<hbm>>
    %dma_start3A_791 = arith.constant 0 : i32
    %dma_start3A_792 = tpu.memref_slice %arg4[%add3A_788, %dma_start3A_791] : memref<16384x1024xf32, #tpu.memory_space<hbm>> -> memref<4x1024xf32, #tpu.memory_space<hbm>>
    tpu.enqueue_dma source(%arg9 : memref<4x1024xf32, #tpu.memory_space<vmem>>) target(%dma_start3A_792 : memref<4x1024xf32, #tpu.memory_space<hbm>>) target_semaphore(%arg13 : memref<!tpu.dma_semaphore, #tpu.memory_space<semaphore_mem>>)
    %add3A_793 = arith.constant 496 : i32
    %add3A_794 = arith.addi %mul3A_2, %add3A_793 : i32
    %dma_start3A_795 = arith.constant 0 : i32
    %dma_start3A_796 = tpu.memref_slice %arg4[%add3A_794, %dma_start3A_795] : memref<16384x1024xf32, #tpu.memory_space<hbm>> -> memref<4x1024xf32, #tpu.memory_space<hbm>>
    %dma_start3A_797 = arith.constant 0 : i32
    %dma_start3A_798 = tpu.memref_slice %arg4[%add3A_794, %dma_start3A_797] : memref<16384x1024xf32, #tpu.memory_space<hbm>> -> memref<4x1024xf32, #tpu.memory_space<hbm>>
    tpu.enqueue_dma source(%arg9 : memref<4x1024xf32, #tpu.memory_space<vmem>>) target(%dma_start3A_798 : memref<4x1024xf32, #tpu.memory_space<hbm>>) target_semaphore(%arg13 : memref<!tpu.dma_semaphore, #tpu.memory_space<semaphore_mem>>)
    %add3A_799 = arith.constant 500 : i32
    %add3A_800 = arith.addi %mul3A_2, %add3A_799 : i32
    %dma_start3A_801 = arith.constant 0 : i32
    %dma_start3A_802 = tpu.memref_slice %arg4[%add3A_800, %dma_start3A_801] : memref<16384x1024xf32, #tpu.memory_space<hbm>> -> memref<4x1024xf32, #tpu.memory_space<hbm>>
    %dma_start3A_803 = arith.constant 0 : i32
    %dma_start3A_804 = tpu.memref_slice %arg4[%add3A_800, %dma_start3A_803] : memref<16384x1024xf32, #tpu.memory_space<hbm>> -> memref<4x1024xf32, #tpu.memory_space<hbm>>
    tpu.enqueue_dma source(%arg9 : memref<4x1024xf32, #tpu.memory_space<vmem>>) target(%dma_start3A_804 : memref<4x1024xf32, #tpu.memory_space<hbm>>) target_semaphore(%arg13 : memref<!tpu.dma_semaphore, #tpu.memory_space<semaphore_mem>>)
    %add3A_805 = arith.constant 504 : i32
    %add3A_806 = arith.addi %mul3A_2, %add3A_805 : i32
    %dma_start3A_807 = arith.constant 0 : i32
    %dma_start3A_808 = tpu.memref_slice %arg4[%add3A_806, %dma_start3A_807] : memref<16384x1024xf32, #tpu.memory_space<hbm>> -> memref<4x1024xf32, #tpu.memory_space<hbm>>
    %dma_start3A_809 = arith.constant 0 : i32
    %dma_start3A_810 = tpu.memref_slice %arg4[%add3A_806, %dma_start3A_809] : memref<16384x1024xf32, #tpu.memory_space<hbm>> -> memref<4x1024xf32, #tpu.memory_space<hbm>>
    tpu.enqueue_dma source(%arg9 : memref<4x1024xf32, #tpu.memory_space<vmem>>) target(%dma_start3A_810 : memref<4x1024xf32, #tpu.memory_space<hbm>>) target_semaphore(%arg13 : memref<!tpu.dma_semaphore, #tpu.memory_space<semaphore_mem>>)
    %add3A_811 = arith.constant 508 : i32
    %add3A_812 = arith.addi %mul3A_2, %add3A_811 : i32
    %dma_start3A_813 = arith.constant 0 : i32
    %dma_start3A_814 = tpu.memref_slice %arg4[%add3A_812, %dma_start3A_813] : memref<16384x1024xf32, #tpu.memory_space<hbm>> -> memref<4x1024xf32, #tpu.memory_space<hbm>>
    %dma_start3A_815 = arith.constant 0 : i32
    %dma_start3A_816 = tpu.memref_slice %arg4[%add3A_812, %dma_start3A_815] : memref<16384x1024xf32, #tpu.memory_space<hbm>> -> memref<4x1024xf32, #tpu.memory_space<hbm>>
    tpu.enqueue_dma source(%arg9 : memref<4x1024xf32, #tpu.memory_space<vmem>>) target(%dma_start3A_816 : memref<4x1024xf32, #tpu.memory_space<hbm>>) target_semaphore(%arg13 : memref<!tpu.dma_semaphore, #tpu.memory_space<semaphore_mem>>)
    %dma_wait3A_817 = tpu.memref_slice %arg2[%select_n3A, %mul3A_34] : memref<4x4096xi32, #tpu.memory_space<hbm>> -> memref<1x512xi32, #tpu.memory_space<hbm>>
    %dma_wait3A_818 = tpu.memref_slice %arg2[%select_n3A, %mul3A_34] : memref<4x4096xi32, #tpu.memory_space<hbm>> -> memref<1x512xi32, #tpu.memory_space<hbm>>
    tpu.wait_dma2 semaphore(%arg12 : memref<!tpu.dma_semaphore, #tpu.memory_space<semaphore_mem>>) src(%dma_wait3A_818 : memref<1x512xi32, #tpu.memory_space<hbm>>) dst(%arg5 : memref<1x512xi32, #tpu.memory_space<vmem>>)
    %scan3A = arith.constant -1 : i32
    %scan3A_819 = arith.constant 0 : i32
    %scan3A_820 = arith.constant 32 : i32
    %scan3A_821 = arith.addi %scan3A_819, %scan3A_820 : i32
    %scan3A_822 = arith.constant 1 : i32
    %scan3A_823 = scf.for %scan3A_2164 = %scan3A_819 to %scan3A_821 step %scan3A_822 iter_args(%scan3A_2165 = %scan3A) -> (i32)  : i32 {
      %mul3A_2166 = arith.constant 16 : i32
      %mul3A_2167 = arith.muli %scan3A_2164, %mul3A_2166 : i32
      %get3A_2168 = arith.constant 0 : i32
      %get3A_2169 = arith.index_cast %get3A_2168 : i32 to index
      %get3A_2170 = arith.index_cast %mul3A_2167 : i32 to index
      %get3A_2171 = tpu.vector_load %arg5[%get3A_2169, %get3A_2170] {strides = array<i32>} : memref<1x512xi32, #tpu.memory_space<vmem>>, vector<1x16xi32>,
      %get3A_2172 = vector.shape_cast %get3A_2171 : vector<1x16xi32> to vector<16xi32>
      %ge3A_2173 = arith.constant 48 : i32
      %ge3A_2174 = vector.broadcast %ge3A_2173 : i32 to vector<16xi32>
      %ge3A_2175 = arith.cmpi sge, %get3A_2172, %ge3A_2174 : vector<16xi32>
      %le3A = arith.constant 57 : i32
      %le3A_2176 = vector.broadcast %le3A : i32 to vector<16xi32>
      %le3A_2177 = arith.cmpi sle, %get3A_2172, %le3A_2176 : vector<16xi32>
      %and3A_2178 = arith.andi %ge3A_2175, %le3A_2177 : vector<16xi1>
      %jit3A_2179 = arith.constant 1 : i32
      %jit3A_2180 = arith.constant 0 : i32
      %broadcast_in_dim3A_2181 = vector.broadcast %jit3A_2179 : i32 to vector<16xi32>
      %broadcast_in_dim3A_2182 = vector.broadcast %jit3A_2180 : i32 to vector<16xi32>
      %select_n3A_2183 = arith.select %and3A_2178, %broadcast_in_dim3A_2181, %broadcast_in_dim3A_2182 : vector<16xi1>, vector<16xi32>
      %slice3A_2184 = vector.extract_strided_slice %select_n3A_2183 {offsets = [0], sizes = [1], strides = [1]} : vector<16xi32> to vector<1xi32>
      %squeeze3A_2185 = vector.extract %slice3A_2184[0] : i32 from vector<1xi32>
      %slice3A_2186 = vector.extract_strided_slice %select_n3A_2183 {offsets = [1], sizes = [1], strides = [1]} : vector<16xi32> to vector<1xi32>
      %squeeze3A_2187 = vector.extract %slice3A_2186[0] : i32 from vector<1xi32>
      %slice3A_2188 = vector.extract_strided_slice %select_n3A_2183 {offsets = [2], sizes = [1], strides = [1]} : vector<16xi32> to vector<1xi32>
      %squeeze3A_2189 = vector.extract %slice3A_2188[0] : i32 from vector<1xi32>
      %slice3A_2190 = vector.extract_strided_slice %select_n3A_2183 {offsets = [3], sizes = [1], strides = [1]} : vector<16xi32> to vector<1xi32>
      %squeeze3A_2191 = vector.extract %slice3A_2190[0] : i32 from vector<1xi32>
      %slice3A_2192 = vector.extract_strided_slice %select_n3A_2183 {offsets = [4], sizes = [1], strides = [1]} : vector<16xi32> to vector<1xi32>
      %squeeze3A_2193 = vector.extract %slice3A_2192[0] : i32 from vector<1xi32>
      %slice3A_2194 = vector.extract_strided_slice %select_n3A_2183 {offsets = [5], sizes = [1], strides = [1]} : vector<16xi32> to vector<1xi32>
      %squeeze3A_2195 = vector.extract %slice3A_2194[0] : i32 from vector<1xi32>
      %slice3A_2196 = vector.extract_strided_slice %select_n3A_2183 {offsets = [6], sizes = [1], strides = [1]} : vector<16xi32> to vector<1xi32>
      %squeeze3A_2197 = vector.extract %slice3A_2196[0] : i32 from vector<1xi32>
      %slice3A_2198 = vector.extract_strided_slice %select_n3A_2183 {offsets = [7], sizes = [1], strides = [1]} : vector<16xi32> to vector<1xi32>
      %squeeze3A_2199 = vector.extract %slice3A_2198[0] : i32 from vector<1xi32>
      %slice3A_2200 = vector.extract_strided_slice %select_n3A_2183 {offsets = [8], sizes = [1], strides = [1]} : vector<16xi32> to vector<1xi32>
      %squeeze3A_2201 = vector.extract %slice3A_2200[0] : i32 from vector<1xi32>
      %slice3A_2202 = vector.extract_strided_slice %select_n3A_2183 {offsets = [9], sizes = [1], strides = [1]} : vector<16xi32> to vector<1xi32>
      %squeeze3A_2203 = vector.extract %slice3A_2202[0] : i32 from vector<1xi32>
      %slice3A_2204 = vector.extract_strided_slice %select_n3A_2183 {offsets = [10], sizes = [1], strides = [1]} : vector<16xi32> to vector<1xi32>
      %squeeze3A_2205 = vector.extract %slice3A_2204[0] : i32 from vector<1xi32>
      %slice3A_2206 = vector.extract_strided_slice %select_n3A_2183 {offsets = [11], sizes = [1], strides = [1]} : vector<16xi32> to vector<1xi32>
      %squeeze3A_2207 = vector.extract %slice3A_2206[0] : i32 from vector<1xi32>
      %slice3A_2208 = vector.extract_strided_slice %select_n3A_2183 {offsets = [12], sizes = [1], strides = [1]} : vector<16xi32> to vector<1xi32>
      %squeeze3A_2209 = vector.extract %slice3A_2208[0] : i32 from vector<1xi32>
      %slice3A_2210 = vector.extract_strided_slice %select_n3A_2183 {offsets = [13], sizes = [1], strides = [1]} : vector<16xi32> to vector<1xi32>
      %squeeze3A_2211 = vector.extract %slice3A_2210[0] : i32 from vector<1xi32>
      %slice3A_2212 = vector.extract_strided_slice %select_n3A_2183 {offsets = [14], sizes = [1], strides = [1]} : vector<16xi32> to vector<1xi32>
      %squeeze3A_2213 = vector.extract %slice3A_2212[0] : i32 from vector<1xi32>
      %slice3A_2214 = vector.extract_strided_slice %select_n3A_2183 {offsets = [15], sizes = [1], strides = [1]} : vector<16xi32> to vector<1xi32>
      %squeeze3A_2215 = vector.extract %slice3A_2214[0] : i32 from vector<1xi32>
      %eq3A_2216 = arith.constant 0 : i32
      %eq3A_2217 = arith.cmpi eq, %squeeze3A_2185, %eq3A_2216 : i32
      %mul3A_2218 = arith.constant 16 : i32
      %mul3A_2219 = arith.muli %scan3A_2164, %mul3A_2218 : i32
      %add3A_2220 = arith.constant 0 : i32
      %add3A_2221 = arith.addi %mul3A_2219, %add3A_2220 : i32
      %select_n3A_2222 = arith.select %eq3A_2217, %add3A_2221, %scan3A_2165 : i32
      %eq3A_2223 = arith.constant 0 : i32
      %eq3A_2224 = arith.cmpi eq, %squeeze3A_2187, %eq3A_2223 : i32
      %mul3A_2225 = arith.constant 16 : i32
      %mul3A_2226 = arith.muli %scan3A_2164, %mul3A_2225 : i32
      %add3A_2227 = arith.constant 1 : i32
      %add3A_2228 = arith.addi %mul3A_2226, %add3A_2227 : i32
      %select_n3A_2229 = arith.select %eq3A_2224, %add3A_2228, %select_n3A_2222 : i32
      %eq3A_2230 = arith.constant 0 : i32
      %eq3A_2231 = arith.cmpi eq, %squeeze3A_2189, %eq3A_2230 : i32
      %mul3A_2232 = arith.constant 16 : i32
      %mul3A_2233 = arith.muli %scan3A_2164, %mul3A_2232 : i32
      %add3A_2234 = arith.constant 2 : i32
      %add3A_2235 = arith.addi %mul3A_2233, %add3A_2234 : i32
      %select_n3A_2236 = arith.select %eq3A_2231, %add3A_2235, %select_n3A_2229 : i32
      %eq3A_2237 = arith.constant 0 : i32
      %eq3A_2238 = arith.cmpi eq, %squeeze3A_2191, %eq3A_2237 : i32
      %mul3A_2239 = arith.constant 16 : i32
      %mul3A_2240 = arith.muli %scan3A_2164, %mul3A_2239 : i32
      %add3A_2241 = arith.constant 3 : i32
      %add3A_2242 = arith.addi %mul3A_2240, %add3A_2241 : i32
      %select_n3A_2243 = arith.select %eq3A_2238, %add3A_2242, %select_n3A_2236 : i32
      %eq3A_2244 = arith.constant 0 : i32
      %eq3A_2245 = arith.cmpi eq, %squeeze3A_2193, %eq3A_2244 : i32
      %mul3A_2246 = arith.constant 16 : i32
      %mul3A_2247 = arith.muli %scan3A_2164, %mul3A_2246 : i32
      %add3A_2248 = arith.constant 4 : i32
      %add3A_2249 = arith.addi %mul3A_2247, %add3A_2248 : i32
      %select_n3A_2250 = arith.select %eq3A_2245, %add3A_2249, %select_n3A_2243 : i32
      %eq3A_2251 = arith.constant 0 : i32
      %eq3A_2252 = arith.cmpi eq, %squeeze3A_2195, %eq3A_2251 : i32
      %mul3A_2253 = arith.constant 16 : i32
      %mul3A_2254 = arith.muli %scan3A_2164, %mul3A_2253 : i32
      %add3A_2255 = arith.constant 5 : i32
      %add3A_2256 = arith.addi %mul3A_2254, %add3A_2255 : i32
      %select_n3A_2257 = arith.select %eq3A_2252, %add3A_2256, %select_n3A_2250 : i32
      %eq3A_2258 = arith.constant 0 : i32
      %eq3A_2259 = arith.cmpi eq, %squeeze3A_2197, %eq3A_2258 : i32
      %mul3A_2260 = arith.constant 16 : i32
      %mul3A_2261 = arith.muli %scan3A_2164, %mul3A_2260 : i32
      %add3A_2262 = arith.constant 6 : i32
      %add3A_2263 = arith.addi %mul3A_2261, %add3A_2262 : i32
      %select_n3A_2264 = arith.select %eq3A_2259, %add3A_2263, %select_n3A_2257 : i32
      %eq3A_2265 = arith.constant 0 : i32
      %eq3A_2266 = arith.cmpi eq, %squeeze3A_2199, %eq3A_2265 : i32
      %mul3A_2267 = arith.constant 16 : i32
      %mul3A_2268 = arith.muli %scan3A_2164, %mul3A_2267 : i32
      %add3A_2269 = arith.constant 7 : i32
      %add3A_2270 = arith.addi %mul3A_2268, %add3A_2269 : i32
      %select_n3A_2271 = arith.select %eq3A_2266, %add3A_2270, %select_n3A_2264 : i32
      %eq3A_2272 = arith.constant 0 : i32
      %eq3A_2273 = arith.cmpi eq, %squeeze3A_2201, %eq3A_2272 : i32
      %mul3A_2274 = arith.constant 16 : i32
      %mul3A_2275 = arith.muli %scan3A_2164, %mul3A_2274 : i32
      %add3A_2276 = arith.constant 8 : i32
      %add3A_2277 = arith.addi %mul3A_2275, %add3A_2276 : i32
      %select_n3A_2278 = arith.select %eq3A_2273, %add3A_2277, %select_n3A_2271 : i32
      %eq3A_2279 = arith.constant 0 : i32
      %eq3A_2280 = arith.cmpi eq, %squeeze3A_2203, %eq3A_2279 : i32
      %mul3A_2281 = arith.constant 16 : i32
      %mul3A_2282 = arith.muli %scan3A_2164, %mul3A_2281 : i32
      %add3A_2283 = arith.constant 9 : i32
      %add3A_2284 = arith.addi %mul3A_2282, %add3A_2283 : i32
      %select_n3A_2285 = arith.select %eq3A_2280, %add3A_2284, %select_n3A_2278 : i32
      %eq3A_2286 = arith.constant 0 : i32
      %eq3A_2287 = arith.cmpi eq, %squeeze3A_2205, %eq3A_2286 : i32
      %mul3A_2288 = arith.constant 16 : i32
      %mul3A_2289 = arith.muli %scan3A_2164, %mul3A_2288 : i32
      %add3A_2290 = arith.constant 10 : i32
      %add3A_2291 = arith.addi %mul3A_2289, %add3A_2290 : i32
      %select_n3A_2292 = arith.select %eq3A_2287, %add3A_2291, %select_n3A_2285 : i32
      %eq3A_2293 = arith.constant 0 : i32
      %eq3A_2294 = arith.cmpi eq, %squeeze3A_2207, %eq3A_2293 : i32
      %mul3A_2295 = arith.constant 16 : i32
      %mul3A_2296 = arith.muli %scan3A_2164, %mul3A_2295 : i32
      %add3A_2297 = arith.constant 11 : i32
      %add3A_2298 = arith.addi %mul3A_2296, %add3A_2297 : i32
      %select_n3A_2299 = arith.select %eq3A_2294, %add3A_2298, %select_n3A_2292 : i32
      %eq3A_2300 = arith.constant 0 : i32
      %eq3A_2301 = arith.cmpi eq, %squeeze3A_2209, %eq3A_2300 : i32
      %mul3A_2302 = arith.constant 16 : i32
      %mul3A_2303 = arith.muli %scan3A_2164, %mul3A_2302 : i32
      %add3A_2304 = arith.constant 12 : i32
      %add3A_2305 = arith.addi %mul3A_2303, %add3A_2304 : i32
      %select_n3A_2306 = arith.select %eq3A_2301, %add3A_2305, %select_n3A_2299 : i32
      %eq3A_2307 = arith.constant 0 : i32
      %eq3A_2308 = arith.cmpi eq, %squeeze3A_2211, %eq3A_2307 : i32
      %mul3A_2309 = arith.constant 16 : i32
      %mul3A_2310 = arith.muli %scan3A_2164, %mul3A_2309 : i32
      %add3A_2311 = arith.constant 13 : i32
      %add3A_2312 = arith.addi %mul3A_2310, %add3A_2311 : i32
      %select_n3A_2313 = arith.select %eq3A_2308, %add3A_2312, %select_n3A_2306 : i32
      %eq3A_2314 = arith.constant 0 : i32
      %eq3A_2315 = arith.cmpi eq, %squeeze3A_2213, %eq3A_2314 : i32
      %mul3A_2316 = arith.constant 16 : i32
      %mul3A_2317 = arith.muli %scan3A_2164, %mul3A_2316 : i32
      %add3A_2318 = arith.constant 14 : i32
      %add3A_2319 = arith.addi %mul3A_2317, %add3A_2318 : i32
      %select_n3A_2320 = arith.select %eq3A_2315, %add3A_2319, %select_n3A_2313 : i32
      %eq3A_2321 = arith.constant 0 : i32
      %eq3A_2322 = arith.cmpi eq, %squeeze3A_2215, %eq3A_2321 : i32
      %mul3A_2323 = arith.constant 16 : i32
      %mul3A_2324 = arith.muli %scan3A_2164, %mul3A_2323 : i32
      %add3A_2325 = arith.constant 15 : i32
      %add3A_2326 = arith.addi %mul3A_2324, %add3A_2325 : i32
      %select_n3A_2327 = arith.select %eq3A_2322, %add3A_2326, %select_n3A_2320 : i32
      scf.yield %select_n3A_2327 : i32
    }
    %scan3A_824 = arith.constant 32 : i32
    %sub3A_825 = arith.constant 511 : i32
    %sub3A_826 = arith.subi %sub3A_825, %scan3A_823 : i32
    %iota3A = tpu.iota {dimensions = array<i32: 0>} : vector<16xi32>
    %eq3A_827 = arith.constant 0 : i32
    %eq3A_828 = vector.broadcast %eq3A_827 : i32 to vector<16xi32>
    %eq3A_829 = arith.cmpi eq, %iota3A, %eq3A_828 : vector<16xi32>
    %jit3A_830 = arith.constant 0 : i32
    %broadcast_in_dim3A_831 = vector.broadcast %sub3A_826 : i32 to vector<16xi32>
    %broadcast_in_dim3A_832 = vector.broadcast %jit3A_830 : i32 to vector<16xi32>
    %select_n3A_833 = arith.select %eq3A_829, %broadcast_in_dim3A_831, %broadcast_in_dim3A_832 : vector<16xi1>, vector<16xi32>
    %swap3A_834 = arith.constant 0 : index
    %swap3A_835 = tpu.vector_load %arg7[%swap3A_834] {strides = array<i32>} : memref<16xi32, #tpu.memory_space<vmem>>, vector<16xi32>,
    %swap3A_836 = vector.shape_cast %swap3A_835 : vector<16xi32> to vector<16xi32>
    %swap3A_837 = vector.shape_cast %select_n3A_833 : vector<16xi32> to vector<16xi32>
    tpu.vector_store %arg7[%swap3A_834], %swap3A_837 {strides = array<i32>} : memref<16xi32, #tpu.memory_space<vmem>>, vector<16xi32>,
    "tpu.region"() ({
      %run_scoped3A = tpu.sem_alloc : memref<!tpu.dma_semaphore, #tpu.memory_space<semaphore_mem>>
      %dma_start3A_2164 = arith.constant 0 : i32
      %dma_start3A_2165 = tpu.memref_slice %arg11[%arg1, %dma_start3A_2164] : memref<16x16xi32, #tpu.memory_space<vmem_shared>> -> memref<1x16xi32, #tpu.memory_space<vmem_shared>>
      %dma_start3A_2166 = tpu.memref_squeeze %dma_start3A_2165 : memref<1x16xi32, #tpu.memory_space<vmem_shared>> -> memref<16xi32, #tpu.memory_space<vmem_shared>>
      %dma_start3A_2167 = arith.constant 0 : i32
      %dma_start3A_2168 = tpu.memref_slice %arg11[%arg1, %dma_start3A_2167] : memref<16x16xi32, #tpu.memory_space<vmem_shared>> -> memref<1x16xi32, #tpu.memory_space<vmem_shared>>
      %dma_start3A_2169 = tpu.memref_squeeze %dma_start3A_2168 : memref<1x16xi32, #tpu.memory_space<vmem_shared>> -> memref<16xi32, #tpu.memory_space<vmem_shared>>
      tpu.enqueue_dma source(%arg7 : memref<16xi32, #tpu.memory_space<vmem>>) target(%dma_start3A_2169 : memref<16xi32, #tpu.memory_space<vmem_shared>>) target_semaphore(%run_scoped3A : memref<!tpu.dma_semaphore, #tpu.memory_space<semaphore_mem>>)
      %dma_wait3A_2170 = arith.constant 0 : i32
      %dma_wait3A_2171 = tpu.memref_slice %arg11[%arg1, %dma_wait3A_2170] : memref<16x16xi32, #tpu.memory_space<vmem_shared>> -> memref<1x16xi32, #tpu.memory_space<vmem_shared>>
      %dma_wait3A_2172 = tpu.memref_squeeze %dma_wait3A_2171 : memref<1x16xi32, #tpu.memory_space<vmem_shared>> -> memref<16xi32, #tpu.memory_space<vmem_shared>>
      %dma_wait3A_2173 = arith.constant 0 : i32
      %dma_wait3A_2174 = tpu.memref_slice %arg11[%arg1, %dma_wait3A_2173] : memref<16x16xi32, #tpu.memory_space<vmem_shared>> -> memref<1x16xi32, #tpu.memory_space<vmem_shared>>
      %dma_wait3A_2175 = tpu.memref_squeeze %dma_wait3A_2174 : memref<1x16xi32, #tpu.memory_space<vmem_shared>> -> memref<16xi32, #tpu.memory_space<vmem_shared>>
      tpu.wait_dma2 semaphore(%run_scoped3A : memref<!tpu.dma_semaphore, #tpu.memory_space<semaphore_mem>>) src(%arg7 : memref<16xi32, #tpu.memory_space<vmem>>) dst(%dma_wait3A_2175 : memref<16xi32, #tpu.memory_space<vmem_shared>>)
      tpu.yield
    }) : () -> ()
    %barrier3A = arith.constant 0 : index
    tpu.barrier barrier_id(%barrier3A)
    "tpu.region"() ({
      %run_scoped3A = tpu.sem_alloc : memref<!tpu.dma_semaphore, #tpu.memory_space<semaphore_mem>>
      tpu.enqueue_dma source(%arg11 : memref<16x16xi32, #tpu.memory_space<vmem_shared>>) target(%arg8 : memref<16x16xi32, #tpu.memory_space<vmem>>) target_semaphore(%run_scoped3A : memref<!tpu.dma_semaphore, #tpu.memory_space<semaphore_mem>>)
      tpu.wait_dma2 semaphore(%run_scoped3A : memref<!tpu.dma_semaphore, #tpu.memory_space<semaphore_mem>>) src(%arg11 : memref<16x16xi32, #tpu.memory_space<vmem_shared>>) dst(%arg8 : memref<16x16xi32, #tpu.memory_space<vmem>>)
      tpu.yield
    }) : () -> ()
    %get3A = arith.constant 0 : i32
    %get3A_838 = arith.index_cast %get3A : i32 to index
    %get3A_839 = arith.constant 0 : index
    %get3A_840 = tpu.vector_load %arg8[%get3A_838, %get3A_839] {strides = array<i32>} : memref<16x16xi32, #tpu.memory_space<vmem>>, vector<1x16xi32>,
    %get3A_841 = vector.shape_cast %get3A_840 : vector<1x16xi32> to vector<16xi32>
    %slice3A = vector.extract_strided_slice %get3A_841 {offsets = [0], sizes = [1], strides = [1]} : vector<16xi32> to vector<1xi32>
    %squeeze3A = vector.extract %slice3A[0] : i32 from vector<1xi32>
    %get3A_842 = arith.constant 1 : i32
    %get3A_843 = arith.index_cast %get3A_842 : i32 to index
    %get3A_844 = arith.constant 0 : index
    %get3A_845 = tpu.vector_load %arg8[%get3A_843, %get3A_844] {strides = array<i32>} : memref<16x16xi32, #tpu.memory_space<vmem>>, vector<1x16xi32>,
    %get3A_846 = vector.shape_cast %get3A_845 : vector<1x16xi32> to vector<16xi32>
    %slice3A_847 = vector.extract_strided_slice %get3A_846 {offsets = [0], sizes = [1], strides = [1]} : vector<16xi32> to vector<1xi32>
    %squeeze3A_848 = vector.extract %slice3A_847[0] : i32 from vector<1xi32>
    %get3A_849 = arith.constant 2 : i32
    %get3A_850 = arith.index_cast %get3A_849 : i32 to index
    %get3A_851 = arith.constant 0 : index
    %get3A_852 = tpu.vector_load %arg8[%get3A_850, %get3A_851] {strides = array<i32>} : memref<16x16xi32, #tpu.memory_space<vmem>>, vector<1x16xi32>,
    %get3A_853 = vector.shape_cast %get3A_852 : vector<1x16xi32> to vector<16xi32>
    %slice3A_854 = vector.extract_strided_slice %get3A_853 {offsets = [0], sizes = [1], strides = [1]} : vector<16xi32> to vector<1xi32>
    %squeeze3A_855 = vector.extract %slice3A_854[0] : i32 from vector<1xi32>
    %get3A_856 = arith.constant 3 : i32
    %get3A_857 = arith.index_cast %get3A_856 : i32 to index
    %get3A_858 = arith.constant 0 : index
    %get3A_859 = tpu.vector_load %arg8[%get3A_857, %get3A_858] {strides = array<i32>} : memref<16x16xi32, #tpu.memory_space<vmem>>, vector<1x16xi32>,
    %get3A_860 = vector.shape_cast %get3A_859 : vector<1x16xi32> to vector<16xi32>
    %slice3A_861 = vector.extract_strided_slice %get3A_860 {offsets = [0], sizes = [1], strides = [1]} : vector<16xi32> to vector<1xi32>
    %squeeze3A_862 = vector.extract %slice3A_861[0] : i32 from vector<1xi32>
    %get3A_863 = arith.constant 4 : i32
    %get3A_864 = arith.index_cast %get3A_863 : i32 to index
    %get3A_865 = arith.constant 0 : index
    %get3A_866 = tpu.vector_load %arg8[%get3A_864, %get3A_865] {strides = array<i32>} : memref<16x16xi32, #tpu.memory_space<vmem>>, vector<1x16xi32>,
    %get3A_867 = vector.shape_cast %get3A_866 : vector<1x16xi32> to vector<16xi32>
    %slice3A_868 = vector.extract_strided_slice %get3A_867 {offsets = [0], sizes = [1], strides = [1]} : vector<16xi32> to vector<1xi32>
    %squeeze3A_869 = vector.extract %slice3A_868[0] : i32 from vector<1xi32>
    %get3A_870 = arith.constant 5 : i32
    %get3A_871 = arith.index_cast %get3A_870 : i32 to index
    %get3A_872 = arith.constant 0 : index
    %get3A_873 = tpu.vector_load %arg8[%get3A_871, %get3A_872] {strides = array<i32>} : memref<16x16xi32, #tpu.memory_space<vmem>>, vector<1x16xi32>,
    %get3A_874 = vector.shape_cast %get3A_873 : vector<1x16xi32> to vector<16xi32>
    %slice3A_875 = vector.extract_strided_slice %get3A_874 {offsets = [0], sizes = [1], strides = [1]} : vector<16xi32> to vector<1xi32>
    %squeeze3A_876 = vector.extract %slice3A_875[0] : i32 from vector<1xi32>
    %get3A_877 = arith.constant 6 : i32
    %get3A_878 = arith.index_cast %get3A_877 : i32 to index
    %get3A_879 = arith.constant 0 : index
    %get3A_880 = tpu.vector_load %arg8[%get3A_878, %get3A_879] {strides = array<i32>} : memref<16x16xi32, #tpu.memory_space<vmem>>, vector<1x16xi32>,
    %get3A_881 = vector.shape_cast %get3A_880 : vector<1x16xi32> to vector<16xi32>
    %slice3A_882 = vector.extract_strided_slice %get3A_881 {offsets = [0], sizes = [1], strides = [1]} : vector<16xi32> to vector<1xi32>
    %squeeze3A_883 = vector.extract %slice3A_882[0] : i32 from vector<1xi32>
    %get3A_884 = arith.constant 7 : i32
    %get3A_885 = arith.index_cast %get3A_884 : i32 to index
    %get3A_886 = arith.constant 0 : index
    %get3A_887 = tpu.vector_load %arg8[%get3A_885, %get3A_886] {strides = array<i32>} : memref<16x16xi32, #tpu.memory_space<vmem>>, vector<1x16xi32>,
    %get3A_888 = vector.shape_cast %get3A_887 : vector<1x16xi32> to vector<16xi32>
    %slice3A_889 = vector.extract_strided_slice %get3A_888 {offsets = [0], sizes = [1], strides = [1]} : vector<16xi32> to vector<1xi32>
    %squeeze3A_890 = vector.extract %slice3A_889[0] : i32 from vector<1xi32>
    %get3A_891 = arith.constant 8 : i32
    %get3A_892 = arith.index_cast %get3A_891 : i32 to index
    %get3A_893 = arith.constant 0 : index
    %get3A_894 = tpu.vector_load %arg8[%get3A_892, %get3A_893] {strides = array<i32>} : memref<16x16xi32, #tpu.memory_space<vmem>>, vector<1x16xi32>,
    %get3A_895 = vector.shape_cast %get3A_894 : vector<1x16xi32> to vector<16xi32>
    %slice3A_896 = vector.extract_strided_slice %get3A_895 {offsets = [0], sizes = [1], strides = [1]} : vector<16xi32> to vector<1xi32>
    %squeeze3A_897 = vector.extract %slice3A_896[0] : i32 from vector<1xi32>
    %get3A_898 = arith.constant 9 : i32
    %get3A_899 = arith.index_cast %get3A_898 : i32 to index
    %get3A_900 = arith.constant 0 : index
    %get3A_901 = tpu.vector_load %arg8[%get3A_899, %get3A_900] {strides = array<i32>} : memref<16x16xi32, #tpu.memory_space<vmem>>, vector<1x16xi32>,
    %get3A_902 = vector.shape_cast %get3A_901 : vector<1x16xi32> to vector<16xi32>
    %slice3A_903 = vector.extract_strided_slice %get3A_902 {offsets = [0], sizes = [1], strides = [1]} : vector<16xi32> to vector<1xi32>
    %squeeze3A_904 = vector.extract %slice3A_903[0] : i32 from vector<1xi32>
    %get3A_905 = arith.constant 10 : i32
    %get3A_906 = arith.index_cast %get3A_905 : i32 to index
    %get3A_907 = arith.constant 0 : index
    %get3A_908 = tpu.vector_load %arg8[%get3A_906, %get3A_907] {strides = array<i32>} : memref<16x16xi32, #tpu.memory_space<vmem>>, vector<1x16xi32>,
    %get3A_909 = vector.shape_cast %get3A_908 : vector<1x16xi32> to vector<16xi32>
    %slice3A_910 = vector.extract_strided_slice %get3A_909 {offsets = [0], sizes = [1], strides = [1]} : vector<16xi32> to vector<1xi32>
    %squeeze3A_911 = vector.extract %slice3A_910[0] : i32 from vector<1xi32>
    %get3A_912 = arith.constant 11 : i32
    %get3A_913 = arith.index_cast %get3A_912 : i32 to index
    %get3A_914 = arith.constant 0 : index
    %get3A_915 = tpu.vector_load %arg8[%get3A_913, %get3A_914] {strides = array<i32>} : memref<16x16xi32, #tpu.memory_space<vmem>>, vector<1x16xi32>,
    %get3A_916 = vector.shape_cast %get3A_915 : vector<1x16xi32> to vector<16xi32>
    %slice3A_917 = vector.extract_strided_slice %get3A_916 {offsets = [0], sizes = [1], strides = [1]} : vector<16xi32> to vector<1xi32>
    %squeeze3A_918 = vector.extract %slice3A_917[0] : i32 from vector<1xi32>
    %get3A_919 = arith.constant 12 : i32
    %get3A_920 = arith.index_cast %get3A_919 : i32 to index
    %get3A_921 = arith.constant 0 : index
    %get3A_922 = tpu.vector_load %arg8[%get3A_920, %get3A_921] {strides = array<i32>} : memref<16x16xi32, #tpu.memory_space<vmem>>, vector<1x16xi32>,
    %get3A_923 = vector.shape_cast %get3A_922 : vector<1x16xi32> to vector<16xi32>
    %slice3A_924 = vector.extract_strided_slice %get3A_923 {offsets = [0], sizes = [1], strides = [1]} : vector<16xi32> to vector<1xi32>
    %squeeze3A_925 = vector.extract %slice3A_924[0] : i32 from vector<1xi32>
    %get3A_926 = arith.constant 13 : i32
    %get3A_927 = arith.index_cast %get3A_926 : i32 to index
    %get3A_928 = arith.constant 0 : index
    %get3A_929 = tpu.vector_load %arg8[%get3A_927, %get3A_928] {strides = array<i32>} : memref<16x16xi32, #tpu.memory_space<vmem>>, vector<1x16xi32>,
    %get3A_930 = vector.shape_cast %get3A_929 : vector<1x16xi32> to vector<16xi32>
    %slice3A_931 = vector.extract_strided_slice %get3A_930 {offsets = [0], sizes = [1], strides = [1]} : vector<16xi32> to vector<1xi32>
    %squeeze3A_932 = vector.extract %slice3A_931[0] : i32 from vector<1xi32>
    %get3A_933 = arith.constant 14 : i32
    %get3A_934 = arith.index_cast %get3A_933 : i32 to index
    %get3A_935 = arith.constant 0 : index
    %get3A_936 = tpu.vector_load %arg8[%get3A_934, %get3A_935] {strides = array<i32>} : memref<16x16xi32, #tpu.memory_space<vmem>>, vector<1x16xi32>,
    %get3A_937 = vector.shape_cast %get3A_936 : vector<1x16xi32> to vector<16xi32>
    %slice3A_938 = vector.extract_strided_slice %get3A_937 {offsets = [0], sizes = [1], strides = [1]} : vector<16xi32> to vector<1xi32>
    %squeeze3A_939 = vector.extract %slice3A_938[0] : i32 from vector<1xi32>
    %get3A_940 = arith.constant 15 : i32
    %get3A_941 = arith.index_cast %get3A_940 : i32 to index
    %get3A_942 = arith.constant 0 : index
    %get3A_943 = tpu.vector_load %arg8[%get3A_941, %get3A_942] {strides = array<i32>} : memref<16x16xi32, #tpu.memory_space<vmem>>, vector<1x16xi32>,
    %get3A_944 = vector.shape_cast %get3A_943 : vector<1x16xi32> to vector<16xi32>
    %slice3A_945 = vector.extract_strided_slice %get3A_944 {offsets = [0], sizes = [1], strides = [1]} : vector<16xi32> to vector<1xi32>
    %squeeze3A_946 = vector.extract %slice3A_945[0] : i32 from vector<1xi32>
    %jit3A_947 = arith.constant 8 : i32
    %div3A_948 = arith.divsi %arg1, %jit3A_947 : i32
    %sign3A_949 = arith.constant 0 : i32
    %sign3A_950 = arith.cmpi sgt, %arg1, %sign3A_949 : i32
    %sign3A_951 = arith.extui %sign3A_950 : i1 to i32
    %sign3A_952 = arith.constant 0 : i32
    %sign3A_953 = arith.cmpi slt, %arg1, %sign3A_952 : i32
    %sign3A_954 = arith.extui %sign3A_953 : i1 to i32
    %sign3A_955 = arith.subi %sign3A_951, %sign3A_954 : i32
    %sign3A_956 = arith.constant 0 : i32
    %sign3A_957 = arith.cmpi sgt, %jit3A_947, %sign3A_956 : i32
    %sign3A_958 = arith.extui %sign3A_957 : i1 to i32
    %sign3A_959 = arith.constant 0 : i32
    %sign3A_960 = arith.cmpi slt, %jit3A_947, %sign3A_959 : i32
    %sign3A_961 = arith.extui %sign3A_960 : i1 to i32
    %sign3A_962 = arith.subi %sign3A_958, %sign3A_961 : i32
    %ne3A_963 = arith.cmpi ne, %sign3A_955, %sign3A_962 : i32
    %rem3A_964 = arith.remsi %arg1, %jit3A_947 : i32
    %ne3A_965 = arith.constant 0 : i32
    %ne3A_966 = arith.cmpi ne, %rem3A_964, %ne3A_965 : i32
    %and3A_967 = arith.andi %ne3A_963, %ne3A_966 : i1
    %sub3A_968 = arith.constant 1 : i32
    %sub3A_969 = arith.subi %div3A_948, %sub3A_968 : i32
    %select_n3A_970 = arith.select %and3A_967, %sub3A_969, %div3A_948 : i32
    %mul3A_971 = arith.constant 8 : i32
    %mul3A_972 = arith.muli %select_n3A_970, %mul3A_971 : i32
    %sub3A_973 = arith.constant 1 : i32
    %sub3A_974 = arith.subi %arg1, %sub3A_973 : i32
    %eq3A_975 = arith.constant 0 : i32
    %eq3A_976 = arith.cmpi eq, %sub3A_974, %eq3A_975 : i32
    %jit3A_977 = arith.constant 0 : i32
    %select_n3A_978 = arith.select %eq3A_976, %squeeze3A, %jit3A_977 : i32
    %add3A_979 = arith.constant 0 : i32
    %add3A_980 = arith.addi %add3A_979, %select_n3A_978 : i32
    %eq3A_981 = arith.constant 1 : i32
    %eq3A_982 = arith.cmpi eq, %sub3A_974, %eq3A_981 : i32
    %jit3A_983 = arith.constant 0 : i32
    %select_n3A_984 = arith.select %eq3A_982, %squeeze3A_848, %jit3A_983 : i32
    %add3A_985 = arith.addi %add3A_980, %select_n3A_984 : i32
    %eq3A_986 = arith.constant 2 : i32
    %eq3A_987 = arith.cmpi eq, %sub3A_974, %eq3A_986 : i32
    %jit3A_988 = arith.constant 0 : i32
    %select_n3A_989 = arith.select %eq3A_987, %squeeze3A_855, %jit3A_988 : i32
    %add3A_990 = arith.addi %add3A_985, %select_n3A_989 : i32
    %eq3A_991 = arith.constant 3 : i32
    %eq3A_992 = arith.cmpi eq, %sub3A_974, %eq3A_991 : i32
    %jit3A_993 = arith.constant 0 : i32
    %select_n3A_994 = arith.select %eq3A_992, %squeeze3A_862, %jit3A_993 : i32
    %add3A_995 = arith.addi %add3A_990, %select_n3A_994 : i32
    %eq3A_996 = arith.constant 4 : i32
    %eq3A_997 = arith.cmpi eq, %sub3A_974, %eq3A_996 : i32
    %jit3A_998 = arith.constant 0 : i32
    %select_n3A_999 = arith.select %eq3A_997, %squeeze3A_869, %jit3A_998 : i32
    %add3A_1000 = arith.addi %add3A_995, %select_n3A_999 : i32
    %eq3A_1001 = arith.constant 5 : i32
    %eq3A_1002 = arith.cmpi eq, %sub3A_974, %eq3A_1001 : i32
    %jit3A_1003 = arith.constant 0 : i32
    %select_n3A_1004 = arith.select %eq3A_1002, %squeeze3A_876, %jit3A_1003 : i32
    %add3A_1005 = arith.addi %add3A_1000, %select_n3A_1004 : i32
    %eq3A_1006 = arith.constant 6 : i32
    %eq3A_1007 = arith.cmpi eq, %sub3A_974, %eq3A_1006 : i32
    %jit3A_1008 = arith.constant 0 : i32
    %select_n3A_1009 = arith.select %eq3A_1007, %squeeze3A_883, %jit3A_1008 : i32
    %add3A_1010 = arith.addi %add3A_1005, %select_n3A_1009 : i32
    %eq3A_1011 = arith.constant 7 : i32
    %eq3A_1012 = arith.cmpi eq, %sub3A_974, %eq3A_1011 : i32
    %jit3A_1013 = arith.constant 0 : i32
    %select_n3A_1014 = arith.select %eq3A_1012, %squeeze3A_890, %jit3A_1013 : i32
    %add3A_1015 = arith.addi %add3A_1010, %select_n3A_1014 : i32
    %eq3A_1016 = arith.constant 8 : i32
    %eq3A_1017 = arith.cmpi eq, %sub3A_974, %eq3A_1016 : i32
    %jit3A_1018 = arith.constant 0 : i32
    %select_n3A_1019 = arith.select %eq3A_1017, %squeeze3A_897, %jit3A_1018 : i32
    %add3A_1020 = arith.addi %add3A_1015, %select_n3A_1019 : i32
    %eq3A_1021 = arith.constant 9 : i32
    %eq3A_1022 = arith.cmpi eq, %sub3A_974, %eq3A_1021 : i32
    %jit3A_1023 = arith.constant 0 : i32
    %select_n3A_1024 = arith.select %eq3A_1022, %squeeze3A_904, %jit3A_1023 : i32
    %add3A_1025 = arith.addi %add3A_1020, %select_n3A_1024 : i32
    %eq3A_1026 = arith.constant 10 : i32
    %eq3A_1027 = arith.cmpi eq, %sub3A_974, %eq3A_1026 : i32
    %jit3A_1028 = arith.constant 0 : i32
    %select_n3A_1029 = arith.select %eq3A_1027, %squeeze3A_911, %jit3A_1028 : i32
    %add3A_1030 = arith.addi %add3A_1025, %select_n3A_1029 : i32
    %eq3A_1031 = arith.constant 11 : i32
    %eq3A_1032 = arith.cmpi eq, %sub3A_974, %eq3A_1031 : i32
    %jit3A_1033 = arith.constant 0 : i32
    %select_n3A_1034 = arith.select %eq3A_1032, %squeeze3A_918, %jit3A_1033 : i32
    %add3A_1035 = arith.addi %add3A_1030, %select_n3A_1034 : i32
    %eq3A_1036 = arith.constant 12 : i32
    %eq3A_1037 = arith.cmpi eq, %sub3A_974, %eq3A_1036 : i32
    %jit3A_1038 = arith.constant 0 : i32
    %select_n3A_1039 = arith.select %eq3A_1037, %squeeze3A_925, %jit3A_1038 : i32
    %add3A_1040 = arith.addi %add3A_1035, %select_n3A_1039 : i32
    %eq3A_1041 = arith.constant 13 : i32
    %eq3A_1042 = arith.cmpi eq, %sub3A_974, %eq3A_1041 : i32
    %jit3A_1043 = arith.constant 0 : i32
    %select_n3A_1044 = arith.select %eq3A_1042, %squeeze3A_932, %jit3A_1043 : i32
    %add3A_1045 = arith.addi %add3A_1040, %select_n3A_1044 : i32
    %eq3A_1046 = arith.constant 14 : i32
    %eq3A_1047 = arith.cmpi eq, %sub3A_974, %eq3A_1046 : i32
    %jit3A_1048 = arith.constant 0 : i32
    %select_n3A_1049 = arith.select %eq3A_1047, %squeeze3A_939, %jit3A_1048 : i32
    %add3A_1050 = arith.addi %add3A_1045, %select_n3A_1049 : i32
    %eq3A_1051 = arith.constant 15 : i32
    %eq3A_1052 = arith.cmpi eq, %sub3A_974, %eq3A_1051 : i32
    %jit3A_1053 = arith.constant 0 : i32
    %select_n3A_1054 = arith.select %eq3A_1052, %squeeze3A_946, %jit3A_1053 : i32
    %add3A_1055 = arith.addi %add3A_1050, %select_n3A_1054 : i32
    %ge3A = arith.cmpi sge, %sub3A_974, %mul3A_972 : i32
    %jit3A_1056 = arith.constant 1 : i32
    %jit3A_1057 = arith.constant 0 : i32
    %select_n3A_1058 = arith.select %ge3A, %jit3A_1056, %jit3A_1057 : i32
    %mul3A_1059 = arith.constant 1 : i32
    %mul3A_1060 = arith.muli %mul3A_1059, %select_n3A_1058 : i32
    %mul3A_1061 = arith.muli %mul3A_1060, %add3A_1055 : i32
    %add3A_1062 = arith.constant 0 : i32
    %add3A_1063 = arith.addi %add3A_1062, %mul3A_1061 : i32
    %eq3A_1064 = arith.constant 512 : i32
    %eq3A_1065 = arith.cmpi eq, %add3A_1055, %eq3A_1064 : i32
    %jit3A_1066 = arith.constant 1 : i32
    %jit3A_1067 = arith.constant 0 : i32
    %select_n3A_1068 = arith.select %eq3A_1065, %jit3A_1066, %jit3A_1067 : i32
    %mul3A_1069 = arith.muli %mul3A_1060, %select_n3A_1068 : i32
    %sub3A_1070 = arith.constant 2 : i32
    %sub3A_1071 = arith.subi %arg1, %sub3A_1070 : i32
    %eq3A_1072 = arith.constant 0 : i32
    %eq3A_1073 = arith.cmpi eq, %sub3A_1071, %eq3A_1072 : i32
    %jit3A_1074 = arith.constant 0 : i32
    %select_n3A_1075 = arith.select %eq3A_1073, %squeeze3A, %jit3A_1074 : i32
    %add3A_1076 = arith.constant 0 : i32
    %add3A_1077 = arith.addi %add3A_1076, %select_n3A_1075 : i32
    %eq3A_1078 = arith.constant 1 : i32
    %eq3A_1079 = arith.cmpi eq, %sub3A_1071, %eq3A_1078 : i32
    %jit3A_1080 = arith.constant 0 : i32
    %select_n3A_1081 = arith.select %eq3A_1079, %squeeze3A_848, %jit3A_1080 : i32
    %add3A_1082 = arith.addi %add3A_1077, %select_n3A_1081 : i32
    %eq3A_1083 = arith.constant 2 : i32
    %eq3A_1084 = arith.cmpi eq, %sub3A_1071, %eq3A_1083 : i32
    %jit3A_1085 = arith.constant 0 : i32
    %select_n3A_1086 = arith.select %eq3A_1084, %squeeze3A_855, %jit3A_1085 : i32
    %add3A_1087 = arith.addi %add3A_1082, %select_n3A_1086 : i32
    %eq3A_1088 = arith.constant 3 : i32
    %eq3A_1089 = arith.cmpi eq, %sub3A_1071, %eq3A_1088 : i32
    %jit3A_1090 = arith.constant 0 : i32
    %select_n3A_1091 = arith.select %eq3A_1089, %squeeze3A_862, %jit3A_1090 : i32
    %add3A_1092 = arith.addi %add3A_1087, %select_n3A_1091 : i32
    %eq3A_1093 = arith.constant 4 : i32
    %eq3A_1094 = arith.cmpi eq, %sub3A_1071, %eq3A_1093 : i32
    %jit3A_1095 = arith.constant 0 : i32
    %select_n3A_1096 = arith.select %eq3A_1094, %squeeze3A_869, %jit3A_1095 : i32
    %add3A_1097 = arith.addi %add3A_1092, %select_n3A_1096 : i32
    %eq3A_1098 = arith.constant 5 : i32
    %eq3A_1099 = arith.cmpi eq, %sub3A_1071, %eq3A_1098 : i32
    %jit3A_1100 = arith.constant 0 : i32
    %select_n3A_1101 = arith.select %eq3A_1099, %squeeze3A_876, %jit3A_1100 : i32
    %add3A_1102 = arith.addi %add3A_1097, %select_n3A_1101 : i32
    %eq3A_1103 = arith.constant 6 : i32
    %eq3A_1104 = arith.cmpi eq, %sub3A_1071, %eq3A_1103 : i32
    %jit3A_1105 = arith.constant 0 : i32
    %select_n3A_1106 = arith.select %eq3A_1104, %squeeze3A_883, %jit3A_1105 : i32
    %add3A_1107 = arith.addi %add3A_1102, %select_n3A_1106 : i32
    %eq3A_1108 = arith.constant 7 : i32
    %eq3A_1109 = arith.cmpi eq, %sub3A_1071, %eq3A_1108 : i32
    %jit3A_1110 = arith.constant 0 : i32
    %select_n3A_1111 = arith.select %eq3A_1109, %squeeze3A_890, %jit3A_1110 : i32
    %add3A_1112 = arith.addi %add3A_1107, %select_n3A_1111 : i32
    %eq3A_1113 = arith.constant 8 : i32
    %eq3A_1114 = arith.cmpi eq, %sub3A_1071, %eq3A_1113 : i32
    %jit3A_1115 = arith.constant 0 : i32
    %select_n3A_1116 = arith.select %eq3A_1114, %squeeze3A_897, %jit3A_1115 : i32
    %add3A_1117 = arith.addi %add3A_1112, %select_n3A_1116 : i32
    %eq3A_1118 = arith.constant 9 : i32
    %eq3A_1119 = arith.cmpi eq, %sub3A_1071, %eq3A_1118 : i32
    %jit3A_1120 = arith.constant 0 : i32
    %select_n3A_1121 = arith.select %eq3A_1119, %squeeze3A_904, %jit3A_1120 : i32
    %add3A_1122 = arith.addi %add3A_1117, %select_n3A_1121 : i32
    %eq3A_1123 = arith.constant 10 : i32
    %eq3A_1124 = arith.cmpi eq, %sub3A_1071, %eq3A_1123 : i32
    %jit3A_1125 = arith.constant 0 : i32
    %select_n3A_1126 = arith.select %eq3A_1124, %squeeze3A_911, %jit3A_1125 : i32
    %add3A_1127 = arith.addi %add3A_1122, %select_n3A_1126 : i32
    %eq3A_1128 = arith.constant 11 : i32
    %eq3A_1129 = arith.cmpi eq, %sub3A_1071, %eq3A_1128 : i32
    %jit3A_1130 = arith.constant 0 : i32
    %select_n3A_1131 = arith.select %eq3A_1129, %squeeze3A_918, %jit3A_1130 : i32
    %add3A_1132 = arith.addi %add3A_1127, %select_n3A_1131 : i32
    %eq3A_1133 = arith.constant 12 : i32
    %eq3A_1134 = arith.cmpi eq, %sub3A_1071, %eq3A_1133 : i32
    %jit3A_1135 = arith.constant 0 : i32
    %select_n3A_1136 = arith.select %eq3A_1134, %squeeze3A_925, %jit3A_1135 : i32
    %add3A_1137 = arith.addi %add3A_1132, %select_n3A_1136 : i32
    %eq3A_1138 = arith.constant 13 : i32
    %eq3A_1139 = arith.cmpi eq, %sub3A_1071, %eq3A_1138 : i32
    %jit3A_1140 = arith.constant 0 : i32
    %select_n3A_1141 = arith.select %eq3A_1139, %squeeze3A_932, %jit3A_1140 : i32
    %add3A_1142 = arith.addi %add3A_1137, %select_n3A_1141 : i32
    %eq3A_1143 = arith.constant 14 : i32
    %eq3A_1144 = arith.cmpi eq, %sub3A_1071, %eq3A_1143 : i32
    %jit3A_1145 = arith.constant 0 : i32
    %select_n3A_1146 = arith.select %eq3A_1144, %squeeze3A_939, %jit3A_1145 : i32
    %add3A_1147 = arith.addi %add3A_1142, %select_n3A_1146 : i32
    %eq3A_1148 = arith.constant 15 : i32
    %eq3A_1149 = arith.cmpi eq, %sub3A_1071, %eq3A_1148 : i32
    %jit3A_1150 = arith.constant 0 : i32
    %select_n3A_1151 = arith.select %eq3A_1149, %squeeze3A_946, %jit3A_1150 : i32
    %add3A_1152 = arith.addi %add3A_1147, %select_n3A_1151 : i32
    %ge3A_1153 = arith.cmpi sge, %sub3A_1071, %mul3A_972 : i32
    %jit3A_1154 = arith.constant 1 : i32
    %jit3A_1155 = arith.constant 0 : i32
    %select_n3A_1156 = arith.select %ge3A_1153, %jit3A_1154, %jit3A_1155 : i32
    %mul3A_1157 = arith.muli %mul3A_1069, %select_n3A_1156 : i32
    %mul3A_1158 = arith.muli %mul3A_1157, %add3A_1152 : i32
    %add3A_1159 = arith.addi %add3A_1063, %mul3A_1158 : i32
    %eq3A_1160 = arith.constant 512 : i32
    %eq3A_1161 = arith.cmpi eq, %add3A_1152, %eq3A_1160 : i32
    %jit3A_1162 = arith.constant 1 : i32
    %jit3A_1163 = arith.constant 0 : i32
    %select_n3A_1164 = arith.select %eq3A_1161, %jit3A_1162, %jit3A_1163 : i32
    %mul3A_1165 = arith.muli %mul3A_1157, %select_n3A_1164 : i32
    %sub3A_1166 = arith.constant 3 : i32
    %sub3A_1167 = arith.subi %arg1, %sub3A_1166 : i32
    %eq3A_1168 = arith.constant 0 : i32
    %eq3A_1169 = arith.cmpi eq, %sub3A_1167, %eq3A_1168 : i32
    %jit3A_1170 = arith.constant 0 : i32
    %select_n3A_1171 = arith.select %eq3A_1169, %squeeze3A, %jit3A_1170 : i32
    %add3A_1172 = arith.constant 0 : i32
    %add3A_1173 = arith.addi %add3A_1172, %select_n3A_1171 : i32
    %eq3A_1174 = arith.constant 1 : i32
    %eq3A_1175 = arith.cmpi eq, %sub3A_1167, %eq3A_1174 : i32
    %jit3A_1176 = arith.constant 0 : i32
    %select_n3A_1177 = arith.select %eq3A_1175, %squeeze3A_848, %jit3A_1176 : i32
    %add3A_1178 = arith.addi %add3A_1173, %select_n3A_1177 : i32
    %eq3A_1179 = arith.constant 2 : i32
    %eq3A_1180 = arith.cmpi eq, %sub3A_1167, %eq3A_1179 : i32
    %jit3A_1181 = arith.constant 0 : i32
    %select_n3A_1182 = arith.select %eq3A_1180, %squeeze3A_855, %jit3A_1181 : i32
    %add3A_1183 = arith.addi %add3A_1178, %select_n3A_1182 : i32
    %eq3A_1184 = arith.constant 3 : i32
    %eq3A_1185 = arith.cmpi eq, %sub3A_1167, %eq3A_1184 : i32
    %jit3A_1186 = arith.constant 0 : i32
    %select_n3A_1187 = arith.select %eq3A_1185, %squeeze3A_862, %jit3A_1186 : i32
    %add3A_1188 = arith.addi %add3A_1183, %select_n3A_1187 : i32
    %eq3A_1189 = arith.constant 4 : i32
    %eq3A_1190 = arith.cmpi eq, %sub3A_1167, %eq3A_1189 : i32
    %jit3A_1191 = arith.constant 0 : i32
    %select_n3A_1192 = arith.select %eq3A_1190, %squeeze3A_869, %jit3A_1191 : i32
    %add3A_1193 = arith.addi %add3A_1188, %select_n3A_1192 : i32
    %eq3A_1194 = arith.constant 5 : i32
    %eq3A_1195 = arith.cmpi eq, %sub3A_1167, %eq3A_1194 : i32
    %jit3A_1196 = arith.constant 0 : i32
    %select_n3A_1197 = arith.select %eq3A_1195, %squeeze3A_876, %jit3A_1196 : i32
    %add3A_1198 = arith.addi %add3A_1193, %select_n3A_1197 : i32
    %eq3A_1199 = arith.constant 6 : i32
    %eq3A_1200 = arith.cmpi eq, %sub3A_1167, %eq3A_1199 : i32
    %jit3A_1201 = arith.constant 0 : i32
    %select_n3A_1202 = arith.select %eq3A_1200, %squeeze3A_883, %jit3A_1201 : i32
    %add3A_1203 = arith.addi %add3A_1198, %select_n3A_1202 : i32
    %eq3A_1204 = arith.constant 7 : i32
    %eq3A_1205 = arith.cmpi eq, %sub3A_1167, %eq3A_1204 : i32
    %jit3A_1206 = arith.constant 0 : i32
    %select_n3A_1207 = arith.select %eq3A_1205, %squeeze3A_890, %jit3A_1206 : i32
    %add3A_1208 = arith.addi %add3A_1203, %select_n3A_1207 : i32
    %eq3A_1209 = arith.constant 8 : i32
    %eq3A_1210 = arith.cmpi eq, %sub3A_1167, %eq3A_1209 : i32
    %jit3A_1211 = arith.constant 0 : i32
    %select_n3A_1212 = arith.select %eq3A_1210, %squeeze3A_897, %jit3A_1211 : i32
    %add3A_1213 = arith.addi %add3A_1208, %select_n3A_1212 : i32
    %eq3A_1214 = arith.constant 9 : i32
    %eq3A_1215 = arith.cmpi eq, %sub3A_1167, %eq3A_1214 : i32
    %jit3A_1216 = arith.constant 0 : i32
    %select_n3A_1217 = arith.select %eq3A_1215, %squeeze3A_904, %jit3A_1216 : i32
    %add3A_1218 = arith.addi %add3A_1213, %select_n3A_1217 : i32
    %eq3A_1219 = arith.constant 10 : i32
    %eq3A_1220 = arith.cmpi eq, %sub3A_1167, %eq3A_1219 : i32
    %jit3A_1221 = arith.constant 0 : i32
    %select_n3A_1222 = arith.select %eq3A_1220, %squeeze3A_911, %jit3A_1221 : i32
    %add3A_1223 = arith.addi %add3A_1218, %select_n3A_1222 : i32
    %eq3A_1224 = arith.constant 11 : i32
    %eq3A_1225 = arith.cmpi eq, %sub3A_1167, %eq3A_1224 : i32
    %jit3A_1226 = arith.constant 0 : i32
    %select_n3A_1227 = arith.select %eq3A_1225, %squeeze3A_918, %jit3A_1226 : i32
    %add3A_1228 = arith.addi %add3A_1223, %select_n3A_1227 : i32
    %eq3A_1229 = arith.constant 12 : i32
    %eq3A_1230 = arith.cmpi eq, %sub3A_1167, %eq3A_1229 : i32
    %jit3A_1231 = arith.constant 0 : i32
    %select_n3A_1232 = arith.select %eq3A_1230, %squeeze3A_925, %jit3A_1231 : i32
    %add3A_1233 = arith.addi %add3A_1228, %select_n3A_1232 : i32
    %eq3A_1234 = arith.constant 13 : i32
    %eq3A_1235 = arith.cmpi eq, %sub3A_1167, %eq3A_1234 : i32
    %jit3A_1236 = arith.constant 0 : i32
    %select_n3A_1237 = arith.select %eq3A_1235, %squeeze3A_932, %jit3A_1236 : i32
    %add3A_1238 = arith.addi %add3A_1233, %select_n3A_1237 : i32
    %eq3A_1239 = arith.constant 14 : i32
    %eq3A_1240 = arith.cmpi eq, %sub3A_1167, %eq3A_1239 : i32
    %jit3A_1241 = arith.constant 0 : i32
    %select_n3A_1242 = arith.select %eq3A_1240, %squeeze3A_939, %jit3A_1241 : i32
    %add3A_1243 = arith.addi %add3A_1238, %select_n3A_1242 : i32
    %eq3A_1244 = arith.constant 15 : i32
    %eq3A_1245 = arith.cmpi eq, %sub3A_1167, %eq3A_1244 : i32
    %jit3A_1246 = arith.constant 0 : i32
    %select_n3A_1247 = arith.select %eq3A_1245, %squeeze3A_946, %jit3A_1246 : i32
    %add3A_1248 = arith.addi %add3A_1243, %select_n3A_1247 : i32
    %ge3A_1249 = arith.cmpi sge, %sub3A_1167, %mul3A_972 : i32
    %jit3A_1250 = arith.constant 1 : i32
    %jit3A_1251 = arith.constant 0 : i32
    %select_n3A_1252 = arith.select %ge3A_1249, %jit3A_1250, %jit3A_1251 : i32
    %mul3A_1253 = arith.muli %mul3A_1165, %select_n3A_1252 : i32
    %mul3A_1254 = arith.muli %mul3A_1253, %add3A_1248 : i32
    %add3A_1255 = arith.addi %add3A_1159, %mul3A_1254 : i32
    %eq3A_1256 = arith.constant 512 : i32
    %eq3A_1257 = arith.cmpi eq, %add3A_1248, %eq3A_1256 : i32
    %jit3A_1258 = arith.constant 1 : i32
    %jit3A_1259 = arith.constant 0 : i32
    %select_n3A_1260 = arith.select %eq3A_1257, %jit3A_1258, %jit3A_1259 : i32
    %mul3A_1261 = arith.muli %mul3A_1253, %select_n3A_1260 : i32
    %sub3A_1262 = arith.constant 4 : i32
    %sub3A_1263 = arith.subi %arg1, %sub3A_1262 : i32
    %eq3A_1264 = arith.constant 0 : i32
    %eq3A_1265 = arith.cmpi eq, %sub3A_1263, %eq3A_1264 : i32
    %jit3A_1266 = arith.constant 0 : i32
    %select_n3A_1267 = arith.select %eq3A_1265, %squeeze3A, %jit3A_1266 : i32
    %add3A_1268 = arith.constant 0 : i32
    %add3A_1269 = arith.addi %add3A_1268, %select_n3A_1267 : i32
    %eq3A_1270 = arith.constant 1 : i32
    %eq3A_1271 = arith.cmpi eq, %sub3A_1263, %eq3A_1270 : i32
    %jit3A_1272 = arith.constant 0 : i32
    %select_n3A_1273 = arith.select %eq3A_1271, %squeeze3A_848, %jit3A_1272 : i32
    %add3A_1274 = arith.addi %add3A_1269, %select_n3A_1273 : i32
    %eq3A_1275 = arith.constant 2 : i32
    %eq3A_1276 = arith.cmpi eq, %sub3A_1263, %eq3A_1275 : i32
    %jit3A_1277 = arith.constant 0 : i32
    %select_n3A_1278 = arith.select %eq3A_1276, %squeeze3A_855, %jit3A_1277 : i32
    %add3A_1279 = arith.addi %add3A_1274, %select_n3A_1278 : i32
    %eq3A_1280 = arith.constant 3 : i32
    %eq3A_1281 = arith.cmpi eq, %sub3A_1263, %eq3A_1280 : i32
    %jit3A_1282 = arith.constant 0 : i32
    %select_n3A_1283 = arith.select %eq3A_1281, %squeeze3A_862, %jit3A_1282 : i32
    %add3A_1284 = arith.addi %add3A_1279, %select_n3A_1283 : i32
    %eq3A_1285 = arith.constant 4 : i32
    %eq3A_1286 = arith.cmpi eq, %sub3A_1263, %eq3A_1285 : i32
    %jit3A_1287 = arith.constant 0 : i32
    %select_n3A_1288 = arith.select %eq3A_1286, %squeeze3A_869, %jit3A_1287 : i32
    %add3A_1289 = arith.addi %add3A_1284, %select_n3A_1288 : i32
    %eq3A_1290 = arith.constant 5 : i32
    %eq3A_1291 = arith.cmpi eq, %sub3A_1263, %eq3A_1290 : i32
    %jit3A_1292 = arith.constant 0 : i32
    %select_n3A_1293 = arith.select %eq3A_1291, %squeeze3A_876, %jit3A_1292 : i32
    %add3A_1294 = arith.addi %add3A_1289, %select_n3A_1293 : i32
    %eq3A_1295 = arith.constant 6 : i32
    %eq3A_1296 = arith.cmpi eq, %sub3A_1263, %eq3A_1295 : i32
    %jit3A_1297 = arith.constant 0 : i32
    %select_n3A_1298 = arith.select %eq3A_1296, %squeeze3A_883, %jit3A_1297 : i32
    %add3A_1299 = arith.addi %add3A_1294, %select_n3A_1298 : i32
    %eq3A_1300 = arith.constant 7 : i32
    %eq3A_1301 = arith.cmpi eq, %sub3A_1263, %eq3A_1300 : i32
    %jit3A_1302 = arith.constant 0 : i32
    %select_n3A_1303 = arith.select %eq3A_1301, %squeeze3A_890, %jit3A_1302 : i32
    %add3A_1304 = arith.addi %add3A_1299, %select_n3A_1303 : i32
    %eq3A_1305 = arith.constant 8 : i32
    %eq3A_1306 = arith.cmpi eq, %sub3A_1263, %eq3A_1305 : i32
    %jit3A_1307 = arith.constant 0 : i32
    %select_n3A_1308 = arith.select %eq3A_1306, %squeeze3A_897, %jit3A_1307 : i32
    %add3A_1309 = arith.addi %add3A_1304, %select_n3A_1308 : i32
    %eq3A_1310 = arith.constant 9 : i32
    %eq3A_1311 = arith.cmpi eq, %sub3A_1263, %eq3A_1310 : i32
    %jit3A_1312 = arith.constant 0 : i32
    %select_n3A_1313 = arith.select %eq3A_1311, %squeeze3A_904, %jit3A_1312 : i32
    %add3A_1314 = arith.addi %add3A_1309, %select_n3A_1313 : i32
    %eq3A_1315 = arith.constant 10 : i32
    %eq3A_1316 = arith.cmpi eq, %sub3A_1263, %eq3A_1315 : i32
    %jit3A_1317 = arith.constant 0 : i32
    %select_n3A_1318 = arith.select %eq3A_1316, %squeeze3A_911, %jit3A_1317 : i32
    %add3A_1319 = arith.addi %add3A_1314, %select_n3A_1318 : i32
    %eq3A_1320 = arith.constant 11 : i32
    %eq3A_1321 = arith.cmpi eq, %sub3A_1263, %eq3A_1320 : i32
    %jit3A_1322 = arith.constant 0 : i32
    %select_n3A_1323 = arith.select %eq3A_1321, %squeeze3A_918, %jit3A_1322 : i32
    %add3A_1324 = arith.addi %add3A_1319, %select_n3A_1323 : i32
    %eq3A_1325 = arith.constant 12 : i32
    %eq3A_1326 = arith.cmpi eq, %sub3A_1263, %eq3A_1325 : i32
    %jit3A_1327 = arith.constant 0 : i32
    %select_n3A_1328 = arith.select %eq3A_1326, %squeeze3A_925, %jit3A_1327 : i32
    %add3A_1329 = arith.addi %add3A_1324, %select_n3A_1328 : i32
    %eq3A_1330 = arith.constant 13 : i32
    %eq3A_1331 = arith.cmpi eq, %sub3A_1263, %eq3A_1330 : i32
    %jit3A_1332 = arith.constant 0 : i32
    %select_n3A_1333 = arith.select %eq3A_1331, %squeeze3A_932, %jit3A_1332 : i32
    %add3A_1334 = arith.addi %add3A_1329, %select_n3A_1333 : i32
    %eq3A_1335 = arith.constant 14 : i32
    %eq3A_1336 = arith.cmpi eq, %sub3A_1263, %eq3A_1335 : i32
    %jit3A_1337 = arith.constant 0 : i32
    %select_n3A_1338 = arith.select %eq3A_1336, %squeeze3A_939, %jit3A_1337 : i32
    %add3A_1339 = arith.addi %add3A_1334, %select_n3A_1338 : i32
    %eq3A_1340 = arith.constant 15 : i32
    %eq3A_1341 = arith.cmpi eq, %sub3A_1263, %eq3A_1340 : i32
    %jit3A_1342 = arith.constant 0 : i32
    %select_n3A_1343 = arith.select %eq3A_1341, %squeeze3A_946, %jit3A_1342 : i32
    %add3A_1344 = arith.addi %add3A_1339, %select_n3A_1343 : i32
    %ge3A_1345 = arith.cmpi sge, %sub3A_1263, %mul3A_972 : i32
    %jit3A_1346 = arith.constant 1 : i32
    %jit3A_1347 = arith.constant 0 : i32
    %select_n3A_1348 = arith.select %ge3A_1345, %jit3A_1346, %jit3A_1347 : i32
    %mul3A_1349 = arith.muli %mul3A_1261, %select_n3A_1348 : i32
    %mul3A_1350 = arith.muli %mul3A_1349, %add3A_1344 : i32
    %add3A_1351 = arith.addi %add3A_1255, %mul3A_1350 : i32
    %eq3A_1352 = arith.constant 512 : i32
    %eq3A_1353 = arith.cmpi eq, %add3A_1344, %eq3A_1352 : i32
    %jit3A_1354 = arith.constant 1 : i32
    %jit3A_1355 = arith.constant 0 : i32
    %select_n3A_1356 = arith.select %eq3A_1353, %jit3A_1354, %jit3A_1355 : i32
    %mul3A_1357 = arith.muli %mul3A_1349, %select_n3A_1356 : i32
    %sub3A_1358 = arith.constant 5 : i32
    %sub3A_1359 = arith.subi %arg1, %sub3A_1358 : i32
    %eq3A_1360 = arith.constant 0 : i32
    %eq3A_1361 = arith.cmpi eq, %sub3A_1359, %eq3A_1360 : i32
    %jit3A_1362 = arith.constant 0 : i32
    %select_n3A_1363 = arith.select %eq3A_1361, %squeeze3A, %jit3A_1362 : i32
    %add3A_1364 = arith.constant 0 : i32
    %add3A_1365 = arith.addi %add3A_1364, %select_n3A_1363 : i32
    %eq3A_1366 = arith.constant 1 : i32
    %eq3A_1367 = arith.cmpi eq, %sub3A_1359, %eq3A_1366 : i32
    %jit3A_1368 = arith.constant 0 : i32
    %select_n3A_1369 = arith.select %eq3A_1367, %squeeze3A_848, %jit3A_1368 : i32
    %add3A_1370 = arith.addi %add3A_1365, %select_n3A_1369 : i32
    %eq3A_1371 = arith.constant 2 : i32
    %eq3A_1372 = arith.cmpi eq, %sub3A_1359, %eq3A_1371 : i32
    %jit3A_1373 = arith.constant 0 : i32
    %select_n3A_1374 = arith.select %eq3A_1372, %squeeze3A_855, %jit3A_1373 : i32
    %add3A_1375 = arith.addi %add3A_1370, %select_n3A_1374 : i32
    %eq3A_1376 = arith.constant 3 : i32
    %eq3A_1377 = arith.cmpi eq, %sub3A_1359, %eq3A_1376 : i32
    %jit3A_1378 = arith.constant 0 : i32
    %select_n3A_1379 = arith.select %eq3A_1377, %squeeze3A_862, %jit3A_1378 : i32
    %add3A_1380 = arith.addi %add3A_1375, %select_n3A_1379 : i32
    %eq3A_1381 = arith.constant 4 : i32
    %eq3A_1382 = arith.cmpi eq, %sub3A_1359, %eq3A_1381 : i32
    %jit3A_1383 = arith.constant 0 : i32
    %select_n3A_1384 = arith.select %eq3A_1382, %squeeze3A_869, %jit3A_1383 : i32
    %add3A_1385 = arith.addi %add3A_1380, %select_n3A_1384 : i32
    %eq3A_1386 = arith.constant 5 : i32
    %eq3A_1387 = arith.cmpi eq, %sub3A_1359, %eq3A_1386 : i32
    %jit3A_1388 = arith.constant 0 : i32
    %select_n3A_1389 = arith.select %eq3A_1387, %squeeze3A_876, %jit3A_1388 : i32
    %add3A_1390 = arith.addi %add3A_1385, %select_n3A_1389 : i32
    %eq3A_1391 = arith.constant 6 : i32
    %eq3A_1392 = arith.cmpi eq, %sub3A_1359, %eq3A_1391 : i32
    %jit3A_1393 = arith.constant 0 : i32
    %select_n3A_1394 = arith.select %eq3A_1392, %squeeze3A_883, %jit3A_1393 : i32
    %add3A_1395 = arith.addi %add3A_1390, %select_n3A_1394 : i32
    %eq3A_1396 = arith.constant 7 : i32
    %eq3A_1397 = arith.cmpi eq, %sub3A_1359, %eq3A_1396 : i32
    %jit3A_1398 = arith.constant 0 : i32
    %select_n3A_1399 = arith.select %eq3A_1397, %squeeze3A_890, %jit3A_1398 : i32
    %add3A_1400 = arith.addi %add3A_1395, %select_n3A_1399 : i32
    %eq3A_1401 = arith.constant 8 : i32
    %eq3A_1402 = arith.cmpi eq, %sub3A_1359, %eq3A_1401 : i32
    %jit3A_1403 = arith.constant 0 : i32
    %select_n3A_1404 = arith.select %eq3A_1402, %squeeze3A_897, %jit3A_1403 : i32
    %add3A_1405 = arith.addi %add3A_1400, %select_n3A_1404 : i32
    %eq3A_1406 = arith.constant 9 : i32
    %eq3A_1407 = arith.cmpi eq, %sub3A_1359, %eq3A_1406 : i32
    %jit3A_1408 = arith.constant 0 : i32
    %select_n3A_1409 = arith.select %eq3A_1407, %squeeze3A_904, %jit3A_1408 : i32
    %add3A_1410 = arith.addi %add3A_1405, %select_n3A_1409 : i32
    %eq3A_1411 = arith.constant 10 : i32
    %eq3A_1412 = arith.cmpi eq, %sub3A_1359, %eq3A_1411 : i32
    %jit3A_1413 = arith.constant 0 : i32
    %select_n3A_1414 = arith.select %eq3A_1412, %squeeze3A_911, %jit3A_1413 : i32
    %add3A_1415 = arith.addi %add3A_1410, %select_n3A_1414 : i32
    %eq3A_1416 = arith.constant 11 : i32
    %eq3A_1417 = arith.cmpi eq, %sub3A_1359, %eq3A_1416 : i32
    %jit3A_1418 = arith.constant 0 : i32
    %select_n3A_1419 = arith.select %eq3A_1417, %squeeze3A_918, %jit3A_1418 : i32
    %add3A_1420 = arith.addi %add3A_1415, %select_n3A_1419 : i32
    %eq3A_1421 = arith.constant 12 : i32
    %eq3A_1422 = arith.cmpi eq, %sub3A_1359, %eq3A_1421 : i32
    %jit3A_1423 = arith.constant 0 : i32
    %select_n3A_1424 = arith.select %eq3A_1422, %squeeze3A_925, %jit3A_1423 : i32
    %add3A_1425 = arith.addi %add3A_1420, %select_n3A_1424 : i32
    %eq3A_1426 = arith.constant 13 : i32
    %eq3A_1427 = arith.cmpi eq, %sub3A_1359, %eq3A_1426 : i32
    %jit3A_1428 = arith.constant 0 : i32
    %select_n3A_1429 = arith.select %eq3A_1427, %squeeze3A_932, %jit3A_1428 : i32
    %add3A_1430 = arith.addi %add3A_1425, %select_n3A_1429 : i32
    %eq3A_1431 = arith.constant 14 : i32
    %eq3A_1432 = arith.cmpi eq, %sub3A_1359, %eq3A_1431 : i32
    %jit3A_1433 = arith.constant 0 : i32
    %select_n3A_1434 = arith.select %eq3A_1432, %squeeze3A_939, %jit3A_1433 : i32
    %add3A_1435 = arith.addi %add3A_1430, %select_n3A_1434 : i32
    %eq3A_1436 = arith.constant 15 : i32
    %eq3A_1437 = arith.cmpi eq, %sub3A_1359, %eq3A_1436 : i32
    %jit3A_1438 = arith.constant 0 : i32
    %select_n3A_1439 = arith.select %eq3A_1437, %squeeze3A_946, %jit3A_1438 : i32
    %add3A_1440 = arith.addi %add3A_1435, %select_n3A_1439 : i32
    %ge3A_1441 = arith.cmpi sge, %sub3A_1359, %mul3A_972 : i32
    %jit3A_1442 = arith.constant 1 : i32
    %jit3A_1443 = arith.constant 0 : i32
    %select_n3A_1444 = arith.select %ge3A_1441, %jit3A_1442, %jit3A_1443 : i32
    %mul3A_1445 = arith.muli %mul3A_1357, %select_n3A_1444 : i32
    %mul3A_1446 = arith.muli %mul3A_1445, %add3A_1440 : i32
    %add3A_1447 = arith.addi %add3A_1351, %mul3A_1446 : i32
    %eq3A_1448 = arith.constant 512 : i32
    %eq3A_1449 = arith.cmpi eq, %add3A_1440, %eq3A_1448 : i32
    %jit3A_1450 = arith.constant 1 : i32
    %jit3A_1451 = arith.constant 0 : i32
    %select_n3A_1452 = arith.select %eq3A_1449, %jit3A_1450, %jit3A_1451 : i32
    %mul3A_1453 = arith.muli %mul3A_1445, %select_n3A_1452 : i32
    %sub3A_1454 = arith.constant 6 : i32
    %sub3A_1455 = arith.subi %arg1, %sub3A_1454 : i32
    %eq3A_1456 = arith.constant 0 : i32
    %eq3A_1457 = arith.cmpi eq, %sub3A_1455, %eq3A_1456 : i32
    %jit3A_1458 = arith.constant 0 : i32
    %select_n3A_1459 = arith.select %eq3A_1457, %squeeze3A, %jit3A_1458 : i32
    %add3A_1460 = arith.constant 0 : i32
    %add3A_1461 = arith.addi %add3A_1460, %select_n3A_1459 : i32
    %eq3A_1462 = arith.constant 1 : i32
    %eq3A_1463 = arith.cmpi eq, %sub3A_1455, %eq3A_1462 : i32
    %jit3A_1464 = arith.constant 0 : i32
    %select_n3A_1465 = arith.select %eq3A_1463, %squeeze3A_848, %jit3A_1464 : i32
    %add3A_1466 = arith.addi %add3A_1461, %select_n3A_1465 : i32
    %eq3A_1467 = arith.constant 2 : i32
    %eq3A_1468 = arith.cmpi eq, %sub3A_1455, %eq3A_1467 : i32
    %jit3A_1469 = arith.constant 0 : i32
    %select_n3A_1470 = arith.select %eq3A_1468, %squeeze3A_855, %jit3A_1469 : i32
    %add3A_1471 = arith.addi %add3A_1466, %select_n3A_1470 : i32
    %eq3A_1472 = arith.constant 3 : i32
    %eq3A_1473 = arith.cmpi eq, %sub3A_1455, %eq3A_1472 : i32
    %jit3A_1474 = arith.constant 0 : i32
    %select_n3A_1475 = arith.select %eq3A_1473, %squeeze3A_862, %jit3A_1474 : i32
    %add3A_1476 = arith.addi %add3A_1471, %select_n3A_1475 : i32
    %eq3A_1477 = arith.constant 4 : i32
    %eq3A_1478 = arith.cmpi eq, %sub3A_1455, %eq3A_1477 : i32
    %jit3A_1479 = arith.constant 0 : i32
    %select_n3A_1480 = arith.select %eq3A_1478, %squeeze3A_869, %jit3A_1479 : i32
    %add3A_1481 = arith.addi %add3A_1476, %select_n3A_1480 : i32
    %eq3A_1482 = arith.constant 5 : i32
    %eq3A_1483 = arith.cmpi eq, %sub3A_1455, %eq3A_1482 : i32
    %jit3A_1484 = arith.constant 0 : i32
    %select_n3A_1485 = arith.select %eq3A_1483, %squeeze3A_876, %jit3A_1484 : i32
    %add3A_1486 = arith.addi %add3A_1481, %select_n3A_1485 : i32
    %eq3A_1487 = arith.constant 6 : i32
    %eq3A_1488 = arith.cmpi eq, %sub3A_1455, %eq3A_1487 : i32
    %jit3A_1489 = arith.constant 0 : i32
    %select_n3A_1490 = arith.select %eq3A_1488, %squeeze3A_883, %jit3A_1489 : i32
    %add3A_1491 = arith.addi %add3A_1486, %select_n3A_1490 : i32
    %eq3A_1492 = arith.constant 7 : i32
    %eq3A_1493 = arith.cmpi eq, %sub3A_1455, %eq3A_1492 : i32
    %jit3A_1494 = arith.constant 0 : i32
    %select_n3A_1495 = arith.select %eq3A_1493, %squeeze3A_890, %jit3A_1494 : i32
    %add3A_1496 = arith.addi %add3A_1491, %select_n3A_1495 : i32
    %eq3A_1497 = arith.constant 8 : i32
    %eq3A_1498 = arith.cmpi eq, %sub3A_1455, %eq3A_1497 : i32
    %jit3A_1499 = arith.constant 0 : i32
    %select_n3A_1500 = arith.select %eq3A_1498, %squeeze3A_897, %jit3A_1499 : i32
    %add3A_1501 = arith.addi %add3A_1496, %select_n3A_1500 : i32
    %eq3A_1502 = arith.constant 9 : i32
    %eq3A_1503 = arith.cmpi eq, %sub3A_1455, %eq3A_1502 : i32
    %jit3A_1504 = arith.constant 0 : i32
    %select_n3A_1505 = arith.select %eq3A_1503, %squeeze3A_904, %jit3A_1504 : i32
    %add3A_1506 = arith.addi %add3A_1501, %select_n3A_1505 : i32
    %eq3A_1507 = arith.constant 10 : i32
    %eq3A_1508 = arith.cmpi eq, %sub3A_1455, %eq3A_1507 : i32
    %jit3A_1509 = arith.constant 0 : i32
    %select_n3A_1510 = arith.select %eq3A_1508, %squeeze3A_911, %jit3A_1509 : i32
    %add3A_1511 = arith.addi %add3A_1506, %select_n3A_1510 : i32
    %eq3A_1512 = arith.constant 11 : i32
    %eq3A_1513 = arith.cmpi eq, %sub3A_1455, %eq3A_1512 : i32
    %jit3A_1514 = arith.constant 0 : i32
    %select_n3A_1515 = arith.select %eq3A_1513, %squeeze3A_918, %jit3A_1514 : i32
    %add3A_1516 = arith.addi %add3A_1511, %select_n3A_1515 : i32
    %eq3A_1517 = arith.constant 12 : i32
    %eq3A_1518 = arith.cmpi eq, %sub3A_1455, %eq3A_1517 : i32
    %jit3A_1519 = arith.constant 0 : i32
    %select_n3A_1520 = arith.select %eq3A_1518, %squeeze3A_925, %jit3A_1519 : i32
    %add3A_1521 = arith.addi %add3A_1516, %select_n3A_1520 : i32
    %eq3A_1522 = arith.constant 13 : i32
    %eq3A_1523 = arith.cmpi eq, %sub3A_1455, %eq3A_1522 : i32
    %jit3A_1524 = arith.constant 0 : i32
    %select_n3A_1525 = arith.select %eq3A_1523, %squeeze3A_932, %jit3A_1524 : i32
    %add3A_1526 = arith.addi %add3A_1521, %select_n3A_1525 : i32
    %eq3A_1527 = arith.constant 14 : i32
    %eq3A_1528 = arith.cmpi eq, %sub3A_1455, %eq3A_1527 : i32
    %jit3A_1529 = arith.constant 0 : i32
    %select_n3A_1530 = arith.select %eq3A_1528, %squeeze3A_939, %jit3A_1529 : i32
    %add3A_1531 = arith.addi %add3A_1526, %select_n3A_1530 : i32
    %eq3A_1532 = arith.constant 15 : i32
    %eq3A_1533 = arith.cmpi eq, %sub3A_1455, %eq3A_1532 : i32
    %jit3A_1534 = arith.constant 0 : i32
    %select_n3A_1535 = arith.select %eq3A_1533, %squeeze3A_946, %jit3A_1534 : i32
    %add3A_1536 = arith.addi %add3A_1531, %select_n3A_1535 : i32
    %ge3A_1537 = arith.cmpi sge, %sub3A_1455, %mul3A_972 : i32
    %jit3A_1538 = arith.constant 1 : i32
    %jit3A_1539 = arith.constant 0 : i32
    %select_n3A_1540 = arith.select %ge3A_1537, %jit3A_1538, %jit3A_1539 : i32
    %mul3A_1541 = arith.muli %mul3A_1453, %select_n3A_1540 : i32
    %mul3A_1542 = arith.muli %mul3A_1541, %add3A_1536 : i32
    %add3A_1543 = arith.addi %add3A_1447, %mul3A_1542 : i32
    %eq3A_1544 = arith.constant 512 : i32
    %eq3A_1545 = arith.cmpi eq, %add3A_1536, %eq3A_1544 : i32
    %jit3A_1546 = arith.constant 1 : i32
    %jit3A_1547 = arith.constant 0 : i32
    %select_n3A_1548 = arith.select %eq3A_1545, %jit3A_1546, %jit3A_1547 : i32
    %mul3A_1549 = arith.muli %mul3A_1541, %select_n3A_1548 : i32
    %sub3A_1550 = arith.constant 7 : i32
    %sub3A_1551 = arith.subi %arg1, %sub3A_1550 : i32
    %eq3A_1552 = arith.constant 0 : i32
    %eq3A_1553 = arith.cmpi eq, %sub3A_1551, %eq3A_1552 : i32
    %jit3A_1554 = arith.constant 0 : i32
    %select_n3A_1555 = arith.select %eq3A_1553, %squeeze3A, %jit3A_1554 : i32
    %add3A_1556 = arith.constant 0 : i32
    %add3A_1557 = arith.addi %add3A_1556, %select_n3A_1555 : i32
    %eq3A_1558 = arith.constant 1 : i32
    %eq3A_1559 = arith.cmpi eq, %sub3A_1551, %eq3A_1558 : i32
    %jit3A_1560 = arith.constant 0 : i32
    %select_n3A_1561 = arith.select %eq3A_1559, %squeeze3A_848, %jit3A_1560 : i32
    %add3A_1562 = arith.addi %add3A_1557, %select_n3A_1561 : i32
    %eq3A_1563 = arith.constant 2 : i32
    %eq3A_1564 = arith.cmpi eq, %sub3A_1551, %eq3A_1563 : i32
    %jit3A_1565 = arith.constant 0 : i32
    %select_n3A_1566 = arith.select %eq3A_1564, %squeeze3A_855, %jit3A_1565 : i32
    %add3A_1567 = arith.addi %add3A_1562, %select_n3A_1566 : i32
    %eq3A_1568 = arith.constant 3 : i32
    %eq3A_1569 = arith.cmpi eq, %sub3A_1551, %eq3A_1568 : i32
    %jit3A_1570 = arith.constant 0 : i32
    %select_n3A_1571 = arith.select %eq3A_1569, %squeeze3A_862, %jit3A_1570 : i32
    %add3A_1572 = arith.addi %add3A_1567, %select_n3A_1571 : i32
    %eq3A_1573 = arith.constant 4 : i32
    %eq3A_1574 = arith.cmpi eq, %sub3A_1551, %eq3A_1573 : i32
    %jit3A_1575 = arith.constant 0 : i32
    %select_n3A_1576 = arith.select %eq3A_1574, %squeeze3A_869, %jit3A_1575 : i32
    %add3A_1577 = arith.addi %add3A_1572, %select_n3A_1576 : i32
    %eq3A_1578 = arith.constant 5 : i32
    %eq3A_1579 = arith.cmpi eq, %sub3A_1551, %eq3A_1578 : i32
    %jit3A_1580 = arith.constant 0 : i32
    %select_n3A_1581 = arith.select %eq3A_1579, %squeeze3A_876, %jit3A_1580 : i32
    %add3A_1582 = arith.addi %add3A_1577, %select_n3A_1581 : i32
    %eq3A_1583 = arith.constant 6 : i32
    %eq3A_1584 = arith.cmpi eq, %sub3A_1551, %eq3A_1583 : i32
    %jit3A_1585 = arith.constant 0 : i32
    %select_n3A_1586 = arith.select %eq3A_1584, %squeeze3A_883, %jit3A_1585 : i32
    %add3A_1587 = arith.addi %add3A_1582, %select_n3A_1586 : i32
    %eq3A_1588 = arith.constant 7 : i32
    %eq3A_1589 = arith.cmpi eq, %sub3A_1551, %eq3A_1588 : i32
    %jit3A_1590 = arith.constant 0 : i32
    %select_n3A_1591 = arith.select %eq3A_1589, %squeeze3A_890, %jit3A_1590 : i32
    %add3A_1592 = arith.addi %add3A_1587, %select_n3A_1591 : i32
    %eq3A_1593 = arith.constant 8 : i32
    %eq3A_1594 = arith.cmpi eq, %sub3A_1551, %eq3A_1593 : i32
    %jit3A_1595 = arith.constant 0 : i32
    %select_n3A_1596 = arith.select %eq3A_1594, %squeeze3A_897, %jit3A_1595 : i32
    %add3A_1597 = arith.addi %add3A_1592, %select_n3A_1596 : i32
    %eq3A_1598 = arith.constant 9 : i32
    %eq3A_1599 = arith.cmpi eq, %sub3A_1551, %eq3A_1598 : i32
    %jit3A_1600 = arith.constant 0 : i32
    %select_n3A_1601 = arith.select %eq3A_1599, %squeeze3A_904, %jit3A_1600 : i32
    %add3A_1602 = arith.addi %add3A_1597, %select_n3A_1601 : i32
    %eq3A_1603 = arith.constant 10 : i32
    %eq3A_1604 = arith.cmpi eq, %sub3A_1551, %eq3A_1603 : i32
    %jit3A_1605 = arith.constant 0 : i32
    %select_n3A_1606 = arith.select %eq3A_1604, %squeeze3A_911, %jit3A_1605 : i32
    %add3A_1607 = arith.addi %add3A_1602, %select_n3A_1606 : i32
    %eq3A_1608 = arith.constant 11 : i32
    %eq3A_1609 = arith.cmpi eq, %sub3A_1551, %eq3A_1608 : i32
    %jit3A_1610 = arith.constant 0 : i32
    %select_n3A_1611 = arith.select %eq3A_1609, %squeeze3A_918, %jit3A_1610 : i32
    %add3A_1612 = arith.addi %add3A_1607, %select_n3A_1611 : i32
    %eq3A_1613 = arith.constant 12 : i32
    %eq3A_1614 = arith.cmpi eq, %sub3A_1551, %eq3A_1613 : i32
    %jit3A_1615 = arith.constant 0 : i32
    %select_n3A_1616 = arith.select %eq3A_1614, %squeeze3A_925, %jit3A_1615 : i32
    %add3A_1617 = arith.addi %add3A_1612, %select_n3A_1616 : i32
    %eq3A_1618 = arith.constant 13 : i32
    %eq3A_1619 = arith.cmpi eq, %sub3A_1551, %eq3A_1618 : i32
    %jit3A_1620 = arith.constant 0 : i32
    %select_n3A_1621 = arith.select %eq3A_1619, %squeeze3A_932, %jit3A_1620 : i32
    %add3A_1622 = arith.addi %add3A_1617, %select_n3A_1621 : i32
    %eq3A_1623 = arith.constant 14 : i32
    %eq3A_1624 = arith.cmpi eq, %sub3A_1551, %eq3A_1623 : i32
    %jit3A_1625 = arith.constant 0 : i32
    %select_n3A_1626 = arith.select %eq3A_1624, %squeeze3A_939, %jit3A_1625 : i32
    %add3A_1627 = arith.addi %add3A_1622, %select_n3A_1626 : i32
    %eq3A_1628 = arith.constant 15 : i32
    %eq3A_1629 = arith.cmpi eq, %sub3A_1551, %eq3A_1628 : i32
    %jit3A_1630 = arith.constant 0 : i32
    %select_n3A_1631 = arith.select %eq3A_1629, %squeeze3A_946, %jit3A_1630 : i32
    %add3A_1632 = arith.addi %add3A_1627, %select_n3A_1631 : i32
    %ge3A_1633 = arith.cmpi sge, %sub3A_1551, %mul3A_972 : i32
    %jit3A_1634 = arith.constant 1 : i32
    %jit3A_1635 = arith.constant 0 : i32
    %select_n3A_1636 = arith.select %ge3A_1633, %jit3A_1634, %jit3A_1635 : i32
    %mul3A_1637 = arith.muli %mul3A_1549, %select_n3A_1636 : i32
    %mul3A_1638 = arith.muli %mul3A_1637, %add3A_1632 : i32
    %add3A_1639 = arith.addi %add3A_1543, %mul3A_1638 : i32
    %eq3A_1640 = arith.constant 512 : i32
    %eq3A_1641 = arith.cmpi eq, %add3A_1632, %eq3A_1640 : i32
    %jit3A_1642 = arith.constant 1 : i32
    %jit3A_1643 = arith.constant 0 : i32
    %select_n3A_1644 = arith.select %eq3A_1641, %jit3A_1642, %jit3A_1643 : i32
    %mul3A_1645 = arith.muli %mul3A_1637, %select_n3A_1644 : i32
    %dma_wait3A_1646 = arith.constant 0 : i32
    %dma_wait3A_1647 = tpu.memref_slice %arg4[%add3A_50, %dma_wait3A_1646] : memref<16384x1024xf32, #tpu.memory_space<hbm>> -> memref<4x1024xf32, #tpu.memory_space<hbm>>
    %dma_wait3A_1648 = arith.constant 0 : i32
    %dma_wait3A_1649 = tpu.memref_slice %arg4[%add3A_50, %dma_wait3A_1648] : memref<16384x1024xf32, #tpu.memory_space<hbm>> -> memref<4x1024xf32, #tpu.memory_space<hbm>>
    tpu.wait_dma2 semaphore(%arg13 : memref<!tpu.dma_semaphore, #tpu.memory_space<semaphore_mem>>) src(%arg9 : memref<4x1024xf32, #tpu.memory_space<vmem>>) dst(%dma_wait3A_1649 : memref<4x1024xf32, #tpu.memory_space<hbm>>)
    %dma_wait3A_1650 = arith.constant 0 : i32
    %dma_wait3A_1651 = tpu.memref_slice %arg4[%add3A_56, %dma_wait3A_1650] : memref<16384x1024xf32, #tpu.memory_space<hbm>> -> memref<4x1024xf32, #tpu.memory_space<hbm>>
    %dma_wait3A_1652 = arith.constant 0 : i32
    %dma_wait3A_1653 = tpu.memref_slice %arg4[%add3A_56, %dma_wait3A_1652] : memref<16384x1024xf32, #tpu.memory_space<hbm>> -> memref<4x1024xf32, #tpu.memory_space<hbm>>
    tpu.wait_dma2 semaphore(%arg13 : memref<!tpu.dma_semaphore, #tpu.memory_space<semaphore_mem>>) src(%arg9 : memref<4x1024xf32, #tpu.memory_space<vmem>>) dst(%dma_wait3A_1653 : memref<4x1024xf32, #tpu.memory_space<hbm>>)
    %dma_wait3A_1654 = arith.constant 0 : i32
    %dma_wait3A_1655 = tpu.memref_slice %arg4[%add3A_62, %dma_wait3A_1654] : memref<16384x1024xf32, #tpu.memory_space<hbm>> -> memref<4x1024xf32, #tpu.memory_space<hbm>>
    %dma_wait3A_1656 = arith.constant 0 : i32
    %dma_wait3A_1657 = tpu.memref_slice %arg4[%add3A_62, %dma_wait3A_1656] : memref<16384x1024xf32, #tpu.memory_space<hbm>> -> memref<4x1024xf32, #tpu.memory_space<hbm>>
    tpu.wait_dma2 semaphore(%arg13 : memref<!tpu.dma_semaphore, #tpu.memory_space<semaphore_mem>>) src(%arg9 : memref<4x1024xf32, #tpu.memory_space<vmem>>) dst(%dma_wait3A_1657 : memref<4x1024xf32, #tpu.memory_space<hbm>>)
    %dma_wait3A_1658 = arith.constant 0 : i32
    %dma_wait3A_1659 = tpu.memref_slice %arg4[%add3A_68, %dma_wait3A_1658] : memref<16384x1024xf32, #tpu.memory_space<hbm>> -> memref<4x1024xf32, #tpu.memory_space<hbm>>
    %dma_wait3A_1660 = arith.constant 0 : i32
    %dma_wait3A_1661 = tpu.memref_slice %arg4[%add3A_68, %dma_wait3A_1660] : memref<16384x1024xf32, #tpu.memory_space<hbm>> -> memref<4x1024xf32, #tpu.memory_space<hbm>>
    tpu.wait_dma2 semaphore(%arg13 : memref<!tpu.dma_semaphore, #tpu.memory_space<semaphore_mem>>) src(%arg9 : memref<4x1024xf32, #tpu.memory_space<vmem>>) dst(%dma_wait3A_1661 : memref<4x1024xf32, #tpu.memory_space<hbm>>)
    %dma_wait3A_1662 = arith.constant 0 : i32
    %dma_wait3A_1663 = tpu.memref_slice %arg4[%add3A_74, %dma_wait3A_1662] : memref<16384x1024xf32, #tpu.memory_space<hbm>> -> memref<4x1024xf32, #tpu.memory_space<hbm>>
    %dma_wait3A_1664 = arith.constant 0 : i32
    %dma_wait3A_1665 = tpu.memref_slice %arg4[%add3A_74, %dma_wait3A_1664] : memref<16384x1024xf32, #tpu.memory_space<hbm>> -> memref<4x1024xf32, #tpu.memory_space<hbm>>
    tpu.wait_dma2 semaphore(%arg13 : memref<!tpu.dma_semaphore, #tpu.memory_space<semaphore_mem>>) src(%arg9 : memref<4x1024xf32, #tpu.memory_space<vmem>>) dst(%dma_wait3A_1665 : memref<4x1024xf32, #tpu.memory_space<hbm>>)
    %dma_wait3A_1666 = arith.constant 0 : i32
    %dma_wait3A_1667 = tpu.memref_slice %arg4[%add3A_80, %dma_wait3A_1666] : memref<16384x1024xf32, #tpu.memory_space<hbm>> -> memref<4x1024xf32, #tpu.memory_space<hbm>>
    %dma_wait3A_1668 = arith.constant 0 : i32
    %dma_wait3A_1669 = tpu.memref_slice %arg4[%add3A_80, %dma_wait3A_1668] : memref<16384x1024xf32, #tpu.memory_space<hbm>> -> memref<4x1024xf32, #tpu.memory_space<hbm>>
    tpu.wait_dma2 semaphore(%arg13 : memref<!tpu.dma_semaphore, #tpu.memory_space<semaphore_mem>>) src(%arg9 : memref<4x1024xf32, #tpu.memory_space<vmem>>) dst(%dma_wait3A_1669 : memref<4x1024xf32, #tpu.memory_space<hbm>>)
    %dma_wait3A_1670 = arith.constant 0 : i32
    %dma_wait3A_1671 = tpu.memref_slice %arg4[%add3A_86, %dma_wait3A_1670] : memref<16384x1024xf32, #tpu.memory_space<hbm>> -> memref<4x1024xf32, #tpu.memory_space<hbm>>
    %dma_wait3A_1672 = arith.constant 0 : i32
    %dma_wait3A_1673 = tpu.memref_slice %arg4[%add3A_86, %dma_wait3A_1672] : memref<16384x1024xf32, #tpu.memory_space<hbm>> -> memref<4x1024xf32, #tpu.memory_space<hbm>>
    tpu.wait_dma2 semaphore(%arg13 : memref<!tpu.dma_semaphore, #tpu.memory_space<semaphore_mem>>) src(%arg9 : memref<4x1024xf32, #tpu.memory_space<vmem>>) dst(%dma_wait3A_1673 : memref<4x1024xf32, #tpu.memory_space<hbm>>)
    %dma_wait3A_1674 = arith.constant 0 : i32
    %dma_wait3A_1675 = tpu.memref_slice %arg4[%add3A_92, %dma_wait3A_1674] : memref<16384x1024xf32, #tpu.memory_space<hbm>> -> memref<4x1024xf32, #tpu.memory_space<hbm>>
    %dma_wait3A_1676 = arith.constant 0 : i32
    %dma_wait3A_1677 = tpu.memref_slice %arg4[%add3A_92, %dma_wait3A_1676] : memref<16384x1024xf32, #tpu.memory_space<hbm>> -> memref<4x1024xf32, #tpu.memory_space<hbm>>
    tpu.wait_dma2 semaphore(%arg13 : memref<!tpu.dma_semaphore, #tpu.memory_space<semaphore_mem>>) src(%arg9 : memref<4x1024xf32, #tpu.memory_space<vmem>>) dst(%dma_wait3A_1677 : memref<4x1024xf32, #tpu.memory_space<hbm>>)
    %dma_wait3A_1678 = arith.constant 0 : i32
    %dma_wait3A_1679 = tpu.memref_slice %arg4[%add3A_98, %dma_wait3A_1678] : memref<16384x1024xf32, #tpu.memory_space<hbm>> -> memref<4x1024xf32, #tpu.memory_space<hbm>>
    %dma_wait3A_1680 = arith.constant 0 : i32
    %dma_wait3A_1681 = tpu.memref_slice %arg4[%add3A_98, %dma_wait3A_1680] : memref<16384x1024xf32, #tpu.memory_space<hbm>> -> memref<4x1024xf32, #tpu.memory_space<hbm>>
    tpu.wait_dma2 semaphore(%arg13 : memref<!tpu.dma_semaphore, #tpu.memory_space<semaphore_mem>>) src(%arg9 : memref<4x1024xf32, #tpu.memory_space<vmem>>) dst(%dma_wait3A_1681 : memref<4x1024xf32, #tpu.memory_space<hbm>>)
    %dma_wait3A_1682 = arith.constant 0 : i32
    %dma_wait3A_1683 = tpu.memref_slice %arg4[%add3A_104, %dma_wait3A_1682] : memref<16384x1024xf32, #tpu.memory_space<hbm>> -> memref<4x1024xf32, #tpu.memory_space<hbm>>
    %dma_wait3A_1684 = arith.constant 0 : i32
    %dma_wait3A_1685 = tpu.memref_slice %arg4[%add3A_104, %dma_wait3A_1684] : memref<16384x1024xf32, #tpu.memory_space<hbm>> -> memref<4x1024xf32, #tpu.memory_space<hbm>>
    tpu.wait_dma2 semaphore(%arg13 : memref<!tpu.dma_semaphore, #tpu.memory_space<semaphore_mem>>) src(%arg9 : memref<4x1024xf32, #tpu.memory_space<vmem>>) dst(%dma_wait3A_1685 : memref<4x1024xf32, #tpu.memory_space<hbm>>)
    %dma_wait3A_1686 = arith.constant 0 : i32
    %dma_wait3A_1687 = tpu.memref_slice %arg4[%add3A_110, %dma_wait3A_1686] : memref<16384x1024xf32, #tpu.memory_space<hbm>> -> memref<4x1024xf32, #tpu.memory_space<hbm>>
    %dma_wait3A_1688 = arith.constant 0 : i32
    %dma_wait3A_1689 = tpu.memref_slice %arg4[%add3A_110, %dma_wait3A_1688] : memref<16384x1024xf32, #tpu.memory_space<hbm>> -> memref<4x1024xf32, #tpu.memory_space<hbm>>
    tpu.wait_dma2 semaphore(%arg13 : memref<!tpu.dma_semaphore, #tpu.memory_space<semaphore_mem>>) src(%arg9 : memref<4x1024xf32, #tpu.memory_space<vmem>>) dst(%dma_wait3A_1689 : memref<4x1024xf32, #tpu.memory_space<hbm>>)
    %dma_wait3A_1690 = arith.constant 0 : i32
    %dma_wait3A_1691 = tpu.memref_slice %arg4[%add3A_116, %dma_wait3A_1690] : memref<16384x1024xf32, #tpu.memory_space<hbm>> -> memref<4x1024xf32, #tpu.memory_space<hbm>>
    %dma_wait3A_1692 = arith.constant 0 : i32
    %dma_wait3A_1693 = tpu.memref_slice %arg4[%add3A_116, %dma_wait3A_1692] : memref<16384x1024xf32, #tpu.memory_space<hbm>> -> memref<4x1024xf32, #tpu.memory_space<hbm>>
    tpu.wait_dma2 semaphore(%arg13 : memref<!tpu.dma_semaphore, #tpu.memory_space<semaphore_mem>>) src(%arg9 : memref<4x1024xf32, #tpu.memory_space<vmem>>) dst(%dma_wait3A_1693 : memref<4x1024xf32, #tpu.memory_space<hbm>>)
    %dma_wait3A_1694 = arith.constant 0 : i32
    %dma_wait3A_1695 = tpu.memref_slice %arg4[%add3A_122, %dma_wait3A_1694] : memref<16384x1024xf32, #tpu.memory_space<hbm>> -> memref<4x1024xf32, #tpu.memory_space<hbm>>
    %dma_wait3A_1696 = arith.constant 0 : i32
    %dma_wait3A_1697 = tpu.memref_slice %arg4[%add3A_122, %dma_wait3A_1696] : memref<16384x1024xf32, #tpu.memory_space<hbm>> -> memref<4x1024xf32, #tpu.memory_space<hbm>>
    tpu.wait_dma2 semaphore(%arg13 : memref<!tpu.dma_semaphore, #tpu.memory_space<semaphore_mem>>) src(%arg9 : memref<4x1024xf32, #tpu.memory_space<vmem>>) dst(%dma_wait3A_1697 : memref<4x1024xf32, #tpu.memory_space<hbm>>)
    %dma_wait3A_1698 = arith.constant 0 : i32
    %dma_wait3A_1699 = tpu.memref_slice %arg4[%add3A_128, %dma_wait3A_1698] : memref<16384x1024xf32, #tpu.memory_space<hbm>> -> memref<4x1024xf32, #tpu.memory_space<hbm>>
    %dma_wait3A_1700 = arith.constant 0 : i32
    %dma_wait3A_1701 = tpu.memref_slice %arg4[%add3A_128, %dma_wait3A_1700] : memref<16384x1024xf32, #tpu.memory_space<hbm>> -> memref<4x1024xf32, #tpu.memory_space<hbm>>
    tpu.wait_dma2 semaphore(%arg13 : memref<!tpu.dma_semaphore, #tpu.memory_space<semaphore_mem>>) src(%arg9 : memref<4x1024xf32, #tpu.memory_space<vmem>>) dst(%dma_wait3A_1701 : memref<4x1024xf32, #tpu.memory_space<hbm>>)
    %dma_wait3A_1702 = arith.constant 0 : i32
    %dma_wait3A_1703 = tpu.memref_slice %arg4[%add3A_134, %dma_wait3A_1702] : memref<16384x1024xf32, #tpu.memory_space<hbm>> -> memref<4x1024xf32, #tpu.memory_space<hbm>>
    %dma_wait3A_1704 = arith.constant 0 : i32
    %dma_wait3A_1705 = tpu.memref_slice %arg4[%add3A_134, %dma_wait3A_1704] : memref<16384x1024xf32, #tpu.memory_space<hbm>> -> memref<4x1024xf32, #tpu.memory_space<hbm>>
    tpu.wait_dma2 semaphore(%arg13 : memref<!tpu.dma_semaphore, #tpu.memory_space<semaphore_mem>>) src(%arg9 : memref<4x1024xf32, #tpu.memory_space<vmem>>) dst(%dma_wait3A_1705 : memref<4x1024xf32, #tpu.memory_space<hbm>>)
    %dma_wait3A_1706 = arith.constant 0 : i32
    %dma_wait3A_1707 = tpu.memref_slice %arg4[%add3A_140, %dma_wait3A_1706] : memref<16384x1024xf32, #tpu.memory_space<hbm>> -> memref<4x1024xf32, #tpu.memory_space<hbm>>
    %dma_wait3A_1708 = arith.constant 0 : i32
    %dma_wait3A_1709 = tpu.memref_slice %arg4[%add3A_140, %dma_wait3A_1708] : memref<16384x1024xf32, #tpu.memory_space<hbm>> -> memref<4x1024xf32, #tpu.memory_space<hbm>>
    tpu.wait_dma2 semaphore(%arg13 : memref<!tpu.dma_semaphore, #tpu.memory_space<semaphore_mem>>) src(%arg9 : memref<4x1024xf32, #tpu.memory_space<vmem>>) dst(%dma_wait3A_1709 : memref<4x1024xf32, #tpu.memory_space<hbm>>)
    %dma_wait3A_1710 = arith.constant 0 : i32
    %dma_wait3A_1711 = tpu.memref_slice %arg4[%add3A_146, %dma_wait3A_1710] : memref<16384x1024xf32, #tpu.memory_space<hbm>> -> memref<4x1024xf32, #tpu.memory_space<hbm>>
    %dma_wait3A_1712 = arith.constant 0 : i32
    %dma_wait3A_1713 = tpu.memref_slice %arg4[%add3A_146, %dma_wait3A_1712] : memref<16384x1024xf32, #tpu.memory_space<hbm>> -> memref<4x1024xf32, #tpu.memory_space<hbm>>
    tpu.wait_dma2 semaphore(%arg13 : memref<!tpu.dma_semaphore, #tpu.memory_space<semaphore_mem>>) src(%arg9 : memref<4x1024xf32, #tpu.memory_space<vmem>>) dst(%dma_wait3A_1713 : memref<4x1024xf32, #tpu.memory_space<hbm>>)
    %dma_wait3A_1714 = arith.constant 0 : i32
    %dma_wait3A_1715 = tpu.memref_slice %arg4[%add3A_152, %dma_wait3A_1714] : memref<16384x1024xf32, #tpu.memory_space<hbm>> -> memref<4x1024xf32, #tpu.memory_space<hbm>>
    %dma_wait3A_1716 = arith.constant 0 : i32
    %dma_wait3A_1717 = tpu.memref_slice %arg4[%add3A_152, %dma_wait3A_1716] : memref<16384x1024xf32, #tpu.memory_space<hbm>> -> memref<4x1024xf32, #tpu.memory_space<hbm>>
    tpu.wait_dma2 semaphore(%arg13 : memref<!tpu.dma_semaphore, #tpu.memory_space<semaphore_mem>>) src(%arg9 : memref<4x1024xf32, #tpu.memory_space<vmem>>) dst(%dma_wait3A_1717 : memref<4x1024xf32, #tpu.memory_space<hbm>>)
    %dma_wait3A_1718 = arith.constant 0 : i32
    %dma_wait3A_1719 = tpu.memref_slice %arg4[%add3A_158, %dma_wait3A_1718] : memref<16384x1024xf32, #tpu.memory_space<hbm>> -> memref<4x1024xf32, #tpu.memory_space<hbm>>
    %dma_wait3A_1720 = arith.constant 0 : i32
    %dma_wait3A_1721 = tpu.memref_slice %arg4[%add3A_158, %dma_wait3A_1720] : memref<16384x1024xf32, #tpu.memory_space<hbm>> -> memref<4x1024xf32, #tpu.memory_space<hbm>>
    tpu.wait_dma2 semaphore(%arg13 : memref<!tpu.dma_semaphore, #tpu.memory_space<semaphore_mem>>) src(%arg9 : memref<4x1024xf32, #tpu.memory_space<vmem>>) dst(%dma_wait3A_1721 : memref<4x1024xf32, #tpu.memory_space<hbm>>)
    %dma_wait3A_1722 = arith.constant 0 : i32
    %dma_wait3A_1723 = tpu.memref_slice %arg4[%add3A_164, %dma_wait3A_1722] : memref<16384x1024xf32, #tpu.memory_space<hbm>> -> memref<4x1024xf32, #tpu.memory_space<hbm>>
    %dma_wait3A_1724 = arith.constant 0 : i32
    %dma_wait3A_1725 = tpu.memref_slice %arg4[%add3A_164, %dma_wait3A_1724] : memref<16384x1024xf32, #tpu.memory_space<hbm>> -> memref<4x1024xf32, #tpu.memory_space<hbm>>
    tpu.wait_dma2 semaphore(%arg13 : memref<!tpu.dma_semaphore, #tpu.memory_space<semaphore_mem>>) src(%arg9 : memref<4x1024xf32, #tpu.memory_space<vmem>>) dst(%dma_wait3A_1725 : memref<4x1024xf32, #tpu.memory_space<hbm>>)
    %dma_wait3A_1726 = arith.constant 0 : i32
    %dma_wait3A_1727 = tpu.memref_slice %arg4[%add3A_170, %dma_wait3A_1726] : memref<16384x1024xf32, #tpu.memory_space<hbm>> -> memref<4x1024xf32, #tpu.memory_space<hbm>>
    %dma_wait3A_1728 = arith.constant 0 : i32
    %dma_wait3A_1729 = tpu.memref_slice %arg4[%add3A_170, %dma_wait3A_1728] : memref<16384x1024xf32, #tpu.memory_space<hbm>> -> memref<4x1024xf32, #tpu.memory_space<hbm>>
    tpu.wait_dma2 semaphore(%arg13 : memref<!tpu.dma_semaphore, #tpu.memory_space<semaphore_mem>>) src(%arg9 : memref<4x1024xf32, #tpu.memory_space<vmem>>) dst(%dma_wait3A_1729 : memref<4x1024xf32, #tpu.memory_space<hbm>>)
    %dma_wait3A_1730 = arith.constant 0 : i32
    %dma_wait3A_1731 = tpu.memref_slice %arg4[%add3A_176, %dma_wait3A_1730] : memref<16384x1024xf32, #tpu.memory_space<hbm>> -> memref<4x1024xf32, #tpu.memory_space<hbm>>
    %dma_wait3A_1732 = arith.constant 0 : i32
    %dma_wait3A_1733 = tpu.memref_slice %arg4[%add3A_176, %dma_wait3A_1732] : memref<16384x1024xf32, #tpu.memory_space<hbm>> -> memref<4x1024xf32, #tpu.memory_space<hbm>>
    tpu.wait_dma2 semaphore(%arg13 : memref<!tpu.dma_semaphore, #tpu.memory_space<semaphore_mem>>) src(%arg9 : memref<4x1024xf32, #tpu.memory_space<vmem>>) dst(%dma_wait3A_1733 : memref<4x1024xf32, #tpu.memory_space<hbm>>)
    %dma_wait3A_1734 = arith.constant 0 : i32
    %dma_wait3A_1735 = tpu.memref_slice %arg4[%add3A_182, %dma_wait3A_1734] : memref<16384x1024xf32, #tpu.memory_space<hbm>> -> memref<4x1024xf32, #tpu.memory_space<hbm>>
    %dma_wait3A_1736 = arith.constant 0 : i32
    %dma_wait3A_1737 = tpu.memref_slice %arg4[%add3A_182, %dma_wait3A_1736] : memref<16384x1024xf32, #tpu.memory_space<hbm>> -> memref<4x1024xf32, #tpu.memory_space<hbm>>
    tpu.wait_dma2 semaphore(%arg13 : memref<!tpu.dma_semaphore, #tpu.memory_space<semaphore_mem>>) src(%arg9 : memref<4x1024xf32, #tpu.memory_space<vmem>>) dst(%dma_wait3A_1737 : memref<4x1024xf32, #tpu.memory_space<hbm>>)
    %dma_wait3A_1738 = arith.constant 0 : i32
    %dma_wait3A_1739 = tpu.memref_slice %arg4[%add3A_188, %dma_wait3A_1738] : memref<16384x1024xf32, #tpu.memory_space<hbm>> -> memref<4x1024xf32, #tpu.memory_space<hbm>>
    %dma_wait3A_1740 = arith.constant 0 : i32
    %dma_wait3A_1741 = tpu.memref_slice %arg4[%add3A_188, %dma_wait3A_1740] : memref<16384x1024xf32, #tpu.memory_space<hbm>> -> memref<4x1024xf32, #tpu.memory_space<hbm>>
    tpu.wait_dma2 semaphore(%arg13 : memref<!tpu.dma_semaphore, #tpu.memory_space<semaphore_mem>>) src(%arg9 : memref<4x1024xf32, #tpu.memory_space<vmem>>) dst(%dma_wait3A_1741 : memref<4x1024xf32, #tpu.memory_space<hbm>>)
    %dma_wait3A_1742 = arith.constant 0 : i32
    %dma_wait3A_1743 = tpu.memref_slice %arg4[%add3A_194, %dma_wait3A_1742] : memref<16384x1024xf32, #tpu.memory_space<hbm>> -> memref<4x1024xf32, #tpu.memory_space<hbm>>
    %dma_wait3A_1744 = arith.constant 0 : i32
    %dma_wait3A_1745 = tpu.memref_slice %arg4[%add3A_194, %dma_wait3A_1744] : memref<16384x1024xf32, #tpu.memory_space<hbm>> -> memref<4x1024xf32, #tpu.memory_space<hbm>>
    tpu.wait_dma2 semaphore(%arg13 : memref<!tpu.dma_semaphore, #tpu.memory_space<semaphore_mem>>) src(%arg9 : memref<4x1024xf32, #tpu.memory_space<vmem>>) dst(%dma_wait3A_1745 : memref<4x1024xf32, #tpu.memory_space<hbm>>)
    %dma_wait3A_1746 = arith.constant 0 : i32
    %dma_wait3A_1747 = tpu.memref_slice %arg4[%add3A_200, %dma_wait3A_1746] : memref<16384x1024xf32, #tpu.memory_space<hbm>> -> memref<4x1024xf32, #tpu.memory_space<hbm>>
    %dma_wait3A_1748 = arith.constant 0 : i32
    %dma_wait3A_1749 = tpu.memref_slice %arg4[%add3A_200, %dma_wait3A_1748] : memref<16384x1024xf32, #tpu.memory_space<hbm>> -> memref<4x1024xf32, #tpu.memory_space<hbm>>
    tpu.wait_dma2 semaphore(%arg13 : memref<!tpu.dma_semaphore, #tpu.memory_space<semaphore_mem>>) src(%arg9 : memref<4x1024xf32, #tpu.memory_space<vmem>>) dst(%dma_wait3A_1749 : memref<4x1024xf32, #tpu.memory_space<hbm>>)
    %dma_wait3A_1750 = arith.constant 0 : i32
    %dma_wait3A_1751 = tpu.memref_slice %arg4[%add3A_206, %dma_wait3A_1750] : memref<16384x1024xf32, #tpu.memory_space<hbm>> -> memref<4x1024xf32, #tpu.memory_space<hbm>>
    %dma_wait3A_1752 = arith.constant 0 : i32
    %dma_wait3A_1753 = tpu.memref_slice %arg4[%add3A_206, %dma_wait3A_1752] : memref<16384x1024xf32, #tpu.memory_space<hbm>> -> memref<4x1024xf32, #tpu.memory_space<hbm>>
    tpu.wait_dma2 semaphore(%arg13 : memref<!tpu.dma_semaphore, #tpu.memory_space<semaphore_mem>>) src(%arg9 : memref<4x1024xf32, #tpu.memory_space<vmem>>) dst(%dma_wait3A_1753 : memref<4x1024xf32, #tpu.memory_space<hbm>>)
    %dma_wait3A_1754 = arith.constant 0 : i32
    %dma_wait3A_1755 = tpu.memref_slice %arg4[%add3A_212, %dma_wait3A_1754] : memref<16384x1024xf32, #tpu.memory_space<hbm>> -> memref<4x1024xf32, #tpu.memory_space<hbm>>
    %dma_wait3A_1756 = arith.constant 0 : i32
    %dma_wait3A_1757 = tpu.memref_slice %arg4[%add3A_212, %dma_wait3A_1756] : memref<16384x1024xf32, #tpu.memory_space<hbm>> -> memref<4x1024xf32, #tpu.memory_space<hbm>>
    tpu.wait_dma2 semaphore(%arg13 : memref<!tpu.dma_semaphore, #tpu.memory_space<semaphore_mem>>) src(%arg9 : memref<4x1024xf32, #tpu.memory_space<vmem>>) dst(%dma_wait3A_1757 : memref<4x1024xf32, #tpu.memory_space<hbm>>)
    %dma_wait3A_1758 = arith.constant 0 : i32
    %dma_wait3A_1759 = tpu.memref_slice %arg4[%add3A_218, %dma_wait3A_1758] : memref<16384x1024xf32, #tpu.memory_space<hbm>> -> memref<4x1024xf32, #tpu.memory_space<hbm>>
    %dma_wait3A_1760 = arith.constant 0 : i32
    %dma_wait3A_1761 = tpu.memref_slice %arg4[%add3A_218, %dma_wait3A_1760] : memref<16384x1024xf32, #tpu.memory_space<hbm>> -> memref<4x1024xf32, #tpu.memory_space<hbm>>
    tpu.wait_dma2 semaphore(%arg13 : memref<!tpu.dma_semaphore, #tpu.memory_space<semaphore_mem>>) src(%arg9 : memref<4x1024xf32, #tpu.memory_space<vmem>>) dst(%dma_wait3A_1761 : memref<4x1024xf32, #tpu.memory_space<hbm>>)
    %dma_wait3A_1762 = arith.constant 0 : i32
    %dma_wait3A_1763 = tpu.memref_slice %arg4[%add3A_224, %dma_wait3A_1762] : memref<16384x1024xf32, #tpu.memory_space<hbm>> -> memref<4x1024xf32, #tpu.memory_space<hbm>>
    %dma_wait3A_1764 = arith.constant 0 : i32
    %dma_wait3A_1765 = tpu.memref_slice %arg4[%add3A_224, %dma_wait3A_1764] : memref<16384x1024xf32, #tpu.memory_space<hbm>> -> memref<4x1024xf32, #tpu.memory_space<hbm>>
    tpu.wait_dma2 semaphore(%arg13 : memref<!tpu.dma_semaphore, #tpu.memory_space<semaphore_mem>>) src(%arg9 : memref<4x1024xf32, #tpu.memory_space<vmem>>) dst(%dma_wait3A_1765 : memref<4x1024xf32, #tpu.memory_space<hbm>>)
    %dma_wait3A_1766 = arith.constant 0 : i32
    %dma_wait3A_1767 = tpu.memref_slice %arg4[%add3A_230, %dma_wait3A_1766] : memref<16384x1024xf32, #tpu.memory_space<hbm>> -> memref<4x1024xf32, #tpu.memory_space<hbm>>
    %dma_wait3A_1768 = arith.constant 0 : i32
    %dma_wait3A_1769 = tpu.memref_slice %arg4[%add3A_230, %dma_wait3A_1768] : memref<16384x1024xf32, #tpu.memory_space<hbm>> -> memref<4x1024xf32, #tpu.memory_space<hbm>>
    tpu.wait_dma2 semaphore(%arg13 : memref<!tpu.dma_semaphore, #tpu.memory_space<semaphore_mem>>) src(%arg9 : memref<4x1024xf32, #tpu.memory_space<vmem>>) dst(%dma_wait3A_1769 : memref<4x1024xf32, #tpu.memory_space<hbm>>)
    %dma_wait3A_1770 = arith.constant 0 : i32
    %dma_wait3A_1771 = tpu.memref_slice %arg4[%add3A_236, %dma_wait3A_1770] : memref<16384x1024xf32, #tpu.memory_space<hbm>> -> memref<4x1024xf32, #tpu.memory_space<hbm>>
    %dma_wait3A_1772 = arith.constant 0 : i32
    %dma_wait3A_1773 = tpu.memref_slice %arg4[%add3A_236, %dma_wait3A_1772] : memref<16384x1024xf32, #tpu.memory_space<hbm>> -> memref<4x1024xf32, #tpu.memory_space<hbm>>
    tpu.wait_dma2 semaphore(%arg13 : memref<!tpu.dma_semaphore, #tpu.memory_space<semaphore_mem>>) src(%arg9 : memref<4x1024xf32, #tpu.memory_space<vmem>>) dst(%dma_wait3A_1773 : memref<4x1024xf32, #tpu.memory_space<hbm>>)
    %dma_wait3A_1774 = arith.constant 0 : i32
    %dma_wait3A_1775 = tpu.memref_slice %arg4[%add3A_242, %dma_wait3A_1774] : memref<16384x1024xf32, #tpu.memory_space<hbm>> -> memref<4x1024xf32, #tpu.memory_space<hbm>>
    %dma_wait3A_1776 = arith.constant 0 : i32
    %dma_wait3A_1777 = tpu.memref_slice %arg4[%add3A_242, %dma_wait3A_1776] : memref<16384x1024xf32, #tpu.memory_space<hbm>> -> memref<4x1024xf32, #tpu.memory_space<hbm>>
    tpu.wait_dma2 semaphore(%arg13 : memref<!tpu.dma_semaphore, #tpu.memory_space<semaphore_mem>>) src(%arg9 : memref<4x1024xf32, #tpu.memory_space<vmem>>) dst(%dma_wait3A_1777 : memref<4x1024xf32, #tpu.memory_space<hbm>>)
    %dma_wait3A_1778 = arith.constant 0 : i32
    %dma_wait3A_1779 = tpu.memref_slice %arg4[%add3A_248, %dma_wait3A_1778] : memref<16384x1024xf32, #tpu.memory_space<hbm>> -> memref<4x1024xf32, #tpu.memory_space<hbm>>
    %dma_wait3A_1780 = arith.constant 0 : i32
    %dma_wait3A_1781 = tpu.memref_slice %arg4[%add3A_248, %dma_wait3A_1780] : memref<16384x1024xf32, #tpu.memory_space<hbm>> -> memref<4x1024xf32, #tpu.memory_space<hbm>>
    tpu.wait_dma2 semaphore(%arg13 : memref<!tpu.dma_semaphore, #tpu.memory_space<semaphore_mem>>) src(%arg9 : memref<4x1024xf32, #tpu.memory_space<vmem>>) dst(%dma_wait3A_1781 : memref<4x1024xf32, #tpu.memory_space<hbm>>)
    %dma_wait3A_1782 = arith.constant 0 : i32
    %dma_wait3A_1783 = tpu.memref_slice %arg4[%add3A_254, %dma_wait3A_1782] : memref<16384x1024xf32, #tpu.memory_space<hbm>> -> memref<4x1024xf32, #tpu.memory_space<hbm>>
    %dma_wait3A_1784 = arith.constant 0 : i32
    %dma_wait3A_1785 = tpu.memref_slice %arg4[%add3A_254, %dma_wait3A_1784] : memref<16384x1024xf32, #tpu.memory_space<hbm>> -> memref<4x1024xf32, #tpu.memory_space<hbm>>
    tpu.wait_dma2 semaphore(%arg13 : memref<!tpu.dma_semaphore, #tpu.memory_space<semaphore_mem>>) src(%arg9 : memref<4x1024xf32, #tpu.memory_space<vmem>>) dst(%dma_wait3A_1785 : memref<4x1024xf32, #tpu.memory_space<hbm>>)
    %dma_wait3A_1786 = arith.constant 0 : i32
    %dma_wait3A_1787 = tpu.memref_slice %arg4[%add3A_260, %dma_wait3A_1786] : memref<16384x1024xf32, #tpu.memory_space<hbm>> -> memref<4x1024xf32, #tpu.memory_space<hbm>>
    %dma_wait3A_1788 = arith.constant 0 : i32
    %dma_wait3A_1789 = tpu.memref_slice %arg4[%add3A_260, %dma_wait3A_1788] : memref<16384x1024xf32, #tpu.memory_space<hbm>> -> memref<4x1024xf32, #tpu.memory_space<hbm>>
    tpu.wait_dma2 semaphore(%arg13 : memref<!tpu.dma_semaphore, #tpu.memory_space<semaphore_mem>>) src(%arg9 : memref<4x1024xf32, #tpu.memory_space<vmem>>) dst(%dma_wait3A_1789 : memref<4x1024xf32, #tpu.memory_space<hbm>>)
    %dma_wait3A_1790 = arith.constant 0 : i32
    %dma_wait3A_1791 = tpu.memref_slice %arg4[%add3A_266, %dma_wait3A_1790] : memref<16384x1024xf32, #tpu.memory_space<hbm>> -> memref<4x1024xf32, #tpu.memory_space<hbm>>
    %dma_wait3A_1792 = arith.constant 0 : i32
    %dma_wait3A_1793 = tpu.memref_slice %arg4[%add3A_266, %dma_wait3A_1792] : memref<16384x1024xf32, #tpu.memory_space<hbm>> -> memref<4x1024xf32, #tpu.memory_space<hbm>>
    tpu.wait_dma2 semaphore(%arg13 : memref<!tpu.dma_semaphore, #tpu.memory_space<semaphore_mem>>) src(%arg9 : memref<4x1024xf32, #tpu.memory_space<vmem>>) dst(%dma_wait3A_1793 : memref<4x1024xf32, #tpu.memory_space<hbm>>)
    %dma_wait3A_1794 = arith.constant 0 : i32
    %dma_wait3A_1795 = tpu.memref_slice %arg4[%add3A_272, %dma_wait3A_1794] : memref<16384x1024xf32, #tpu.memory_space<hbm>> -> memref<4x1024xf32, #tpu.memory_space<hbm>>
    %dma_wait3A_1796 = arith.constant 0 : i32
    %dma_wait3A_1797 = tpu.memref_slice %arg4[%add3A_272, %dma_wait3A_1796] : memref<16384x1024xf32, #tpu.memory_space<hbm>> -> memref<4x1024xf32, #tpu.memory_space<hbm>>
    tpu.wait_dma2 semaphore(%arg13 : memref<!tpu.dma_semaphore, #tpu.memory_space<semaphore_mem>>) src(%arg9 : memref<4x1024xf32, #tpu.memory_space<vmem>>) dst(%dma_wait3A_1797 : memref<4x1024xf32, #tpu.memory_space<hbm>>)
    %dma_wait3A_1798 = arith.constant 0 : i32
    %dma_wait3A_1799 = tpu.memref_slice %arg4[%add3A_278, %dma_wait3A_1798] : memref<16384x1024xf32, #tpu.memory_space<hbm>> -> memref<4x1024xf32, #tpu.memory_space<hbm>>
    %dma_wait3A_1800 = arith.constant 0 : i32
    %dma_wait3A_1801 = tpu.memref_slice %arg4[%add3A_278, %dma_wait3A_1800] : memref<16384x1024xf32, #tpu.memory_space<hbm>> -> memref<4x1024xf32, #tpu.memory_space<hbm>>
    tpu.wait_dma2 semaphore(%arg13 : memref<!tpu.dma_semaphore, #tpu.memory_space<semaphore_mem>>) src(%arg9 : memref<4x1024xf32, #tpu.memory_space<vmem>>) dst(%dma_wait3A_1801 : memref<4x1024xf32, #tpu.memory_space<hbm>>)
    %dma_wait3A_1802 = arith.constant 0 : i32
    %dma_wait3A_1803 = tpu.memref_slice %arg4[%add3A_284, %dma_wait3A_1802] : memref<16384x1024xf32, #tpu.memory_space<hbm>> -> memref<4x1024xf32, #tpu.memory_space<hbm>>
    %dma_wait3A_1804 = arith.constant 0 : i32
    %dma_wait3A_1805 = tpu.memref_slice %arg4[%add3A_284, %dma_wait3A_1804] : memref<16384x1024xf32, #tpu.memory_space<hbm>> -> memref<4x1024xf32, #tpu.memory_space<hbm>>
    tpu.wait_dma2 semaphore(%arg13 : memref<!tpu.dma_semaphore, #tpu.memory_space<semaphore_mem>>) src(%arg9 : memref<4x1024xf32, #tpu.memory_space<vmem>>) dst(%dma_wait3A_1805 : memref<4x1024xf32, #tpu.memory_space<hbm>>)
    %dma_wait3A_1806 = arith.constant 0 : i32
    %dma_wait3A_1807 = tpu.memref_slice %arg4[%add3A_290, %dma_wait3A_1806] : memref<16384x1024xf32, #tpu.memory_space<hbm>> -> memref<4x1024xf32, #tpu.memory_space<hbm>>
    %dma_wait3A_1808 = arith.constant 0 : i32
    %dma_wait3A_1809 = tpu.memref_slice %arg4[%add3A_290, %dma_wait3A_1808] : memref<16384x1024xf32, #tpu.memory_space<hbm>> -> memref<4x1024xf32, #tpu.memory_space<hbm>>
    tpu.wait_dma2 semaphore(%arg13 : memref<!tpu.dma_semaphore, #tpu.memory_space<semaphore_mem>>) src(%arg9 : memref<4x1024xf32, #tpu.memory_space<vmem>>) dst(%dma_wait3A_1809 : memref<4x1024xf32, #tpu.memory_space<hbm>>)
    %dma_wait3A_1810 = arith.constant 0 : i32
    %dma_wait3A_1811 = tpu.memref_slice %arg4[%add3A_296, %dma_wait3A_1810] : memref<16384x1024xf32, #tpu.memory_space<hbm>> -> memref<4x1024xf32, #tpu.memory_space<hbm>>
    %dma_wait3A_1812 = arith.constant 0 : i32
    %dma_wait3A_1813 = tpu.memref_slice %arg4[%add3A_296, %dma_wait3A_1812] : memref<16384x1024xf32, #tpu.memory_space<hbm>> -> memref<4x1024xf32, #tpu.memory_space<hbm>>
    tpu.wait_dma2 semaphore(%arg13 : memref<!tpu.dma_semaphore, #tpu.memory_space<semaphore_mem>>) src(%arg9 : memref<4x1024xf32, #tpu.memory_space<vmem>>) dst(%dma_wait3A_1813 : memref<4x1024xf32, #tpu.memory_space<hbm>>)
    %dma_wait3A_1814 = arith.constant 0 : i32
    %dma_wait3A_1815 = tpu.memref_slice %arg4[%add3A_302, %dma_wait3A_1814] : memref<16384x1024xf32, #tpu.memory_space<hbm>> -> memref<4x1024xf32, #tpu.memory_space<hbm>>
    %dma_wait3A_1816 = arith.constant 0 : i32
    %dma_wait3A_1817 = tpu.memref_slice %arg4[%add3A_302, %dma_wait3A_1816] : memref<16384x1024xf32, #tpu.memory_space<hbm>> -> memref<4x1024xf32, #tpu.memory_space<hbm>>
    tpu.wait_dma2 semaphore(%arg13 : memref<!tpu.dma_semaphore, #tpu.memory_space<semaphore_mem>>) src(%arg9 : memref<4x1024xf32, #tpu.memory_space<vmem>>) dst(%dma_wait3A_1817 : memref<4x1024xf32, #tpu.memory_space<hbm>>)
    %dma_wait3A_1818 = arith.constant 0 : i32
    %dma_wait3A_1819 = tpu.memref_slice %arg4[%add3A_308, %dma_wait3A_1818] : memref<16384x1024xf32, #tpu.memory_space<hbm>> -> memref<4x1024xf32, #tpu.memory_space<hbm>>
    %dma_wait3A_1820 = arith.constant 0 : i32
    %dma_wait3A_1821 = tpu.memref_slice %arg4[%add3A_308, %dma_wait3A_1820] : memref<16384x1024xf32, #tpu.memory_space<hbm>> -> memref<4x1024xf32, #tpu.memory_space<hbm>>
    tpu.wait_dma2 semaphore(%arg13 : memref<!tpu.dma_semaphore, #tpu.memory_space<semaphore_mem>>) src(%arg9 : memref<4x1024xf32, #tpu.memory_space<vmem>>) dst(%dma_wait3A_1821 : memref<4x1024xf32, #tpu.memory_space<hbm>>)
    %dma_wait3A_1822 = arith.constant 0 : i32
    %dma_wait3A_1823 = tpu.memref_slice %arg4[%add3A_314, %dma_wait3A_1822] : memref<16384x1024xf32, #tpu.memory_space<hbm>> -> memref<4x1024xf32, #tpu.memory_space<hbm>>
    %dma_wait3A_1824 = arith.constant 0 : i32
    %dma_wait3A_1825 = tpu.memref_slice %arg4[%add3A_314, %dma_wait3A_1824] : memref<16384x1024xf32, #tpu.memory_space<hbm>> -> memref<4x1024xf32, #tpu.memory_space<hbm>>
    tpu.wait_dma2 semaphore(%arg13 : memref<!tpu.dma_semaphore, #tpu.memory_space<semaphore_mem>>) src(%arg9 : memref<4x1024xf32, #tpu.memory_space<vmem>>) dst(%dma_wait3A_1825 : memref<4x1024xf32, #tpu.memory_space<hbm>>)
    %dma_wait3A_1826 = arith.constant 0 : i32
    %dma_wait3A_1827 = tpu.memref_slice %arg4[%add3A_320, %dma_wait3A_1826] : memref<16384x1024xf32, #tpu.memory_space<hbm>> -> memref<4x1024xf32, #tpu.memory_space<hbm>>
    %dma_wait3A_1828 = arith.constant 0 : i32
    %dma_wait3A_1829 = tpu.memref_slice %arg4[%add3A_320, %dma_wait3A_1828] : memref<16384x1024xf32, #tpu.memory_space<hbm>> -> memref<4x1024xf32, #tpu.memory_space<hbm>>
    tpu.wait_dma2 semaphore(%arg13 : memref<!tpu.dma_semaphore, #tpu.memory_space<semaphore_mem>>) src(%arg9 : memref<4x1024xf32, #tpu.memory_space<vmem>>) dst(%dma_wait3A_1829 : memref<4x1024xf32, #tpu.memory_space<hbm>>)
    %dma_wait3A_1830 = arith.constant 0 : i32
    %dma_wait3A_1831 = tpu.memref_slice %arg4[%add3A_326, %dma_wait3A_1830] : memref<16384x1024xf32, #tpu.memory_space<hbm>> -> memref<4x1024xf32, #tpu.memory_space<hbm>>
    %dma_wait3A_1832 = arith.constant 0 : i32
    %dma_wait3A_1833 = tpu.memref_slice %arg4[%add3A_326, %dma_wait3A_1832] : memref<16384x1024xf32, #tpu.memory_space<hbm>> -> memref<4x1024xf32, #tpu.memory_space<hbm>>
    tpu.wait_dma2 semaphore(%arg13 : memref<!tpu.dma_semaphore, #tpu.memory_space<semaphore_mem>>) src(%arg9 : memref<4x1024xf32, #tpu.memory_space<vmem>>) dst(%dma_wait3A_1833 : memref<4x1024xf32, #tpu.memory_space<hbm>>)
    %dma_wait3A_1834 = arith.constant 0 : i32
    %dma_wait3A_1835 = tpu.memref_slice %arg4[%add3A_332, %dma_wait3A_1834] : memref<16384x1024xf32, #tpu.memory_space<hbm>> -> memref<4x1024xf32, #tpu.memory_space<hbm>>
    %dma_wait3A_1836 = arith.constant 0 : i32
    %dma_wait3A_1837 = tpu.memref_slice %arg4[%add3A_332, %dma_wait3A_1836] : memref<16384x1024xf32, #tpu.memory_space<hbm>> -> memref<4x1024xf32, #tpu.memory_space<hbm>>
    tpu.wait_dma2 semaphore(%arg13 : memref<!tpu.dma_semaphore, #tpu.memory_space<semaphore_mem>>) src(%arg9 : memref<4x1024xf32, #tpu.memory_space<vmem>>) dst(%dma_wait3A_1837 : memref<4x1024xf32, #tpu.memory_space<hbm>>)
    %dma_wait3A_1838 = arith.constant 0 : i32
    %dma_wait3A_1839 = tpu.memref_slice %arg4[%add3A_338, %dma_wait3A_1838] : memref<16384x1024xf32, #tpu.memory_space<hbm>> -> memref<4x1024xf32, #tpu.memory_space<hbm>>
    %dma_wait3A_1840 = arith.constant 0 : i32
    %dma_wait3A_1841 = tpu.memref_slice %arg4[%add3A_338, %dma_wait3A_1840] : memref<16384x1024xf32, #tpu.memory_space<hbm>> -> memref<4x1024xf32, #tpu.memory_space<hbm>>
    tpu.wait_dma2 semaphore(%arg13 : memref<!tpu.dma_semaphore, #tpu.memory_space<semaphore_mem>>) src(%arg9 : memref<4x1024xf32, #tpu.memory_space<vmem>>) dst(%dma_wait3A_1841 : memref<4x1024xf32, #tpu.memory_space<hbm>>)
    %dma_wait3A_1842 = arith.constant 0 : i32
    %dma_wait3A_1843 = tpu.memref_slice %arg4[%add3A_344, %dma_wait3A_1842] : memref<16384x1024xf32, #tpu.memory_space<hbm>> -> memref<4x1024xf32, #tpu.memory_space<hbm>>
    %dma_wait3A_1844 = arith.constant 0 : i32
    %dma_wait3A_1845 = tpu.memref_slice %arg4[%add3A_344, %dma_wait3A_1844] : memref<16384x1024xf32, #tpu.memory_space<hbm>> -> memref<4x1024xf32, #tpu.memory_space<hbm>>
    tpu.wait_dma2 semaphore(%arg13 : memref<!tpu.dma_semaphore, #tpu.memory_space<semaphore_mem>>) src(%arg9 : memref<4x1024xf32, #tpu.memory_space<vmem>>) dst(%dma_wait3A_1845 : memref<4x1024xf32, #tpu.memory_space<hbm>>)
    %dma_wait3A_1846 = arith.constant 0 : i32
    %dma_wait3A_1847 = tpu.memref_slice %arg4[%add3A_350, %dma_wait3A_1846] : memref<16384x1024xf32, #tpu.memory_space<hbm>> -> memref<4x1024xf32, #tpu.memory_space<hbm>>
    %dma_wait3A_1848 = arith.constant 0 : i32
    %dma_wait3A_1849 = tpu.memref_slice %arg4[%add3A_350, %dma_wait3A_1848] : memref<16384x1024xf32, #tpu.memory_space<hbm>> -> memref<4x1024xf32, #tpu.memory_space<hbm>>
    tpu.wait_dma2 semaphore(%arg13 : memref<!tpu.dma_semaphore, #tpu.memory_space<semaphore_mem>>) src(%arg9 : memref<4x1024xf32, #tpu.memory_space<vmem>>) dst(%dma_wait3A_1849 : memref<4x1024xf32, #tpu.memory_space<hbm>>)
    %dma_wait3A_1850 = arith.constant 0 : i32
    %dma_wait3A_1851 = tpu.memref_slice %arg4[%add3A_356, %dma_wait3A_1850] : memref<16384x1024xf32, #tpu.memory_space<hbm>> -> memref<4x1024xf32, #tpu.memory_space<hbm>>
    %dma_wait3A_1852 = arith.constant 0 : i32
    %dma_wait3A_1853 = tpu.memref_slice %arg4[%add3A_356, %dma_wait3A_1852] : memref<16384x1024xf32, #tpu.memory_space<hbm>> -> memref<4x1024xf32, #tpu.memory_space<hbm>>
    tpu.wait_dma2 semaphore(%arg13 : memref<!tpu.dma_semaphore, #tpu.memory_space<semaphore_mem>>) src(%arg9 : memref<4x1024xf32, #tpu.memory_space<vmem>>) dst(%dma_wait3A_1853 : memref<4x1024xf32, #tpu.memory_space<hbm>>)
    %dma_wait3A_1854 = arith.constant 0 : i32
    %dma_wait3A_1855 = tpu.memref_slice %arg4[%add3A_362, %dma_wait3A_1854] : memref<16384x1024xf32, #tpu.memory_space<hbm>> -> memref<4x1024xf32, #tpu.memory_space<hbm>>
    %dma_wait3A_1856 = arith.constant 0 : i32
    %dma_wait3A_1857 = tpu.memref_slice %arg4[%add3A_362, %dma_wait3A_1856] : memref<16384x1024xf32, #tpu.memory_space<hbm>> -> memref<4x1024xf32, #tpu.memory_space<hbm>>
    tpu.wait_dma2 semaphore(%arg13 : memref<!tpu.dma_semaphore, #tpu.memory_space<semaphore_mem>>) src(%arg9 : memref<4x1024xf32, #tpu.memory_space<vmem>>) dst(%dma_wait3A_1857 : memref<4x1024xf32, #tpu.memory_space<hbm>>)
    %dma_wait3A_1858 = arith.constant 0 : i32
    %dma_wait3A_1859 = tpu.memref_slice %arg4[%add3A_368, %dma_wait3A_1858] : memref<16384x1024xf32, #tpu.memory_space<hbm>> -> memref<4x1024xf32, #tpu.memory_space<hbm>>
    %dma_wait3A_1860 = arith.constant 0 : i32
    %dma_wait3A_1861 = tpu.memref_slice %arg4[%add3A_368, %dma_wait3A_1860] : memref<16384x1024xf32, #tpu.memory_space<hbm>> -> memref<4x1024xf32, #tpu.memory_space<hbm>>
    tpu.wait_dma2 semaphore(%arg13 : memref<!tpu.dma_semaphore, #tpu.memory_space<semaphore_mem>>) src(%arg9 : memref<4x1024xf32, #tpu.memory_space<vmem>>) dst(%dma_wait3A_1861 : memref<4x1024xf32, #tpu.memory_space<hbm>>)
    %dma_wait3A_1862 = arith.constant 0 : i32
    %dma_wait3A_1863 = tpu.memref_slice %arg4[%add3A_374, %dma_wait3A_1862] : memref<16384x1024xf32, #tpu.memory_space<hbm>> -> memref<4x1024xf32, #tpu.memory_space<hbm>>
    %dma_wait3A_1864 = arith.constant 0 : i32
    %dma_wait3A_1865 = tpu.memref_slice %arg4[%add3A_374, %dma_wait3A_1864] : memref<16384x1024xf32, #tpu.memory_space<hbm>> -> memref<4x1024xf32, #tpu.memory_space<hbm>>
    tpu.wait_dma2 semaphore(%arg13 : memref<!tpu.dma_semaphore, #tpu.memory_space<semaphore_mem>>) src(%arg9 : memref<4x1024xf32, #tpu.memory_space<vmem>>) dst(%dma_wait3A_1865 : memref<4x1024xf32, #tpu.memory_space<hbm>>)
    %dma_wait3A_1866 = arith.constant 0 : i32
    %dma_wait3A_1867 = tpu.memref_slice %arg4[%add3A_380, %dma_wait3A_1866] : memref<16384x1024xf32, #tpu.memory_space<hbm>> -> memref<4x1024xf32, #tpu.memory_space<hbm>>
    %dma_wait3A_1868 = arith.constant 0 : i32
    %dma_wait3A_1869 = tpu.memref_slice %arg4[%add3A_380, %dma_wait3A_1868] : memref<16384x1024xf32, #tpu.memory_space<hbm>> -> memref<4x1024xf32, #tpu.memory_space<hbm>>
    tpu.wait_dma2 semaphore(%arg13 : memref<!tpu.dma_semaphore, #tpu.memory_space<semaphore_mem>>) src(%arg9 : memref<4x1024xf32, #tpu.memory_space<vmem>>) dst(%dma_wait3A_1869 : memref<4x1024xf32, #tpu.memory_space<hbm>>)
    %dma_wait3A_1870 = arith.constant 0 : i32
    %dma_wait3A_1871 = tpu.memref_slice %arg4[%add3A_386, %dma_wait3A_1870] : memref<16384x1024xf32, #tpu.memory_space<hbm>> -> memref<4x1024xf32, #tpu.memory_space<hbm>>
    %dma_wait3A_1872 = arith.constant 0 : i32
    %dma_wait3A_1873 = tpu.memref_slice %arg4[%add3A_386, %dma_wait3A_1872] : memref<16384x1024xf32, #tpu.memory_space<hbm>> -> memref<4x1024xf32, #tpu.memory_space<hbm>>
    tpu.wait_dma2 semaphore(%arg13 : memref<!tpu.dma_semaphore, #tpu.memory_space<semaphore_mem>>) src(%arg9 : memref<4x1024xf32, #tpu.memory_space<vmem>>) dst(%dma_wait3A_1873 : memref<4x1024xf32, #tpu.memory_space<hbm>>)
    %dma_wait3A_1874 = arith.constant 0 : i32
    %dma_wait3A_1875 = tpu.memref_slice %arg4[%add3A_392, %dma_wait3A_1874] : memref<16384x1024xf32, #tpu.memory_space<hbm>> -> memref<4x1024xf32, #tpu.memory_space<hbm>>
    %dma_wait3A_1876 = arith.constant 0 : i32
    %dma_wait3A_1877 = tpu.memref_slice %arg4[%add3A_392, %dma_wait3A_1876] : memref<16384x1024xf32, #tpu.memory_space<hbm>> -> memref<4x1024xf32, #tpu.memory_space<hbm>>
    tpu.wait_dma2 semaphore(%arg13 : memref<!tpu.dma_semaphore, #tpu.memory_space<semaphore_mem>>) src(%arg9 : memref<4x1024xf32, #tpu.memory_space<vmem>>) dst(%dma_wait3A_1877 : memref<4x1024xf32, #tpu.memory_space<hbm>>)
    %dma_wait3A_1878 = arith.constant 0 : i32
    %dma_wait3A_1879 = tpu.memref_slice %arg4[%add3A_398, %dma_wait3A_1878] : memref<16384x1024xf32, #tpu.memory_space<hbm>> -> memref<4x1024xf32, #tpu.memory_space<hbm>>
    %dma_wait3A_1880 = arith.constant 0 : i32
    %dma_wait3A_1881 = tpu.memref_slice %arg4[%add3A_398, %dma_wait3A_1880] : memref<16384x1024xf32, #tpu.memory_space<hbm>> -> memref<4x1024xf32, #tpu.memory_space<hbm>>
    tpu.wait_dma2 semaphore(%arg13 : memref<!tpu.dma_semaphore, #tpu.memory_space<semaphore_mem>>) src(%arg9 : memref<4x1024xf32, #tpu.memory_space<vmem>>) dst(%dma_wait3A_1881 : memref<4x1024xf32, #tpu.memory_space<hbm>>)
    %dma_wait3A_1882 = arith.constant 0 : i32
    %dma_wait3A_1883 = tpu.memref_slice %arg4[%add3A_404, %dma_wait3A_1882] : memref<16384x1024xf32, #tpu.memory_space<hbm>> -> memref<4x1024xf32, #tpu.memory_space<hbm>>
    %dma_wait3A_1884 = arith.constant 0 : i32
    %dma_wait3A_1885 = tpu.memref_slice %arg4[%add3A_404, %dma_wait3A_1884] : memref<16384x1024xf32, #tpu.memory_space<hbm>> -> memref<4x1024xf32, #tpu.memory_space<hbm>>
    tpu.wait_dma2 semaphore(%arg13 : memref<!tpu.dma_semaphore, #tpu.memory_space<semaphore_mem>>) src(%arg9 : memref<4x1024xf32, #tpu.memory_space<vmem>>) dst(%dma_wait3A_1885 : memref<4x1024xf32, #tpu.memory_space<hbm>>)
    %dma_wait3A_1886 = arith.constant 0 : i32
    %dma_wait3A_1887 = tpu.memref_slice %arg4[%add3A_410, %dma_wait3A_1886] : memref<16384x1024xf32, #tpu.memory_space<hbm>> -> memref<4x1024xf32, #tpu.memory_space<hbm>>
    %dma_wait3A_1888 = arith.constant 0 : i32
    %dma_wait3A_1889 = tpu.memref_slice %arg4[%add3A_410, %dma_wait3A_1888] : memref<16384x1024xf32, #tpu.memory_space<hbm>> -> memref<4x1024xf32, #tpu.memory_space<hbm>>
    tpu.wait_dma2 semaphore(%arg13 : memref<!tpu.dma_semaphore, #tpu.memory_space<semaphore_mem>>) src(%arg9 : memref<4x1024xf32, #tpu.memory_space<vmem>>) dst(%dma_wait3A_1889 : memref<4x1024xf32, #tpu.memory_space<hbm>>)
    %dma_wait3A_1890 = arith.constant 0 : i32
    %dma_wait3A_1891 = tpu.memref_slice %arg4[%add3A_416, %dma_wait3A_1890] : memref<16384x1024xf32, #tpu.memory_space<hbm>> -> memref<4x1024xf32, #tpu.memory_space<hbm>>
    %dma_wait3A_1892 = arith.constant 0 : i32
    %dma_wait3A_1893 = tpu.memref_slice %arg4[%add3A_416, %dma_wait3A_1892] : memref<16384x1024xf32, #tpu.memory_space<hbm>> -> memref<4x1024xf32, #tpu.memory_space<hbm>>
    tpu.wait_dma2 semaphore(%arg13 : memref<!tpu.dma_semaphore, #tpu.memory_space<semaphore_mem>>) src(%arg9 : memref<4x1024xf32, #tpu.memory_space<vmem>>) dst(%dma_wait3A_1893 : memref<4x1024xf32, #tpu.memory_space<hbm>>)
    %dma_wait3A_1894 = arith.constant 0 : i32
    %dma_wait3A_1895 = tpu.memref_slice %arg4[%add3A_422, %dma_wait3A_1894] : memref<16384x1024xf32, #tpu.memory_space<hbm>> -> memref<4x1024xf32, #tpu.memory_space<hbm>>
    %dma_wait3A_1896 = arith.constant 0 : i32
    %dma_wait3A_1897 = tpu.memref_slice %arg4[%add3A_422, %dma_wait3A_1896] : memref<16384x1024xf32, #tpu.memory_space<hbm>> -> memref<4x1024xf32, #tpu.memory_space<hbm>>
    tpu.wait_dma2 semaphore(%arg13 : memref<!tpu.dma_semaphore, #tpu.memory_space<semaphore_mem>>) src(%arg9 : memref<4x1024xf32, #tpu.memory_space<vmem>>) dst(%dma_wait3A_1897 : memref<4x1024xf32, #tpu.memory_space<hbm>>)
    %dma_wait3A_1898 = arith.constant 0 : i32
    %dma_wait3A_1899 = tpu.memref_slice %arg4[%add3A_428, %dma_wait3A_1898] : memref<16384x1024xf32, #tpu.memory_space<hbm>> -> memref<4x1024xf32, #tpu.memory_space<hbm>>
    %dma_wait3A_1900 = arith.constant 0 : i32
    %dma_wait3A_1901 = tpu.memref_slice %arg4[%add3A_428, %dma_wait3A_1900] : memref<16384x1024xf32, #tpu.memory_space<hbm>> -> memref<4x1024xf32, #tpu.memory_space<hbm>>
    tpu.wait_dma2 semaphore(%arg13 : memref<!tpu.dma_semaphore, #tpu.memory_space<semaphore_mem>>) src(%arg9 : memref<4x1024xf32, #tpu.memory_space<vmem>>) dst(%dma_wait3A_1901 : memref<4x1024xf32, #tpu.memory_space<hbm>>)
    %dma_wait3A_1902 = arith.constant 0 : i32
    %dma_wait3A_1903 = tpu.memref_slice %arg4[%add3A_434, %dma_wait3A_1902] : memref<16384x1024xf32, #tpu.memory_space<hbm>> -> memref<4x1024xf32, #tpu.memory_space<hbm>>
    %dma_wait3A_1904 = arith.constant 0 : i32
    %dma_wait3A_1905 = tpu.memref_slice %arg4[%add3A_434, %dma_wait3A_1904] : memref<16384x1024xf32, #tpu.memory_space<hbm>> -> memref<4x1024xf32, #tpu.memory_space<hbm>>
    tpu.wait_dma2 semaphore(%arg13 : memref<!tpu.dma_semaphore, #tpu.memory_space<semaphore_mem>>) src(%arg9 : memref<4x1024xf32, #tpu.memory_space<vmem>>) dst(%dma_wait3A_1905 : memref<4x1024xf32, #tpu.memory_space<hbm>>)
    %dma_wait3A_1906 = arith.constant 0 : i32
    %dma_wait3A_1907 = tpu.memref_slice %arg4[%add3A_440, %dma_wait3A_1906] : memref<16384x1024xf32, #tpu.memory_space<hbm>> -> memref<4x1024xf32, #tpu.memory_space<hbm>>
    %dma_wait3A_1908 = arith.constant 0 : i32
    %dma_wait3A_1909 = tpu.memref_slice %arg4[%add3A_440, %dma_wait3A_1908] : memref<16384x1024xf32, #tpu.memory_space<hbm>> -> memref<4x1024xf32, #tpu.memory_space<hbm>>
    tpu.wait_dma2 semaphore(%arg13 : memref<!tpu.dma_semaphore, #tpu.memory_space<semaphore_mem>>) src(%arg9 : memref<4x1024xf32, #tpu.memory_space<vmem>>) dst(%dma_wait3A_1909 : memref<4x1024xf32, #tpu.memory_space<hbm>>)
    %dma_wait3A_1910 = arith.constant 0 : i32
    %dma_wait3A_1911 = tpu.memref_slice %arg4[%add3A_446, %dma_wait3A_1910] : memref<16384x1024xf32, #tpu.memory_space<hbm>> -> memref<4x1024xf32, #tpu.memory_space<hbm>>
    %dma_wait3A_1912 = arith.constant 0 : i32
    %dma_wait3A_1913 = tpu.memref_slice %arg4[%add3A_446, %dma_wait3A_1912] : memref<16384x1024xf32, #tpu.memory_space<hbm>> -> memref<4x1024xf32, #tpu.memory_space<hbm>>
    tpu.wait_dma2 semaphore(%arg13 : memref<!tpu.dma_semaphore, #tpu.memory_space<semaphore_mem>>) src(%arg9 : memref<4x1024xf32, #tpu.memory_space<vmem>>) dst(%dma_wait3A_1913 : memref<4x1024xf32, #tpu.memory_space<hbm>>)
    %dma_wait3A_1914 = arith.constant 0 : i32
    %dma_wait3A_1915 = tpu.memref_slice %arg4[%add3A_452, %dma_wait3A_1914] : memref<16384x1024xf32, #tpu.memory_space<hbm>> -> memref<4x1024xf32, #tpu.memory_space<hbm>>
    %dma_wait3A_1916 = arith.constant 0 : i32
    %dma_wait3A_1917 = tpu.memref_slice %arg4[%add3A_452, %dma_wait3A_1916] : memref<16384x1024xf32, #tpu.memory_space<hbm>> -> memref<4x1024xf32, #tpu.memory_space<hbm>>
    tpu.wait_dma2 semaphore(%arg13 : memref<!tpu.dma_semaphore, #tpu.memory_space<semaphore_mem>>) src(%arg9 : memref<4x1024xf32, #tpu.memory_space<vmem>>) dst(%dma_wait3A_1917 : memref<4x1024xf32, #tpu.memory_space<hbm>>)
    %dma_wait3A_1918 = arith.constant 0 : i32
    %dma_wait3A_1919 = tpu.memref_slice %arg4[%add3A_458, %dma_wait3A_1918] : memref<16384x1024xf32, #tpu.memory_space<hbm>> -> memref<4x1024xf32, #tpu.memory_space<hbm>>
    %dma_wait3A_1920 = arith.constant 0 : i32
    %dma_wait3A_1921 = tpu.memref_slice %arg4[%add3A_458, %dma_wait3A_1920] : memref<16384x1024xf32, #tpu.memory_space<hbm>> -> memref<4x1024xf32, #tpu.memory_space<hbm>>
    tpu.wait_dma2 semaphore(%arg13 : memref<!tpu.dma_semaphore, #tpu.memory_space<semaphore_mem>>) src(%arg9 : memref<4x1024xf32, #tpu.memory_space<vmem>>) dst(%dma_wait3A_1921 : memref<4x1024xf32, #tpu.memory_space<hbm>>)
    %dma_wait3A_1922 = arith.constant 0 : i32
    %dma_wait3A_1923 = tpu.memref_slice %arg4[%add3A_464, %dma_wait3A_1922] : memref<16384x1024xf32, #tpu.memory_space<hbm>> -> memref<4x1024xf32, #tpu.memory_space<hbm>>
    %dma_wait3A_1924 = arith.constant 0 : i32
    %dma_wait3A_1925 = tpu.memref_slice %arg4[%add3A_464, %dma_wait3A_1924] : memref<16384x1024xf32, #tpu.memory_space<hbm>> -> memref<4x1024xf32, #tpu.memory_space<hbm>>
    tpu.wait_dma2 semaphore(%arg13 : memref<!tpu.dma_semaphore, #tpu.memory_space<semaphore_mem>>) src(%arg9 : memref<4x1024xf32, #tpu.memory_space<vmem>>) dst(%dma_wait3A_1925 : memref<4x1024xf32, #tpu.memory_space<hbm>>)
    %dma_wait3A_1926 = arith.constant 0 : i32
    %dma_wait3A_1927 = tpu.memref_slice %arg4[%add3A_470, %dma_wait3A_1926] : memref<16384x1024xf32, #tpu.memory_space<hbm>> -> memref<4x1024xf32, #tpu.memory_space<hbm>>
    %dma_wait3A_1928 = arith.constant 0 : i32
    %dma_wait3A_1929 = tpu.memref_slice %arg4[%add3A_470, %dma_wait3A_1928] : memref<16384x1024xf32, #tpu.memory_space<hbm>> -> memref<4x1024xf32, #tpu.memory_space<hbm>>
    tpu.wait_dma2 semaphore(%arg13 : memref<!tpu.dma_semaphore, #tpu.memory_space<semaphore_mem>>) src(%arg9 : memref<4x1024xf32, #tpu.memory_space<vmem>>) dst(%dma_wait3A_1929 : memref<4x1024xf32, #tpu.memory_space<hbm>>)
    %dma_wait3A_1930 = arith.constant 0 : i32
    %dma_wait3A_1931 = tpu.memref_slice %arg4[%add3A_476, %dma_wait3A_1930] : memref<16384x1024xf32, #tpu.memory_space<hbm>> -> memref<4x1024xf32, #tpu.memory_space<hbm>>
    %dma_wait3A_1932 = arith.constant 0 : i32
    %dma_wait3A_1933 = tpu.memref_slice %arg4[%add3A_476, %dma_wait3A_1932] : memref<16384x1024xf32, #tpu.memory_space<hbm>> -> memref<4x1024xf32, #tpu.memory_space<hbm>>
    tpu.wait_dma2 semaphore(%arg13 : memref<!tpu.dma_semaphore, #tpu.memory_space<semaphore_mem>>) src(%arg9 : memref<4x1024xf32, #tpu.memory_space<vmem>>) dst(%dma_wait3A_1933 : memref<4x1024xf32, #tpu.memory_space<hbm>>)
    %dma_wait3A_1934 = arith.constant 0 : i32
    %dma_wait3A_1935 = tpu.memref_slice %arg4[%add3A_482, %dma_wait3A_1934] : memref<16384x1024xf32, #tpu.memory_space<hbm>> -> memref<4x1024xf32, #tpu.memory_space<hbm>>
    %dma_wait3A_1936 = arith.constant 0 : i32
    %dma_wait3A_1937 = tpu.memref_slice %arg4[%add3A_482, %dma_wait3A_1936] : memref<16384x1024xf32, #tpu.memory_space<hbm>> -> memref<4x1024xf32, #tpu.memory_space<hbm>>
    tpu.wait_dma2 semaphore(%arg13 : memref<!tpu.dma_semaphore, #tpu.memory_space<semaphore_mem>>) src(%arg9 : memref<4x1024xf32, #tpu.memory_space<vmem>>) dst(%dma_wait3A_1937 : memref<4x1024xf32, #tpu.memory_space<hbm>>)
    %dma_wait3A_1938 = arith.constant 0 : i32
    %dma_wait3A_1939 = tpu.memref_slice %arg4[%add3A_488, %dma_wait3A_1938] : memref<16384x1024xf32, #tpu.memory_space<hbm>> -> memref<4x1024xf32, #tpu.memory_space<hbm>>
    %dma_wait3A_1940 = arith.constant 0 : i32
    %dma_wait3A_1941 = tpu.memref_slice %arg4[%add3A_488, %dma_wait3A_1940] : memref<16384x1024xf32, #tpu.memory_space<hbm>> -> memref<4x1024xf32, #tpu.memory_space<hbm>>
    tpu.wait_dma2 semaphore(%arg13 : memref<!tpu.dma_semaphore, #tpu.memory_space<semaphore_mem>>) src(%arg9 : memref<4x1024xf32, #tpu.memory_space<vmem>>) dst(%dma_wait3A_1941 : memref<4x1024xf32, #tpu.memory_space<hbm>>)
    %dma_wait3A_1942 = arith.constant 0 : i32
    %dma_wait3A_1943 = tpu.memref_slice %arg4[%add3A_494, %dma_wait3A_1942] : memref<16384x1024xf32, #tpu.memory_space<hbm>> -> memref<4x1024xf32, #tpu.memory_space<hbm>>
    %dma_wait3A_1944 = arith.constant 0 : i32
    %dma_wait3A_1945 = tpu.memref_slice %arg4[%add3A_494, %dma_wait3A_1944] : memref<16384x1024xf32, #tpu.memory_space<hbm>> -> memref<4x1024xf32, #tpu.memory_space<hbm>>
    tpu.wait_dma2 semaphore(%arg13 : memref<!tpu.dma_semaphore, #tpu.memory_space<semaphore_mem>>) src(%arg9 : memref<4x1024xf32, #tpu.memory_space<vmem>>) dst(%dma_wait3A_1945 : memref<4x1024xf32, #tpu.memory_space<hbm>>)
    %dma_wait3A_1946 = arith.constant 0 : i32
    %dma_wait3A_1947 = tpu.memref_slice %arg4[%add3A_500, %dma_wait3A_1946] : memref<16384x1024xf32, #tpu.memory_space<hbm>> -> memref<4x1024xf32, #tpu.memory_space<hbm>>
    %dma_wait3A_1948 = arith.constant 0 : i32
    %dma_wait3A_1949 = tpu.memref_slice %arg4[%add3A_500, %dma_wait3A_1948] : memref<16384x1024xf32, #tpu.memory_space<hbm>> -> memref<4x1024xf32, #tpu.memory_space<hbm>>
    tpu.wait_dma2 semaphore(%arg13 : memref<!tpu.dma_semaphore, #tpu.memory_space<semaphore_mem>>) src(%arg9 : memref<4x1024xf32, #tpu.memory_space<vmem>>) dst(%dma_wait3A_1949 : memref<4x1024xf32, #tpu.memory_space<hbm>>)
    %dma_wait3A_1950 = arith.constant 0 : i32
    %dma_wait3A_1951 = tpu.memref_slice %arg4[%add3A_506, %dma_wait3A_1950] : memref<16384x1024xf32, #tpu.memory_space<hbm>> -> memref<4x1024xf32, #tpu.memory_space<hbm>>
    %dma_wait3A_1952 = arith.constant 0 : i32
    %dma_wait3A_1953 = tpu.memref_slice %arg4[%add3A_506, %dma_wait3A_1952] : memref<16384x1024xf32, #tpu.memory_space<hbm>> -> memref<4x1024xf32, #tpu.memory_space<hbm>>
    tpu.wait_dma2 semaphore(%arg13 : memref<!tpu.dma_semaphore, #tpu.memory_space<semaphore_mem>>) src(%arg9 : memref<4x1024xf32, #tpu.memory_space<vmem>>) dst(%dma_wait3A_1953 : memref<4x1024xf32, #tpu.memory_space<hbm>>)
    %dma_wait3A_1954 = arith.constant 0 : i32
    %dma_wait3A_1955 = tpu.memref_slice %arg4[%add3A_512, %dma_wait3A_1954] : memref<16384x1024xf32, #tpu.memory_space<hbm>> -> memref<4x1024xf32, #tpu.memory_space<hbm>>
    %dma_wait3A_1956 = arith.constant 0 : i32
    %dma_wait3A_1957 = tpu.memref_slice %arg4[%add3A_512, %dma_wait3A_1956] : memref<16384x1024xf32, #tpu.memory_space<hbm>> -> memref<4x1024xf32, #tpu.memory_space<hbm>>
    tpu.wait_dma2 semaphore(%arg13 : memref<!tpu.dma_semaphore, #tpu.memory_space<semaphore_mem>>) src(%arg9 : memref<4x1024xf32, #tpu.memory_space<vmem>>) dst(%dma_wait3A_1957 : memref<4x1024xf32, #tpu.memory_space<hbm>>)
    %dma_wait3A_1958 = arith.constant 0 : i32
    %dma_wait3A_1959 = tpu.memref_slice %arg4[%add3A_518, %dma_wait3A_1958] : memref<16384x1024xf32, #tpu.memory_space<hbm>> -> memref<4x1024xf32, #tpu.memory_space<hbm>>
    %dma_wait3A_1960 = arith.constant 0 : i32
    %dma_wait3A_1961 = tpu.memref_slice %arg4[%add3A_518, %dma_wait3A_1960] : memref<16384x1024xf32, #tpu.memory_space<hbm>> -> memref<4x1024xf32, #tpu.memory_space<hbm>>
    tpu.wait_dma2 semaphore(%arg13 : memref<!tpu.dma_semaphore, #tpu.memory_space<semaphore_mem>>) src(%arg9 : memref<4x1024xf32, #tpu.memory_space<vmem>>) dst(%dma_wait3A_1961 : memref<4x1024xf32, #tpu.memory_space<hbm>>)
    %dma_wait3A_1962 = arith.constant 0 : i32
    %dma_wait3A_1963 = tpu.memref_slice %arg4[%add3A_524, %dma_wait3A_1962] : memref<16384x1024xf32, #tpu.memory_space<hbm>> -> memref<4x1024xf32, #tpu.memory_space<hbm>>
    %dma_wait3A_1964 = arith.constant 0 : i32
    %dma_wait3A_1965 = tpu.memref_slice %arg4[%add3A_524, %dma_wait3A_1964] : memref<16384x1024xf32, #tpu.memory_space<hbm>> -> memref<4x1024xf32, #tpu.memory_space<hbm>>
    tpu.wait_dma2 semaphore(%arg13 : memref<!tpu.dma_semaphore, #tpu.memory_space<semaphore_mem>>) src(%arg9 : memref<4x1024xf32, #tpu.memory_space<vmem>>) dst(%dma_wait3A_1965 : memref<4x1024xf32, #tpu.memory_space<hbm>>)
    %dma_wait3A_1966 = arith.constant 0 : i32
    %dma_wait3A_1967 = tpu.memref_slice %arg4[%add3A_530, %dma_wait3A_1966] : memref<16384x1024xf32, #tpu.memory_space<hbm>> -> memref<4x1024xf32, #tpu.memory_space<hbm>>
    %dma_wait3A_1968 = arith.constant 0 : i32
    %dma_wait3A_1969 = tpu.memref_slice %arg4[%add3A_530, %dma_wait3A_1968] : memref<16384x1024xf32, #tpu.memory_space<hbm>> -> memref<4x1024xf32, #tpu.memory_space<hbm>>
    tpu.wait_dma2 semaphore(%arg13 : memref<!tpu.dma_semaphore, #tpu.memory_space<semaphore_mem>>) src(%arg9 : memref<4x1024xf32, #tpu.memory_space<vmem>>) dst(%dma_wait3A_1969 : memref<4x1024xf32, #tpu.memory_space<hbm>>)
    %dma_wait3A_1970 = arith.constant 0 : i32
    %dma_wait3A_1971 = tpu.memref_slice %arg4[%add3A_536, %dma_wait3A_1970] : memref<16384x1024xf32, #tpu.memory_space<hbm>> -> memref<4x1024xf32, #tpu.memory_space<hbm>>
    %dma_wait3A_1972 = arith.constant 0 : i32
    %dma_wait3A_1973 = tpu.memref_slice %arg4[%add3A_536, %dma_wait3A_1972] : memref<16384x1024xf32, #tpu.memory_space<hbm>> -> memref<4x1024xf32, #tpu.memory_space<hbm>>
    tpu.wait_dma2 semaphore(%arg13 : memref<!tpu.dma_semaphore, #tpu.memory_space<semaphore_mem>>) src(%arg9 : memref<4x1024xf32, #tpu.memory_space<vmem>>) dst(%dma_wait3A_1973 : memref<4x1024xf32, #tpu.memory_space<hbm>>)
    %dma_wait3A_1974 = arith.constant 0 : i32
    %dma_wait3A_1975 = tpu.memref_slice %arg4[%add3A_542, %dma_wait3A_1974] : memref<16384x1024xf32, #tpu.memory_space<hbm>> -> memref<4x1024xf32, #tpu.memory_space<hbm>>
    %dma_wait3A_1976 = arith.constant 0 : i32
    %dma_wait3A_1977 = tpu.memref_slice %arg4[%add3A_542, %dma_wait3A_1976] : memref<16384x1024xf32, #tpu.memory_space<hbm>> -> memref<4x1024xf32, #tpu.memory_space<hbm>>
    tpu.wait_dma2 semaphore(%arg13 : memref<!tpu.dma_semaphore, #tpu.memory_space<semaphore_mem>>) src(%arg9 : memref<4x1024xf32, #tpu.memory_space<vmem>>) dst(%dma_wait3A_1977 : memref<4x1024xf32, #tpu.memory_space<hbm>>)
    %dma_wait3A_1978 = arith.constant 0 : i32
    %dma_wait3A_1979 = tpu.memref_slice %arg4[%add3A_548, %dma_wait3A_1978] : memref<16384x1024xf32, #tpu.memory_space<hbm>> -> memref<4x1024xf32, #tpu.memory_space<hbm>>
    %dma_wait3A_1980 = arith.constant 0 : i32
    %dma_wait3A_1981 = tpu.memref_slice %arg4[%add3A_548, %dma_wait3A_1980] : memref<16384x1024xf32, #tpu.memory_space<hbm>> -> memref<4x1024xf32, #tpu.memory_space<hbm>>
    tpu.wait_dma2 semaphore(%arg13 : memref<!tpu.dma_semaphore, #tpu.memory_space<semaphore_mem>>) src(%arg9 : memref<4x1024xf32, #tpu.memory_space<vmem>>) dst(%dma_wait3A_1981 : memref<4x1024xf32, #tpu.memory_space<hbm>>)
    %dma_wait3A_1982 = arith.constant 0 : i32
    %dma_wait3A_1983 = tpu.memref_slice %arg4[%add3A_554, %dma_wait3A_1982] : memref<16384x1024xf32, #tpu.memory_space<hbm>> -> memref<4x1024xf32, #tpu.memory_space<hbm>>
    %dma_wait3A_1984 = arith.constant 0 : i32
    %dma_wait3A_1985 = tpu.memref_slice %arg4[%add3A_554, %dma_wait3A_1984] : memref<16384x1024xf32, #tpu.memory_space<hbm>> -> memref<4x1024xf32, #tpu.memory_space<hbm>>
    tpu.wait_dma2 semaphore(%arg13 : memref<!tpu.dma_semaphore, #tpu.memory_space<semaphore_mem>>) src(%arg9 : memref<4x1024xf32, #tpu.memory_space<vmem>>) dst(%dma_wait3A_1985 : memref<4x1024xf32, #tpu.memory_space<hbm>>)
    %dma_wait3A_1986 = arith.constant 0 : i32
    %dma_wait3A_1987 = tpu.memref_slice %arg4[%add3A_560, %dma_wait3A_1986] : memref<16384x1024xf32, #tpu.memory_space<hbm>> -> memref<4x1024xf32, #tpu.memory_space<hbm>>
    %dma_wait3A_1988 = arith.constant 0 : i32
    %dma_wait3A_1989 = tpu.memref_slice %arg4[%add3A_560, %dma_wait3A_1988] : memref<16384x1024xf32, #tpu.memory_space<hbm>> -> memref<4x1024xf32, #tpu.memory_space<hbm>>
    tpu.wait_dma2 semaphore(%arg13 : memref<!tpu.dma_semaphore, #tpu.memory_space<semaphore_mem>>) src(%arg9 : memref<4x1024xf32, #tpu.memory_space<vmem>>) dst(%dma_wait3A_1989 : memref<4x1024xf32, #tpu.memory_space<hbm>>)
    %dma_wait3A_1990 = arith.constant 0 : i32
    %dma_wait3A_1991 = tpu.memref_slice %arg4[%add3A_566, %dma_wait3A_1990] : memref<16384x1024xf32, #tpu.memory_space<hbm>> -> memref<4x1024xf32, #tpu.memory_space<hbm>>
    %dma_wait3A_1992 = arith.constant 0 : i32
    %dma_wait3A_1993 = tpu.memref_slice %arg4[%add3A_566, %dma_wait3A_1992] : memref<16384x1024xf32, #tpu.memory_space<hbm>> -> memref<4x1024xf32, #tpu.memory_space<hbm>>
    tpu.wait_dma2 semaphore(%arg13 : memref<!tpu.dma_semaphore, #tpu.memory_space<semaphore_mem>>) src(%arg9 : memref<4x1024xf32, #tpu.memory_space<vmem>>) dst(%dma_wait3A_1993 : memref<4x1024xf32, #tpu.memory_space<hbm>>)
    %dma_wait3A_1994 = arith.constant 0 : i32
    %dma_wait3A_1995 = tpu.memref_slice %arg4[%add3A_572, %dma_wait3A_1994] : memref<16384x1024xf32, #tpu.memory_space<hbm>> -> memref<4x1024xf32, #tpu.memory_space<hbm>>
    %dma_wait3A_1996 = arith.constant 0 : i32
    %dma_wait3A_1997 = tpu.memref_slice %arg4[%add3A_572, %dma_wait3A_1996] : memref<16384x1024xf32, #tpu.memory_space<hbm>> -> memref<4x1024xf32, #tpu.memory_space<hbm>>
    tpu.wait_dma2 semaphore(%arg13 : memref<!tpu.dma_semaphore, #tpu.memory_space<semaphore_mem>>) src(%arg9 : memref<4x1024xf32, #tpu.memory_space<vmem>>) dst(%dma_wait3A_1997 : memref<4x1024xf32, #tpu.memory_space<hbm>>)
    %dma_wait3A_1998 = arith.constant 0 : i32
    %dma_wait3A_1999 = tpu.memref_slice %arg4[%add3A_578, %dma_wait3A_1998] : memref<16384x1024xf32, #tpu.memory_space<hbm>> -> memref<4x1024xf32, #tpu.memory_space<hbm>>
    %dma_wait3A_2000 = arith.constant 0 : i32
    %dma_wait3A_2001 = tpu.memref_slice %arg4[%add3A_578, %dma_wait3A_2000] : memref<16384x1024xf32, #tpu.memory_space<hbm>> -> memref<4x1024xf32, #tpu.memory_space<hbm>>
    tpu.wait_dma2 semaphore(%arg13 : memref<!tpu.dma_semaphore, #tpu.memory_space<semaphore_mem>>) src(%arg9 : memref<4x1024xf32, #tpu.memory_space<vmem>>) dst(%dma_wait3A_2001 : memref<4x1024xf32, #tpu.memory_space<hbm>>)
    %dma_wait3A_2002 = arith.constant 0 : i32
    %dma_wait3A_2003 = tpu.memref_slice %arg4[%add3A_584, %dma_wait3A_2002] : memref<16384x1024xf32, #tpu.memory_space<hbm>> -> memref<4x1024xf32, #tpu.memory_space<hbm>>
    %dma_wait3A_2004 = arith.constant 0 : i32
    %dma_wait3A_2005 = tpu.memref_slice %arg4[%add3A_584, %dma_wait3A_2004] : memref<16384x1024xf32, #tpu.memory_space<hbm>> -> memref<4x1024xf32, #tpu.memory_space<hbm>>
    tpu.wait_dma2 semaphore(%arg13 : memref<!tpu.dma_semaphore, #tpu.memory_space<semaphore_mem>>) src(%arg9 : memref<4x1024xf32, #tpu.memory_space<vmem>>) dst(%dma_wait3A_2005 : memref<4x1024xf32, #tpu.memory_space<hbm>>)
    %dma_wait3A_2006 = arith.constant 0 : i32
    %dma_wait3A_2007 = tpu.memref_slice %arg4[%add3A_590, %dma_wait3A_2006] : memref<16384x1024xf32, #tpu.memory_space<hbm>> -> memref<4x1024xf32, #tpu.memory_space<hbm>>
    %dma_wait3A_2008 = arith.constant 0 : i32
    %dma_wait3A_2009 = tpu.memref_slice %arg4[%add3A_590, %dma_wait3A_2008] : memref<16384x1024xf32, #tpu.memory_space<hbm>> -> memref<4x1024xf32, #tpu.memory_space<hbm>>
    tpu.wait_dma2 semaphore(%arg13 : memref<!tpu.dma_semaphore, #tpu.memory_space<semaphore_mem>>) src(%arg9 : memref<4x1024xf32, #tpu.memory_space<vmem>>) dst(%dma_wait3A_2009 : memref<4x1024xf32, #tpu.memory_space<hbm>>)
    %dma_wait3A_2010 = arith.constant 0 : i32
    %dma_wait3A_2011 = tpu.memref_slice %arg4[%add3A_596, %dma_wait3A_2010] : memref<16384x1024xf32, #tpu.memory_space<hbm>> -> memref<4x1024xf32, #tpu.memory_space<hbm>>
    %dma_wait3A_2012 = arith.constant 0 : i32
    %dma_wait3A_2013 = tpu.memref_slice %arg4[%add3A_596, %dma_wait3A_2012] : memref<16384x1024xf32, #tpu.memory_space<hbm>> -> memref<4x1024xf32, #tpu.memory_space<hbm>>
    tpu.wait_dma2 semaphore(%arg13 : memref<!tpu.dma_semaphore, #tpu.memory_space<semaphore_mem>>) src(%arg9 : memref<4x1024xf32, #tpu.memory_space<vmem>>) dst(%dma_wait3A_2013 : memref<4x1024xf32, #tpu.memory_space<hbm>>)
    %dma_wait3A_2014 = arith.constant 0 : i32
    %dma_wait3A_2015 = tpu.memref_slice %arg4[%add3A_602, %dma_wait3A_2014] : memref<16384x1024xf32, #tpu.memory_space<hbm>> -> memref<4x1024xf32, #tpu.memory_space<hbm>>
    %dma_wait3A_2016 = arith.constant 0 : i32
    %dma_wait3A_2017 = tpu.memref_slice %arg4[%add3A_602, %dma_wait3A_2016] : memref<16384x1024xf32, #tpu.memory_space<hbm>> -> memref<4x1024xf32, #tpu.memory_space<hbm>>
    tpu.wait_dma2 semaphore(%arg13 : memref<!tpu.dma_semaphore, #tpu.memory_space<semaphore_mem>>) src(%arg9 : memref<4x1024xf32, #tpu.memory_space<vmem>>) dst(%dma_wait3A_2017 : memref<4x1024xf32, #tpu.memory_space<hbm>>)
    %dma_wait3A_2018 = arith.constant 0 : i32
    %dma_wait3A_2019 = tpu.memref_slice %arg4[%add3A_608, %dma_wait3A_2018] : memref<16384x1024xf32, #tpu.memory_space<hbm>> -> memref<4x1024xf32, #tpu.memory_space<hbm>>
    %dma_wait3A_2020 = arith.constant 0 : i32
    %dma_wait3A_2021 = tpu.memref_slice %arg4[%add3A_608, %dma_wait3A_2020] : memref<16384x1024xf32, #tpu.memory_space<hbm>> -> memref<4x1024xf32, #tpu.memory_space<hbm>>
    tpu.wait_dma2 semaphore(%arg13 : memref<!tpu.dma_semaphore, #tpu.memory_space<semaphore_mem>>) src(%arg9 : memref<4x1024xf32, #tpu.memory_space<vmem>>) dst(%dma_wait3A_2021 : memref<4x1024xf32, #tpu.memory_space<hbm>>)
    %dma_wait3A_2022 = arith.constant 0 : i32
    %dma_wait3A_2023 = tpu.memref_slice %arg4[%add3A_614, %dma_wait3A_2022] : memref<16384x1024xf32, #tpu.memory_space<hbm>> -> memref<4x1024xf32, #tpu.memory_space<hbm>>
    %dma_wait3A_2024 = arith.constant 0 : i32
    %dma_wait3A_2025 = tpu.memref_slice %arg4[%add3A_614, %dma_wait3A_2024] : memref<16384x1024xf32, #tpu.memory_space<hbm>> -> memref<4x1024xf32, #tpu.memory_space<hbm>>
    tpu.wait_dma2 semaphore(%arg13 : memref<!tpu.dma_semaphore, #tpu.memory_space<semaphore_mem>>) src(%arg9 : memref<4x1024xf32, #tpu.memory_space<vmem>>) dst(%dma_wait3A_2025 : memref<4x1024xf32, #tpu.memory_space<hbm>>)
    %dma_wait3A_2026 = arith.constant 0 : i32
    %dma_wait3A_2027 = tpu.memref_slice %arg4[%add3A_620, %dma_wait3A_2026] : memref<16384x1024xf32, #tpu.memory_space<hbm>> -> memref<4x1024xf32, #tpu.memory_space<hbm>>
    %dma_wait3A_2028 = arith.constant 0 : i32
    %dma_wait3A_2029 = tpu.memref_slice %arg4[%add3A_620, %dma_wait3A_2028] : memref<16384x1024xf32, #tpu.memory_space<hbm>> -> memref<4x1024xf32, #tpu.memory_space<hbm>>
    tpu.wait_dma2 semaphore(%arg13 : memref<!tpu.dma_semaphore, #tpu.memory_space<semaphore_mem>>) src(%arg9 : memref<4x1024xf32, #tpu.memory_space<vmem>>) dst(%dma_wait3A_2029 : memref<4x1024xf32, #tpu.memory_space<hbm>>)
    %dma_wait3A_2030 = arith.constant 0 : i32
    %dma_wait3A_2031 = tpu.memref_slice %arg4[%add3A_626, %dma_wait3A_2030] : memref<16384x1024xf32, #tpu.memory_space<hbm>> -> memref<4x1024xf32, #tpu.memory_space<hbm>>
    %dma_wait3A_2032 = arith.constant 0 : i32
    %dma_wait3A_2033 = tpu.memref_slice %arg4[%add3A_626, %dma_wait3A_2032] : memref<16384x1024xf32, #tpu.memory_space<hbm>> -> memref<4x1024xf32, #tpu.memory_space<hbm>>
    tpu.wait_dma2 semaphore(%arg13 : memref<!tpu.dma_semaphore, #tpu.memory_space<semaphore_mem>>) src(%arg9 : memref<4x1024xf32, #tpu.memory_space<vmem>>) dst(%dma_wait3A_2033 : memref<4x1024xf32, #tpu.memory_space<hbm>>)
    %dma_wait3A_2034 = arith.constant 0 : i32
    %dma_wait3A_2035 = tpu.memref_slice %arg4[%add3A_632, %dma_wait3A_2034] : memref<16384x1024xf32, #tpu.memory_space<hbm>> -> memref<4x1024xf32, #tpu.memory_space<hbm>>
    %dma_wait3A_2036 = arith.constant 0 : i32
    %dma_wait3A_2037 = tpu.memref_slice %arg4[%add3A_632, %dma_wait3A_2036] : memref<16384x1024xf32, #tpu.memory_space<hbm>> -> memref<4x1024xf32, #tpu.memory_space<hbm>>
    tpu.wait_dma2 semaphore(%arg13 : memref<!tpu.dma_semaphore, #tpu.memory_space<semaphore_mem>>) src(%arg9 : memref<4x1024xf32, #tpu.memory_space<vmem>>) dst(%dma_wait3A_2037 : memref<4x1024xf32, #tpu.memory_space<hbm>>)
    %dma_wait3A_2038 = arith.constant 0 : i32
    %dma_wait3A_2039 = tpu.memref_slice %arg4[%add3A_638, %dma_wait3A_2038] : memref<16384x1024xf32, #tpu.memory_space<hbm>> -> memref<4x1024xf32, #tpu.memory_space<hbm>>
    %dma_wait3A_2040 = arith.constant 0 : i32
    %dma_wait3A_2041 = tpu.memref_slice %arg4[%add3A_638, %dma_wait3A_2040] : memref<16384x1024xf32, #tpu.memory_space<hbm>> -> memref<4x1024xf32, #tpu.memory_space<hbm>>
    tpu.wait_dma2 semaphore(%arg13 : memref<!tpu.dma_semaphore, #tpu.memory_space<semaphore_mem>>) src(%arg9 : memref<4x1024xf32, #tpu.memory_space<vmem>>) dst(%dma_wait3A_2041 : memref<4x1024xf32, #tpu.memory_space<hbm>>)
    %dma_wait3A_2042 = arith.constant 0 : i32
    %dma_wait3A_2043 = tpu.memref_slice %arg4[%add3A_644, %dma_wait3A_2042] : memref<16384x1024xf32, #tpu.memory_space<hbm>> -> memref<4x1024xf32, #tpu.memory_space<hbm>>
    %dma_wait3A_2044 = arith.constant 0 : i32
    %dma_wait3A_2045 = tpu.memref_slice %arg4[%add3A_644, %dma_wait3A_2044] : memref<16384x1024xf32, #tpu.memory_space<hbm>> -> memref<4x1024xf32, #tpu.memory_space<hbm>>
    tpu.wait_dma2 semaphore(%arg13 : memref<!tpu.dma_semaphore, #tpu.memory_space<semaphore_mem>>) src(%arg9 : memref<4x1024xf32, #tpu.memory_space<vmem>>) dst(%dma_wait3A_2045 : memref<4x1024xf32, #tpu.memory_space<hbm>>)
    %dma_wait3A_2046 = arith.constant 0 : i32
    %dma_wait3A_2047 = tpu.memref_slice %arg4[%add3A_650, %dma_wait3A_2046] : memref<16384x1024xf32, #tpu.memory_space<hbm>> -> memref<4x1024xf32, #tpu.memory_space<hbm>>
    %dma_wait3A_2048 = arith.constant 0 : i32
    %dma_wait3A_2049 = tpu.memref_slice %arg4[%add3A_650, %dma_wait3A_2048] : memref<16384x1024xf32, #tpu.memory_space<hbm>> -> memref<4x1024xf32, #tpu.memory_space<hbm>>
    tpu.wait_dma2 semaphore(%arg13 : memref<!tpu.dma_semaphore, #tpu.memory_space<semaphore_mem>>) src(%arg9 : memref<4x1024xf32, #tpu.memory_space<vmem>>) dst(%dma_wait3A_2049 : memref<4x1024xf32, #tpu.memory_space<hbm>>)
    %dma_wait3A_2050 = arith.constant 0 : i32
    %dma_wait3A_2051 = tpu.memref_slice %arg4[%add3A_656, %dma_wait3A_2050] : memref<16384x1024xf32, #tpu.memory_space<hbm>> -> memref<4x1024xf32, #tpu.memory_space<hbm>>
    %dma_wait3A_2052 = arith.constant 0 : i32
    %dma_wait3A_2053 = tpu.memref_slice %arg4[%add3A_656, %dma_wait3A_2052] : memref<16384x1024xf32, #tpu.memory_space<hbm>> -> memref<4x1024xf32, #tpu.memory_space<hbm>>
    tpu.wait_dma2 semaphore(%arg13 : memref<!tpu.dma_semaphore, #tpu.memory_space<semaphore_mem>>) src(%arg9 : memref<4x1024xf32, #tpu.memory_space<vmem>>) dst(%dma_wait3A_2053 : memref<4x1024xf32, #tpu.memory_space<hbm>>)
    %dma_wait3A_2054 = arith.constant 0 : i32
    %dma_wait3A_2055 = tpu.memref_slice %arg4[%add3A_662, %dma_wait3A_2054] : memref<16384x1024xf32, #tpu.memory_space<hbm>> -> memref<4x1024xf32, #tpu.memory_space<hbm>>
    %dma_wait3A_2056 = arith.constant 0 : i32
    %dma_wait3A_2057 = tpu.memref_slice %arg4[%add3A_662, %dma_wait3A_2056] : memref<16384x1024xf32, #tpu.memory_space<hbm>> -> memref<4x1024xf32, #tpu.memory_space<hbm>>
    tpu.wait_dma2 semaphore(%arg13 : memref<!tpu.dma_semaphore, #tpu.memory_space<semaphore_mem>>) src(%arg9 : memref<4x1024xf32, #tpu.memory_space<vmem>>) dst(%dma_wait3A_2057 : memref<4x1024xf32, #tpu.memory_space<hbm>>)
    %dma_wait3A_2058 = arith.constant 0 : i32
    %dma_wait3A_2059 = tpu.memref_slice %arg4[%add3A_668, %dma_wait3A_2058] : memref<16384x1024xf32, #tpu.memory_space<hbm>> -> memref<4x1024xf32, #tpu.memory_space<hbm>>
    %dma_wait3A_2060 = arith.constant 0 : i32
    %dma_wait3A_2061 = tpu.memref_slice %arg4[%add3A_668, %dma_wait3A_2060] : memref<16384x1024xf32, #tpu.memory_space<hbm>> -> memref<4x1024xf32, #tpu.memory_space<hbm>>
    tpu.wait_dma2 semaphore(%arg13 : memref<!tpu.dma_semaphore, #tpu.memory_space<semaphore_mem>>) src(%arg9 : memref<4x1024xf32, #tpu.memory_space<vmem>>) dst(%dma_wait3A_2061 : memref<4x1024xf32, #tpu.memory_space<hbm>>)
    %dma_wait3A_2062 = arith.constant 0 : i32
    %dma_wait3A_2063 = tpu.memref_slice %arg4[%add3A_674, %dma_wait3A_2062] : memref<16384x1024xf32, #tpu.memory_space<hbm>> -> memref<4x1024xf32, #tpu.memory_space<hbm>>
    %dma_wait3A_2064 = arith.constant 0 : i32
    %dma_wait3A_2065 = tpu.memref_slice %arg4[%add3A_674, %dma_wait3A_2064] : memref<16384x1024xf32, #tpu.memory_space<hbm>> -> memref<4x1024xf32, #tpu.memory_space<hbm>>
    tpu.wait_dma2 semaphore(%arg13 : memref<!tpu.dma_semaphore, #tpu.memory_space<semaphore_mem>>) src(%arg9 : memref<4x1024xf32, #tpu.memory_space<vmem>>) dst(%dma_wait3A_2065 : memref<4x1024xf32, #tpu.memory_space<hbm>>)
    %dma_wait3A_2066 = arith.constant 0 : i32
    %dma_wait3A_2067 = tpu.memref_slice %arg4[%add3A_680, %dma_wait3A_2066] : memref<16384x1024xf32, #tpu.memory_space<hbm>> -> memref<4x1024xf32, #tpu.memory_space<hbm>>
    %dma_wait3A_2068 = arith.constant 0 : i32
    %dma_wait3A_2069 = tpu.memref_slice %arg4[%add3A_680, %dma_wait3A_2068] : memref<16384x1024xf32, #tpu.memory_space<hbm>> -> memref<4x1024xf32, #tpu.memory_space<hbm>>
    tpu.wait_dma2 semaphore(%arg13 : memref<!tpu.dma_semaphore, #tpu.memory_space<semaphore_mem>>) src(%arg9 : memref<4x1024xf32, #tpu.memory_space<vmem>>) dst(%dma_wait3A_2069 : memref<4x1024xf32, #tpu.memory_space<hbm>>)
    %dma_wait3A_2070 = arith.constant 0 : i32
    %dma_wait3A_2071 = tpu.memref_slice %arg4[%add3A_686, %dma_wait3A_2070] : memref<16384x1024xf32, #tpu.memory_space<hbm>> -> memref<4x1024xf32, #tpu.memory_space<hbm>>
    %dma_wait3A_2072 = arith.constant 0 : i32
    %dma_wait3A_2073 = tpu.memref_slice %arg4[%add3A_686, %dma_wait3A_2072] : memref<16384x1024xf32, #tpu.memory_space<hbm>> -> memref<4x1024xf32, #tpu.memory_space<hbm>>
    tpu.wait_dma2 semaphore(%arg13 : memref<!tpu.dma_semaphore, #tpu.memory_space<semaphore_mem>>) src(%arg9 : memref<4x1024xf32, #tpu.memory_space<vmem>>) dst(%dma_wait3A_2073 : memref<4x1024xf32, #tpu.memory_space<hbm>>)
    %dma_wait3A_2074 = arith.constant 0 : i32
    %dma_wait3A_2075 = tpu.memref_slice %arg4[%add3A_692, %dma_wait3A_2074] : memref<16384x1024xf32, #tpu.memory_space<hbm>> -> memref<4x1024xf32, #tpu.memory_space<hbm>>
    %dma_wait3A_2076 = arith.constant 0 : i32
    %dma_wait3A_2077 = tpu.memref_slice %arg4[%add3A_692, %dma_wait3A_2076] : memref<16384x1024xf32, #tpu.memory_space<hbm>> -> memref<4x1024xf32, #tpu.memory_space<hbm>>
    tpu.wait_dma2 semaphore(%arg13 : memref<!tpu.dma_semaphore, #tpu.memory_space<semaphore_mem>>) src(%arg9 : memref<4x1024xf32, #tpu.memory_space<vmem>>) dst(%dma_wait3A_2077 : memref<4x1024xf32, #tpu.memory_space<hbm>>)
    %dma_wait3A_2078 = arith.constant 0 : i32
    %dma_wait3A_2079 = tpu.memref_slice %arg4[%add3A_698, %dma_wait3A_2078] : memref<16384x1024xf32, #tpu.memory_space<hbm>> -> memref<4x1024xf32, #tpu.memory_space<hbm>>
    %dma_wait3A_2080 = arith.constant 0 : i32
    %dma_wait3A_2081 = tpu.memref_slice %arg4[%add3A_698, %dma_wait3A_2080] : memref<16384x1024xf32, #tpu.memory_space<hbm>> -> memref<4x1024xf32, #tpu.memory_space<hbm>>
    tpu.wait_dma2 semaphore(%arg13 : memref<!tpu.dma_semaphore, #tpu.memory_space<semaphore_mem>>) src(%arg9 : memref<4x1024xf32, #tpu.memory_space<vmem>>) dst(%dma_wait3A_2081 : memref<4x1024xf32, #tpu.memory_space<hbm>>)
    %dma_wait3A_2082 = arith.constant 0 : i32
    %dma_wait3A_2083 = tpu.memref_slice %arg4[%add3A_704, %dma_wait3A_2082] : memref<16384x1024xf32, #tpu.memory_space<hbm>> -> memref<4x1024xf32, #tpu.memory_space<hbm>>
    %dma_wait3A_2084 = arith.constant 0 : i32
    %dma_wait3A_2085 = tpu.memref_slice %arg4[%add3A_704, %dma_wait3A_2084] : memref<16384x1024xf32, #tpu.memory_space<hbm>> -> memref<4x1024xf32, #tpu.memory_space<hbm>>
    tpu.wait_dma2 semaphore(%arg13 : memref<!tpu.dma_semaphore, #tpu.memory_space<semaphore_mem>>) src(%arg9 : memref<4x1024xf32, #tpu.memory_space<vmem>>) dst(%dma_wait3A_2085 : memref<4x1024xf32, #tpu.memory_space<hbm>>)
    %dma_wait3A_2086 = arith.constant 0 : i32
    %dma_wait3A_2087 = tpu.memref_slice %arg4[%add3A_710, %dma_wait3A_2086] : memref<16384x1024xf32, #tpu.memory_space<hbm>> -> memref<4x1024xf32, #tpu.memory_space<hbm>>
    %dma_wait3A_2088 = arith.constant 0 : i32
    %dma_wait3A_2089 = tpu.memref_slice %arg4[%add3A_710, %dma_wait3A_2088] : memref<16384x1024xf32, #tpu.memory_space<hbm>> -> memref<4x1024xf32, #tpu.memory_space<hbm>>
    tpu.wait_dma2 semaphore(%arg13 : memref<!tpu.dma_semaphore, #tpu.memory_space<semaphore_mem>>) src(%arg9 : memref<4x1024xf32, #tpu.memory_space<vmem>>) dst(%dma_wait3A_2089 : memref<4x1024xf32, #tpu.memory_space<hbm>>)
    %dma_wait3A_2090 = arith.constant 0 : i32
    %dma_wait3A_2091 = tpu.memref_slice %arg4[%add3A_716, %dma_wait3A_2090] : memref<16384x1024xf32, #tpu.memory_space<hbm>> -> memref<4x1024xf32, #tpu.memory_space<hbm>>
    %dma_wait3A_2092 = arith.constant 0 : i32
    %dma_wait3A_2093 = tpu.memref_slice %arg4[%add3A_716, %dma_wait3A_2092] : memref<16384x1024xf32, #tpu.memory_space<hbm>> -> memref<4x1024xf32, #tpu.memory_space<hbm>>
    tpu.wait_dma2 semaphore(%arg13 : memref<!tpu.dma_semaphore, #tpu.memory_space<semaphore_mem>>) src(%arg9 : memref<4x1024xf32, #tpu.memory_space<vmem>>) dst(%dma_wait3A_2093 : memref<4x1024xf32, #tpu.memory_space<hbm>>)
    %dma_wait3A_2094 = arith.constant 0 : i32
    %dma_wait3A_2095 = tpu.memref_slice %arg4[%add3A_722, %dma_wait3A_2094] : memref<16384x1024xf32, #tpu.memory_space<hbm>> -> memref<4x1024xf32, #tpu.memory_space<hbm>>
    %dma_wait3A_2096 = arith.constant 0 : i32
    %dma_wait3A_2097 = tpu.memref_slice %arg4[%add3A_722, %dma_wait3A_2096] : memref<16384x1024xf32, #tpu.memory_space<hbm>> -> memref<4x1024xf32, #tpu.memory_space<hbm>>
    tpu.wait_dma2 semaphore(%arg13 : memref<!tpu.dma_semaphore, #tpu.memory_space<semaphore_mem>>) src(%arg9 : memref<4x1024xf32, #tpu.memory_space<vmem>>) dst(%dma_wait3A_2097 : memref<4x1024xf32, #tpu.memory_space<hbm>>)
    %dma_wait3A_2098 = arith.constant 0 : i32
    %dma_wait3A_2099 = tpu.memref_slice %arg4[%add3A_728, %dma_wait3A_2098] : memref<16384x1024xf32, #tpu.memory_space<hbm>> -> memref<4x1024xf32, #tpu.memory_space<hbm>>
    %dma_wait3A_2100 = arith.constant 0 : i32
    %dma_wait3A_2101 = tpu.memref_slice %arg4[%add3A_728, %dma_wait3A_2100] : memref<16384x1024xf32, #tpu.memory_space<hbm>> -> memref<4x1024xf32, #tpu.memory_space<hbm>>
    tpu.wait_dma2 semaphore(%arg13 : memref<!tpu.dma_semaphore, #tpu.memory_space<semaphore_mem>>) src(%arg9 : memref<4x1024xf32, #tpu.memory_space<vmem>>) dst(%dma_wait3A_2101 : memref<4x1024xf32, #tpu.memory_space<hbm>>)
    %dma_wait3A_2102 = arith.constant 0 : i32
    %dma_wait3A_2103 = tpu.memref_slice %arg4[%add3A_734, %dma_wait3A_2102] : memref<16384x1024xf32, #tpu.memory_space<hbm>> -> memref<4x1024xf32, #tpu.memory_space<hbm>>
    %dma_wait3A_2104 = arith.constant 0 : i32
    %dma_wait3A_2105 = tpu.memref_slice %arg4[%add3A_734, %dma_wait3A_2104] : memref<16384x1024xf32, #tpu.memory_space<hbm>> -> memref<4x1024xf32, #tpu.memory_space<hbm>>
    tpu.wait_dma2 semaphore(%arg13 : memref<!tpu.dma_semaphore, #tpu.memory_space<semaphore_mem>>) src(%arg9 : memref<4x1024xf32, #tpu.memory_space<vmem>>) dst(%dma_wait3A_2105 : memref<4x1024xf32, #tpu.memory_space<hbm>>)
    %dma_wait3A_2106 = arith.constant 0 : i32
    %dma_wait3A_2107 = tpu.memref_slice %arg4[%add3A_740, %dma_wait3A_2106] : memref<16384x1024xf32, #tpu.memory_space<hbm>> -> memref<4x1024xf32, #tpu.memory_space<hbm>>
    %dma_wait3A_2108 = arith.constant 0 : i32
    %dma_wait3A_2109 = tpu.memref_slice %arg4[%add3A_740, %dma_wait3A_2108] : memref<16384x1024xf32, #tpu.memory_space<hbm>> -> memref<4x1024xf32, #tpu.memory_space<hbm>>
    tpu.wait_dma2 semaphore(%arg13 : memref<!tpu.dma_semaphore, #tpu.memory_space<semaphore_mem>>) src(%arg9 : memref<4x1024xf32, #tpu.memory_space<vmem>>) dst(%dma_wait3A_2109 : memref<4x1024xf32, #tpu.memory_space<hbm>>)
    %dma_wait3A_2110 = arith.constant 0 : i32
    %dma_wait3A_2111 = tpu.memref_slice %arg4[%add3A_746, %dma_wait3A_2110] : memref<16384x1024xf32, #tpu.memory_space<hbm>> -> memref<4x1024xf32, #tpu.memory_space<hbm>>
    %dma_wait3A_2112 = arith.constant 0 : i32
    %dma_wait3A_2113 = tpu.memref_slice %arg4[%add3A_746, %dma_wait3A_2112] : memref<16384x1024xf32, #tpu.memory_space<hbm>> -> memref<4x1024xf32, #tpu.memory_space<hbm>>
    tpu.wait_dma2 semaphore(%arg13 : memref<!tpu.dma_semaphore, #tpu.memory_space<semaphore_mem>>) src(%arg9 : memref<4x1024xf32, #tpu.memory_space<vmem>>) dst(%dma_wait3A_2113 : memref<4x1024xf32, #tpu.memory_space<hbm>>)
    %dma_wait3A_2114 = arith.constant 0 : i32
    %dma_wait3A_2115 = tpu.memref_slice %arg4[%add3A_752, %dma_wait3A_2114] : memref<16384x1024xf32, #tpu.memory_space<hbm>> -> memref<4x1024xf32, #tpu.memory_space<hbm>>
    %dma_wait3A_2116 = arith.constant 0 : i32
    %dma_wait3A_2117 = tpu.memref_slice %arg4[%add3A_752, %dma_wait3A_2116] : memref<16384x1024xf32, #tpu.memory_space<hbm>> -> memref<4x1024xf32, #tpu.memory_space<hbm>>
    tpu.wait_dma2 semaphore(%arg13 : memref<!tpu.dma_semaphore, #tpu.memory_space<semaphore_mem>>) src(%arg9 : memref<4x1024xf32, #tpu.memory_space<vmem>>) dst(%dma_wait3A_2117 : memref<4x1024xf32, #tpu.memory_space<hbm>>)
    %dma_wait3A_2118 = arith.constant 0 : i32
    %dma_wait3A_2119 = tpu.memref_slice %arg4[%add3A_758, %dma_wait3A_2118] : memref<16384x1024xf32, #tpu.memory_space<hbm>> -> memref<4x1024xf32, #tpu.memory_space<hbm>>
    %dma_wait3A_2120 = arith.constant 0 : i32
    %dma_wait3A_2121 = tpu.memref_slice %arg4[%add3A_758, %dma_wait3A_2120] : memref<16384x1024xf32, #tpu.memory_space<hbm>> -> memref<4x1024xf32, #tpu.memory_space<hbm>>
    tpu.wait_dma2 semaphore(%arg13 : memref<!tpu.dma_semaphore, #tpu.memory_space<semaphore_mem>>) src(%arg9 : memref<4x1024xf32, #tpu.memory_space<vmem>>) dst(%dma_wait3A_2121 : memref<4x1024xf32, #tpu.memory_space<hbm>>)
    %dma_wait3A_2122 = arith.constant 0 : i32
    %dma_wait3A_2123 = tpu.memref_slice %arg4[%add3A_764, %dma_wait3A_2122] : memref<16384x1024xf32, #tpu.memory_space<hbm>> -> memref<4x1024xf32, #tpu.memory_space<hbm>>
    %dma_wait3A_2124 = arith.constant 0 : i32
    %dma_wait3A_2125 = tpu.memref_slice %arg4[%add3A_764, %dma_wait3A_2124] : memref<16384x1024xf32, #tpu.memory_space<hbm>> -> memref<4x1024xf32, #tpu.memory_space<hbm>>
    tpu.wait_dma2 semaphore(%arg13 : memref<!tpu.dma_semaphore, #tpu.memory_space<semaphore_mem>>) src(%arg9 : memref<4x1024xf32, #tpu.memory_space<vmem>>) dst(%dma_wait3A_2125 : memref<4x1024xf32, #tpu.memory_space<hbm>>)
    %dma_wait3A_2126 = arith.constant 0 : i32
    %dma_wait3A_2127 = tpu.memref_slice %arg4[%add3A_770, %dma_wait3A_2126] : memref<16384x1024xf32, #tpu.memory_space<hbm>> -> memref<4x1024xf32, #tpu.memory_space<hbm>>
    %dma_wait3A_2128 = arith.constant 0 : i32
    %dma_wait3A_2129 = tpu.memref_slice %arg4[%add3A_770, %dma_wait3A_2128] : memref<16384x1024xf32, #tpu.memory_space<hbm>> -> memref<4x1024xf32, #tpu.memory_space<hbm>>
    tpu.wait_dma2 semaphore(%arg13 : memref<!tpu.dma_semaphore, #tpu.memory_space<semaphore_mem>>) src(%arg9 : memref<4x1024xf32, #tpu.memory_space<vmem>>) dst(%dma_wait3A_2129 : memref<4x1024xf32, #tpu.memory_space<hbm>>)
    %dma_wait3A_2130 = arith.constant 0 : i32
    %dma_wait3A_2131 = tpu.memref_slice %arg4[%add3A_776, %dma_wait3A_2130] : memref<16384x1024xf32, #tpu.memory_space<hbm>> -> memref<4x1024xf32, #tpu.memory_space<hbm>>
    %dma_wait3A_2132 = arith.constant 0 : i32
    %dma_wait3A_2133 = tpu.memref_slice %arg4[%add3A_776, %dma_wait3A_2132] : memref<16384x1024xf32, #tpu.memory_space<hbm>> -> memref<4x1024xf32, #tpu.memory_space<hbm>>
    tpu.wait_dma2 semaphore(%arg13 : memref<!tpu.dma_semaphore, #tpu.memory_space<semaphore_mem>>) src(%arg9 : memref<4x1024xf32, #tpu.memory_space<vmem>>) dst(%dma_wait3A_2133 : memref<4x1024xf32, #tpu.memory_space<hbm>>)
    %dma_wait3A_2134 = arith.constant 0 : i32
    %dma_wait3A_2135 = tpu.memref_slice %arg4[%add3A_782, %dma_wait3A_2134] : memref<16384x1024xf32, #tpu.memory_space<hbm>> -> memref<4x1024xf32, #tpu.memory_space<hbm>>
    %dma_wait3A_2136 = arith.constant 0 : i32
    %dma_wait3A_2137 = tpu.memref_slice %arg4[%add3A_782, %dma_wait3A_2136] : memref<16384x1024xf32, #tpu.memory_space<hbm>> -> memref<4x1024xf32, #tpu.memory_space<hbm>>
    tpu.wait_dma2 semaphore(%arg13 : memref<!tpu.dma_semaphore, #tpu.memory_space<semaphore_mem>>) src(%arg9 : memref<4x1024xf32, #tpu.memory_space<vmem>>) dst(%dma_wait3A_2137 : memref<4x1024xf32, #tpu.memory_space<hbm>>)
    %dma_wait3A_2138 = arith.constant 0 : i32
    %dma_wait3A_2139 = tpu.memref_slice %arg4[%add3A_788, %dma_wait3A_2138] : memref<16384x1024xf32, #tpu.memory_space<hbm>> -> memref<4x1024xf32, #tpu.memory_space<hbm>>
    %dma_wait3A_2140 = arith.constant 0 : i32
    %dma_wait3A_2141 = tpu.memref_slice %arg4[%add3A_788, %dma_wait3A_2140] : memref<16384x1024xf32, #tpu.memory_space<hbm>> -> memref<4x1024xf32, #tpu.memory_space<hbm>>
    tpu.wait_dma2 semaphore(%arg13 : memref<!tpu.dma_semaphore, #tpu.memory_space<semaphore_mem>>) src(%arg9 : memref<4x1024xf32, #tpu.memory_space<vmem>>) dst(%dma_wait3A_2141 : memref<4x1024xf32, #tpu.memory_space<hbm>>)
    %dma_wait3A_2142 = arith.constant 0 : i32
    %dma_wait3A_2143 = tpu.memref_slice %arg4[%add3A_794, %dma_wait3A_2142] : memref<16384x1024xf32, #tpu.memory_space<hbm>> -> memref<4x1024xf32, #tpu.memory_space<hbm>>
    %dma_wait3A_2144 = arith.constant 0 : i32
    %dma_wait3A_2145 = tpu.memref_slice %arg4[%add3A_794, %dma_wait3A_2144] : memref<16384x1024xf32, #tpu.memory_space<hbm>> -> memref<4x1024xf32, #tpu.memory_space<hbm>>
    tpu.wait_dma2 semaphore(%arg13 : memref<!tpu.dma_semaphore, #tpu.memory_space<semaphore_mem>>) src(%arg9 : memref<4x1024xf32, #tpu.memory_space<vmem>>) dst(%dma_wait3A_2145 : memref<4x1024xf32, #tpu.memory_space<hbm>>)
    %dma_wait3A_2146 = arith.constant 0 : i32
    %dma_wait3A_2147 = tpu.memref_slice %arg4[%add3A_800, %dma_wait3A_2146] : memref<16384x1024xf32, #tpu.memory_space<hbm>> -> memref<4x1024xf32, #tpu.memory_space<hbm>>
    %dma_wait3A_2148 = arith.constant 0 : i32
    %dma_wait3A_2149 = tpu.memref_slice %arg4[%add3A_800, %dma_wait3A_2148] : memref<16384x1024xf32, #tpu.memory_space<hbm>> -> memref<4x1024xf32, #tpu.memory_space<hbm>>
    tpu.wait_dma2 semaphore(%arg13 : memref<!tpu.dma_semaphore, #tpu.memory_space<semaphore_mem>>) src(%arg9 : memref<4x1024xf32, #tpu.memory_space<vmem>>) dst(%dma_wait3A_2149 : memref<4x1024xf32, #tpu.memory_space<hbm>>)
    %dma_wait3A_2150 = arith.constant 0 : i32
    %dma_wait3A_2151 = tpu.memref_slice %arg4[%add3A_806, %dma_wait3A_2150] : memref<16384x1024xf32, #tpu.memory_space<hbm>> -> memref<4x1024xf32, #tpu.memory_space<hbm>>
    %dma_wait3A_2152 = arith.constant 0 : i32
    %dma_wait3A_2153 = tpu.memref_slice %arg4[%add3A_806, %dma_wait3A_2152] : memref<16384x1024xf32, #tpu.memory_space<hbm>> -> memref<4x1024xf32, #tpu.memory_space<hbm>>
    tpu.wait_dma2 semaphore(%arg13 : memref<!tpu.dma_semaphore, #tpu.memory_space<semaphore_mem>>) src(%arg9 : memref<4x1024xf32, #tpu.memory_space<vmem>>) dst(%dma_wait3A_2153 : memref<4x1024xf32, #tpu.memory_space<hbm>>)
    %dma_wait3A_2154 = arith.constant 0 : i32
    %dma_wait3A_2155 = tpu.memref_slice %arg4[%add3A_812, %dma_wait3A_2154] : memref<16384x1024xf32, #tpu.memory_space<hbm>> -> memref<4x1024xf32, #tpu.memory_space<hbm>>
    %dma_wait3A_2156 = arith.constant 0 : i32
    %dma_wait3A_2157 = tpu.memref_slice %arg4[%add3A_812, %dma_wait3A_2156] : memref<16384x1024xf32, #tpu.memory_space<hbm>> -> memref<4x1024xf32, #tpu.memory_space<hbm>>
    tpu.wait_dma2 semaphore(%arg13 : memref<!tpu.dma_semaphore, #tpu.memory_space<semaphore_mem>>) src(%arg9 : memref<4x1024xf32, #tpu.memory_space<vmem>>) dst(%dma_wait3A_2157 : memref<4x1024xf32, #tpu.memory_space<hbm>>)
    %scan3A_2158 = arith.constant 0 : i32
    %scan3A_2159 = arith.constant 32 : i32
    %scan3A_2160 = arith.addi %scan3A_2158, %scan3A_2159 : i32
    %scan3A_2161 = arith.constant 1 : i32
    %scan3A_2162 = scf.for %scan3A_2164 = %scan3A_2158 to %scan3A_2160 step %scan3A_2161 iter_args(%scan3A_2165 = %add3A_1639) -> (i32)  : i32 {
      %mul3A_2166 = arith.constant 16 : i32
      %mul3A_2167 = arith.muli %scan3A_2164, %mul3A_2166 : i32
      %get3A_2168 = arith.constant 0 : i32
      %get3A_2169 = arith.index_cast %get3A_2168 : i32 to index
      %get3A_2170 = arith.index_cast %mul3A_2167 : i32 to index
      %get3A_2171 = tpu.vector_load %arg5[%get3A_2169, %get3A_2170] {strides = array<i32>} : memref<1x512xi32, #tpu.memory_space<vmem>>, vector<1x16xi32>,
      %get3A_2172 = vector.shape_cast %get3A_2171 : vector<1x16xi32> to vector<16xi32>
      %ge3A_2173 = arith.constant 48 : i32
      %ge3A_2174 = vector.broadcast %ge3A_2173 : i32 to vector<16xi32>
      %ge3A_2175 = arith.cmpi sge, %get3A_2172, %ge3A_2174 : vector<16xi32>
      %le3A = arith.constant 57 : i32
      %le3A_2176 = vector.broadcast %le3A : i32 to vector<16xi32>
      %le3A_2177 = arith.cmpi sle, %get3A_2172, %le3A_2176 : vector<16xi32>
      %and3A_2178 = arith.andi %ge3A_2175, %le3A_2177 : vector<16xi1>
      %jit3A_2179 = arith.constant 1 : i32
      %jit3A_2180 = arith.constant 0 : i32
      %broadcast_in_dim3A_2181 = vector.broadcast %jit3A_2179 : i32 to vector<16xi32>
      %broadcast_in_dim3A_2182 = vector.broadcast %jit3A_2180 : i32 to vector<16xi32>
      %select_n3A_2183 = arith.select %and3A_2178, %broadcast_in_dim3A_2181, %broadcast_in_dim3A_2182 : vector<16xi1>, vector<16xi32>
      %slice3A_2184 = vector.extract_strided_slice %select_n3A_2183 {offsets = [0], sizes = [1], strides = [1]} : vector<16xi32> to vector<1xi32>
      %squeeze3A_2185 = vector.extract %slice3A_2184[0] : i32 from vector<1xi32>
      %slice3A_2186 = vector.extract_strided_slice %select_n3A_2183 {offsets = [1], sizes = [1], strides = [1]} : vector<16xi32> to vector<1xi32>
      %squeeze3A_2187 = vector.extract %slice3A_2186[0] : i32 from vector<1xi32>
      %slice3A_2188 = vector.extract_strided_slice %select_n3A_2183 {offsets = [2], sizes = [1], strides = [1]} : vector<16xi32> to vector<1xi32>
      %squeeze3A_2189 = vector.extract %slice3A_2188[0] : i32 from vector<1xi32>
      %slice3A_2190 = vector.extract_strided_slice %select_n3A_2183 {offsets = [3], sizes = [1], strides = [1]} : vector<16xi32> to vector<1xi32>
      %squeeze3A_2191 = vector.extract %slice3A_2190[0] : i32 from vector<1xi32>
      %slice3A_2192 = vector.extract_strided_slice %select_n3A_2183 {offsets = [4], sizes = [1], strides = [1]} : vector<16xi32> to vector<1xi32>
      %squeeze3A_2193 = vector.extract %slice3A_2192[0] : i32 from vector<1xi32>
      %slice3A_2194 = vector.extract_strided_slice %select_n3A_2183 {offsets = [5], sizes = [1], strides = [1]} : vector<16xi32> to vector<1xi32>
      %squeeze3A_2195 = vector.extract %slice3A_2194[0] : i32 from vector<1xi32>
      %slice3A_2196 = vector.extract_strided_slice %select_n3A_2183 {offsets = [6], sizes = [1], strides = [1]} : vector<16xi32> to vector<1xi32>
      %squeeze3A_2197 = vector.extract %slice3A_2196[0] : i32 from vector<1xi32>
      %slice3A_2198 = vector.extract_strided_slice %select_n3A_2183 {offsets = [7], sizes = [1], strides = [1]} : vector<16xi32> to vector<1xi32>
      %squeeze3A_2199 = vector.extract %slice3A_2198[0] : i32 from vector<1xi32>
      %slice3A_2200 = vector.extract_strided_slice %select_n3A_2183 {offsets = [8], sizes = [1], strides = [1]} : vector<16xi32> to vector<1xi32>
      %squeeze3A_2201 = vector.extract %slice3A_2200[0] : i32 from vector<1xi32>
      %slice3A_2202 = vector.extract_strided_slice %select_n3A_2183 {offsets = [9], sizes = [1], strides = [1]} : vector<16xi32> to vector<1xi32>
      %squeeze3A_2203 = vector.extract %slice3A_2202[0] : i32 from vector<1xi32>
      %slice3A_2204 = vector.extract_strided_slice %select_n3A_2183 {offsets = [10], sizes = [1], strides = [1]} : vector<16xi32> to vector<1xi32>
      %squeeze3A_2205 = vector.extract %slice3A_2204[0] : i32 from vector<1xi32>
      %slice3A_2206 = vector.extract_strided_slice %select_n3A_2183 {offsets = [11], sizes = [1], strides = [1]} : vector<16xi32> to vector<1xi32>
      %squeeze3A_2207 = vector.extract %slice3A_2206[0] : i32 from vector<1xi32>
      %slice3A_2208 = vector.extract_strided_slice %select_n3A_2183 {offsets = [12], sizes = [1], strides = [1]} : vector<16xi32> to vector<1xi32>
      %squeeze3A_2209 = vector.extract %slice3A_2208[0] : i32 from vector<1xi32>
      %slice3A_2210 = vector.extract_strided_slice %select_n3A_2183 {offsets = [13], sizes = [1], strides = [1]} : vector<16xi32> to vector<1xi32>
      %squeeze3A_2211 = vector.extract %slice3A_2210[0] : i32 from vector<1xi32>
      %slice3A_2212 = vector.extract_strided_slice %select_n3A_2183 {offsets = [14], sizes = [1], strides = [1]} : vector<16xi32> to vector<1xi32>
      %squeeze3A_2213 = vector.extract %slice3A_2212[0] : i32 from vector<1xi32>
      %slice3A_2214 = vector.extract_strided_slice %select_n3A_2183 {offsets = [15], sizes = [1], strides = [1]} : vector<16xi32> to vector<1xi32>
      %squeeze3A_2215 = vector.extract %slice3A_2214[0] : i32 from vector<1xi32>
      %or3A = arith.ori %squeeze3A_2185, %squeeze3A_2187 : i32
      %or3A_2216 = arith.ori %or3A, %squeeze3A_2189 : i32
      %or3A_2217 = arith.ori %or3A_2216, %squeeze3A_2191 : i32
      %or3A_2218 = arith.ori %or3A_2217, %squeeze3A_2193 : i32
      %or3A_2219 = arith.ori %or3A_2218, %squeeze3A_2195 : i32
      %or3A_2220 = arith.ori %or3A_2219, %squeeze3A_2197 : i32
      %or3A_2221 = arith.ori %or3A_2220, %squeeze3A_2199 : i32
      %or3A_2222 = arith.ori %or3A_2221, %squeeze3A_2201 : i32
      %or3A_2223 = arith.ori %or3A_2222, %squeeze3A_2203 : i32
      %or3A_2224 = arith.ori %or3A_2223, %squeeze3A_2205 : i32
      %or3A_2225 = arith.ori %or3A_2224, %squeeze3A_2207 : i32
      %or3A_2226 = arith.ori %or3A_2225, %squeeze3A_2209 : i32
      %or3A_2227 = arith.ori %or3A_2226, %squeeze3A_2211 : i32
      %or3A_2228 = arith.ori %or3A_2227, %squeeze3A_2213 : i32
      %or3A_2229 = arith.ori %or3A_2228, %squeeze3A_2215 : i32
      %add3A_2230 = arith.constant 1 : i32
      %add3A_2231 = arith.addi %scan3A_2165, %add3A_2230 : i32
      %mul3A_2232 = arith.muli %squeeze3A_2185, %add3A_2231 : i32
      %add3A_2233 = arith.constant 1 : i32
      %add3A_2234 = arith.addi %mul3A_2232, %add3A_2233 : i32
      %mul3A_2235 = arith.muli %squeeze3A_2187, %add3A_2234 : i32
      %add3A_2236 = arith.constant 1 : i32
      %add3A_2237 = arith.addi %mul3A_2235, %add3A_2236 : i32
      %mul3A_2238 = arith.muli %squeeze3A_2189, %add3A_2237 : i32
      %add3A_2239 = arith.constant 1 : i32
      %add3A_2240 = arith.addi %mul3A_2238, %add3A_2239 : i32
      %mul3A_2241 = arith.muli %squeeze3A_2191, %add3A_2240 : i32
      %add3A_2242 = arith.constant 1 : i32
      %add3A_2243 = arith.addi %mul3A_2241, %add3A_2242 : i32
      %mul3A_2244 = arith.muli %squeeze3A_2193, %add3A_2243 : i32
      %add3A_2245 = arith.constant 1 : i32
      %add3A_2246 = arith.addi %mul3A_2244, %add3A_2245 : i32
      %mul3A_2247 = arith.muli %squeeze3A_2195, %add3A_2246 : i32
      %add3A_2248 = arith.constant 1 : i32
      %add3A_2249 = arith.addi %mul3A_2247, %add3A_2248 : i32
      %mul3A_2250 = arith.muli %squeeze3A_2197, %add3A_2249 : i32
      %add3A_2251 = arith.constant 1 : i32
      %add3A_2252 = arith.addi %mul3A_2250, %add3A_2251 : i32
      %mul3A_2253 = arith.muli %squeeze3A_2199, %add3A_2252 : i32
      %add3A_2254 = arith.constant 1 : i32
      %add3A_2255 = arith.addi %mul3A_2253, %add3A_2254 : i32
      %mul3A_2256 = arith.muli %squeeze3A_2201, %add3A_2255 : i32
      %add3A_2257 = arith.constant 1 : i32
      %add3A_2258 = arith.addi %mul3A_2256, %add3A_2257 : i32
      %mul3A_2259 = arith.muli %squeeze3A_2203, %add3A_2258 : i32
      %add3A_2260 = arith.constant 1 : i32
      %add3A_2261 = arith.addi %mul3A_2259, %add3A_2260 : i32
      %mul3A_2262 = arith.muli %squeeze3A_2205, %add3A_2261 : i32
      %add3A_2263 = arith.constant 1 : i32
      %add3A_2264 = arith.addi %mul3A_2262, %add3A_2263 : i32
      %mul3A_2265 = arith.muli %squeeze3A_2207, %add3A_2264 : i32
      %add3A_2266 = arith.constant 1 : i32
      %add3A_2267 = arith.addi %mul3A_2265, %add3A_2266 : i32
      %mul3A_2268 = arith.muli %squeeze3A_2209, %add3A_2267 : i32
      %add3A_2269 = arith.constant 1 : i32
      %add3A_2270 = arith.addi %mul3A_2268, %add3A_2269 : i32
      %mul3A_2271 = arith.muli %squeeze3A_2211, %add3A_2270 : i32
      %add3A_2272 = arith.constant 1 : i32
      %add3A_2273 = arith.addi %mul3A_2271, %add3A_2272 : i32
      %mul3A_2274 = arith.muli %squeeze3A_2213, %add3A_2273 : i32
      %add3A_2275 = arith.constant 1 : i32
      %add3A_2276 = arith.addi %mul3A_2274, %add3A_2275 : i32
      %mul3A_2277 = arith.muli %squeeze3A_2215, %add3A_2276 : i32
      %gt3A = arith.constant 0 : i32
      %gt3A_2278 = arith.cmpi sgt, %or3A_2229, %gt3A : i32
      %convert_element_type3A = arith.extui %gt3A_2278 : i1 to i32
      %cond3A = arith.constant 0 : i32
      %cond3A_2279 = arith.cmpi ne, %convert_element_type3A, %cond3A : i32
      scf.if %cond3A_2279 {
        %gt3A_2280 = arith.constant 0 : i32
        %gt3A_2281 = arith.cmpi sgt, %squeeze3A_2185, %gt3A_2280 : i32
        %convert_element_type3A_2282 = arith.extui %gt3A_2281 : i1 to i32
        %cond3A_2283 = arith.constant 0 : i32
        %cond3A_2284 = arith.cmpi ne, %convert_element_type3A_2282, %cond3A_2283 : i32
        scf.if %cond3A_2284 {
          %min3A = arith.constant 4095 : i32
          %min3A_2360 = arith.minsi %mul3A_2232, %min3A : i32
          "tpu.region"() ({
            %run_scoped3A = tpu.sem_alloc : memref<!tpu.dma_semaphore, #tpu.memory_space<semaphore_mem>>
            %dma_start3A_2366 = arith.constant 0 : i32
            %dma_start3A_2367 = tpu.memref_slice %arg3[%min3A_2360, %dma_start3A_2366] : memref<4096x1024xf32, #tpu.memory_space<hbm>> -> memref<1x1024xf32, #tpu.memory_space<hbm>>
            %dma_start3A_2368 = arith.constant 0 : i32
            %dma_start3A_2369 = tpu.memref_slice %arg3[%min3A_2360, %dma_start3A_2368] : memref<4096x1024xf32, #tpu.memory_space<hbm>> -> memref<1x1024xf32, #tpu.memory_space<hbm>>
            tpu.enqueue_dma source(%dma_start3A_2369 : memref<1x1024xf32, #tpu.memory_space<hbm>>) target(%arg10 : memref<1x1024xf32, #tpu.memory_space<vmem>>) target_semaphore(%run_scoped3A : memref<!tpu.dma_semaphore, #tpu.memory_space<semaphore_mem>>)
            %dma_wait3A_2370 = arith.constant 0 : i32
            %dma_wait3A_2371 = tpu.memref_slice %arg3[%min3A_2360, %dma_wait3A_2370] : memref<4096x1024xf32, #tpu.memory_space<hbm>> -> memref<1x1024xf32, #tpu.memory_space<hbm>>
            %dma_wait3A_2372 = arith.constant 0 : i32
            %dma_wait3A_2373 = tpu.memref_slice %arg3[%min3A_2360, %dma_wait3A_2372] : memref<4096x1024xf32, #tpu.memory_space<hbm>> -> memref<1x1024xf32, #tpu.memory_space<hbm>>
            tpu.wait_dma2 semaphore(%run_scoped3A : memref<!tpu.dma_semaphore, #tpu.memory_space<semaphore_mem>>) src(%dma_wait3A_2373 : memref<1x1024xf32, #tpu.memory_space<hbm>>) dst(%arg10 : memref<1x1024xf32, #tpu.memory_space<vmem>>)
            tpu.yield
          }) : () -> ()
          %mul3A_2361 = arith.constant 16 : i32
          %mul3A_2362 = arith.muli %scan3A_2164, %mul3A_2361 : i32
          %add3A_2363 = arith.addi %mul3A_2, %mul3A_2362 : i32
          %add3A_2364 = arith.constant 0 : i32
          %add3A_2365 = arith.addi %add3A_2363, %add3A_2364 : i32
          "tpu.region"() ({
            %run_scoped3A = tpu.sem_alloc : memref<!tpu.dma_semaphore, #tpu.memory_space<semaphore_mem>>
            %dma_start3A_2366 = arith.constant 0 : i32
            %dma_start3A_2367 = tpu.memref_slice %arg4[%add3A_2365, %dma_start3A_2366] : memref<16384x1024xf32, #tpu.memory_space<hbm>> -> memref<1x1024xf32, #tpu.memory_space<hbm>>
            %dma_start3A_2368 = arith.constant 0 : i32
            %dma_start3A_2369 = tpu.memref_slice %arg4[%add3A_2365, %dma_start3A_2368] : memref<16384x1024xf32, #tpu.memory_space<hbm>> -> memref<1x1024xf32, #tpu.memory_space<hbm>>
            tpu.enqueue_dma source(%arg10 : memref<1x1024xf32, #tpu.memory_space<vmem>>) target(%dma_start3A_2369 : memref<1x1024xf32, #tpu.memory_space<hbm>>) target_semaphore(%run_scoped3A : memref<!tpu.dma_semaphore, #tpu.memory_space<semaphore_mem>>)
            %dma_wait3A_2370 = arith.constant 0 : i32
            %dma_wait3A_2371 = tpu.memref_slice %arg4[%add3A_2365, %dma_wait3A_2370] : memref<16384x1024xf32, #tpu.memory_space<hbm>> -> memref<1x1024xf32, #tpu.memory_space<hbm>>
            %dma_wait3A_2372 = arith.constant 0 : i32
            %dma_wait3A_2373 = tpu.memref_slice %arg4[%add3A_2365, %dma_wait3A_2372] : memref<16384x1024xf32, #tpu.memory_space<hbm>> -> memref<1x1024xf32, #tpu.memory_space<hbm>>
            tpu.wait_dma2 semaphore(%run_scoped3A : memref<!tpu.dma_semaphore, #tpu.memory_space<semaphore_mem>>) src(%arg10 : memref<1x1024xf32, #tpu.memory_space<vmem>>) dst(%dma_wait3A_2373 : memref<1x1024xf32, #tpu.memory_space<hbm>>)
            tpu.yield
          }) : () -> ()
        } else {
        }
        %gt3A_2285 = arith.constant 0 : i32
        %gt3A_2286 = arith.cmpi sgt, %squeeze3A_2187, %gt3A_2285 : i32
        %convert_element_type3A_2287 = arith.extui %gt3A_2286 : i1 to i32
        %cond3A_2288 = arith.constant 0 : i32
        %cond3A_2289 = arith.cmpi ne, %convert_element_type3A_2287, %cond3A_2288 : i32
        scf.if %cond3A_2289 {
          %min3A = arith.constant 4095 : i32
          %min3A_2360 = arith.minsi %mul3A_2235, %min3A : i32
          "tpu.region"() ({
            %run_scoped3A = tpu.sem_alloc : memref<!tpu.dma_semaphore, #tpu.memory_space<semaphore_mem>>
            %dma_start3A_2366 = arith.constant 0 : i32
            %dma_start3A_2367 = tpu.memref_slice %arg3[%min3A_2360, %dma_start3A_2366] : memref<4096x1024xf32, #tpu.memory_space<hbm>> -> memref<1x1024xf32, #tpu.memory_space<hbm>>
            %dma_start3A_2368 = arith.constant 0 : i32
            %dma_start3A_2369 = tpu.memref_slice %arg3[%min3A_2360, %dma_start3A_2368] : memref<4096x1024xf32, #tpu.memory_space<hbm>> -> memref<1x1024xf32, #tpu.memory_space<hbm>>
            tpu.enqueue_dma source(%dma_start3A_2369 : memref<1x1024xf32, #tpu.memory_space<hbm>>) target(%arg10 : memref<1x1024xf32, #tpu.memory_space<vmem>>) target_semaphore(%run_scoped3A : memref<!tpu.dma_semaphore, #tpu.memory_space<semaphore_mem>>)
            %dma_wait3A_2370 = arith.constant 0 : i32
            %dma_wait3A_2371 = tpu.memref_slice %arg3[%min3A_2360, %dma_wait3A_2370] : memref<4096x1024xf32, #tpu.memory_space<hbm>> -> memref<1x1024xf32, #tpu.memory_space<hbm>>
            %dma_wait3A_2372 = arith.constant 0 : i32
            %dma_wait3A_2373 = tpu.memref_slice %arg3[%min3A_2360, %dma_wait3A_2372] : memref<4096x1024xf32, #tpu.memory_space<hbm>> -> memref<1x1024xf32, #tpu.memory_space<hbm>>
            tpu.wait_dma2 semaphore(%run_scoped3A : memref<!tpu.dma_semaphore, #tpu.memory_space<semaphore_mem>>) src(%dma_wait3A_2373 : memref<1x1024xf32, #tpu.memory_space<hbm>>) dst(%arg10 : memref<1x1024xf32, #tpu.memory_space<vmem>>)
            tpu.yield
          }) : () -> ()
          %mul3A_2361 = arith.constant 16 : i32
          %mul3A_2362 = arith.muli %scan3A_2164, %mul3A_2361 : i32
          %add3A_2363 = arith.addi %mul3A_2, %mul3A_2362 : i32
          %add3A_2364 = arith.constant 1 : i32
          %add3A_2365 = arith.addi %add3A_2363, %add3A_2364 : i32
          "tpu.region"() ({
            %run_scoped3A = tpu.sem_alloc : memref<!tpu.dma_semaphore, #tpu.memory_space<semaphore_mem>>
            %dma_start3A_2366 = arith.constant 0 : i32
            %dma_start3A_2367 = tpu.memref_slice %arg4[%add3A_2365, %dma_start3A_2366] : memref<16384x1024xf32, #tpu.memory_space<hbm>> -> memref<1x1024xf32, #tpu.memory_space<hbm>>
            %dma_start3A_2368 = arith.constant 0 : i32
            %dma_start3A_2369 = tpu.memref_slice %arg4[%add3A_2365, %dma_start3A_2368] : memref<16384x1024xf32, #tpu.memory_space<hbm>> -> memref<1x1024xf32, #tpu.memory_space<hbm>>
            tpu.enqueue_dma source(%arg10 : memref<1x1024xf32, #tpu.memory_space<vmem>>) target(%dma_start3A_2369 : memref<1x1024xf32, #tpu.memory_space<hbm>>) target_semaphore(%run_scoped3A : memref<!tpu.dma_semaphore, #tpu.memory_space<semaphore_mem>>)
            %dma_wait3A_2370 = arith.constant 0 : i32
            %dma_wait3A_2371 = tpu.memref_slice %arg4[%add3A_2365, %dma_wait3A_2370] : memref<16384x1024xf32, #tpu.memory_space<hbm>> -> memref<1x1024xf32, #tpu.memory_space<hbm>>
            %dma_wait3A_2372 = arith.constant 0 : i32
            %dma_wait3A_2373 = tpu.memref_slice %arg4[%add3A_2365, %dma_wait3A_2372] : memref<16384x1024xf32, #tpu.memory_space<hbm>> -> memref<1x1024xf32, #tpu.memory_space<hbm>>
            tpu.wait_dma2 semaphore(%run_scoped3A : memref<!tpu.dma_semaphore, #tpu.memory_space<semaphore_mem>>) src(%arg10 : memref<1x1024xf32, #tpu.memory_space<vmem>>) dst(%dma_wait3A_2373 : memref<1x1024xf32, #tpu.memory_space<hbm>>)
            tpu.yield
          }) : () -> ()
        } else {
        }
        %gt3A_2290 = arith.constant 0 : i32
        %gt3A_2291 = arith.cmpi sgt, %squeeze3A_2189, %gt3A_2290 : i32
        %convert_element_type3A_2292 = arith.extui %gt3A_2291 : i1 to i32
        %cond3A_2293 = arith.constant 0 : i32
        %cond3A_2294 = arith.cmpi ne, %convert_element_type3A_2292, %cond3A_2293 : i32
        scf.if %cond3A_2294 {
          %min3A = arith.constant 4095 : i32
          %min3A_2360 = arith.minsi %mul3A_2238, %min3A : i32
          "tpu.region"() ({
            %run_scoped3A = tpu.sem_alloc : memref<!tpu.dma_semaphore, #tpu.memory_space<semaphore_mem>>
            %dma_start3A_2366 = arith.constant 0 : i32
            %dma_start3A_2367 = tpu.memref_slice %arg3[%min3A_2360, %dma_start3A_2366] : memref<4096x1024xf32, #tpu.memory_space<hbm>> -> memref<1x1024xf32, #tpu.memory_space<hbm>>
            %dma_start3A_2368 = arith.constant 0 : i32
            %dma_start3A_2369 = tpu.memref_slice %arg3[%min3A_2360, %dma_start3A_2368] : memref<4096x1024xf32, #tpu.memory_space<hbm>> -> memref<1x1024xf32, #tpu.memory_space<hbm>>
            tpu.enqueue_dma source(%dma_start3A_2369 : memref<1x1024xf32, #tpu.memory_space<hbm>>) target(%arg10 : memref<1x1024xf32, #tpu.memory_space<vmem>>) target_semaphore(%run_scoped3A : memref<!tpu.dma_semaphore, #tpu.memory_space<semaphore_mem>>)
            %dma_wait3A_2370 = arith.constant 0 : i32
            %dma_wait3A_2371 = tpu.memref_slice %arg3[%min3A_2360, %dma_wait3A_2370] : memref<4096x1024xf32, #tpu.memory_space<hbm>> -> memref<1x1024xf32, #tpu.memory_space<hbm>>
            %dma_wait3A_2372 = arith.constant 0 : i32
            %dma_wait3A_2373 = tpu.memref_slice %arg3[%min3A_2360, %dma_wait3A_2372] : memref<4096x1024xf32, #tpu.memory_space<hbm>> -> memref<1x1024xf32, #tpu.memory_space<hbm>>
            tpu.wait_dma2 semaphore(%run_scoped3A : memref<!tpu.dma_semaphore, #tpu.memory_space<semaphore_mem>>) src(%dma_wait3A_2373 : memref<1x1024xf32, #tpu.memory_space<hbm>>) dst(%arg10 : memref<1x1024xf32, #tpu.memory_space<vmem>>)
            tpu.yield
          }) : () -> ()
          %mul3A_2361 = arith.constant 16 : i32
          %mul3A_2362 = arith.muli %scan3A_2164, %mul3A_2361 : i32
          %add3A_2363 = arith.addi %mul3A_2, %mul3A_2362 : i32
          %add3A_2364 = arith.constant 2 : i32
          %add3A_2365 = arith.addi %add3A_2363, %add3A_2364 : i32
          "tpu.region"() ({
            %run_scoped3A = tpu.sem_alloc : memref<!tpu.dma_semaphore, #tpu.memory_space<semaphore_mem>>
            %dma_start3A_2366 = arith.constant 0 : i32
            %dma_start3A_2367 = tpu.memref_slice %arg4[%add3A_2365, %dma_start3A_2366] : memref<16384x1024xf32, #tpu.memory_space<hbm>> -> memref<1x1024xf32, #tpu.memory_space<hbm>>
            %dma_start3A_2368 = arith.constant 0 : i32
            %dma_start3A_2369 = tpu.memref_slice %arg4[%add3A_2365, %dma_start3A_2368] : memref<16384x1024xf32, #tpu.memory_space<hbm>> -> memref<1x1024xf32, #tpu.memory_space<hbm>>
            tpu.enqueue_dma source(%arg10 : memref<1x1024xf32, #tpu.memory_space<vmem>>) target(%dma_start3A_2369 : memref<1x1024xf32, #tpu.memory_space<hbm>>) target_semaphore(%run_scoped3A : memref<!tpu.dma_semaphore, #tpu.memory_space<semaphore_mem>>)
            %dma_wait3A_2370 = arith.constant 0 : i32
            %dma_wait3A_2371 = tpu.memref_slice %arg4[%add3A_2365, %dma_wait3A_2370] : memref<16384x1024xf32, #tpu.memory_space<hbm>> -> memref<1x1024xf32, #tpu.memory_space<hbm>>
            %dma_wait3A_2372 = arith.constant 0 : i32
            %dma_wait3A_2373 = tpu.memref_slice %arg4[%add3A_2365, %dma_wait3A_2372] : memref<16384x1024xf32, #tpu.memory_space<hbm>> -> memref<1x1024xf32, #tpu.memory_space<hbm>>
            tpu.wait_dma2 semaphore(%run_scoped3A : memref<!tpu.dma_semaphore, #tpu.memory_space<semaphore_mem>>) src(%arg10 : memref<1x1024xf32, #tpu.memory_space<vmem>>) dst(%dma_wait3A_2373 : memref<1x1024xf32, #tpu.memory_space<hbm>>)
            tpu.yield
          }) : () -> ()
        } else {
        }
        %gt3A_2295 = arith.constant 0 : i32
        %gt3A_2296 = arith.cmpi sgt, %squeeze3A_2191, %gt3A_2295 : i32
        %convert_element_type3A_2297 = arith.extui %gt3A_2296 : i1 to i32
        %cond3A_2298 = arith.constant 0 : i32
        %cond3A_2299 = arith.cmpi ne, %convert_element_type3A_2297, %cond3A_2298 : i32
        scf.if %cond3A_2299 {
          %min3A = arith.constant 4095 : i32
          %min3A_2360 = arith.minsi %mul3A_2241, %min3A : i32
          "tpu.region"() ({
            %run_scoped3A = tpu.sem_alloc : memref<!tpu.dma_semaphore, #tpu.memory_space<semaphore_mem>>
            %dma_start3A_2366 = arith.constant 0 : i32
            %dma_start3A_2367 = tpu.memref_slice %arg3[%min3A_2360, %dma_start3A_2366] : memref<4096x1024xf32, #tpu.memory_space<hbm>> -> memref<1x1024xf32, #tpu.memory_space<hbm>>
            %dma_start3A_2368 = arith.constant 0 : i32
            %dma_start3A_2369 = tpu.memref_slice %arg3[%min3A_2360, %dma_start3A_2368] : memref<4096x1024xf32, #tpu.memory_space<hbm>> -> memref<1x1024xf32, #tpu.memory_space<hbm>>
            tpu.enqueue_dma source(%dma_start3A_2369 : memref<1x1024xf32, #tpu.memory_space<hbm>>) target(%arg10 : memref<1x1024xf32, #tpu.memory_space<vmem>>) target_semaphore(%run_scoped3A : memref<!tpu.dma_semaphore, #tpu.memory_space<semaphore_mem>>)
            %dma_wait3A_2370 = arith.constant 0 : i32
            %dma_wait3A_2371 = tpu.memref_slice %arg3[%min3A_2360, %dma_wait3A_2370] : memref<4096x1024xf32, #tpu.memory_space<hbm>> -> memref<1x1024xf32, #tpu.memory_space<hbm>>
            %dma_wait3A_2372 = arith.constant 0 : i32
            %dma_wait3A_2373 = tpu.memref_slice %arg3[%min3A_2360, %dma_wait3A_2372] : memref<4096x1024xf32, #tpu.memory_space<hbm>> -> memref<1x1024xf32, #tpu.memory_space<hbm>>
            tpu.wait_dma2 semaphore(%run_scoped3A : memref<!tpu.dma_semaphore, #tpu.memory_space<semaphore_mem>>) src(%dma_wait3A_2373 : memref<1x1024xf32, #tpu.memory_space<hbm>>) dst(%arg10 : memref<1x1024xf32, #tpu.memory_space<vmem>>)
            tpu.yield
          }) : () -> ()
          %mul3A_2361 = arith.constant 16 : i32
          %mul3A_2362 = arith.muli %scan3A_2164, %mul3A_2361 : i32
          %add3A_2363 = arith.addi %mul3A_2, %mul3A_2362 : i32
          %add3A_2364 = arith.constant 3 : i32
          %add3A_2365 = arith.addi %add3A_2363, %add3A_2364 : i32
          "tpu.region"() ({
            %run_scoped3A = tpu.sem_alloc : memref<!tpu.dma_semaphore, #tpu.memory_space<semaphore_mem>>
            %dma_start3A_2366 = arith.constant 0 : i32
            %dma_start3A_2367 = tpu.memref_slice %arg4[%add3A_2365, %dma_start3A_2366] : memref<16384x1024xf32, #tpu.memory_space<hbm>> -> memref<1x1024xf32, #tpu.memory_space<hbm>>
            %dma_start3A_2368 = arith.constant 0 : i32
            %dma_start3A_2369 = tpu.memref_slice %arg4[%add3A_2365, %dma_start3A_2368] : memref<16384x1024xf32, #tpu.memory_space<hbm>> -> memref<1x1024xf32, #tpu.memory_space<hbm>>
            tpu.enqueue_dma source(%arg10 : memref<1x1024xf32, #tpu.memory_space<vmem>>) target(%dma_start3A_2369 : memref<1x1024xf32, #tpu.memory_space<hbm>>) target_semaphore(%run_scoped3A : memref<!tpu.dma_semaphore, #tpu.memory_space<semaphore_mem>>)
            %dma_wait3A_2370 = arith.constant 0 : i32
            %dma_wait3A_2371 = tpu.memref_slice %arg4[%add3A_2365, %dma_wait3A_2370] : memref<16384x1024xf32, #tpu.memory_space<hbm>> -> memref<1x1024xf32, #tpu.memory_space<hbm>>
            %dma_wait3A_2372 = arith.constant 0 : i32
            %dma_wait3A_2373 = tpu.memref_slice %arg4[%add3A_2365, %dma_wait3A_2372] : memref<16384x1024xf32, #tpu.memory_space<hbm>> -> memref<1x1024xf32, #tpu.memory_space<hbm>>
            tpu.wait_dma2 semaphore(%run_scoped3A : memref<!tpu.dma_semaphore, #tpu.memory_space<semaphore_mem>>) src(%arg10 : memref<1x1024xf32, #tpu.memory_space<vmem>>) dst(%dma_wait3A_2373 : memref<1x1024xf32, #tpu.memory_space<hbm>>)
            tpu.yield
          }) : () -> ()
        } else {
        }
        %gt3A_2300 = arith.constant 0 : i32
        %gt3A_2301 = arith.cmpi sgt, %squeeze3A_2193, %gt3A_2300 : i32
        %convert_element_type3A_2302 = arith.extui %gt3A_2301 : i1 to i32
        %cond3A_2303 = arith.constant 0 : i32
        %cond3A_2304 = arith.cmpi ne, %convert_element_type3A_2302, %cond3A_2303 : i32
        scf.if %cond3A_2304 {
          %min3A = arith.constant 4095 : i32
          %min3A_2360 = arith.minsi %mul3A_2244, %min3A : i32
          "tpu.region"() ({
            %run_scoped3A = tpu.sem_alloc : memref<!tpu.dma_semaphore, #tpu.memory_space<semaphore_mem>>
            %dma_start3A_2366 = arith.constant 0 : i32
            %dma_start3A_2367 = tpu.memref_slice %arg3[%min3A_2360, %dma_start3A_2366] : memref<4096x1024xf32, #tpu.memory_space<hbm>> -> memref<1x1024xf32, #tpu.memory_space<hbm>>
            %dma_start3A_2368 = arith.constant 0 : i32
            %dma_start3A_2369 = tpu.memref_slice %arg3[%min3A_2360, %dma_start3A_2368] : memref<4096x1024xf32, #tpu.memory_space<hbm>> -> memref<1x1024xf32, #tpu.memory_space<hbm>>
            tpu.enqueue_dma source(%dma_start3A_2369 : memref<1x1024xf32, #tpu.memory_space<hbm>>) target(%arg10 : memref<1x1024xf32, #tpu.memory_space<vmem>>) target_semaphore(%run_scoped3A : memref<!tpu.dma_semaphore, #tpu.memory_space<semaphore_mem>>)
            %dma_wait3A_2370 = arith.constant 0 : i32
            %dma_wait3A_2371 = tpu.memref_slice %arg3[%min3A_2360, %dma_wait3A_2370] : memref<4096x1024xf32, #tpu.memory_space<hbm>> -> memref<1x1024xf32, #tpu.memory_space<hbm>>
            %dma_wait3A_2372 = arith.constant 0 : i32
            %dma_wait3A_2373 = tpu.memref_slice %arg3[%min3A_2360, %dma_wait3A_2372] : memref<4096x1024xf32, #tpu.memory_space<hbm>> -> memref<1x1024xf32, #tpu.memory_space<hbm>>
            tpu.wait_dma2 semaphore(%run_scoped3A : memref<!tpu.dma_semaphore, #tpu.memory_space<semaphore_mem>>) src(%dma_wait3A_2373 : memref<1x1024xf32, #tpu.memory_space<hbm>>) dst(%arg10 : memref<1x1024xf32, #tpu.memory_space<vmem>>)
            tpu.yield
          }) : () -> ()
          %mul3A_2361 = arith.constant 16 : i32
          %mul3A_2362 = arith.muli %scan3A_2164, %mul3A_2361 : i32
          %add3A_2363 = arith.addi %mul3A_2, %mul3A_2362 : i32
          %add3A_2364 = arith.constant 4 : i32
          %add3A_2365 = arith.addi %add3A_2363, %add3A_2364 : i32
          "tpu.region"() ({
            %run_scoped3A = tpu.sem_alloc : memref<!tpu.dma_semaphore, #tpu.memory_space<semaphore_mem>>
            %dma_start3A_2366 = arith.constant 0 : i32
            %dma_start3A_2367 = tpu.memref_slice %arg4[%add3A_2365, %dma_start3A_2366] : memref<16384x1024xf32, #tpu.memory_space<hbm>> -> memref<1x1024xf32, #tpu.memory_space<hbm>>
            %dma_start3A_2368 = arith.constant 0 : i32
            %dma_start3A_2369 = tpu.memref_slice %arg4[%add3A_2365, %dma_start3A_2368] : memref<16384x1024xf32, #tpu.memory_space<hbm>> -> memref<1x1024xf32, #tpu.memory_space<hbm>>
            tpu.enqueue_dma source(%arg10 : memref<1x1024xf32, #tpu.memory_space<vmem>>) target(%dma_start3A_2369 : memref<1x1024xf32, #tpu.memory_space<hbm>>) target_semaphore(%run_scoped3A : memref<!tpu.dma_semaphore, #tpu.memory_space<semaphore_mem>>)
            %dma_wait3A_2370 = arith.constant 0 : i32
            %dma_wait3A_2371 = tpu.memref_slice %arg4[%add3A_2365, %dma_wait3A_2370] : memref<16384x1024xf32, #tpu.memory_space<hbm>> -> memref<1x1024xf32, #tpu.memory_space<hbm>>
            %dma_wait3A_2372 = arith.constant 0 : i32
            %dma_wait3A_2373 = tpu.memref_slice %arg4[%add3A_2365, %dma_wait3A_2372] : memref<16384x1024xf32, #tpu.memory_space<hbm>> -> memref<1x1024xf32, #tpu.memory_space<hbm>>
            tpu.wait_dma2 semaphore(%run_scoped3A : memref<!tpu.dma_semaphore, #tpu.memory_space<semaphore_mem>>) src(%arg10 : memref<1x1024xf32, #tpu.memory_space<vmem>>) dst(%dma_wait3A_2373 : memref<1x1024xf32, #tpu.memory_space<hbm>>)
            tpu.yield
          }) : () -> ()
        } else {
        }
        %gt3A_2305 = arith.constant 0 : i32
        %gt3A_2306 = arith.cmpi sgt, %squeeze3A_2195, %gt3A_2305 : i32
        %convert_element_type3A_2307 = arith.extui %gt3A_2306 : i1 to i32
        %cond3A_2308 = arith.constant 0 : i32
        %cond3A_2309 = arith.cmpi ne, %convert_element_type3A_2307, %cond3A_2308 : i32
        scf.if %cond3A_2309 {
          %min3A = arith.constant 4095 : i32
          %min3A_2360 = arith.minsi %mul3A_2247, %min3A : i32
          "tpu.region"() ({
            %run_scoped3A = tpu.sem_alloc : memref<!tpu.dma_semaphore, #tpu.memory_space<semaphore_mem>>
            %dma_start3A_2366 = arith.constant 0 : i32
            %dma_start3A_2367 = tpu.memref_slice %arg3[%min3A_2360, %dma_start3A_2366] : memref<4096x1024xf32, #tpu.memory_space<hbm>> -> memref<1x1024xf32, #tpu.memory_space<hbm>>
            %dma_start3A_2368 = arith.constant 0 : i32
            %dma_start3A_2369 = tpu.memref_slice %arg3[%min3A_2360, %dma_start3A_2368] : memref<4096x1024xf32, #tpu.memory_space<hbm>> -> memref<1x1024xf32, #tpu.memory_space<hbm>>
            tpu.enqueue_dma source(%dma_start3A_2369 : memref<1x1024xf32, #tpu.memory_space<hbm>>) target(%arg10 : memref<1x1024xf32, #tpu.memory_space<vmem>>) target_semaphore(%run_scoped3A : memref<!tpu.dma_semaphore, #tpu.memory_space<semaphore_mem>>)
            %dma_wait3A_2370 = arith.constant 0 : i32
            %dma_wait3A_2371 = tpu.memref_slice %arg3[%min3A_2360, %dma_wait3A_2370] : memref<4096x1024xf32, #tpu.memory_space<hbm>> -> memref<1x1024xf32, #tpu.memory_space<hbm>>
            %dma_wait3A_2372 = arith.constant 0 : i32
            %dma_wait3A_2373 = tpu.memref_slice %arg3[%min3A_2360, %dma_wait3A_2372] : memref<4096x1024xf32, #tpu.memory_space<hbm>> -> memref<1x1024xf32, #tpu.memory_space<hbm>>
            tpu.wait_dma2 semaphore(%run_scoped3A : memref<!tpu.dma_semaphore, #tpu.memory_space<semaphore_mem>>) src(%dma_wait3A_2373 : memref<1x1024xf32, #tpu.memory_space<hbm>>) dst(%arg10 : memref<1x1024xf32, #tpu.memory_space<vmem>>)
            tpu.yield
          }) : () -> ()
          %mul3A_2361 = arith.constant 16 : i32
          %mul3A_2362 = arith.muli %scan3A_2164, %mul3A_2361 : i32
          %add3A_2363 = arith.addi %mul3A_2, %mul3A_2362 : i32
          %add3A_2364 = arith.constant 5 : i32
          %add3A_2365 = arith.addi %add3A_2363, %add3A_2364 : i32
          "tpu.region"() ({
            %run_scoped3A = tpu.sem_alloc : memref<!tpu.dma_semaphore, #tpu.memory_space<semaphore_mem>>
            %dma_start3A_2366 = arith.constant 0 : i32
            %dma_start3A_2367 = tpu.memref_slice %arg4[%add3A_2365, %dma_start3A_2366] : memref<16384x1024xf32, #tpu.memory_space<hbm>> -> memref<1x1024xf32, #tpu.memory_space<hbm>>
            %dma_start3A_2368 = arith.constant 0 : i32
            %dma_start3A_2369 = tpu.memref_slice %arg4[%add3A_2365, %dma_start3A_2368] : memref<16384x1024xf32, #tpu.memory_space<hbm>> -> memref<1x1024xf32, #tpu.memory_space<hbm>>
            tpu.enqueue_dma source(%arg10 : memref<1x1024xf32, #tpu.memory_space<vmem>>) target(%dma_start3A_2369 : memref<1x1024xf32, #tpu.memory_space<hbm>>) target_semaphore(%run_scoped3A : memref<!tpu.dma_semaphore, #tpu.memory_space<semaphore_mem>>)
            %dma_wait3A_2370 = arith.constant 0 : i32
            %dma_wait3A_2371 = tpu.memref_slice %arg4[%add3A_2365, %dma_wait3A_2370] : memref<16384x1024xf32, #tpu.memory_space<hbm>> -> memref<1x1024xf32, #tpu.memory_space<hbm>>
            %dma_wait3A_2372 = arith.constant 0 : i32
            %dma_wait3A_2373 = tpu.memref_slice %arg4[%add3A_2365, %dma_wait3A_2372] : memref<16384x1024xf32, #tpu.memory_space<hbm>> -> memref<1x1024xf32, #tpu.memory_space<hbm>>
            tpu.wait_dma2 semaphore(%run_scoped3A : memref<!tpu.dma_semaphore, #tpu.memory_space<semaphore_mem>>) src(%arg10 : memref<1x1024xf32, #tpu.memory_space<vmem>>) dst(%dma_wait3A_2373 : memref<1x1024xf32, #tpu.memory_space<hbm>>)
            tpu.yield
          }) : () -> ()
        } else {
        }
        %gt3A_2310 = arith.constant 0 : i32
        %gt3A_2311 = arith.cmpi sgt, %squeeze3A_2197, %gt3A_2310 : i32
        %convert_element_type3A_2312 = arith.extui %gt3A_2311 : i1 to i32
        %cond3A_2313 = arith.constant 0 : i32
        %cond3A_2314 = arith.cmpi ne, %convert_element_type3A_2312, %cond3A_2313 : i32
        scf.if %cond3A_2314 {
          %min3A = arith.constant 4095 : i32
          %min3A_2360 = arith.minsi %mul3A_2250, %min3A : i32
          "tpu.region"() ({
            %run_scoped3A = tpu.sem_alloc : memref<!tpu.dma_semaphore, #tpu.memory_space<semaphore_mem>>
            %dma_start3A_2366 = arith.constant 0 : i32
            %dma_start3A_2367 = tpu.memref_slice %arg3[%min3A_2360, %dma_start3A_2366] : memref<4096x1024xf32, #tpu.memory_space<hbm>> -> memref<1x1024xf32, #tpu.memory_space<hbm>>
            %dma_start3A_2368 = arith.constant 0 : i32
            %dma_start3A_2369 = tpu.memref_slice %arg3[%min3A_2360, %dma_start3A_2368] : memref<4096x1024xf32, #tpu.memory_space<hbm>> -> memref<1x1024xf32, #tpu.memory_space<hbm>>
            tpu.enqueue_dma source(%dma_start3A_2369 : memref<1x1024xf32, #tpu.memory_space<hbm>>) target(%arg10 : memref<1x1024xf32, #tpu.memory_space<vmem>>) target_semaphore(%run_scoped3A : memref<!tpu.dma_semaphore, #tpu.memory_space<semaphore_mem>>)
            %dma_wait3A_2370 = arith.constant 0 : i32
            %dma_wait3A_2371 = tpu.memref_slice %arg3[%min3A_2360, %dma_wait3A_2370] : memref<4096x1024xf32, #tpu.memory_space<hbm>> -> memref<1x1024xf32, #tpu.memory_space<hbm>>
            %dma_wait3A_2372 = arith.constant 0 : i32
            %dma_wait3A_2373 = tpu.memref_slice %arg3[%min3A_2360, %dma_wait3A_2372] : memref<4096x1024xf32, #tpu.memory_space<hbm>> -> memref<1x1024xf32, #tpu.memory_space<hbm>>
            tpu.wait_dma2 semaphore(%run_scoped3A : memref<!tpu.dma_semaphore, #tpu.memory_space<semaphore_mem>>) src(%dma_wait3A_2373 : memref<1x1024xf32, #tpu.memory_space<hbm>>) dst(%arg10 : memref<1x1024xf32, #tpu.memory_space<vmem>>)
            tpu.yield
          }) : () -> ()
          %mul3A_2361 = arith.constant 16 : i32
          %mul3A_2362 = arith.muli %scan3A_2164, %mul3A_2361 : i32
          %add3A_2363 = arith.addi %mul3A_2, %mul3A_2362 : i32
          %add3A_2364 = arith.constant 6 : i32
          %add3A_2365 = arith.addi %add3A_2363, %add3A_2364 : i32
          "tpu.region"() ({
            %run_scoped3A = tpu.sem_alloc : memref<!tpu.dma_semaphore, #tpu.memory_space<semaphore_mem>>
            %dma_start3A_2366 = arith.constant 0 : i32
            %dma_start3A_2367 = tpu.memref_slice %arg4[%add3A_2365, %dma_start3A_2366] : memref<16384x1024xf32, #tpu.memory_space<hbm>> -> memref<1x1024xf32, #tpu.memory_space<hbm>>
            %dma_start3A_2368 = arith.constant 0 : i32
            %dma_start3A_2369 = tpu.memref_slice %arg4[%add3A_2365, %dma_start3A_2368] : memref<16384x1024xf32, #tpu.memory_space<hbm>> -> memref<1x1024xf32, #tpu.memory_space<hbm>>
            tpu.enqueue_dma source(%arg10 : memref<1x1024xf32, #tpu.memory_space<vmem>>) target(%dma_start3A_2369 : memref<1x1024xf32, #tpu.memory_space<hbm>>) target_semaphore(%run_scoped3A : memref<!tpu.dma_semaphore, #tpu.memory_space<semaphore_mem>>)
            %dma_wait3A_2370 = arith.constant 0 : i32
            %dma_wait3A_2371 = tpu.memref_slice %arg4[%add3A_2365, %dma_wait3A_2370] : memref<16384x1024xf32, #tpu.memory_space<hbm>> -> memref<1x1024xf32, #tpu.memory_space<hbm>>
            %dma_wait3A_2372 = arith.constant 0 : i32
            %dma_wait3A_2373 = tpu.memref_slice %arg4[%add3A_2365, %dma_wait3A_2372] : memref<16384x1024xf32, #tpu.memory_space<hbm>> -> memref<1x1024xf32, #tpu.memory_space<hbm>>
            tpu.wait_dma2 semaphore(%run_scoped3A : memref<!tpu.dma_semaphore, #tpu.memory_space<semaphore_mem>>) src(%arg10 : memref<1x1024xf32, #tpu.memory_space<vmem>>) dst(%dma_wait3A_2373 : memref<1x1024xf32, #tpu.memory_space<hbm>>)
            tpu.yield
          }) : () -> ()
        } else {
        }
        %gt3A_2315 = arith.constant 0 : i32
        %gt3A_2316 = arith.cmpi sgt, %squeeze3A_2199, %gt3A_2315 : i32
        %convert_element_type3A_2317 = arith.extui %gt3A_2316 : i1 to i32
        %cond3A_2318 = arith.constant 0 : i32
        %cond3A_2319 = arith.cmpi ne, %convert_element_type3A_2317, %cond3A_2318 : i32
        scf.if %cond3A_2319 {
          %min3A = arith.constant 4095 : i32
          %min3A_2360 = arith.minsi %mul3A_2253, %min3A : i32
          "tpu.region"() ({
            %run_scoped3A = tpu.sem_alloc : memref<!tpu.dma_semaphore, #tpu.memory_space<semaphore_mem>>
            %dma_start3A_2366 = arith.constant 0 : i32
            %dma_start3A_2367 = tpu.memref_slice %arg3[%min3A_2360, %dma_start3A_2366] : memref<4096x1024xf32, #tpu.memory_space<hbm>> -> memref<1x1024xf32, #tpu.memory_space<hbm>>
            %dma_start3A_2368 = arith.constant 0 : i32
            %dma_start3A_2369 = tpu.memref_slice %arg3[%min3A_2360, %dma_start3A_2368] : memref<4096x1024xf32, #tpu.memory_space<hbm>> -> memref<1x1024xf32, #tpu.memory_space<hbm>>
            tpu.enqueue_dma source(%dma_start3A_2369 : memref<1x1024xf32, #tpu.memory_space<hbm>>) target(%arg10 : memref<1x1024xf32, #tpu.memory_space<vmem>>) target_semaphore(%run_scoped3A : memref<!tpu.dma_semaphore, #tpu.memory_space<semaphore_mem>>)
            %dma_wait3A_2370 = arith.constant 0 : i32
            %dma_wait3A_2371 = tpu.memref_slice %arg3[%min3A_2360, %dma_wait3A_2370] : memref<4096x1024xf32, #tpu.memory_space<hbm>> -> memref<1x1024xf32, #tpu.memory_space<hbm>>
            %dma_wait3A_2372 = arith.constant 0 : i32
            %dma_wait3A_2373 = tpu.memref_slice %arg3[%min3A_2360, %dma_wait3A_2372] : memref<4096x1024xf32, #tpu.memory_space<hbm>> -> memref<1x1024xf32, #tpu.memory_space<hbm>>
            tpu.wait_dma2 semaphore(%run_scoped3A : memref<!tpu.dma_semaphore, #tpu.memory_space<semaphore_mem>>) src(%dma_wait3A_2373 : memref<1x1024xf32, #tpu.memory_space<hbm>>) dst(%arg10 : memref<1x1024xf32, #tpu.memory_space<vmem>>)
            tpu.yield
          }) : () -> ()
          %mul3A_2361 = arith.constant 16 : i32
          %mul3A_2362 = arith.muli %scan3A_2164, %mul3A_2361 : i32
          %add3A_2363 = arith.addi %mul3A_2, %mul3A_2362 : i32
          %add3A_2364 = arith.constant 7 : i32
          %add3A_2365 = arith.addi %add3A_2363, %add3A_2364 : i32
          "tpu.region"() ({
            %run_scoped3A = tpu.sem_alloc : memref<!tpu.dma_semaphore, #tpu.memory_space<semaphore_mem>>
            %dma_start3A_2366 = arith.constant 0 : i32
            %dma_start3A_2367 = tpu.memref_slice %arg4[%add3A_2365, %dma_start3A_2366] : memref<16384x1024xf32, #tpu.memory_space<hbm>> -> memref<1x1024xf32, #tpu.memory_space<hbm>>
            %dma_start3A_2368 = arith.constant 0 : i32
            %dma_start3A_2369 = tpu.memref_slice %arg4[%add3A_2365, %dma_start3A_2368] : memref<16384x1024xf32, #tpu.memory_space<hbm>> -> memref<1x1024xf32, #tpu.memory_space<hbm>>
            tpu.enqueue_dma source(%arg10 : memref<1x1024xf32, #tpu.memory_space<vmem>>) target(%dma_start3A_2369 : memref<1x1024xf32, #tpu.memory_space<hbm>>) target_semaphore(%run_scoped3A : memref<!tpu.dma_semaphore, #tpu.memory_space<semaphore_mem>>)
            %dma_wait3A_2370 = arith.constant 0 : i32
            %dma_wait3A_2371 = tpu.memref_slice %arg4[%add3A_2365, %dma_wait3A_2370] : memref<16384x1024xf32, #tpu.memory_space<hbm>> -> memref<1x1024xf32, #tpu.memory_space<hbm>>
            %dma_wait3A_2372 = arith.constant 0 : i32
            %dma_wait3A_2373 = tpu.memref_slice %arg4[%add3A_2365, %dma_wait3A_2372] : memref<16384x1024xf32, #tpu.memory_space<hbm>> -> memref<1x1024xf32, #tpu.memory_space<hbm>>
            tpu.wait_dma2 semaphore(%run_scoped3A : memref<!tpu.dma_semaphore, #tpu.memory_space<semaphore_mem>>) src(%arg10 : memref<1x1024xf32, #tpu.memory_space<vmem>>) dst(%dma_wait3A_2373 : memref<1x1024xf32, #tpu.memory_space<hbm>>)
            tpu.yield
          }) : () -> ()
        } else {
        }
        %gt3A_2320 = arith.constant 0 : i32
        %gt3A_2321 = arith.cmpi sgt, %squeeze3A_2201, %gt3A_2320 : i32
        %convert_element_type3A_2322 = arith.extui %gt3A_2321 : i1 to i32
        %cond3A_2323 = arith.constant 0 : i32
        %cond3A_2324 = arith.cmpi ne, %convert_element_type3A_2322, %cond3A_2323 : i32
        scf.if %cond3A_2324 {
          %min3A = arith.constant 4095 : i32
          %min3A_2360 = arith.minsi %mul3A_2256, %min3A : i32
          "tpu.region"() ({
            %run_scoped3A = tpu.sem_alloc : memref<!tpu.dma_semaphore, #tpu.memory_space<semaphore_mem>>
            %dma_start3A_2366 = arith.constant 0 : i32
            %dma_start3A_2367 = tpu.memref_slice %arg3[%min3A_2360, %dma_start3A_2366] : memref<4096x1024xf32, #tpu.memory_space<hbm>> -> memref<1x1024xf32, #tpu.memory_space<hbm>>
            %dma_start3A_2368 = arith.constant 0 : i32
            %dma_start3A_2369 = tpu.memref_slice %arg3[%min3A_2360, %dma_start3A_2368] : memref<4096x1024xf32, #tpu.memory_space<hbm>> -> memref<1x1024xf32, #tpu.memory_space<hbm>>
            tpu.enqueue_dma source(%dma_start3A_2369 : memref<1x1024xf32, #tpu.memory_space<hbm>>) target(%arg10 : memref<1x1024xf32, #tpu.memory_space<vmem>>) target_semaphore(%run_scoped3A : memref<!tpu.dma_semaphore, #tpu.memory_space<semaphore_mem>>)
            %dma_wait3A_2370 = arith.constant 0 : i32
            %dma_wait3A_2371 = tpu.memref_slice %arg3[%min3A_2360, %dma_wait3A_2370] : memref<4096x1024xf32, #tpu.memory_space<hbm>> -> memref<1x1024xf32, #tpu.memory_space<hbm>>
            %dma_wait3A_2372 = arith.constant 0 : i32
            %dma_wait3A_2373 = tpu.memref_slice %arg3[%min3A_2360, %dma_wait3A_2372] : memref<4096x1024xf32, #tpu.memory_space<hbm>> -> memref<1x1024xf32, #tpu.memory_space<hbm>>
            tpu.wait_dma2 semaphore(%run_scoped3A : memref<!tpu.dma_semaphore, #tpu.memory_space<semaphore_mem>>) src(%dma_wait3A_2373 : memref<1x1024xf32, #tpu.memory_space<hbm>>) dst(%arg10 : memref<1x1024xf32, #tpu.memory_space<vmem>>)
            tpu.yield
          }) : () -> ()
          %mul3A_2361 = arith.constant 16 : i32
          %mul3A_2362 = arith.muli %scan3A_2164, %mul3A_2361 : i32
          %add3A_2363 = arith.addi %mul3A_2, %mul3A_2362 : i32
          %add3A_2364 = arith.constant 8 : i32
          %add3A_2365 = arith.addi %add3A_2363, %add3A_2364 : i32
          "tpu.region"() ({
            %run_scoped3A = tpu.sem_alloc : memref<!tpu.dma_semaphore, #tpu.memory_space<semaphore_mem>>
            %dma_start3A_2366 = arith.constant 0 : i32
            %dma_start3A_2367 = tpu.memref_slice %arg4[%add3A_2365, %dma_start3A_2366] : memref<16384x1024xf32, #tpu.memory_space<hbm>> -> memref<1x1024xf32, #tpu.memory_space<hbm>>
            %dma_start3A_2368 = arith.constant 0 : i32
            %dma_start3A_2369 = tpu.memref_slice %arg4[%add3A_2365, %dma_start3A_2368] : memref<16384x1024xf32, #tpu.memory_space<hbm>> -> memref<1x1024xf32, #tpu.memory_space<hbm>>
            tpu.enqueue_dma source(%arg10 : memref<1x1024xf32, #tpu.memory_space<vmem>>) target(%dma_start3A_2369 : memref<1x1024xf32, #tpu.memory_space<hbm>>) target_semaphore(%run_scoped3A : memref<!tpu.dma_semaphore, #tpu.memory_space<semaphore_mem>>)
            %dma_wait3A_2370 = arith.constant 0 : i32
            %dma_wait3A_2371 = tpu.memref_slice %arg4[%add3A_2365, %dma_wait3A_2370] : memref<16384x1024xf32, #tpu.memory_space<hbm>> -> memref<1x1024xf32, #tpu.memory_space<hbm>>
            %dma_wait3A_2372 = arith.constant 0 : i32
            %dma_wait3A_2373 = tpu.memref_slice %arg4[%add3A_2365, %dma_wait3A_2372] : memref<16384x1024xf32, #tpu.memory_space<hbm>> -> memref<1x1024xf32, #tpu.memory_space<hbm>>
            tpu.wait_dma2 semaphore(%run_scoped3A : memref<!tpu.dma_semaphore, #tpu.memory_space<semaphore_mem>>) src(%arg10 : memref<1x1024xf32, #tpu.memory_space<vmem>>) dst(%dma_wait3A_2373 : memref<1x1024xf32, #tpu.memory_space<hbm>>)
            tpu.yield
          }) : () -> ()
        } else {
        }
        %gt3A_2325 = arith.constant 0 : i32
        %gt3A_2326 = arith.cmpi sgt, %squeeze3A_2203, %gt3A_2325 : i32
        %convert_element_type3A_2327 = arith.extui %gt3A_2326 : i1 to i32
        %cond3A_2328 = arith.constant 0 : i32
        %cond3A_2329 = arith.cmpi ne, %convert_element_type3A_2327, %cond3A_2328 : i32
        scf.if %cond3A_2329 {
          %min3A = arith.constant 4095 : i32
          %min3A_2360 = arith.minsi %mul3A_2259, %min3A : i32
          "tpu.region"() ({
            %run_scoped3A = tpu.sem_alloc : memref<!tpu.dma_semaphore, #tpu.memory_space<semaphore_mem>>
            %dma_start3A_2366 = arith.constant 0 : i32
            %dma_start3A_2367 = tpu.memref_slice %arg3[%min3A_2360, %dma_start3A_2366] : memref<4096x1024xf32, #tpu.memory_space<hbm>> -> memref<1x1024xf32, #tpu.memory_space<hbm>>
            %dma_start3A_2368 = arith.constant 0 : i32
            %dma_start3A_2369 = tpu.memref_slice %arg3[%min3A_2360, %dma_start3A_2368] : memref<4096x1024xf32, #tpu.memory_space<hbm>> -> memref<1x1024xf32, #tpu.memory_space<hbm>>
            tpu.enqueue_dma source(%dma_start3A_2369 : memref<1x1024xf32, #tpu.memory_space<hbm>>) target(%arg10 : memref<1x1024xf32, #tpu.memory_space<vmem>>) target_semaphore(%run_scoped3A : memref<!tpu.dma_semaphore, #tpu.memory_space<semaphore_mem>>)
            %dma_wait3A_2370 = arith.constant 0 : i32
            %dma_wait3A_2371 = tpu.memref_slice %arg3[%min3A_2360, %dma_wait3A_2370] : memref<4096x1024xf32, #tpu.memory_space<hbm>> -> memref<1x1024xf32, #tpu.memory_space<hbm>>
            %dma_wait3A_2372 = arith.constant 0 : i32
            %dma_wait3A_2373 = tpu.memref_slice %arg3[%min3A_2360, %dma_wait3A_2372] : memref<4096x1024xf32, #tpu.memory_space<hbm>> -> memref<1x1024xf32, #tpu.memory_space<hbm>>
            tpu.wait_dma2 semaphore(%run_scoped3A : memref<!tpu.dma_semaphore, #tpu.memory_space<semaphore_mem>>) src(%dma_wait3A_2373 : memref<1x1024xf32, #tpu.memory_space<hbm>>) dst(%arg10 : memref<1x1024xf32, #tpu.memory_space<vmem>>)
            tpu.yield
          }) : () -> ()
          %mul3A_2361 = arith.constant 16 : i32
          %mul3A_2362 = arith.muli %scan3A_2164, %mul3A_2361 : i32
          %add3A_2363 = arith.addi %mul3A_2, %mul3A_2362 : i32
          %add3A_2364 = arith.constant 9 : i32
          %add3A_2365 = arith.addi %add3A_2363, %add3A_2364 : i32
          "tpu.region"() ({
            %run_scoped3A = tpu.sem_alloc : memref<!tpu.dma_semaphore, #tpu.memory_space<semaphore_mem>>
            %dma_start3A_2366 = arith.constant 0 : i32
            %dma_start3A_2367 = tpu.memref_slice %arg4[%add3A_2365, %dma_start3A_2366] : memref<16384x1024xf32, #tpu.memory_space<hbm>> -> memref<1x1024xf32, #tpu.memory_space<hbm>>
            %dma_start3A_2368 = arith.constant 0 : i32
            %dma_start3A_2369 = tpu.memref_slice %arg4[%add3A_2365, %dma_start3A_2368] : memref<16384x1024xf32, #tpu.memory_space<hbm>> -> memref<1x1024xf32, #tpu.memory_space<hbm>>
            tpu.enqueue_dma source(%arg10 : memref<1x1024xf32, #tpu.memory_space<vmem>>) target(%dma_start3A_2369 : memref<1x1024xf32, #tpu.memory_space<hbm>>) target_semaphore(%run_scoped3A : memref<!tpu.dma_semaphore, #tpu.memory_space<semaphore_mem>>)
            %dma_wait3A_2370 = arith.constant 0 : i32
            %dma_wait3A_2371 = tpu.memref_slice %arg4[%add3A_2365, %dma_wait3A_2370] : memref<16384x1024xf32, #tpu.memory_space<hbm>> -> memref<1x1024xf32, #tpu.memory_space<hbm>>
            %dma_wait3A_2372 = arith.constant 0 : i32
            %dma_wait3A_2373 = tpu.memref_slice %arg4[%add3A_2365, %dma_wait3A_2372] : memref<16384x1024xf32, #tpu.memory_space<hbm>> -> memref<1x1024xf32, #tpu.memory_space<hbm>>
            tpu.wait_dma2 semaphore(%run_scoped3A : memref<!tpu.dma_semaphore, #tpu.memory_space<semaphore_mem>>) src(%arg10 : memref<1x1024xf32, #tpu.memory_space<vmem>>) dst(%dma_wait3A_2373 : memref<1x1024xf32, #tpu.memory_space<hbm>>)
            tpu.yield
          }) : () -> ()
        } else {
        }
        %gt3A_2330 = arith.constant 0 : i32
        %gt3A_2331 = arith.cmpi sgt, %squeeze3A_2205, %gt3A_2330 : i32
        %convert_element_type3A_2332 = arith.extui %gt3A_2331 : i1 to i32
        %cond3A_2333 = arith.constant 0 : i32
        %cond3A_2334 = arith.cmpi ne, %convert_element_type3A_2332, %cond3A_2333 : i32
        scf.if %cond3A_2334 {
          %min3A = arith.constant 4095 : i32
          %min3A_2360 = arith.minsi %mul3A_2262, %min3A : i32
          "tpu.region"() ({
            %run_scoped3A = tpu.sem_alloc : memref<!tpu.dma_semaphore, #tpu.memory_space<semaphore_mem>>
            %dma_start3A_2366 = arith.constant 0 : i32
            %dma_start3A_2367 = tpu.memref_slice %arg3[%min3A_2360, %dma_start3A_2366] : memref<4096x1024xf32, #tpu.memory_space<hbm>> -> memref<1x1024xf32, #tpu.memory_space<hbm>>
            %dma_start3A_2368 = arith.constant 0 : i32
            %dma_start3A_2369 = tpu.memref_slice %arg3[%min3A_2360, %dma_start3A_2368] : memref<4096x1024xf32, #tpu.memory_space<hbm>> -> memref<1x1024xf32, #tpu.memory_space<hbm>>
            tpu.enqueue_dma source(%dma_start3A_2369 : memref<1x1024xf32, #tpu.memory_space<hbm>>) target(%arg10 : memref<1x1024xf32, #tpu.memory_space<vmem>>) target_semaphore(%run_scoped3A : memref<!tpu.dma_semaphore, #tpu.memory_space<semaphore_mem>>)
            %dma_wait3A_2370 = arith.constant 0 : i32
            %dma_wait3A_2371 = tpu.memref_slice %arg3[%min3A_2360, %dma_wait3A_2370] : memref<4096x1024xf32, #tpu.memory_space<hbm>> -> memref<1x1024xf32, #tpu.memory_space<hbm>>
            %dma_wait3A_2372 = arith.constant 0 : i32
            %dma_wait3A_2373 = tpu.memref_slice %arg3[%min3A_2360, %dma_wait3A_2372] : memref<4096x1024xf32, #tpu.memory_space<hbm>> -> memref<1x1024xf32, #tpu.memory_space<hbm>>
            tpu.wait_dma2 semaphore(%run_scoped3A : memref<!tpu.dma_semaphore, #tpu.memory_space<semaphore_mem>>) src(%dma_wait3A_2373 : memref<1x1024xf32, #tpu.memory_space<hbm>>) dst(%arg10 : memref<1x1024xf32, #tpu.memory_space<vmem>>)
            tpu.yield
          }) : () -> ()
          %mul3A_2361 = arith.constant 16 : i32
          %mul3A_2362 = arith.muli %scan3A_2164, %mul3A_2361 : i32
          %add3A_2363 = arith.addi %mul3A_2, %mul3A_2362 : i32
          %add3A_2364 = arith.constant 10 : i32
          %add3A_2365 = arith.addi %add3A_2363, %add3A_2364 : i32
          "tpu.region"() ({
            %run_scoped3A = tpu.sem_alloc : memref<!tpu.dma_semaphore, #tpu.memory_space<semaphore_mem>>
            %dma_start3A_2366 = arith.constant 0 : i32
            %dma_start3A_2367 = tpu.memref_slice %arg4[%add3A_2365, %dma_start3A_2366] : memref<16384x1024xf32, #tpu.memory_space<hbm>> -> memref<1x1024xf32, #tpu.memory_space<hbm>>
            %dma_start3A_2368 = arith.constant 0 : i32
            %dma_start3A_2369 = tpu.memref_slice %arg4[%add3A_2365, %dma_start3A_2368] : memref<16384x1024xf32, #tpu.memory_space<hbm>> -> memref<1x1024xf32, #tpu.memory_space<hbm>>
            tpu.enqueue_dma source(%arg10 : memref<1x1024xf32, #tpu.memory_space<vmem>>) target(%dma_start3A_2369 : memref<1x1024xf32, #tpu.memory_space<hbm>>) target_semaphore(%run_scoped3A : memref<!tpu.dma_semaphore, #tpu.memory_space<semaphore_mem>>)
            %dma_wait3A_2370 = arith.constant 0 : i32
            %dma_wait3A_2371 = tpu.memref_slice %arg4[%add3A_2365, %dma_wait3A_2370] : memref<16384x1024xf32, #tpu.memory_space<hbm>> -> memref<1x1024xf32, #tpu.memory_space<hbm>>
            %dma_wait3A_2372 = arith.constant 0 : i32
            %dma_wait3A_2373 = tpu.memref_slice %arg4[%add3A_2365, %dma_wait3A_2372] : memref<16384x1024xf32, #tpu.memory_space<hbm>> -> memref<1x1024xf32, #tpu.memory_space<hbm>>
            tpu.wait_dma2 semaphore(%run_scoped3A : memref<!tpu.dma_semaphore, #tpu.memory_space<semaphore_mem>>) src(%arg10 : memref<1x1024xf32, #tpu.memory_space<vmem>>) dst(%dma_wait3A_2373 : memref<1x1024xf32, #tpu.memory_space<hbm>>)
            tpu.yield
          }) : () -> ()
        } else {
        }
        %gt3A_2335 = arith.constant 0 : i32
        %gt3A_2336 = arith.cmpi sgt, %squeeze3A_2207, %gt3A_2335 : i32
        %convert_element_type3A_2337 = arith.extui %gt3A_2336 : i1 to i32
        %cond3A_2338 = arith.constant 0 : i32
        %cond3A_2339 = arith.cmpi ne, %convert_element_type3A_2337, %cond3A_2338 : i32
        scf.if %cond3A_2339 {
          %min3A = arith.constant 4095 : i32
          %min3A_2360 = arith.minsi %mul3A_2265, %min3A : i32
          "tpu.region"() ({
            %run_scoped3A = tpu.sem_alloc : memref<!tpu.dma_semaphore, #tpu.memory_space<semaphore_mem>>
            %dma_start3A_2366 = arith.constant 0 : i32
            %dma_start3A_2367 = tpu.memref_slice %arg3[%min3A_2360, %dma_start3A_2366] : memref<4096x1024xf32, #tpu.memory_space<hbm>> -> memref<1x1024xf32, #tpu.memory_space<hbm>>
            %dma_start3A_2368 = arith.constant 0 : i32
            %dma_start3A_2369 = tpu.memref_slice %arg3[%min3A_2360, %dma_start3A_2368] : memref<4096x1024xf32, #tpu.memory_space<hbm>> -> memref<1x1024xf32, #tpu.memory_space<hbm>>
            tpu.enqueue_dma source(%dma_start3A_2369 : memref<1x1024xf32, #tpu.memory_space<hbm>>) target(%arg10 : memref<1x1024xf32, #tpu.memory_space<vmem>>) target_semaphore(%run_scoped3A : memref<!tpu.dma_semaphore, #tpu.memory_space<semaphore_mem>>)
            %dma_wait3A_2370 = arith.constant 0 : i32
            %dma_wait3A_2371 = tpu.memref_slice %arg3[%min3A_2360, %dma_wait3A_2370] : memref<4096x1024xf32, #tpu.memory_space<hbm>> -> memref<1x1024xf32, #tpu.memory_space<hbm>>
            %dma_wait3A_2372 = arith.constant 0 : i32
            %dma_wait3A_2373 = tpu.memref_slice %arg3[%min3A_2360, %dma_wait3A_2372] : memref<4096x1024xf32, #tpu.memory_space<hbm>> -> memref<1x1024xf32, #tpu.memory_space<hbm>>
            tpu.wait_dma2 semaphore(%run_scoped3A : memref<!tpu.dma_semaphore, #tpu.memory_space<semaphore_mem>>) src(%dma_wait3A_2373 : memref<1x1024xf32, #tpu.memory_space<hbm>>) dst(%arg10 : memref<1x1024xf32, #tpu.memory_space<vmem>>)
            tpu.yield
          }) : () -> ()
          %mul3A_2361 = arith.constant 16 : i32
          %mul3A_2362 = arith.muli %scan3A_2164, %mul3A_2361 : i32
          %add3A_2363 = arith.addi %mul3A_2, %mul3A_2362 : i32
          %add3A_2364 = arith.constant 11 : i32
          %add3A_2365 = arith.addi %add3A_2363, %add3A_2364 : i32
          "tpu.region"() ({
            %run_scoped3A = tpu.sem_alloc : memref<!tpu.dma_semaphore, #tpu.memory_space<semaphore_mem>>
            %dma_start3A_2366 = arith.constant 0 : i32
            %dma_start3A_2367 = tpu.memref_slice %arg4[%add3A_2365, %dma_start3A_2366] : memref<16384x1024xf32, #tpu.memory_space<hbm>> -> memref<1x1024xf32, #tpu.memory_space<hbm>>
            %dma_start3A_2368 = arith.constant 0 : i32
            %dma_start3A_2369 = tpu.memref_slice %arg4[%add3A_2365, %dma_start3A_2368] : memref<16384x1024xf32, #tpu.memory_space<hbm>> -> memref<1x1024xf32, #tpu.memory_space<hbm>>
            tpu.enqueue_dma source(%arg10 : memref<1x1024xf32, #tpu.memory_space<vmem>>) target(%dma_start3A_2369 : memref<1x1024xf32, #tpu.memory_space<hbm>>) target_semaphore(%run_scoped3A : memref<!tpu.dma_semaphore, #tpu.memory_space<semaphore_mem>>)
            %dma_wait3A_2370 = arith.constant 0 : i32
            %dma_wait3A_2371 = tpu.memref_slice %arg4[%add3A_2365, %dma_wait3A_2370] : memref<16384x1024xf32, #tpu.memory_space<hbm>> -> memref<1x1024xf32, #tpu.memory_space<hbm>>
            %dma_wait3A_2372 = arith.constant 0 : i32
            %dma_wait3A_2373 = tpu.memref_slice %arg4[%add3A_2365, %dma_wait3A_2372] : memref<16384x1024xf32, #tpu.memory_space<hbm>> -> memref<1x1024xf32, #tpu.memory_space<hbm>>
            tpu.wait_dma2 semaphore(%run_scoped3A : memref<!tpu.dma_semaphore, #tpu.memory_space<semaphore_mem>>) src(%arg10 : memref<1x1024xf32, #tpu.memory_space<vmem>>) dst(%dma_wait3A_2373 : memref<1x1024xf32, #tpu.memory_space<hbm>>)
            tpu.yield
          }) : () -> ()
        } else {
        }
        %gt3A_2340 = arith.constant 0 : i32
        %gt3A_2341 = arith.cmpi sgt, %squeeze3A_2209, %gt3A_2340 : i32
        %convert_element_type3A_2342 = arith.extui %gt3A_2341 : i1 to i32
        %cond3A_2343 = arith.constant 0 : i32
        %cond3A_2344 = arith.cmpi ne, %convert_element_type3A_2342, %cond3A_2343 : i32
        scf.if %cond3A_2344 {
          %min3A = arith.constant 4095 : i32
          %min3A_2360 = arith.minsi %mul3A_2268, %min3A : i32
          "tpu.region"() ({
            %run_scoped3A = tpu.sem_alloc : memref<!tpu.dma_semaphore, #tpu.memory_space<semaphore_mem>>
            %dma_start3A_2366 = arith.constant 0 : i32
            %dma_start3A_2367 = tpu.memref_slice %arg3[%min3A_2360, %dma_start3A_2366] : memref<4096x1024xf32, #tpu.memory_space<hbm>> -> memref<1x1024xf32, #tpu.memory_space<hbm>>
            %dma_start3A_2368 = arith.constant 0 : i32
            %dma_start3A_2369 = tpu.memref_slice %arg3[%min3A_2360, %dma_start3A_2368] : memref<4096x1024xf32, #tpu.memory_space<hbm>> -> memref<1x1024xf32, #tpu.memory_space<hbm>>
            tpu.enqueue_dma source(%dma_start3A_2369 : memref<1x1024xf32, #tpu.memory_space<hbm>>) target(%arg10 : memref<1x1024xf32, #tpu.memory_space<vmem>>) target_semaphore(%run_scoped3A : memref<!tpu.dma_semaphore, #tpu.memory_space<semaphore_mem>>)
            %dma_wait3A_2370 = arith.constant 0 : i32
            %dma_wait3A_2371 = tpu.memref_slice %arg3[%min3A_2360, %dma_wait3A_2370] : memref<4096x1024xf32, #tpu.memory_space<hbm>> -> memref<1x1024xf32, #tpu.memory_space<hbm>>
            %dma_wait3A_2372 = arith.constant 0 : i32
            %dma_wait3A_2373 = tpu.memref_slice %arg3[%min3A_2360, %dma_wait3A_2372] : memref<4096x1024xf32, #tpu.memory_space<hbm>> -> memref<1x1024xf32, #tpu.memory_space<hbm>>
            tpu.wait_dma2 semaphore(%run_scoped3A : memref<!tpu.dma_semaphore, #tpu.memory_space<semaphore_mem>>) src(%dma_wait3A_2373 : memref<1x1024xf32, #tpu.memory_space<hbm>>) dst(%arg10 : memref<1x1024xf32, #tpu.memory_space<vmem>>)
            tpu.yield
          }) : () -> ()
          %mul3A_2361 = arith.constant 16 : i32
          %mul3A_2362 = arith.muli %scan3A_2164, %mul3A_2361 : i32
          %add3A_2363 = arith.addi %mul3A_2, %mul3A_2362 : i32
          %add3A_2364 = arith.constant 12 : i32
          %add3A_2365 = arith.addi %add3A_2363, %add3A_2364 : i32
          "tpu.region"() ({
            %run_scoped3A = tpu.sem_alloc : memref<!tpu.dma_semaphore, #tpu.memory_space<semaphore_mem>>
            %dma_start3A_2366 = arith.constant 0 : i32
            %dma_start3A_2367 = tpu.memref_slice %arg4[%add3A_2365, %dma_start3A_2366] : memref<16384x1024xf32, #tpu.memory_space<hbm>> -> memref<1x1024xf32, #tpu.memory_space<hbm>>
            %dma_start3A_2368 = arith.constant 0 : i32
            %dma_start3A_2369 = tpu.memref_slice %arg4[%add3A_2365, %dma_start3A_2368] : memref<16384x1024xf32, #tpu.memory_space<hbm>> -> memref<1x1024xf32, #tpu.memory_space<hbm>>
            tpu.enqueue_dma source(%arg10 : memref<1x1024xf32, #tpu.memory_space<vmem>>) target(%dma_start3A_2369 : memref<1x1024xf32, #tpu.memory_space<hbm>>) target_semaphore(%run_scoped3A : memref<!tpu.dma_semaphore, #tpu.memory_space<semaphore_mem>>)
            %dma_wait3A_2370 = arith.constant 0 : i32
            %dma_wait3A_2371 = tpu.memref_slice %arg4[%add3A_2365, %dma_wait3A_2370] : memref<16384x1024xf32, #tpu.memory_space<hbm>> -> memref<1x1024xf32, #tpu.memory_space<hbm>>
            %dma_wait3A_2372 = arith.constant 0 : i32
            %dma_wait3A_2373 = tpu.memref_slice %arg4[%add3A_2365, %dma_wait3A_2372] : memref<16384x1024xf32, #tpu.memory_space<hbm>> -> memref<1x1024xf32, #tpu.memory_space<hbm>>
            tpu.wait_dma2 semaphore(%run_scoped3A : memref<!tpu.dma_semaphore, #tpu.memory_space<semaphore_mem>>) src(%arg10 : memref<1x1024xf32, #tpu.memory_space<vmem>>) dst(%dma_wait3A_2373 : memref<1x1024xf32, #tpu.memory_space<hbm>>)
            tpu.yield
          }) : () -> ()
        } else {
        }
        %gt3A_2345 = arith.constant 0 : i32
        %gt3A_2346 = arith.cmpi sgt, %squeeze3A_2211, %gt3A_2345 : i32
        %convert_element_type3A_2347 = arith.extui %gt3A_2346 : i1 to i32
        %cond3A_2348 = arith.constant 0 : i32
        %cond3A_2349 = arith.cmpi ne, %convert_element_type3A_2347, %cond3A_2348 : i32
        scf.if %cond3A_2349 {
          %min3A = arith.constant 4095 : i32
          %min3A_2360 = arith.minsi %mul3A_2271, %min3A : i32
          "tpu.region"() ({
            %run_scoped3A = tpu.sem_alloc : memref<!tpu.dma_semaphore, #tpu.memory_space<semaphore_mem>>
            %dma_start3A_2366 = arith.constant 0 : i32
            %dma_start3A_2367 = tpu.memref_slice %arg3[%min3A_2360, %dma_start3A_2366] : memref<4096x1024xf32, #tpu.memory_space<hbm>> -> memref<1x1024xf32, #tpu.memory_space<hbm>>
            %dma_start3A_2368 = arith.constant 0 : i32
            %dma_start3A_2369 = tpu.memref_slice %arg3[%min3A_2360, %dma_start3A_2368] : memref<4096x1024xf32, #tpu.memory_space<hbm>> -> memref<1x1024xf32, #tpu.memory_space<hbm>>
            tpu.enqueue_dma source(%dma_start3A_2369 : memref<1x1024xf32, #tpu.memory_space<hbm>>) target(%arg10 : memref<1x1024xf32, #tpu.memory_space<vmem>>) target_semaphore(%run_scoped3A : memref<!tpu.dma_semaphore, #tpu.memory_space<semaphore_mem>>)
            %dma_wait3A_2370 = arith.constant 0 : i32
            %dma_wait3A_2371 = tpu.memref_slice %arg3[%min3A_2360, %dma_wait3A_2370] : memref<4096x1024xf32, #tpu.memory_space<hbm>> -> memref<1x1024xf32, #tpu.memory_space<hbm>>
            %dma_wait3A_2372 = arith.constant 0 : i32
            %dma_wait3A_2373 = tpu.memref_slice %arg3[%min3A_2360, %dma_wait3A_2372] : memref<4096x1024xf32, #tpu.memory_space<hbm>> -> memref<1x1024xf32, #tpu.memory_space<hbm>>
            tpu.wait_dma2 semaphore(%run_scoped3A : memref<!tpu.dma_semaphore, #tpu.memory_space<semaphore_mem>>) src(%dma_wait3A_2373 : memref<1x1024xf32, #tpu.memory_space<hbm>>) dst(%arg10 : memref<1x1024xf32, #tpu.memory_space<vmem>>)
            tpu.yield
          }) : () -> ()
          %mul3A_2361 = arith.constant 16 : i32
          %mul3A_2362 = arith.muli %scan3A_2164, %mul3A_2361 : i32
          %add3A_2363 = arith.addi %mul3A_2, %mul3A_2362 : i32
          %add3A_2364 = arith.constant 13 : i32
          %add3A_2365 = arith.addi %add3A_2363, %add3A_2364 : i32
          "tpu.region"() ({
            %run_scoped3A = tpu.sem_alloc : memref<!tpu.dma_semaphore, #tpu.memory_space<semaphore_mem>>
            %dma_start3A_2366 = arith.constant 0 : i32
            %dma_start3A_2367 = tpu.memref_slice %arg4[%add3A_2365, %dma_start3A_2366] : memref<16384x1024xf32, #tpu.memory_space<hbm>> -> memref<1x1024xf32, #tpu.memory_space<hbm>>
            %dma_start3A_2368 = arith.constant 0 : i32
            %dma_start3A_2369 = tpu.memref_slice %arg4[%add3A_2365, %dma_start3A_2368] : memref<16384x1024xf32, #tpu.memory_space<hbm>> -> memref<1x1024xf32, #tpu.memory_space<hbm>>
            tpu.enqueue_dma source(%arg10 : memref<1x1024xf32, #tpu.memory_space<vmem>>) target(%dma_start3A_2369 : memref<1x1024xf32, #tpu.memory_space<hbm>>) target_semaphore(%run_scoped3A : memref<!tpu.dma_semaphore, #tpu.memory_space<semaphore_mem>>)
            %dma_wait3A_2370 = arith.constant 0 : i32
            %dma_wait3A_2371 = tpu.memref_slice %arg4[%add3A_2365, %dma_wait3A_2370] : memref<16384x1024xf32, #tpu.memory_space<hbm>> -> memref<1x1024xf32, #tpu.memory_space<hbm>>
            %dma_wait3A_2372 = arith.constant 0 : i32
            %dma_wait3A_2373 = tpu.memref_slice %arg4[%add3A_2365, %dma_wait3A_2372] : memref<16384x1024xf32, #tpu.memory_space<hbm>> -> memref<1x1024xf32, #tpu.memory_space<hbm>>
            tpu.wait_dma2 semaphore(%run_scoped3A : memref<!tpu.dma_semaphore, #tpu.memory_space<semaphore_mem>>) src(%arg10 : memref<1x1024xf32, #tpu.memory_space<vmem>>) dst(%dma_wait3A_2373 : memref<1x1024xf32, #tpu.memory_space<hbm>>)
            tpu.yield
          }) : () -> ()
        } else {
        }
        %gt3A_2350 = arith.constant 0 : i32
        %gt3A_2351 = arith.cmpi sgt, %squeeze3A_2213, %gt3A_2350 : i32
        %convert_element_type3A_2352 = arith.extui %gt3A_2351 : i1 to i32
        %cond3A_2353 = arith.constant 0 : i32
        %cond3A_2354 = arith.cmpi ne, %convert_element_type3A_2352, %cond3A_2353 : i32
        scf.if %cond3A_2354 {
          %min3A = arith.constant 4095 : i32
          %min3A_2360 = arith.minsi %mul3A_2274, %min3A : i32
          "tpu.region"() ({
            %run_scoped3A = tpu.sem_alloc : memref<!tpu.dma_semaphore, #tpu.memory_space<semaphore_mem>>
            %dma_start3A_2366 = arith.constant 0 : i32
            %dma_start3A_2367 = tpu.memref_slice %arg3[%min3A_2360, %dma_start3A_2366] : memref<4096x1024xf32, #tpu.memory_space<hbm>> -> memref<1x1024xf32, #tpu.memory_space<hbm>>
            %dma_start3A_2368 = arith.constant 0 : i32
            %dma_start3A_2369 = tpu.memref_slice %arg3[%min3A_2360, %dma_start3A_2368] : memref<4096x1024xf32, #tpu.memory_space<hbm>> -> memref<1x1024xf32, #tpu.memory_space<hbm>>
            tpu.enqueue_dma source(%dma_start3A_2369 : memref<1x1024xf32, #tpu.memory_space<hbm>>) target(%arg10 : memref<1x1024xf32, #tpu.memory_space<vmem>>) target_semaphore(%run_scoped3A : memref<!tpu.dma_semaphore, #tpu.memory_space<semaphore_mem>>)
            %dma_wait3A_2370 = arith.constant 0 : i32
            %dma_wait3A_2371 = tpu.memref_slice %arg3[%min3A_2360, %dma_wait3A_2370] : memref<4096x1024xf32, #tpu.memory_space<hbm>> -> memref<1x1024xf32, #tpu.memory_space<hbm>>
            %dma_wait3A_2372 = arith.constant 0 : i32
            %dma_wait3A_2373 = tpu.memref_slice %arg3[%min3A_2360, %dma_wait3A_2372] : memref<4096x1024xf32, #tpu.memory_space<hbm>> -> memref<1x1024xf32, #tpu.memory_space<hbm>>
            tpu.wait_dma2 semaphore(%run_scoped3A : memref<!tpu.dma_semaphore, #tpu.memory_space<semaphore_mem>>) src(%dma_wait3A_2373 : memref<1x1024xf32, #tpu.memory_space<hbm>>) dst(%arg10 : memref<1x1024xf32, #tpu.memory_space<vmem>>)
            tpu.yield
          }) : () -> ()
          %mul3A_2361 = arith.constant 16 : i32
          %mul3A_2362 = arith.muli %scan3A_2164, %mul3A_2361 : i32
          %add3A_2363 = arith.addi %mul3A_2, %mul3A_2362 : i32
          %add3A_2364 = arith.constant 14 : i32
          %add3A_2365 = arith.addi %add3A_2363, %add3A_2364 : i32
          "tpu.region"() ({
            %run_scoped3A = tpu.sem_alloc : memref<!tpu.dma_semaphore, #tpu.memory_space<semaphore_mem>>
            %dma_start3A_2366 = arith.constant 0 : i32
            %dma_start3A_2367 = tpu.memref_slice %arg4[%add3A_2365, %dma_start3A_2366] : memref<16384x1024xf32, #tpu.memory_space<hbm>> -> memref<1x1024xf32, #tpu.memory_space<hbm>>
            %dma_start3A_2368 = arith.constant 0 : i32
            %dma_start3A_2369 = tpu.memref_slice %arg4[%add3A_2365, %dma_start3A_2368] : memref<16384x1024xf32, #tpu.memory_space<hbm>> -> memref<1x1024xf32, #tpu.memory_space<hbm>>
            tpu.enqueue_dma source(%arg10 : memref<1x1024xf32, #tpu.memory_space<vmem>>) target(%dma_start3A_2369 : memref<1x1024xf32, #tpu.memory_space<hbm>>) target_semaphore(%run_scoped3A : memref<!tpu.dma_semaphore, #tpu.memory_space<semaphore_mem>>)
            %dma_wait3A_2370 = arith.constant 0 : i32
            %dma_wait3A_2371 = tpu.memref_slice %arg4[%add3A_2365, %dma_wait3A_2370] : memref<16384x1024xf32, #tpu.memory_space<hbm>> -> memref<1x1024xf32, #tpu.memory_space<hbm>>
            %dma_wait3A_2372 = arith.constant 0 : i32
            %dma_wait3A_2373 = tpu.memref_slice %arg4[%add3A_2365, %dma_wait3A_2372] : memref<16384x1024xf32, #tpu.memory_space<hbm>> -> memref<1x1024xf32, #tpu.memory_space<hbm>>
            tpu.wait_dma2 semaphore(%run_scoped3A : memref<!tpu.dma_semaphore, #tpu.memory_space<semaphore_mem>>) src(%arg10 : memref<1x1024xf32, #tpu.memory_space<vmem>>) dst(%dma_wait3A_2373 : memref<1x1024xf32, #tpu.memory_space<hbm>>)
            tpu.yield
          }) : () -> ()
        } else {
        }
        %gt3A_2355 = arith.constant 0 : i32
        %gt3A_2356 = arith.cmpi sgt, %squeeze3A_2215, %gt3A_2355 : i32
        %convert_element_type3A_2357 = arith.extui %gt3A_2356 : i1 to i32
        %cond3A_2358 = arith.constant 0 : i32
        %cond3A_2359 = arith.cmpi ne, %convert_element_type3A_2357, %cond3A_2358 : i32
        scf.if %cond3A_2359 {
          %min3A = arith.constant 4095 : i32
          %min3A_2360 = arith.minsi %mul3A_2277, %min3A : i32
          "tpu.region"() ({
            %run_scoped3A = tpu.sem_alloc : memref<!tpu.dma_semaphore, #tpu.memory_space<semaphore_mem>>
            %dma_start3A_2366 = arith.constant 0 : i32
            %dma_start3A_2367 = tpu.memref_slice %arg3[%min3A_2360, %dma_start3A_2366] : memref<4096x1024xf32, #tpu.memory_space<hbm>> -> memref<1x1024xf32, #tpu.memory_space<hbm>>
            %dma_start3A_2368 = arith.constant 0 : i32
            %dma_start3A_2369 = tpu.memref_slice %arg3[%min3A_2360, %dma_start3A_2368] : memref<4096x1024xf32, #tpu.memory_space<hbm>> -> memref<1x1024xf32, #tpu.memory_space<hbm>>
            tpu.enqueue_dma source(%dma_start3A_2369 : memref<1x1024xf32, #tpu.memory_space<hbm>>) target(%arg10 : memref<1x1024xf32, #tpu.memory_space<vmem>>) target_semaphore(%run_scoped3A : memref<!tpu.dma_semaphore, #tpu.memory_space<semaphore_mem>>)
            %dma_wait3A_2370 = arith.constant 0 : i32
            %dma_wait3A_2371 = tpu.memref_slice %arg3[%min3A_2360, %dma_wait3A_2370] : memref<4096x1024xf32, #tpu.memory_space<hbm>> -> memref<1x1024xf32, #tpu.memory_space<hbm>>
            %dma_wait3A_2372 = arith.constant 0 : i32
            %dma_wait3A_2373 = tpu.memref_slice %arg3[%min3A_2360, %dma_wait3A_2372] : memref<4096x1024xf32, #tpu.memory_space<hbm>> -> memref<1x1024xf32, #tpu.memory_space<hbm>>
            tpu.wait_dma2 semaphore(%run_scoped3A : memref<!tpu.dma_semaphore, #tpu.memory_space<semaphore_mem>>) src(%dma_wait3A_2373 : memref<1x1024xf32, #tpu.memory_space<hbm>>) dst(%arg10 : memref<1x1024xf32, #tpu.memory_space<vmem>>)
            tpu.yield
          }) : () -> ()
          %mul3A_2361 = arith.constant 16 : i32
          %mul3A_2362 = arith.muli %scan3A_2164, %mul3A_2361 : i32
          %add3A_2363 = arith.addi %mul3A_2, %mul3A_2362 : i32
          %add3A_2364 = arith.constant 15 : i32
          %add3A_2365 = arith.addi %add3A_2363, %add3A_2364 : i32
          "tpu.region"() ({
            %run_scoped3A = tpu.sem_alloc : memref<!tpu.dma_semaphore, #tpu.memory_space<semaphore_mem>>
            %dma_start3A_2366 = arith.constant 0 : i32
            %dma_start3A_2367 = tpu.memref_slice %arg4[%add3A_2365, %dma_start3A_2366] : memref<16384x1024xf32, #tpu.memory_space<hbm>> -> memref<1x1024xf32, #tpu.memory_space<hbm>>
            %dma_start3A_2368 = arith.constant 0 : i32
            %dma_start3A_2369 = tpu.memref_slice %arg4[%add3A_2365, %dma_start3A_2368] : memref<16384x1024xf32, #tpu.memory_space<hbm>> -> memref<1x1024xf32, #tpu.memory_space<hbm>>
            tpu.enqueue_dma source(%arg10 : memref<1x1024xf32, #tpu.memory_space<vmem>>) target(%dma_start3A_2369 : memref<1x1024xf32, #tpu.memory_space<hbm>>) target_semaphore(%run_scoped3A : memref<!tpu.dma_semaphore, #tpu.memory_space<semaphore_mem>>)
            %dma_wait3A_2370 = arith.constant 0 : i32
            %dma_wait3A_2371 = tpu.memref_slice %arg4[%add3A_2365, %dma_wait3A_2370] : memref<16384x1024xf32, #tpu.memory_space<hbm>> -> memref<1x1024xf32, #tpu.memory_space<hbm>>
            %dma_wait3A_2372 = arith.constant 0 : i32
            %dma_wait3A_2373 = tpu.memref_slice %arg4[%add3A_2365, %dma_wait3A_2372] : memref<16384x1024xf32, #tpu.memory_space<hbm>> -> memref<1x1024xf32, #tpu.memory_space<hbm>>
            tpu.wait_dma2 semaphore(%run_scoped3A : memref<!tpu.dma_semaphore, #tpu.memory_space<semaphore_mem>>) src(%arg10 : memref<1x1024xf32, #tpu.memory_space<vmem>>) dst(%dma_wait3A_2373 : memref<1x1024xf32, #tpu.memory_space<hbm>>)
            tpu.yield
          }) : () -> ()
        } else {
        }
      } else {
      }
      scf.yield %mul3A_2277 : i32
    }
    %scan3A_2163 = arith.constant 32 : i32
    return
  }
}

</mosaic_0001>

<sc_bundles>
// kernel: kernel.3.cloned.1.call-start
scs
__scs_entry_jumppad:
0x0: {  	(pc) =	sbr.rel $0x88, $3  }
0x1: {  	(tag) =	ssettag $0x0;
	lr =	simm.s32 $0x1  }
0x2: {  	[smem:$0x3F9F] =	sst lr;
	_ =	strace $0xD0000000  }
0x3: {  	_ = 	snop  }
0x4: {  	_ = 	snop  }
0x5: {  	_ = 	snop  }
0x6: {  	_ = 	snop  }
0x7: {  	_ = 	snop  }
__scs_overlays_trampoline_lowered:
0x8: {  	[smem:$0x3FAE] =	sst s0  }
0x9: {  	[smem:$0x3FAF] =	sst s1  }
0xa: {  	[smem:$0x3FB0] =	sst s2  }
0xb: {  	[smem:$0x3FB1] =	sst s3  }
0xc: {  	[smem:$0x3FB2] =	sst s4  }
0xd: {  	[smem:$0x3FB3] =	sst s5  }
0xe: {  	[smem:$0x3FB4] =	sst s6  }
0xf: {  	[smem:$0x3FB5] =	sst s7  }
0x10: {  	[smem:$0x3FB6] =	sst s8  }
0x11: {  	[smem:$0x3FB7] =	sst s9;
	s0 =	simm.s32 @!p0 $0x0  }
0x12: {  	s1 =	sld [smem:$0x3F9D];
	s0 =	simm.s32 @p0 $0x1  }
0x13: {  	[smem:$0x3FB8] =	sst s0;
	s0 =	simm.s32 @!p1 $0x0  }
0x14: {  	s2 =	sld [smem:$0x3F9C];
	s0 =	simm.s32 @p1 $0x1  }
0x15: {  	[smem:$0x3FB9] =	sst s0;
	s0 =	simm.s32 @!p2 $0x0  }
0x16: {  	s3 =	sld [smem:$0x3FDB];
	s0 =	simm.s32 @p2 $0x1  }
0x17: {  	s4 =	simm.s32 $0x1BF5;
	[smem:$0x3FBB] =	sst s0  }
0x18: {  	s0 =	sld [smem:$0x3F9E];
	_ =	swait.ge [sflag:s4], $0x0  }
0x19: {  	s7 =	sld [smem:$0x3F9F]  }
0x1a: {  	s8 =	sadd.s32 $0xFFFFE003, lr  }
0x1b: {  	s9 =	sadd.s32 $0xFFFFFEF7, lr;
	s5 =	simm.s32 $0xFFFFFFFF;
	p2 =	slt.u32 s8, $0xFFFFF086  }
0x1c: {  	p1 =	slt.u32 s9, $0xF7A;
	s5 =	simm.s32 @!p2 $0x0  }
0x1d: {  	s5 =	simm.s32 @p1 $0x1;
	p0 =	seq.s32 s7, s2  }
0x1e: {  	s7 =	smul.u32 @!p0 $0xF7A, s2;
	p2 =	seq.s32 @!p0 s5, $0x0  }
0x1f: {  	s9 =	smul.u32 $0xF7A, s1;
	s8 =	simm.s32 @!p0 $0x1BF5;
	p2 =	por !p2, p0  }
0x20: {  	[sflag:s8] =	ssyncset.s32 @!p0 $0xFFFFF086;
	s6 =	sadd.s32 @!p0 s3, s7;
	s7 =	simm.s32 @!p0 $0x108  }
0x21: {  	s3 =	sadd.s32 s3, s9;
	s6 =	sadd.s32 @!p0 $0x88, s6;
	s7 =	simm.s32 @p2 $0x1082  }
0x22: {  	[simem:s7], [sflag:s8] =	dma.local @!p0 [hbm:s6], $0xF7A  }
0x23: {  	s9 =	sor.u32 $0xD0000000, s2;
	s6 =	simm.s32 $0x108;
	_ =	swait.ge @!p0 [sflag:s8], $0x0  }
0x24: {  	s3 =	sadd.s32 $0x88, s3;
	s6 =	simm.s32 @!p1 $0x1082;
	[sflag:s4] =	ssyncset.s32 $0xFFFFF086  }
0x25: {  	[simem:s6], [sflag:s4] =	dma.local [hbm:s3], $0xF7A  }
0x26: {  	[smem:$0x3F9F] =	sst s1;
	(tag) =	ssettag s2;
	_ =	strace s9  }
0x27: {  	s1 =	sld [smem:$0x3FAF]  }
0x28: {  	s2 =	sld [smem:$0x3FB0]  }
0x29: {  	s4 =	sld [smem:$0x3FB2]  }
0x2a: {  	p0 =	seq.s32 s5, $0x0;
	s5 =	sld [smem:$0x3FB3]  }
0x2b: {  	s6 =	sld [smem:$0x3FB4]  }
0x2c: {  	s7 =	sld [smem:$0x3FB5]  }
0x2d: {  	s3 =	simm.s32 $0x108;
	s8 =	sld [smem:$0x3FB6]  }
0x2e: {  	s3 =	simm.s32 @!p0 $0x1082;
	s9 =	sld [smem:$0x3FB7]  }
0x2f: {  	lr =	sadd.s32 s0, s3;
	s0 =	sld [smem:$0x3FAE]  }
0x30: {  	s3 =	sld [smem:$0x3FB1]  }
0x31: {  	[smem:$0x3FBA] =	sst s10  }
0x32: {  	s10 =	sld [smem:$0x3FB8];
	_ =	sdelay $0x3  }
0x33: {  	p0 =	seq.s32 s10, $0x1;
	s10 =	sld [smem:$0x3FBA];
	_ =	sdelay $0x3  }
0x34: {  	[smem:$0x3FBA] =	sst s10  }
0x35: {  	s10 =	sld [smem:$0x3FB9];
	_ =	sdelay $0x3  }
0x36: {  	p1 =	seq.s32 s10, $0x1;
	s10 =	sld [smem:$0x3FBA];
	_ =	sdelay $0x3  }
0x37: {  	[smem:$0x3FBA] =	sst s10  }
0x38: {  	s10 =	sld [smem:$0x3FBB]  }
0x39: {  	_ = 	snop;
	(pc) =	sbr.ind lr, $3  }
0x3a: {  	_ = 	snop  }
0x3b: {  	_ = 	snop  }
0x3c: {  	p2 =	seq.s32 s10, $0x1;
	s10 =	sld [smem:$0x3FBA]  }
0x3d: {  	_ =	shalt  }
0x3e: {  	_ =	shalt  }
0x3f: {  	_ =	shalt  }
0x40: {  	_ =	shalt  }
0x41: {  	_ =	shalt  }
0x42: {  	_ =	shalt  }
0x43: {  	_ =	shalt  }
0x44: {  	_ =	shalt  }
0x45: {  	_ =	shalt  }
0x46: {  	_ =	shalt  }
0x47: {  	_ =	shalt  }
0x48: {  	_ =	shalt  }
0x49: {  	_ =	shalt  }
0x4a: {  	_ =	shalt  }
0x4b: {  	_ =	shalt  }
0x4c: {  	_ =	shalt  }
0x4d: {  	_ =	shalt  }
0x4e: {  	_ =	shalt  }
0x4f: {  	_ =	shalt  }
0x50: {  	_ =	shalt  }
0x51: {  	_ =	shalt  }
0x52: {  	_ =	shalt  }
0x53: {  	_ =	shalt  }
0x54: {  	_ =	shalt  }
0x55: {  	_ =	shalt  }
0x56: {  	_ =	shalt  }
0x57: {  	_ =	shalt  }
0x58: {  	_ =	shalt  }
0x59: {  	_ =	shalt  }
0x5a: {  	_ =	shalt  }
0x5b: {  	_ =	shalt  }
0x5c: {  	_ =	shalt  }
0x5d: {  	_ =	shalt  }
0x5e: {  	_ =	shalt  }
0x5f: {  	_ =	shalt  }
0x60: {  	_ =	shalt  }
0x61: {  	_ =	shalt  }
0x62: {  	_ =	shalt  }
0x63: {  	_ =	shalt  }
0x64: {  	_ =	shalt  }
0x65: {  	_ =	shalt  }
0x66: {  	_ =	shalt  }
0x67: {  	_ =	shalt  }
0x68: {  	_ =	shalt  }
0x69: {  	_ =	shalt  }
0x6a: {  	_ =	shalt  }
0x6b: {  	_ =	shalt  }
0x6c: {  	_ =	shalt  }
0x6d: {  	_ =	shalt  }
0x6e: {  	_ =	shalt  }
0x6f: {  	_ =	shalt  }
0x70: {  	_ =	shalt  }
0x71: {  	_ =	shalt  }
0x72: {  	_ =	shalt  }
0x73: {  	_ =	shalt  }
0x74: {  	_ =	shalt  }
0x75: {  	_ =	shalt  }
0x76: {  	_ =	shalt  }
0x77: {  	_ =	shalt  }
0x78: {  	_ =	shalt  }
0x79: {  	_ =	shalt  }
0x7a: {  	_ =	shalt  }
0x7b: {  	_ =	shalt  }
0x7c: {  	_ =	shalt  }
0x7d: {  	_ =	shalt  }
0x7e: {  	_ =	shalt  }
0x7f: {  	_ =	shalt  }
0x80: {  	_ =	shalt  }
0x81: {  	_ =	shalt  }
0x82: {  	_ =	shalt  }
0x83: {  	_ =	shalt  }
0x84: {  	_ =	shalt  }
0x85: {  	_ =	shalt  }
0x86: {  	_ =	shalt  }
0x87: {  	_ =	shalt  }
.Lfunc_end0:
.L_simem_size_0:
called_computation_lowered:
.L_overlay_start_0:
0x88: {  	s2 =	sld [smem:$0x3FD9]  }
0x89: {  	s3 =	sld [smem:$0x3FFE];
	_ =	sdelay $0x1  }
0x8a: {  	s1 =	srdreg.scid  }
0x8b: {  	s0 =	sand.u32 $0x1, s1  }
0x8c: {  	s18 =	sshll.u32 s0, $0xA;
	s2 =	sadd.s32 s3, s2  }
0x8d: {  	s2 =	sadd.s32 s2, s18  }
0x8e: {  	[smem:$0x3FC6] =	sst s2  }
0x8f: {  	_ = 	snop  }
0x90: {  	s2 =	sld [smem:$0x3FC9]  }
0x91: {  	s19 =	sld [smem:$0x3FC8]  }
0x92: {  	s4 =	sld [smem:$0x3FD0];
	(tm) =	ssettm $0x1  }
0x93: {  	s5 =	sld [smem:$0x3FFB];
	_ =	sdelay $0x3  }
0x94: {  	_ =	strace s5  }
0x95: {  	s5 =	sld [smem:$0x3FFC];
	_ =	sdelay $0x3  }
0x96: {  	_ =	strace s5  }
0x97: {  	s5 =	sld [smem:$0x3FFD];
	_ =	sdelay $0x3  }
0x98: {  	_ =	strace s5  }
0x99: {  	_ =	strace $0x8FFFFFFF  }
0x9a: {  	s20 =	sld [smem:$0x3FDB];
	_ =	sdelay $0x1  }
0x9b: {  	s6 =	simm.s32 $_scs_section_size  }
0x9c: {  	s7 =	simm.s32 $_size__tile_overlayer_lowered;
	s8 =	simm.s32 $_tile_overlayer_lowered  }
0x9d: {  	s23 =	simm.s32 $0x1BFF;
	s22 =	sshll.u32 s8, $0x1;
	s5 =	sadd.s32 s6, s20  }
0x9e: {  	s9 =	simm.s32 $0x0;
	s21 =	sshll.u32 s7, $0x1;
	s7 =	sadd.s32 s22, s5  }
0x9f: {  	[timem:s9], [sflag:s23] =	dma.local [hbm:s7], s21  }
0xa0: {  	_ =	swait.ge [sflag:s23], s21  }
0xa1: {  	s6 =	ssub.s32 $0x0, s21;
	[sflag:s23] =	ssyncset.done $0x0  }
0xa2: {  	[sflag:s23] =	ssyncadd.s32 s6;
	_ =	sdelay $0x1  }
0xa3: {  	s24 =	simm.s32 $0x1B8B  }
0xa4: {  	_ =	swait.ge [sflag:s24], $0x1  }
0xa5: {  	[sflag:s24] =	ssyncset.done $0x0  }
0xa6: {  	s25 =	simm.s32 $0x1B8E;
	[sflag:s24] =	ssyncadd.s32 $0xFFFFFFFF  }
0xa7: {  	s26 =	simm.s32 $execute0_lowered;
	[smem:$0x3FD2] =	sst s25  }
0xa8: {  	s6 =	sshll.u32 s26, $0x1;
	_ =	strace $0x80000046;
	[dreg:$0x1] =	wrdreg $0xFFFFFFFF  }
0xa9: {  	s28 =	simm.s32 $_size_execute0_lowered;
	s5 =	sadd.s32 s5, s6;
	[dreg:$0x0] =	wrdreg $0x0  }
0xaa: {  	s6 =	sshll.u32 s28, $0x1;
	[dreg:$0x2] =	wrdreg s5  }
0xab: {  	[dreg:$0x3] =	wrdreg s6  }
0xac: {  	[dreg:$0x4] =	wrdreg $0xC0  }
0xad: {  	_ =	task [dreg:s9], $0x5FFFF  }
0xae: {  	[dreg:$0x1] =	wrdreg $0xFFFFFFFF  }
0xaf: {  	[dreg:$0x0] =	wrdreg $0x60  }
0xb0: {  	[dreg:$0x2] =	wrdreg s2  }
0xb1: {  	[dreg:$0x3] =	wrdreg s19  }
0xb2: {  	[dreg:$0x4] =	wrdreg s4  }
0xb3: {  	[dreg:$0x5] =	wrdreg $0x1F000  }
0xb4: {  	[dreg:$0x6] =	wrdreg $0x9  }
0xb5: {  	_ =	task.clear_ibuf [dreg:s9], $0x7FFFF;
	_ =	strace $0x90000046  }
0xb6: {  	s29 =	simm.s32 $0x9;
	_ =	strace $0x80000048  }
0xb7: {  	_ =	swait.ge [sflag:s29], $0x1  }
0xb8: {  	[sflag:s29] =	ssyncadd.s32 $0xFFFFFFFF  }
0xb9: {  	_ =	strace $0x90000048  }
0xba: {  	_ =	sfence  }
0xbb: {  	s30 =	sld [smem:$0x0];
	_ =	sdelay $0x2  }
0xbc: {  	s31 =	sshll.u32 s1, $0xD;
	s1 =	sshrl.u32 s1, $0x2  }
0xbd: {  	s3 =	sand.u32 $0x4000, s31;
	s1 =	sadd.s32 s1, s30  }
0xbe: {  	s0 =	sor.u32 s3, s0;
	s1 =	sshll.u32 s1, $0x11  }
0xbf: {  	s0 =	sor.u32 s1, s0  }
0xc0: {  	s0 =	sadd.s32 $0x8F2B, s0  }
0xc1: {  	[sflag:s0] =	ssyncadd.remote.s32 $0x1  }
0xc2: {  	_ =	sfence.sel $0xFFFF  }
0xc3: {  	[dreg:$0x0] =	wrdreg $0xFFFFFFFF;
	(pc) =	sbr.abs _section_cstart, $3  }
0xc4: {  	[dreg:$0x1] =	wrdreg $0xFFFFFFFF  }
0xc5: {  	_ =	task.clear_ibuf [dreg:s9], $0x2FFFF;
	_ =	strace $0x9FFFFFFF  }
0xc6: {  	(tm) =	ssettm $0x7FFFFFFF  }
0xc7: {  	_ =	shalt  }
tec
execute0_lowered:
.L_overlay_start_1:
0x0: {  	(tag) =	ssettag $0x1  }
0x1: {  	s3 =	rddreg [dreg:$0x0]  }
0x2: {  	s0 =	srdreg.scid;
	s10 =	rddreg [dreg:$0x1]  }
0x3: {  	s9 =	stileid.u32;
	s4 =	rddreg [dreg:$0x2]  }
0x4: {  	s5 =	simm.s32 $0x1;
	s11 =	rddreg [dreg:$0x3];
	s7 =	simm.s32 $0x0  }
0x5: {  	s0 =	sand.u32 $0x1, s0;
	s2 =	sand.u32 $0x7, s9;
	[smem:$0x7FF] =	sst s7  }
0x6: {  	s30 =	sadd.s32 $0x200, s10;
	s17 =	sshll.u32 s9, $0x10;
	s1 =	sshll.u32 s0, $0x4  }
0x7: {  	s18 =	sand.u32 $0x8, s9;
	s20 =	sshll.u32 s9, $0x7;
	s1 =	sor.u32 s9, s1  }
0x8: {  	s22 =	sadd.s32 $0xFFFFFFFB, s9;
	p1 =	sne.s32 s2, $0x0;
	p0 =	seq.s32 s1, $0x0  }
0x9: {  	s28 =	ssub.s32 $0x2, s0;
	s2 =	sshll.u32 s2, $0xB;
	p0 =	por !p1, !p0  }
0xa: {  	_ =	strace $0x80000047;
	[dreg:$0x6] =	wrdreg s30;
	p0 =	por !p0, !p0  }
0xb: {  	[dreg:$0x14] =	wrdreg s18;
	s6 =	sshrl.u32 s1, $0x3;
	s5 =	simm.s32 @!p0 $0x0  }
0xc: {  	s0 =	sshll.u32 s0, $0x14;
	[dreg:$0x16] =	wrdreg s22;
	s5 =	ssub.s32 s6, s5  }
0xd: {  	s8 =	sshrl.u32 s28, $0x1;
	s0 =	sadd.s32 s0, s4;
	s29 =	sshll.u32 s5, $0xC  }
0xe: {  	s0 =	sadd.s32 s17, s0;
	s5 =	sshll.u32 s5, $0x7;
	s7 =	sand.u32 $0xFFFFC000, s29  }
0xf: {  	[dreg:$0x15] =	wrdreg s0;
	s5 =	sand.u32 $0x180, s5;
	s2 =	sor.u32 s2, s7  }
0x10: {  	s0 =	sadd.s32 s20, s11;
	s6 =	ssub.s32 s28, s8;
	s2 =	sor.u32 s5, s2  }
0x11: {  	[dreg:$0x17] =	wrdreg s0;
	s23 =	smax.u32 s6, $0x1;
	s2 =	sshrl.u32 s2, $0x3  }
0x12: {  	s1 =	sshll.u32 s1, $0x10;
	[dreg:$0x18] =	wrdreg s23;
	s2 =	sadd.s32 s3, s2  }
0x13: {  	s3 =	sadd.s32 s4, s1;
	[dreg:$0x5] =	wrdreg s2  }
0x14: {  	s1 =	sadd.s32 $0x40, s3;
	[dreg:$0x7] =	wrdreg s3  }
0x15: {  	s31 =	sadd.s32 $0x400, s3;
	[dreg:$0x8] =	wrdreg s1  }
0x16: {  	s2 =	sadd.s32 $0x440, s3;
	[dreg:$0x9] =	wrdreg s31  }
0x17: {  	s5 =	sadd.s32 $0x800, s3;
	[dreg:$0xa] =	wrdreg s2  }
0x18: {  	s7 =	sadd.s32 $0x840, s3;
	[dreg:$0xb] =	wrdreg s5  }
0x19: {  	s8 =	sadd.s32 $0xC00, s3;
	[dreg:$0xc] =	wrdreg s7  }
0x1a: {  	s10 =	sadd.s32 $0xC40, s3;
	[dreg:$0xd] =	wrdreg s8  }
0x1b: {  	s12 =	sadd.s32 $0x1000, s3;
	[dreg:$0xe] =	wrdreg s10  }
0x1c: {  	s13 =	sadd.s32 $0x1040, s3;
	[dreg:$0xf] =	wrdreg s12  }
0x1d: {  	s14 =	sadd.s32 $0x1400, s3;
	[dreg:$0x10] =	wrdreg s13  }
0x1e: {  	s15 =	sadd.s32 $0x1440, s3;
	[dreg:$0x11] =	wrdreg s14  }
0x1f: {  	s16 =	sadd.s32 $0x1800, s3;
	[dreg:$0x12] =	wrdreg s15  }
0x20: {  	s24 =	sadd.s32 $0x1840, s3;
	[dreg:$0x13] =	wrdreg s16  }
0x21: {  	s25 =	sadd.s32 $0x1C00, s3;
	[dreg:$0x19] =	wrdreg s24  }
0x22: {  	s26 =	sadd.s32 $0x1C40, s3;
	[dreg:$0x1a] =	wrdreg s25  }
0x23: {  	s28 =	sadd.s32 $0x2000, s3;
	[dreg:$0x1b] =	wrdreg s26  }
0x24: {  	s29 =	sadd.s32 $0x2040, s3;
	[dreg:$0x1c] =	wrdreg s28  }
0x25: {  	s30 =	sadd.s32 $0x2400, s3;
	[dreg:$0x1d] =	wrdreg s29  }
0x26: {  	s4 =	sadd.s32 $0x2C00, s3;
	[dreg:$0x1e] =	wrdreg s30  }
0x27: {  	s6 =	sadd.s32 $0x3000, s3;
	[smem:$0x790] =	sst s4  }
0x28: {  	s11 =	sadd.s32 $0x3800, s3;
	[smem:$0x792] =	sst s6  }
0x29: {  	s17 =	sadd.s32 $0x4400, s3;
	[smem:$0x796] =	sst s11  }
0x2a: {  	s20 =	sadd.s32 $0x4840, s3;
	[smem:$0x79C] =	sst s17  }
0x2b: {  	s23 =	sadd.s32 $0x5000, s3;
	[smem:$0x79F] =	sst s20  }
0x2c: {  	s31 =	sadd.s32 $0x2440, s3;
	[smem:$0x7A2] =	sst s23  }
0x2d: {  	s5 =	sadd.s32 $0x2C40, s3;
	[dreg:$0x1f] =	wrdreg s31  }
0x2e: {  	s7 =	sadd.s32 $0x3040, s3;
	[smem:$0x791] =	sst s5  }
0x2f: {  	s8 =	sadd.s32 $0x3400, s3;
	[smem:$0x793] =	sst s7  }
0x30: {  	s10 =	sadd.s32 $0x3440, s3;
	[smem:$0x794] =	sst s8  }
0x31: {  	s12 =	sadd.s32 $0x3840, s3;
	[smem:$0x795] =	sst s10  }
0x32: {  	s13 =	sadd.s32 $0x3C00, s3;
	[smem:$0x797] =	sst s12  }
0x33: {  	s14 =	sadd.s32 $0x3C40, s3;
	[smem:$0x798] =	sst s13  }
0x34: {  	s15 =	sadd.s32 $0x4000, s3;
	[smem:$0x799] =	sst s14  }
0x35: {  	s16 =	sadd.s32 $0x4040, s3;
	[smem:$0x79A] =	sst s15  }
0x36: {  	s24 =	sadd.s32 $0x5040, s3;
	[smem:$0x79B] =	sst s16  }
0x37: {  	s25 =	sadd.s32 $0x5400, s3;
	[smem:$0x7A3] =	sst s24  }
0x38: {  	s26 =	sadd.s32 $0x5440, s3;
	[smem:$0x7A4] =	sst s25  }
0x39: {  	s28 =	sadd.s32 $0x5800, s3;
	[smem:$0x7A5] =	sst s26  }
0x3a: {  	s29 =	sadd.s32 $0x5840, s3;
	[smem:$0x7A6] =	sst s28  }
0x3b: {  	s30 =	sadd.s32 $0x5C00, s3;
	[smem:$0x7A7] =	sst s29  }
0x3c: {  	s4 =	sadd.s32 $0x6400, s3;
	[smem:$0x7A8] =	sst s30  }
0x3d: {  	s6 =	sadd.s32 $0x6800, s3;
	[smem:$0x7AC] =	sst s4  }
0x3e: {  	s11 =	sadd.s32 $0x7000, s3;
	[smem:$0x7AE] =	sst s6  }
0x3f: {  	s19 =	sadd.s32 $0xFFFFFFF9, s9;
	s17 =	sadd.s32 $0x7C00, s3;
	[smem:$0x7B2] =	sst s11  }
0x40: {  	p0 =	sge.s32 s19, s18;
	s20 =	sadd.s32 $0x8040, s3;
	[smem:$0x7B8] =	sst s17  }
0x41: {  	s1 =	simm.s32 @!p0 $0x0;
	s23 =	sadd.s32 $0x8800, s3;
	[smem:$0x7BB] =	sst s20  }
0x42: {  	s1 =	simm.s32 @p0 $0x1;
	[smem:$0x7BE] =	sst s23  }
0x43: {  	s31 =	sadd.s32 $0x5C40, s3;
	[smem:$0x771] =	sst s1  }
0x44: {  	s5 =	sadd.s32 $0x6440, s3;
	[smem:$0x7A9] =	sst s31  }
0x45: {  	s7 =	sadd.s32 $0x6840, s3;
	[smem:$0x7AD] =	sst s5  }
0x46: {  	s8 =	sadd.s32 $0x6C00, s3;
	[smem:$0x7AF] =	sst s7  }
0x47: {  	s10 =	sadd.s32 $0x6C40, s3;
	[smem:$0x7B0] =	sst s8  }
0x48: {  	s12 =	sadd.s32 $0x7040, s3;
	[smem:$0x7B1] =	sst s10  }
0x49: {  	s13 =	sadd.s32 $0x7400, s3;
	[smem:$0x7B3] =	sst s12  }
0x4a: {  	s14 =	sadd.s32 $0x7440, s3;
	[smem:$0x7B4] =	sst s13  }
0x4b: {  	s15 =	sadd.s32 $0x7800, s3;
	[smem:$0x7B5] =	sst s14  }
0x4c: {  	s16 =	sadd.s32 $0x7840, s3;
	[smem:$0x7B6] =	sst s15  }
0x4d: {  	s24 =	sadd.s32 $0x8840, s3;
	[smem:$0x7B7] =	sst s16  }
0x4e: {  	s25 =	sadd.s32 $0x8C00, s3;
	[smem:$0x7BF] =	sst s24  }
0x4f: {  	s26 =	sadd.s32 $0x8C40, s3;
	[smem:$0x7C0] =	sst s25  }
0x50: {  	s28 =	sadd.s32 $0x9000, s3;
	[smem:$0x7C1] =	sst s26  }
0x51: {  	s29 =	sadd.s32 $0x9040, s3;
	[smem:$0x7C2] =	sst s28  }
0x52: {  	s30 =	sadd.s32 $0x9400, s3;
	[smem:$0x7C3] =	sst s29  }
0x53: {  	s4 =	sadd.s32 $0x9C00, s3;
	[smem:$0x7C4] =	sst s30  }
0x54: {  	s6 =	sadd.s32 $0xA000, s3;
	[smem:$0x7C8] =	sst s4  }
0x55: {  	s11 =	sadd.s32 $0xA800, s3;
	[smem:$0x7CA] =	sst s6  }
0x56: {  	s17 =	sadd.s32 $0xB400, s3;
	[smem:$0x7CE] =	sst s11  }
0x57: {  	s20 =	sadd.s32 $0xB840, s3;
	[smem:$0x7D4] =	sst s17  }
0x58: {  	s23 =	sadd.s32 $0xC000, s3;
	[smem:$0x7D7] =	sst s20  }
0x59: {  	s31 =	sadd.s32 $0x9440, s3;
	[smem:$0x7DA] =	sst s23  }
0x5a: {  	s5 =	sadd.s32 $0x9C40, s3;
	[smem:$0x7C5] =	sst s31  }
0x5b: {  	s7 =	sadd.s32 $0xA040, s3;
	[smem:$0x7C9] =	sst s5  }
0x5c: {  	s8 =	sadd.s32 $0xA400, s3;
	[smem:$0x7CB] =	sst s7  }
0x5d: {  	s10 =	sadd.s32 $0xA440, s3;
	[smem:$0x7CC] =	sst s8  }
0x5e: {  	s12 =	sadd.s32 $0xA840, s3;
	[smem:$0x7CD] =	sst s10  }
0x5f: {  	s13 =	sadd.s32 $0xAC00, s3;
	[smem:$0x7CF] =	sst s12  }
0x60: {  	s14 =	sadd.s32 $0xAC40, s3;
	[smem:$0x7D0] =	sst s13  }
0x61: {  	s15 =	sadd.s32 $0xB000, s3;
	[smem:$0x7D1] =	sst s14  }
0x62: {  	s16 =	sadd.s32 $0xB040, s3;
	[smem:$0x7D2] =	sst s15  }
0x63: {  	s24 =	sadd.s32 $0xC040, s3;
	[smem:$0x7D3] =	sst s16  }
0x64: {  	s25 =	sadd.s32 $0xC400, s3;
	[smem:$0x7DB] =	sst s24  }
0x65: {  	s26 =	sadd.s32 $0xC440, s3;
	[smem:$0x7DC] =	sst s25  }
0x66: {  	s28 =	sadd.s32 $0xC800, s3;
	[smem:$0x7DD] =	sst s26  }
0x67: {  	s29 =	sadd.s32 $0xC840, s3;
	[smem:$0x7DE] =	sst s28  }
0x68: {  	s30 =	sadd.s32 $0xCC00, s3;
	[smem:$0x7DF] =	sst s29  }
0x69: {  	s4 =	sadd.s32 $0xD400, s3;
	[smem:$0x7E0] =	sst s30  }
0x6a: {  	s6 =	sadd.s32 $0xD800, s3;
	[smem:$0x7E4] =	sst s4  }
0x6b: {  	s11 =	sadd.s32 $0xE000, s3;
	[smem:$0x7E6] =	sst s6  }
0x6c: {  	s17 =	sadd.s32 $0xEC00, s3;
	[smem:$0x7EA] =	sst s11  }
0x6d: {  	p0 =	seq.s32 s19, $0x8;
	s20 =	sadd.s32 $0xF040, s3;
	[smem:$0x7F0] =	sst s17  }
0x6e: {  	s1 =	simm.s32 @!p0 $0x0;
	s23 =	sadd.s32 $0xF800, s3;
	[smem:$0x7F3] =	sst s20  }
0x6f: {  	s1 =	simm.s32 @p0 $0x1;
	[smem:$0x7F6] =	sst s23  }
0x70: {  	s21 =	sadd.s32 $0xFFFFFFFA, s9;
	s31 =	sadd.s32 $0xCC40, s3;
	[smem:$0x772] =	sst s1  }
0x71: {  	p0 =	seq.s32 s19, $0x7;
	s5 =	sadd.s32 $0xD440, s3;
	[smem:$0x7E1] =	sst s31  }
0x72: {  	s7 =	sadd.s32 $0xD840, s3;
	s8 =	sadd.s32 $0xDC00, s3;
	[smem:$0x7E5] =	sst s5  }
0x73: {  	s10 =	sadd.s32 $0xDC40, s3;
	s1 =	simm.s32 @!p0 $0x0;
	[smem:$0x7E7] =	sst s7  }
0x74: {  	[smem:$0x7E8] =	sst s8;
	s1 =	simm.s32 @p0 $0x1;
	p0 =	seq.s32 s19, $0x6  }
0x75: {  	s12 =	sadd.s32 $0xE040, s3;
	[smem:$0x773] =	sst s1;
	s1 =	simm.s32 @!p0 $0x0  }
0x76: {  	[smem:$0x7E9] =	sst s10;
	s1 =	simm.s32 @p0 $0x1;
	p0 =	seq.s32 s19, $0x5  }
0x77: {  	s13 =	sadd.s32 $0xE400, s3;
	[smem:$0x774] =	sst s1;
	s1 =	simm.s32 @!p0 $0x0  }
0x78: {  	[smem:$0x7EB] =	sst s12;
	s1 =	simm.s32 @p0 $0x1;
	p0 =	seq.s32 s19, $0x4  }
0x79: {  	s14 =	sadd.s32 $0xE440, s3;
	[smem:$0x775] =	sst s1;
	s1 =	simm.s32 @!p0 $0x0  }
0x7a: {  	[smem:$0x7EC] =	sst s13;
	s1 =	simm.s32 @p0 $0x1;
	p0 =	seq.s32 s19, $0x3  }
0x7b: {  	s15 =	sadd.s32 $0xE800, s3;
	[smem:$0x776] =	sst s1;
	s1 =	simm.s32 @!p0 $0x0  }
0x7c: {  	[smem:$0x7ED] =	sst s14;
	s1 =	simm.s32 @p0 $0x1;
	p0 =	seq.s32 s19, $0x2  }
0x7d: {  	s16 =	sadd.s32 $0xE840, s3;
	[smem:$0x777] =	sst s1;
	s1 =	simm.s32 @!p0 $0x0  }
0x7e: {  	[smem:$0x7EE] =	sst s15;
	s1 =	simm.s32 @p0 $0x1;
	p0 =	seq.s32 s19, $0x1  }
0x7f: {  	s24 =	sadd.s32 $0xF840, s3;
	[smem:$0x778] =	sst s1;
	s1 =	simm.s32 @!p0 $0x0  }
0x80: {  	[smem:$0x7EF] =	sst s16;
	s1 =	simm.s32 @p0 $0x1;
	p0 =	seq.s32 s19, $0x0  }
0x81: {  	s25 =	sadd.s32 $0xFC00, s3;
	[smem:$0x779] =	sst s1;
	s1 =	simm.s32 @!p0 $0x0  }
0x82: {  	[smem:$0x7F7] =	sst s24;
	s1 =	simm.s32 @p0 $0x1;
	p0 =	sge.s32 s21, s18  }
0x83: {  	s26 =	sadd.s32 $0xFC40, s3;
	[smem:$0x7F8] =	sst s25;
	s2 =	simm.s32 @!p0 $0x0  }
0x84: {  	[smem:$0x7F9] =	sst s26;
	s2 =	simm.s32 @p0 $0x1;
	p0 =	seq.s32 s21, $0x9  }
0x85: {  	s28 =	sadd.s32 $0xFFFFFFFF, s9;
	[smem:$0x77B] =	sst s2;
	s2 =	simm.s32 @!p0 $0x0  }
0x86: {  	[smem:$0x7FA] =	sst s28;
	s2 =	simm.s32 @p0 $0x1;
	p0 =	seq.s32 s21, $0x8  }
0x87: {  	s29 =	sadd.s32 $0xFFFFFFFE, s9;
	[smem:$0x77C] =	sst s2;
	s2 =	simm.s32 @!p0 $0x0  }
0x88: {  	[smem:$0x7FB] =	sst s29;
	s2 =	simm.s32 @p0 $0x1;
	p0 =	seq.s32 s21, $0x7  }
0x89: {  	s30 =	sadd.s32 $0xFFFFFFFD, s9;
	[smem:$0x77D] =	sst s2;
	s2 =	simm.s32 @!p0 $0x0  }
0x8a: {  	[smem:$0x7FC] =	sst s30;
	s2 =	simm.s32 @p0 $0x1;
	p0 =	seq.s32 s21, $0x6  }
0x8b: {  	s31 =	sadd.s32 $0xFFFFFFFC, s9;
	[smem:$0x77E] =	sst s2;
	s2 =	simm.s32 @!p0 $0x0  }
0x8c: {  	[smem:$0x7FD] =	sst s31;
	s2 =	simm.s32 @p0 $0x1;
	p0 =	seq.s32 s21, $0x5  }
0x8d: {  	s19 =	sadd.s32 $0x4800, s3;
	[smem:$0x77F] =	sst s2;
	s2 =	simm.s32 @!p0 $0x0  }
0x8e: {  	[smem:$0x79E] =	sst s19;
	s2 =	simm.s32 @p0 $0x1;
	p0 =	seq.s32 s21, $0x4  }
0x8f: {  	s19 =	sadd.s32 $0x8000, s3;
	[smem:$0x780] =	sst s2;
	s2 =	simm.s32 @!p0 $0x0  }
0x90: {  	[smem:$0x7BA] =	sst s19;
	s2 =	simm.s32 @p0 $0x1;
	p0 =	seq.s32 s21, $0x3  }
0x91: {  	[smem:$0x781] =	sst s2;
	s2 =	simm.s32 @!p0 $0x0  }
0x92: {  	[smem:$0x77A] =	sst s1;
	s2 =	simm.s32 @p0 $0x1;
	p0 =	seq.s32 s21, $0x2  }
0x93: {  	s19 =	sadd.s32 $0xB800, s3;
	[smem:$0x782] =	sst s2;
	s2 =	simm.s32 @!p0 $0x0  }
0x94: {  	[smem:$0x7D6] =	sst s19;
	s2 =	simm.s32 @p0 $0x1;
	p0 =	seq.s32 s21, $0x1  }
0x95: {  	s19 =	sadd.s32 $0xF000, s3;
	[smem:$0x783] =	sst s2;
	s2 =	simm.s32 @!p0 $0x0  }
0x96: {  	[smem:$0x7F2] =	sst s19;
	s2 =	simm.s32 @p0 $0x1  }
0x97: {  	p0 =	seq.s32 s21, $0x0;
	s21 =	sadd.s32 $0x4C00, s3;
	[smem:$0x784] =	sst s2  }
0x98: {  	s2 =	sadd.s32 $0x2840, s3;
	[smem:$0x7A0] =	sst s21  }
0x99: {  	s1 =	simm.s32 @!p0 $0x0;
	s21 =	sadd.s32 $0x8400, s3;
	[smem:$0x78F] =	sst s2  }
0x9a: {  	s1 =	simm.s32 @p0 $0x1;
	[smem:$0x7BC] =	sst s21  }
0x9b: {  	p0 =	sge.s32 s22, s18;
	s18 =	sadd.s32 $0x4440, s3;
	[smem:$0x785] =	sst s1  }
0x9c: {  	s2 =	sadd.s32 $0x6040, s3;
	[smem:$0x79D] =	sst s18  }
0x9d: {  	s21 =	sadd.s32 $0xBC00, s3;
	[smem:$0x7AB] =	sst s2  }
0x9e: {  	s1 =	sadd.s32 $0x2800, s3;
	[smem:$0x7D8] =	sst s21  }
0x9f: {  	p2 =	seq.s32 s22, $0x2;
	s18 =	sadd.s32 $0x7C40, s3;
	[smem:$0x78E] =	sst s1  }
0xa0: {  	p1 =	seq.s32 s22, $0x3;
	s2 =	sadd.s32 $0x9840, s3;
	[smem:$0x7B9] =	sst s18  }
0xa1: {  	s0 =	simm.s32 @!p0 $0x0;
	s21 =	sadd.s32 $0xF400, s3;
	[smem:$0x7C7] =	sst s2  }
0xa2: {  	s0 =	simm.s32 @p0 $0x1;
	p0 =	seq.s32 s22, $0xA;
	[smem:$0x7F4] =	sst s21  }
0xa3: {  	s1 =	sadd.s32 $0x6000, s3;
	[smem:$0x786] =	sst s0;
	s0 =	simm.s32 @!p0 $0x0  }
0xa4: {  	[smem:$0x7AA] =	sst s1;
	s0 =	simm.s32 @p0 $0x1;
	p0 =	seq.s32 s22, $0x9  }
0xa5: {  	s18 =	sadd.s32 $0xB440, s3;
	[smem:$0x787] =	sst s0;
	s0 =	simm.s32 @!p0 $0x0  }
0xa6: {  	[smem:$0x7D5] =	sst s18;
	s0 =	simm.s32 @p0 $0x1;
	p0 =	seq.s32 s22, $0x8  }
0xa7: {  	s2 =	sadd.s32 $0xD040, s3;
	[smem:$0x788] =	sst s0;
	s0 =	simm.s32 @!p0 $0x0  }
0xa8: {  	[smem:$0x7E3] =	sst s2;
	s0 =	simm.s32 @p0 $0x1;
	p0 =	seq.s32 s22, $0x7  }
0xa9: {  	s1 =	sadd.s32 $0x9800, s3;
	[smem:$0x789] =	sst s0;
	s0 =	simm.s32 @!p0 $0x0  }
0xaa: {  	[smem:$0x7C6] =	sst s1;
	s0 =	simm.s32 @p0 $0x1;
	p0 =	seq.s32 s22, $0x6  }
0xab: {  	s18 =	sadd.s32 $0xEC40, s3;
	[smem:$0x78A] =	sst s0;
	s0 =	simm.s32 @!p0 $0x0  }
0xac: {  	[smem:$0x7F1] =	sst s18;
	s0 =	simm.s32 @p0 $0x1;
	p0 =	seq.s32 s22, $0x5  }
0xad: {  	s1 =	sadd.s32 $0xD000, s3;
	[smem:$0x78B] =	sst s0;
	s0 =	simm.s32 @!p0 $0x0  }
0xae: {  	[smem:$0x7E2] =	sst s1;
	s0 =	simm.s32 @p0 $0x1;
	p0 =	seq.s32 s22, $0x4  }
0xaf: {  	s22 =	sadd.s32 $0x4C40, s3;
	[smem:$0x78C] =	sst s0;
	s0 =	simm.s32 @!p0 $0x0  }
.Ltmp0:
0xb0: {  	[smem:$0x7A1] =	sst s22;
	s22 =	sadd.s32 $0x8440, s3;
	(pc) =	sbr.rel .LBB2_1-.Ltmp0, $4  }
0xb1: {  	s0 =	simm.s32 @p0 $0x1;
	[smem:$0x7BD] =	sst s22  }
0xb2: {  	v2 =	vlaneseq.u32;
	s22 =	sadd.s32 $0xBC40, s3;
	[smem:$0x78D] =	sst s0  }
0xb3: {  	v0 =	vimm.s32 $0x0;
	v1 =	vand.u32 $0x3, v2;
	v2 =	vshrl.u32 v2, $0x2;
	[smem:$0x7D9] =	sst s22;
	s22 =	sadd.s32 $0xF440, s3  }
0xb4: {  	vm0 =	vmmov $0xffff;
	vm1 =	vcmask $0x300;
	v2 =	vmul.u32 $0x8, v2;
	s1 =	simm.s32 $0x0;
	[smem:$0x7F5] =	sst s22  }
.LBB2_7:
0xb5: {  	s1 =	sld [smem:$0x770];
	_ =	sdelay $0x2  }
0xb6: {  	s0 =	rddreg [dreg:$0x18];
	s1 =	sadd.s32 $0x1, s1  }
0xb7: {  	p0 =	sne.s32 s1, s0  }
.Ltmp1:
0xb8: {  	_ = 	snop;
	(pc) =	sbr.rel @!p0 .LBB2_8-.Ltmp1, $1  }
0xb9: {  	_ =	sdelay $0x3  }
.LBB2_1:
0xba: {  	[smem:$0x770] =	sst s1;
	s1 =	simm.s32 $0x0  }
0xbb: {  	s0 =	rddreg [dreg:$0x5];
	s2 =	simm.s32 $0x80;
	s3 =	simm.s32 $0x200  }
0xbc: {  	[tilespmem:s1], [sflag:$0x1] =	stream.strided.gather [hbm4b:s0+s2], $0x200, s3, s2, $0x38;
	[tilespmem:$0x1F10] =	vst v63  }
0xbd: {  	[tilespmem:$0x200] =	vst v0  }
0xbe: {  	v3 =	vld.msk [tilespmem:$0x200], $0xf;
	_ =	sdelay $0x4  }
0xbf: {  	v4 =	vshll.u32 v3, $0x3  }
0xc0: {  	v3 =	vand.u32 $0x7, v3;
	v4 =	vand.u32 $0xFFFFFFC0, v4  }
0xc1: {  	v3 =	vor.u32 v3, v4  }
0xc2: {  	v3 =	vperm.xlane v3, v1;
	_ =	sdelay $0x1  }
0xc3: {  	v3 =	vadd.s32 v2, v3;
	_ =	sdelay $0x3  }
0xc4: {  	s25 =	rddreg [dreg:$0x1];
	s4 =	simm.s32 $0xB00  }
0xc5: {  	[tilespmem:s4], [sflag:$0x1] =	stream.indirect_vreg.gather [hbm4b:s25+s1], $0x80, v3, vm0, $0xb8;
	[tilespmem:$0x1F10] =	vst v63  }
0xc6: {  	s26 =	rddreg [dreg:$0x6];
	s28 =	simm.s32 $0x1300;
	s0 =	simm.s32 $0x1  }
0xc7: {  	[tilespmem:s28], [sflag:$0x1] =	stream.indirect_vreg.gather [hbm4b:s26+s1], $0x80, v3, vm0, $0xb8;
	[tilespmem:$0x1F10] =	vst v63  }
0xc8: {  	_ =	swait.ge [sflag:s0], $0x1000  }
0xc9: {  	[sflag:s0] =	ssyncset.done $0x0;
	s29 =	rddreg [dreg:$0x7]  }
0xca: {  	s5 =	simm.s32 $0x400;
	s30 =	rddreg [dreg:$0x8];
	[sflag:s0] =	ssyncadd.s32 $0xFFFFF000  }
0xcb: {  	[hbm4b:s29+s3] =	stream.strided.scatter [tilespmem:s4], [sflag:$0x2], $0x1000, s5, s3, $0x38;
	[tilespmem:$0x1F10] =	vst v63  }
0xcc: {  	s31 =	rddreg [dreg:$0x9]  }
0xcd: {  	[hbm4b:s30+s3] =	stream.strided.scatter [tilespmem:s4], [sflag:$0x2], $0x1000, s5, s3, $0x38;
	[tilespmem:$0x1F10] =	vst v63  }
0xce: {  	s6 =	rddreg [dreg:$0xa]  }
0xcf: {  	[hbm4b:s31+s3] =	stream.strided.scatter [tilespmem:s4], [sflag:$0x2], $0x1000, s5, s3, $0x38;
	[tilespmem:$0x1F10] =	vst v63  }
0xd0: {  	s7 =	rddreg [dreg:$0xb]  }
0xd1: {  	[hbm4b:s6+s3] =	stream.strided.scatter [tilespmem:s4], [sflag:$0x2], $0x1000, s5, s3, $0x38;
	[tilespmem:$0x1F10] =	vst v63  }
0xd2: {  	s8 =	rddreg [dreg:$0xc]  }
0xd3: {  	[hbm4b:s7+s3] =	stream.strided.scatter [tilespmem:s4], [sflag:$0x2], $0x1000, s5, s3, $0x38;
	[tilespmem:$0x1F10] =	vst v63  }
0xd4: {  	s9 =	rddreg [dreg:$0xd]  }
0xd5: {  	[hbm4b:s8+s3] =	stream.strided.scatter [tilespmem:s4], [sflag:$0x2], $0x1000, s5, s3, $0x38;
	[tilespmem:$0x1F10] =	vst v63  }
0xd6: {  	s10 =	rddreg [dreg:$0xe]  }
0xd7: {  	[hbm4b:s9+s3] =	stream.strided.scatter [tilespmem:s4], [sflag:$0x2], $0x1000, s5, s3, $0x38;
	[tilespmem:$0x1F10] =	vst v63  }
0xd8: {  	s11 =	rddreg [dreg:$0xf]  }
0xd9: {  	[hbm4b:s10+s3] =	stream.strided.scatter [tilespmem:s4], [sflag:$0x2], $0x1000, s5, s3, $0x38;
	[tilespmem:$0x1F10] =	vst v63  }
0xda: {  	s12 =	rddreg [dreg:$0x10]  }
0xdb: {  	[hbm4b:s11+s3] =	stream.strided.scatter [tilespmem:s4], [sflag:$0x2], $0x1000, s5, s3, $0x38;
	[tilespmem:$0x1F10] =	vst v63  }
0xdc: {  	s13 =	rddreg [dreg:$0x11]  }
0xdd: {  	[hbm4b:s12+s3] =	stream.strided.scatter [tilespmem:s4], [sflag:$0x2], $0x1000, s5, s3, $0x38;
	[tilespmem:$0x1F10] =	vst v63  }
0xde: {  	s14 =	rddreg [dreg:$0x12]  }
0xdf: {  	[hbm4b:s13+s3] =	stream.strided.scatter [tilespmem:s4], [sflag:$0x2], $0x1000, s5, s3, $0x38;
	[tilespmem:$0x1F10] =	vst v63  }
0xe0: {  	s15 =	rddreg [dreg:$0x13]  }
0xe1: {  	[hbm4b:s14+s3] =	stream.strided.scatter [tilespmem:s4], [sflag:$0x2], $0x1000, s5, s3, $0x38;
	[tilespmem:$0x1F10] =	vst v63  }
0xe2: {  	s16 =	rddreg [dreg:$0x19]  }
0xe3: {  	[hbm4b:s15+s3] =	stream.strided.scatter [tilespmem:s4], [sflag:$0x2], $0x1000, s5, s3, $0x38;
	[tilespmem:$0x1F10] =	vst v63  }
0xe4: {  	s17 =	rddreg [dreg:$0x1a]  }
0xe5: {  	[hbm4b:s16+s3] =	stream.strided.scatter [tilespmem:s4], [sflag:$0x2], $0x1000, s5, s3, $0x38;
	[tilespmem:$0x1F10] =	vst v63  }
0xe6: {  	s18 =	rddreg [dreg:$0x1b]  }
0xe7: {  	[hbm4b:s17+s3] =	stream.strided.scatter [tilespmem:s4], [sflag:$0x2], $0x1000, s5, s3, $0x38;
	[tilespmem:$0x1F10] =	vst v63  }
0xe8: {  	s19 =	rddreg [dreg:$0x1c]  }
0xe9: {  	[hbm4b:s18+s3] =	stream.strided.scatter [tilespmem:s4], [sflag:$0x2], $0x1000, s5, s3, $0x38;
	[tilespmem:$0x1F10] =	vst v63  }
0xea: {  	s20 =	rddreg [dreg:$0x1d]  }
0xeb: {  	[hbm4b:s19+s3] =	stream.strided.scatter [tilespmem:s4], [sflag:$0x2], $0x1000, s5, s3, $0x38;
	[tilespmem:$0x1F10] =	vst v63  }
0xec: {  	s21 =	rddreg [dreg:$0x1e]  }
0xed: {  	[hbm4b:s20+s3] =	stream.strided.scatter [tilespmem:s4], [sflag:$0x2], $0x1000, s5, s3, $0x38;
	[tilespmem:$0x1F10] =	vst v63  }
0xee: {  	s22 =	rddreg [dreg:$0x1f]  }
0xef: {  	[hbm4b:s21+s3] =	stream.strided.scatter [tilespmem:s4], [sflag:$0x2], $0x1000, s5, s3, $0x38;
	[tilespmem:$0x1F10] =	vst v63  }
0xf0: {  	s23 =	sld [smem:$0x78E]  }
0xf1: {  	[hbm4b:s22+s3] =	stream.strided.scatter [tilespmem:s4], [sflag:$0x2], $0x1000, s5, s3, $0x38;
	[tilespmem:$0x1F10] =	vst v63  }
0xf2: {  	s24 =	sld [smem:$0x78F]  }
0xf3: {  	[hbm4b:s23+s3] =	stream.strided.scatter [tilespmem:s4], [sflag:$0x2], $0x1000, s5, s3, $0x38;
	[tilespmem:$0x1F10] =	vst v63  }
0xf4: {  	s25 =	sld [smem:$0x790]  }
0xf5: {  	[hbm4b:s24+s3] =	stream.strided.scatter [tilespmem:s4], [sflag:$0x2], $0x1000, s5, s3, $0x38;
	[tilespmem:$0x1F10] =	vst v63  }
0xf6: {  	s26 =	sld [smem:$0x791]  }
0xf7: {  	[hbm4b:s25+s3] =	stream.strided.scatter [tilespmem:s4], [sflag:$0x2], $0x1000, s5, s3, $0x38;
	[tilespmem:$0x1F10] =	vst v63  }
0xf8: {  	s28 =	sld [smem:$0x792]  }
0xf9: {  	[hbm4b:s26+s3] =	stream.strided.scatter [tilespmem:s4], [sflag:$0x2], $0x1000, s5, s3, $0x38;
	[tilespmem:$0x1F10] =	vst v63  }
0xfa: {  	s29 =	sld [smem:$0x793]  }
0xfb: {  	[hbm4b:s28+s3] =	stream.strided.scatter [tilespmem:s4], [sflag:$0x2], $0x1000, s5, s3, $0x38;
	[tilespmem:$0x1F10] =	vst v63  }
0xfc: {  	s30 =	sld [smem:$0x794]  }
0xfd: {  	[hbm4b:s29+s3] =	stream.strided.scatter [tilespmem:s4], [sflag:$0x2], $0x1000, s5, s3, $0x38;
	[tilespmem:$0x1F10] =	vst v63  }
0xfe: {  	s31 =	sld [smem:$0x795]  }
0xff: {  	[hbm4b:s30+s3] =	stream.strided.scatter [tilespmem:s4], [sflag:$0x2], $0x1000, s5, s3, $0x38;
	[tilespmem:$0x1F10] =	vst v63  }
0x100: {  	s6 =	sld [smem:$0x796]  }
0x101: {  	[hbm4b:s31+s3] =	stream.strided.scatter [tilespmem:s4], [sflag:$0x2], $0x1000, s5, s3, $0x38;
	[tilespmem:$0x1F10] =	vst v63  }
0x102: {  	s7 =	sld [smem:$0x797]  }
0x103: {  	[hbm4b:s6+s3] =	stream.strided.scatter [tilespmem:s4], [sflag:$0x2], $0x1000, s5, s3, $0x38;
	[tilespmem:$0x1F10] =	vst v63  }
0x104: {  	s8 =	sld [smem:$0x798]  }
0x105: {  	[hbm4b:s7+s3] =	stream.strided.scatter [tilespmem:s4], [sflag:$0x2], $0x1000, s5, s3, $0x38;
	[tilespmem:$0x1F10] =	vst v63  }
0x106: {  	s9 =	sld [smem:$0x799]  }
0x107: {  	[hbm4b:s8+s3] =	stream.strided.scatter [tilespmem:s4], [sflag:$0x2], $0x1000, s5, s3, $0x38;
	[tilespmem:$0x1F10] =	vst v63  }
0x108: {  	s10 =	sld [smem:$0x79A]  }
0x109: {  	[hbm4b:s9+s3] =	stream.strided.scatter [tilespmem:s4], [sflag:$0x2], $0x1000, s5, s3, $0x38;
	[tilespmem:$0x1F10] =	vst v63  }
0x10a: {  	s11 =	sld [smem:$0x79B]  }
0x10b: {  	[hbm4b:s10+s3] =	stream.strided.scatter [tilespmem:s4], [sflag:$0x2], $0x1000, s5, s3, $0x38;
	[tilespmem:$0x1F10] =	vst v63  }
0x10c: {  	s12 =	sld [smem:$0x79C]  }
0x10d: {  	[hbm4b:s11+s3] =	stream.strided.scatter [tilespmem:s4], [sflag:$0x2], $0x1000, s5, s3, $0x38;
	[tilespmem:$0x1F10] =	vst v63  }
0x10e: {  	s13 =	sld [smem:$0x79D]  }
0x10f: {  	[hbm4b:s12+s3] =	stream.strided.scatter [tilespmem:s4], [sflag:$0x2], $0x1000, s5, s3, $0x38;
	[tilespmem:$0x1F10] =	vst v63  }
0x110: {  	s14 =	sld [smem:$0x79E]  }
0x111: {  	[hbm4b:s13+s3] =	stream.strided.scatter [tilespmem:s4], [sflag:$0x2], $0x1000, s5, s3, $0x38;
	[tilespmem:$0x1F10] =	vst v63  }
0x112: {  	s15 =	sld [smem:$0x79F]  }
0x113: {  	[hbm4b:s14+s3] =	stream.strided.scatter [tilespmem:s4], [sflag:$0x2], $0x1000, s5, s3, $0x38;
	[tilespmem:$0x1F10] =	vst v63  }
0x114: {  	s16 =	sld [smem:$0x7A0]  }
0x115: {  	[hbm4b:s15+s3] =	stream.strided.scatter [tilespmem:s4], [sflag:$0x2], $0x1000, s5, s3, $0x38;
	[tilespmem:$0x1F10] =	vst v63  }
0x116: {  	s17 =	sld [smem:$0x7A1]  }
0x117: {  	[hbm4b:s16+s3] =	stream.strided.scatter [tilespmem:s4], [sflag:$0x2], $0x1000, s5, s3, $0x38;
	[tilespmem:$0x1F10] =	vst v63  }
0x118: {  	s18 =	sld [smem:$0x7A2]  }
0x119: {  	[hbm4b:s17+s3] =	stream.strided.scatter [tilespmem:s4], [sflag:$0x2], $0x1000, s5, s3, $0x38;
	[tilespmem:$0x1F10] =	vst v63  }
0x11a: {  	s19 =	sld [smem:$0x7A3]  }
0x11b: {  	[hbm4b:s18+s3] =	stream.strided.scatter [tilespmem:s4], [sflag:$0x2], $0x1000, s5, s3, $0x38;
	[tilespmem:$0x1F10] =	vst v63  }
0x11c: {  	s20 =	sld [smem:$0x7A4]  }
0x11d: {  	[hbm4b:s19+s3] =	stream.strided.scatter [tilespmem:s4], [sflag:$0x2], $0x1000, s5, s3, $0x38;
	[tilespmem:$0x1F10] =	vst v63  }
0x11e: {  	s21 =	sld [smem:$0x7A5]  }
0x11f: {  	[hbm4b:s20+s3] =	stream.strided.scatter [tilespmem:s4], [sflag:$0x2], $0x1000, s5, s3, $0x38;
	[tilespmem:$0x1F10] =	vst v63  }
0x120: {  	s22 =	sld [smem:$0x7A6]  }
0x121: {  	[hbm4b:s21+s3] =	stream.strided.scatter [tilespmem:s4], [sflag:$0x2], $0x1000, s5, s3, $0x38;
	[tilespmem:$0x1F10] =	vst v63  }
0x122: {  	s23 =	sld [smem:$0x7A7]  }
0x123: {  	[hbm4b:s22+s3] =	stream.strided.scatter [tilespmem:s4], [sflag:$0x2], $0x1000, s5, s3, $0x38;
	[tilespmem:$0x1F10] =	vst v63  }
0x124: {  	s24 =	sld [smem:$0x7A8]  }
0x125: {  	[hbm4b:s23+s3] =	stream.strided.scatter [tilespmem:s4], [sflag:$0x2], $0x1000, s5, s3, $0x38;
	[tilespmem:$0x1F10] =	vst v63  }
0x126: {  	s25 =	sld [smem:$0x7A9]  }
0x127: {  	[hbm4b:s24+s3] =	stream.strided.scatter [tilespmem:s4], [sflag:$0x2], $0x1000, s5, s3, $0x38;
	[tilespmem:$0x1F10] =	vst v63  }
0x128: {  	s26 =	sld [smem:$0x7AA]  }
0x129: {  	[hbm4b:s25+s3] =	stream.strided.scatter [tilespmem:s4], [sflag:$0x2], $0x1000, s5, s3, $0x38;
	[tilespmem:$0x1F10] =	vst v63  }
0x12a: {  	s28 =	sld [smem:$0x7AB]  }
0x12b: {  	[hbm4b:s26+s3] =	stream.strided.scatter [tilespmem:s4], [sflag:$0x2], $0x1000, s5, s3, $0x38;
	[tilespmem:$0x1F10] =	vst v63  }
0x12c: {  	s29 =	sld [smem:$0x7AC]  }
0x12d: {  	[hbm4b:s28+s3] =	stream.strided.scatter [tilespmem:s4], [sflag:$0x2], $0x1000, s5, s3, $0x38;
	[tilespmem:$0x1F10] =	vst v63  }
0x12e: {  	s30 =	sld [smem:$0x7AD]  }
0x12f: {  	[hbm4b:s29+s3] =	stream.strided.scatter [tilespmem:s4], [sflag:$0x2], $0x1000, s5, s3, $0x38;
	[tilespmem:$0x1F10] =	vst v63  }
0x130: {  	s31 =	sld [smem:$0x7AE]  }
0x131: {  	[hbm4b:s30+s3] =	stream.strided.scatter [tilespmem:s4], [sflag:$0x2], $0x1000, s5, s3, $0x38;
	[tilespmem:$0x1F10] =	vst v63  }
0x132: {  	s6 =	sld [smem:$0x7AF]  }
0x133: {  	[hbm4b:s31+s3] =	stream.strided.scatter [tilespmem:s4], [sflag:$0x2], $0x1000, s5, s3, $0x38;
	[tilespmem:$0x1F10] =	vst v63  }
0x134: {  	s7 =	sld [smem:$0x7B0]  }
0x135: {  	[hbm4b:s6+s3] =	stream.strided.scatter [tilespmem:s4], [sflag:$0x2], $0x1000, s5, s3, $0x38;
	[tilespmem:$0x1F10] =	vst v63  }
0x136: {  	s8 =	sld [smem:$0x7B1]  }
0x137: {  	[hbm4b:s7+s3] =	stream.strided.scatter [tilespmem:s4], [sflag:$0x2], $0x1000, s5, s3, $0x38;
	[tilespmem:$0x1F10] =	vst v63  }
0x138: {  	s9 =	sld [smem:$0x7B2]  }
0x139: {  	[hbm4b:s8+s3] =	stream.strided.scatter [tilespmem:s4], [sflag:$0x2], $0x1000, s5, s3, $0x38;
	[tilespmem:$0x1F10] =	vst v63  }
0x13a: {  	s10 =	sld [smem:$0x7B3]  }
0x13b: {  	[hbm4b:s9+s3] =	stream.strided.scatter [tilespmem:s4], [sflag:$0x2], $0x1000, s5, s3, $0x38;
	[tilespmem:$0x1F10] =	vst v63  }
0x13c: {  	s11 =	sld [smem:$0x7B4]  }
0x13d: {  	[hbm4b:s10+s3] =	stream.strided.scatter [tilespmem:s4], [sflag:$0x2], $0x1000, s5, s3, $0x38;
	[tilespmem:$0x1F10] =	vst v63  }
0x13e: {  	s12 =	sld [smem:$0x7B5]  }
0x13f: {  	[hbm4b:s11+s3] =	stream.strided.scatter [tilespmem:s4], [sflag:$0x2], $0x1000, s5, s3, $0x38;
	[tilespmem:$0x1F10] =	vst v63  }
0x140: {  	s13 =	sld [smem:$0x7B6]  }
0x141: {  	[hbm4b:s12+s3] =	stream.strided.scatter [tilespmem:s4], [sflag:$0x2], $0x1000, s5, s3, $0x38;
	[tilespmem:$0x1F10] =	vst v63  }
0x142: {  	s14 =	sld [smem:$0x7B7]  }
0x143: {  	[hbm4b:s13+s3] =	stream.strided.scatter [tilespmem:s4], [sflag:$0x2], $0x1000, s5, s3, $0x38;
	[tilespmem:$0x1F10] =	vst v63  }
0x144: {  	s15 =	sld [smem:$0x7B8]  }
0x145: {  	[hbm4b:s14+s3] =	stream.strided.scatter [tilespmem:s4], [sflag:$0x2], $0x1000, s5, s3, $0x38;
	[tilespmem:$0x1F10] =	vst v63  }
0x146: {  	s16 =	sld [smem:$0x7B9]  }
0x147: {  	[hbm4b:s15+s3] =	stream.strided.scatter [tilespmem:s4], [sflag:$0x2], $0x1000, s5, s3, $0x38;
	[tilespmem:$0x1F10] =	vst v63  }
0x148: {  	s17 =	sld [smem:$0x7BA]  }
0x149: {  	[hbm4b:s16+s3] =	stream.strided.scatter [tilespmem:s4], [sflag:$0x2], $0x1000, s5, s3, $0x38;
	[tilespmem:$0x1F10] =	vst v63  }
0x14a: {  	s18 =	sld [smem:$0x7BB]  }
0x14b: {  	[hbm4b:s17+s3] =	stream.strided.scatter [tilespmem:s4], [sflag:$0x2], $0x1000, s5, s3, $0x38;
	[tilespmem:$0x1F10] =	vst v63  }
0x14c: {  	s19 =	sld [smem:$0x7BC]  }
0x14d: {  	[hbm4b:s18+s3] =	stream.strided.scatter [tilespmem:s4], [sflag:$0x2], $0x1000, s5, s3, $0x38;
	[tilespmem:$0x1F10] =	vst v63  }
0x14e: {  	s20 =	sld [smem:$0x7BD]  }
0x14f: {  	[hbm4b:s19+s3] =	stream.strided.scatter [tilespmem:s4], [sflag:$0x2], $0x1000, s5, s3, $0x38;
	[tilespmem:$0x1F10] =	vst v63  }
0x150: {  	s21 =	sld [smem:$0x7BE]  }
0x151: {  	[hbm4b:s20+s3] =	stream.strided.scatter [tilespmem:s4], [sflag:$0x2], $0x1000, s5, s3, $0x38;
	[tilespmem:$0x1F10] =	vst v63  }
0x152: {  	s22 =	sld [smem:$0x7BF]  }
0x153: {  	[hbm4b:s21+s3] =	stream.strided.scatter [tilespmem:s4], [sflag:$0x2], $0x1000, s5, s3, $0x38;
	[tilespmem:$0x1F10] =	vst v63  }
0x154: {  	s23 =	sld [smem:$0x7C0]  }
0x155: {  	[hbm4b:s22+s3] =	stream.strided.scatter [tilespmem:s4], [sflag:$0x2], $0x1000, s5, s3, $0x38;
	[tilespmem:$0x1F10] =	vst v63  }
0x156: {  	s24 =	sld [smem:$0x7C1]  }
0x157: {  	[hbm4b:s23+s3] =	stream.strided.scatter [tilespmem:s4], [sflag:$0x2], $0x1000, s5, s3, $0x38;
	[tilespmem:$0x1F10] =	vst v63  }
0x158: {  	s25 =	sld [smem:$0x7C2]  }
0x159: {  	[hbm4b:s24+s3] =	stream.strided.scatter [tilespmem:s4], [sflag:$0x2], $0x1000, s5, s3, $0x38;
	[tilespmem:$0x1F10] =	vst v63  }
0x15a: {  	s26 =	sld [smem:$0x7C3]  }
0x15b: {  	[hbm4b:s25+s3] =	stream.strided.scatter [tilespmem:s4], [sflag:$0x2], $0x1000, s5, s3, $0x38;
	[tilespmem:$0x1F10] =	vst v63  }
0x15c: {  	s28 =	sld [smem:$0x7C4]  }
0x15d: {  	[hbm4b:s26+s3] =	stream.strided.scatter [tilespmem:s4], [sflag:$0x2], $0x1000, s5, s3, $0x38;
	[tilespmem:$0x1F10] =	vst v63  }
0x15e: {  	s29 =	sld [smem:$0x7C5]  }
0x15f: {  	[hbm4b:s28+s3] =	stream.strided.scatter [tilespmem:s4], [sflag:$0x2], $0x1000, s5, s3, $0x38;
	[tilespmem:$0x1F10] =	vst v63  }
0x160: {  	s30 =	sld [smem:$0x7C6]  }
0x161: {  	[hbm4b:s29+s3] =	stream.strided.scatter [tilespmem:s4], [sflag:$0x2], $0x1000, s5, s3, $0x38;
	[tilespmem:$0x1F10] =	vst v63  }
0x162: {  	s31 =	sld [smem:$0x7C7]  }
0x163: {  	[hbm4b:s30+s3] =	stream.strided.scatter [tilespmem:s4], [sflag:$0x2], $0x1000, s5, s3, $0x38;
	[tilespmem:$0x1F10] =	vst v63  }
0x164: {  	s6 =	sld [smem:$0x7C8]  }
0x165: {  	[hbm4b:s31+s3] =	stream.strided.scatter [tilespmem:s4], [sflag:$0x2], $0x1000, s5, s3, $0x38;
	[tilespmem:$0x1F10] =	vst v63  }
0x166: {  	s7 =	sld [smem:$0x7C9]  }
0x167: {  	[hbm4b:s6+s3] =	stream.strided.scatter [tilespmem:s4], [sflag:$0x2], $0x1000, s5, s3, $0x38;
	[tilespmem:$0x1F10] =	vst v63  }
0x168: {  	s8 =	sld [smem:$0x7CA]  }
0x169: {  	[hbm4b:s7+s3] =	stream.strided.scatter [tilespmem:s4], [sflag:$0x2], $0x1000, s5, s3, $0x38;
	[tilespmem:$0x1F10] =	vst v63  }
0x16a: {  	s9 =	sld [smem:$0x7CB]  }
0x16b: {  	[hbm4b:s8+s3] =	stream.strided.scatter [tilespmem:s4], [sflag:$0x2], $0x1000, s5, s3, $0x38;
	[tilespmem:$0x1F10] =	vst v63  }
0x16c: {  	s10 =	sld [smem:$0x7CC]  }
0x16d: {  	[hbm4b:s9+s3] =	stream.strided.scatter [tilespmem:s4], [sflag:$0x2], $0x1000, s5, s3, $0x38;
	[tilespmem:$0x1F10] =	vst v63  }
0x16e: {  	s11 =	sld [smem:$0x7CD]  }
0x16f: {  	[hbm4b:s10+s3] =	stream.strided.scatter [tilespmem:s4], [sflag:$0x2], $0x1000, s5, s3, $0x38;
	[tilespmem:$0x1F10] =	vst v63  }
0x170: {  	s12 =	sld [smem:$0x7CE]  }
0x171: {  	[hbm4b:s11+s3] =	stream.strided.scatter [tilespmem:s4], [sflag:$0x2], $0x1000, s5, s3, $0x38;
	[tilespmem:$0x1F10] =	vst v63  }
0x172: {  	s13 =	sld [smem:$0x7CF]  }
0x173: {  	[hbm4b:s12+s3] =	stream.strided.scatter [tilespmem:s4], [sflag:$0x2], $0x1000, s5, s3, $0x38;
	[tilespmem:$0x1F10] =	vst v63  }
0x174: {  	s14 =	sld [smem:$0x7D0]  }
0x175: {  	[hbm4b:s13+s3] =	stream.strided.scatter [tilespmem:s4], [sflag:$0x2], $0x1000, s5, s3, $0x38;
	[tilespmem:$0x1F10] =	vst v63  }
0x176: {  	s15 =	sld [smem:$0x7D1]  }
0x177: {  	[hbm4b:s14+s3] =	stream.strided.scatter [tilespmem:s4], [sflag:$0x2], $0x1000, s5, s3, $0x38;
	[tilespmem:$0x1F10] =	vst v63  }
0x178: {  	s16 =	sld [smem:$0x7D2]  }
0x179: {  	[hbm4b:s15+s3] =	stream.strided.scatter [tilespmem:s4], [sflag:$0x2], $0x1000, s5, s3, $0x38;
	[tilespmem:$0x1F10] =	vst v63  }
0x17a: {  	s17 =	sld [smem:$0x7D3]  }
0x17b: {  	[hbm4b:s16+s3] =	stream.strided.scatter [tilespmem:s4], [sflag:$0x2], $0x1000, s5, s3, $0x38;
	[tilespmem:$0x1F10] =	vst v63  }
0x17c: {  	s18 =	sld [smem:$0x7D4]  }
0x17d: {  	[hbm4b:s17+s3] =	stream.strided.scatter [tilespmem:s4], [sflag:$0x2], $0x1000, s5, s3, $0x38;
	[tilespmem:$0x1F10] =	vst v63  }
0x17e: {  	s19 =	sld [smem:$0x7D5]  }
0x17f: {  	[hbm4b:s18+s3] =	stream.strided.scatter [tilespmem:s4], [sflag:$0x2], $0x1000, s5, s3, $0x38;
	[tilespmem:$0x1F10] =	vst v63  }
0x180: {  	s20 =	sld [smem:$0x7D6]  }
0x181: {  	[hbm4b:s19+s3] =	stream.strided.scatter [tilespmem:s4], [sflag:$0x2], $0x1000, s5, s3, $0x38;
	[tilespmem:$0x1F10] =	vst v63  }
0x182: {  	s21 =	sld [smem:$0x7D7]  }
0x183: {  	[hbm4b:s20+s3] =	stream.strided.scatter [tilespmem:s4], [sflag:$0x2], $0x1000, s5, s3, $0x38;
	[tilespmem:$0x1F10] =	vst v63  }
0x184: {  	s22 =	sld [smem:$0x7D8]  }
0x185: {  	[hbm4b:s21+s3] =	stream.strided.scatter [tilespmem:s4], [sflag:$0x2], $0x1000, s5, s3, $0x38;
	[tilespmem:$0x1F10] =	vst v63  }
0x186: {  	s23 =	sld [smem:$0x7D9]  }
0x187: {  	[hbm4b:s22+s3] =	stream.strided.scatter [tilespmem:s4], [sflag:$0x2], $0x1000, s5, s3, $0x38;
	[tilespmem:$0x1F10] =	vst v63  }
0x188: {  	s24 =	sld [smem:$0x7DA]  }
0x189: {  	[hbm4b:s23+s3] =	stream.strided.scatter [tilespmem:s4], [sflag:$0x2], $0x1000, s5, s3, $0x38;
	[tilespmem:$0x1F10] =	vst v63  }
0x18a: {  	s25 =	sld [smem:$0x7DB]  }
0x18b: {  	[hbm4b:s24+s3] =	stream.strided.scatter [tilespmem:s4], [sflag:$0x2], $0x1000, s5, s3, $0x38;
	[tilespmem:$0x1F10] =	vst v63  }
0x18c: {  	s26 =	sld [smem:$0x7DC]  }
0x18d: {  	[hbm4b:s25+s3] =	stream.strided.scatter [tilespmem:s4], [sflag:$0x2], $0x1000, s5, s3, $0x38;
	[tilespmem:$0x1F10] =	vst v63  }
0x18e: {  	s28 =	sld [smem:$0x7DD]  }
0x18f: {  	[hbm4b:s26+s3] =	stream.strided.scatter [tilespmem:s4], [sflag:$0x2], $0x1000, s5, s3, $0x38;
	[tilespmem:$0x1F10] =	vst v63  }
0x190: {  	s29 =	sld [smem:$0x7DE]  }
0x191: {  	[hbm4b:s28+s3] =	stream.strided.scatter [tilespmem:s4], [sflag:$0x2], $0x1000, s5, s3, $0x38;
	[tilespmem:$0x1F10] =	vst v63  }
0x192: {  	s30 =	sld [smem:$0x7DF]  }
0x193: {  	[hbm4b:s29+s3] =	stream.strided.scatter [tilespmem:s4], [sflag:$0x2], $0x1000, s5, s3, $0x38;
	[tilespmem:$0x1F10] =	vst v63  }
0x194: {  	s31 =	sld [smem:$0x7E0]  }
0x195: {  	[hbm4b:s30+s3] =	stream.strided.scatter [tilespmem:s4], [sflag:$0x2], $0x1000, s5, s3, $0x38;
	[tilespmem:$0x1F10] =	vst v63  }
0x196: {  	s6 =	sld [smem:$0x7E1]  }
0x197: {  	[hbm4b:s31+s3] =	stream.strided.scatter [tilespmem:s4], [sflag:$0x2], $0x1000, s5, s3, $0x38;
	[tilespmem:$0x1F10] =	vst v63  }
0x198: {  	s7 =	sld [smem:$0x7E2]  }
0x199: {  	[hbm4b:s6+s3] =	stream.strided.scatter [tilespmem:s4], [sflag:$0x2], $0x1000, s5, s3, $0x38;
	[tilespmem:$0x1F10] =	vst v63  }
0x19a: {  	s8 =	sld [smem:$0x7E3]  }
0x19b: {  	[hbm4b:s7+s3] =	stream.strided.scatter [tilespmem:s4], [sflag:$0x2], $0x1000, s5, s3, $0x38;
	[tilespmem:$0x1F10] =	vst v63  }
0x19c: {  	s9 =	sld [smem:$0x7E4]  }
0x19d: {  	[hbm4b:s8+s3] =	stream.strided.scatter [tilespmem:s4], [sflag:$0x2], $0x1000, s5, s3, $0x38;
	[tilespmem:$0x1F10] =	vst v63  }
0x19e: {  	s10 =	sld [smem:$0x7E5]  }
0x19f: {  	[hbm4b:s9+s3] =	stream.strided.scatter [tilespmem:s4], [sflag:$0x2], $0x1000, s5, s3, $0x38;
	[tilespmem:$0x1F10] =	vst v63  }
0x1a0: {  	s11 =	sld [smem:$0x7E6]  }
0x1a1: {  	[hbm4b:s10+s3] =	stream.strided.scatter [tilespmem:s4], [sflag:$0x2], $0x1000, s5, s3, $0x38;
	[tilespmem:$0x1F10] =	vst v63  }
0x1a2: {  	s12 =	sld [smem:$0x7E7]  }
0x1a3: {  	[hbm4b:s11+s3] =	stream.strided.scatter [tilespmem:s4], [sflag:$0x2], $0x1000, s5, s3, $0x38;
	[tilespmem:$0x1F10] =	vst v63  }
0x1a4: {  	s13 =	sld [smem:$0x7E8]  }
0x1a5: {  	[hbm4b:s12+s3] =	stream.strided.scatter [tilespmem:s4], [sflag:$0x2], $0x1000, s5, s3, $0x38;
	[tilespmem:$0x1F10] =	vst v63  }
0x1a6: {  	s14 =	sld [smem:$0x7E9]  }
0x1a7: {  	[hbm4b:s13+s3] =	stream.strided.scatter [tilespmem:s4], [sflag:$0x2], $0x1000, s5, s3, $0x38;
	[tilespmem:$0x1F10] =	vst v63  }
0x1a8: {  	s15 =	sld [smem:$0x7EA]  }
0x1a9: {  	[hbm4b:s14+s3] =	stream.strided.scatter [tilespmem:s4], [sflag:$0x2], $0x1000, s5, s3, $0x38;
	[tilespmem:$0x1F10] =	vst v63  }
0x1aa: {  	s16 =	sld [smem:$0x7EB]  }
0x1ab: {  	[hbm4b:s15+s3] =	stream.strided.scatter [tilespmem:s4], [sflag:$0x2], $0x1000, s5, s3, $0x38;
	[tilespmem:$0x1F10] =	vst v63  }
0x1ac: {  	s17 =	sld [smem:$0x7EC]  }
0x1ad: {  	[hbm4b:s16+s3] =	stream.strided.scatter [tilespmem:s4], [sflag:$0x2], $0x1000, s5, s3, $0x38;
	[tilespmem:$0x1F10] =	vst v63  }
0x1ae: {  	s18 =	sld [smem:$0x7ED]  }
0x1af: {  	[hbm4b:s17+s3] =	stream.strided.scatter [tilespmem:s4], [sflag:$0x2], $0x1000, s5, s3, $0x38;
	[tilespmem:$0x1F10] =	vst v63  }
0x1b0: {  	s19 =	sld [smem:$0x7EE]  }
0x1b1: {  	[hbm4b:s18+s3] =	stream.strided.scatter [tilespmem:s4], [sflag:$0x2], $0x1000, s5, s3, $0x38;
	[tilespmem:$0x1F10] =	vst v63  }
0x1b2: {  	s20 =	sld [smem:$0x7EF]  }
0x1b3: {  	[hbm4b:s19+s3] =	stream.strided.scatter [tilespmem:s4], [sflag:$0x2], $0x1000, s5, s3, $0x38;
	[tilespmem:$0x1F10] =	vst v63  }
0x1b4: {  	s21 =	sld [smem:$0x7F0]  }
0x1b5: {  	[hbm4b:s20+s3] =	stream.strided.scatter [tilespmem:s4], [sflag:$0x2], $0x1000, s5, s3, $0x38;
	[tilespmem:$0x1F10] =	vst v63  }
0x1b6: {  	s22 =	sld [smem:$0x7F1]  }
0x1b7: {  	[hbm4b:s21+s3] =	stream.strided.scatter [tilespmem:s4], [sflag:$0x2], $0x1000, s5, s3, $0x38;
	[tilespmem:$0x1F10] =	vst v63  }
0x1b8: {  	s23 =	sld [smem:$0x7F2]  }
0x1b9: {  	[hbm4b:s22+s3] =	stream.strided.scatter [tilespmem:s4], [sflag:$0x2], $0x1000, s5, s3, $0x38;
	[tilespmem:$0x1F10] =	vst v63  }
0x1ba: {  	s24 =	sld [smem:$0x7F3]  }
0x1bb: {  	[hbm4b:s23+s3] =	stream.strided.scatter [tilespmem:s4], [sflag:$0x2], $0x1000, s5, s3, $0x38;
	[tilespmem:$0x1F10] =	vst v63  }
0x1bc: {  	s25 =	sld [smem:$0x7F4]  }
0x1bd: {  	[hbm4b:s24+s3] =	stream.strided.scatter [tilespmem:s4], [sflag:$0x2], $0x1000, s5, s3, $0x38;
	[tilespmem:$0x1F10] =	vst v63  }
0x1be: {  	s26 =	sld [smem:$0x7F5]  }
0x1bf: {  	[hbm4b:s25+s3] =	stream.strided.scatter [tilespmem:s4], [sflag:$0x2], $0x1000, s5, s3, $0x38;
	[tilespmem:$0x1F10] =	vst v63  }
0x1c0: {  	s28 =	sld [smem:$0x7F6]  }
0x1c1: {  	[hbm4b:s26+s3] =	stream.strided.scatter [tilespmem:s4], [sflag:$0x2], $0x1000, s5, s3, $0x38;
	[tilespmem:$0x1F10] =	vst v63  }
0x1c2: {  	s29 =	sld [smem:$0x7F7]  }
0x1c3: {  	[hbm4b:s28+s3] =	stream.strided.scatter [tilespmem:s4], [sflag:$0x2], $0x1000, s5, s3, $0x38;
	[tilespmem:$0x1F10] =	vst v63  }
0x1c4: {  	s30 =	sld [smem:$0x7F8]  }
0x1c5: {  	[hbm4b:s29+s3] =	stream.strided.scatter [tilespmem:s4], [sflag:$0x2], $0x1000, s5, s3, $0x38;
	[tilespmem:$0x1F10] =	vst v63  }
0x1c6: {  	s31 =	sld [smem:$0x7F9]  }
0x1c7: {  	[hbm4b:s30+s3] =	stream.strided.scatter [tilespmem:s4], [sflag:$0x2], $0x1000, s5, s3, $0x38;
	[tilespmem:$0x1F10] =	vst v63  }
0x1c8: {  	_ = 	snop  }
0x1c9: {  	[hbm4b:s31+s3] =	stream.strided.scatter [tilespmem:s4], [sflag:$0x2], $0x1000, s5, s3, $0x38;
	[tilespmem:$0x1F10] =	vst v63  }
0x1ca: {  	_ =	swait.ge [sflag:s0], $0x200  }
0x1cb: {  	[sflag:s0] =	ssyncset.done $0x0  }
0x1cc: {  	[sflag:s0] =	ssyncadd.s32 $0xFFFFFE00  }
0x1cd: {  	v3 =	vld [tilespmem:s1+$0x0];
	_ =	sdelay $0x4  }
0x1ce: {  	v3 =	vadd.s32 $0xFFFFFFD0, v3  }
0x1cf: {  	vm2 =	vlt.u32 v3, $0xA  }
0x1d0: {  	v3 =	vsel vm2, $0x1, v0  }
0x1d1: {  	(v2sf) =	vpush v3, $0x0  }
0x1d2: {  	(v2sf) =	vpush v3, $0x1  }
0x1d3: {  	(v2sf) =	vpush v3, $0x2  }
0x1d4: {  	(v2sf) =	vpush v3, $0x3  }
0x1d5: {  	(v2sf) =	vpush v3, $0x4  }
0x1d6: {  	(v2sf) =	vpush v3, $0x5  }
0x1d7: {  	(v2sf) =	vpush v3, $0x6  }
0x1d8: {  	(v2sf) =	vpush v3, $0x7  }
0x1d9: {  	(v2sf) =	vpush v3, $0x8  }
0x1da: {  	s2 =	simm.s32 $0x1F;
	s6 =	simm.s32 $0xC;
	s7 =	simm.s32 $0xB;
	(v2sf) =	vpush v3, $0x9  }
0x1db: {  	s8 =	simm.s32 $0xA;
	s9 =	simm.s32 $0x10;
	s10 =	simm.s32 $0x9;
	(v2sf) =	vpush v3, $0xA  }
0x1dc: {  	s11 =	simm.s32 $0x8;
	s12 =	simm.s32 $0x7;
	s13 =	simm.s32 $0x6;
	(v2sf) =	vpush v3, $0xB  }
0x1dd: {  	s15 =	simm.s32 $0x5;
	s16 =	simm.s32 $0x4;
	s17 =	simm.s32 $0x3;
	(v2sf) =	vpush v3, $0xC  }
0x1de: {  	s18 =	simm.s32 $0x2;
	s3 =	simm.s32 $0xF;
	s5 =	simm.s32 $0xD;
	(v2sf) =	vpush v3, $0xD  }
0x1df: {  	s4 =	simm.s32 $0xE;
	s0 =	simm.s32 $0xFFFFFFFF;
	v4 =	vld [tilespmem:s9+$0x0];
	s1 =	simm.s32 $0x2F;
	(v2sf) =	vpush v3, $0xE  }
.LBB2_2:
0x1e0: {  	p3 =	sne.s32 s1, $0x1FF  }
0x1e1: {  	s19 =	sadd.s32 $0xFFFFFFF2, s3;
	s20 =	spop (v2sf);
	s14 =	smov.u32 s3  }
0x1e2: {  	(v2sf) =	vpush v3, $0xF;
	s3 =	smov.u32 s2;
	s2 =	smov.u32 s1;
	s9 =	sadd.s32 $0x10, s9  }
0x1e3: {  	s21 =	sadd.s32 $0xFFFFFFF1, s14;
	p4 =	seq.s32 s20, $0x0;
	s20 =	spop (v2sf)  }
0x1e4: {  	s0 =	smov.u32 @p4 s21;
	p4 =	seq.s32 s20, $0x0;
	s20 =	spop (v2sf)  }
0x1e5: {  	s0 =	smov.u32 @p4 s19;
	p4 =	seq.s32 s20, $0x0;
	s19 =	spop (v2sf)  }
0x1e6: {  	v3 =	vadd.s32 $0xFFFFFFD0, v4;
	s0 =	smov.u32 @p4 s18;
	p4 =	seq.s32 s19, $0x0;
	s18 =	spop (v2sf)  }
0x1e7: {  	vm2 =	vlt.u32 v3, $0xA;
	s0 =	smov.u32 @p4 s17;
	p4 =	seq.s32 s18, $0x0;
	s17 =	spop (v2sf)  }
0x1e8: {  	v3 =	vsel vm2, $0x1, v0;
	s0 =	smov.u32 @p4 s16;
	p4 =	seq.s32 s17, $0x0;
	s16 =	spop (v2sf)  }
0x1e9: {  	(v2sf) =	vpush v3, $0x0;
	s0 =	smov.u32 @p4 s15;
	p4 =	seq.s32 s16, $0x0;
	s15 =	spop (v2sf)  }
0x1ea: {  	(v2sf) =	vpush v3, $0x1;
	s0 =	smov.u32 @p4 s13;
	p4 =	seq.s32 s15, $0x0;
	s13 =	spop (v2sf)  }
0x1eb: {  	(v2sf) =	vpush v3, $0x2;
	s0 =	smov.u32 @p4 s12;
	p4 =	seq.s32 s13, $0x0;
	s12 =	spop (v2sf)  }
0x1ec: {  	(v2sf) =	vpush v3, $0x3;
	s0 =	smov.u32 @p4 s11;
	p4 =	seq.s32 s12, $0x0;
	s11 =	spop (v2sf)  }
0x1ed: {  	(v2sf) =	vpush v3, $0x4;
	s0 =	smov.u32 @p4 s10;
	p4 =	seq.s32 s11, $0x0;
	s10 =	spop (v2sf)  }
0x1ee: {  	(v2sf) =	vpush v3, $0x5;
	s0 =	smov.u32 @p4 s8;
	p4 =	seq.s32 s10, $0x0;
	s8 =	spop (v2sf)  }
0x1ef: {  	(v2sf) =	vpush v3, $0x6;
	s0 =	smov.u32 @p4 s7;
	p4 =	seq.s32 s8, $0x0;
	s7 =	spop (v2sf)  }
0x1f0: {  	(v2sf) =	vpush v3, $0x7;
	s0 =	smov.u32 @p4 s6;
	p4 =	seq.s32 s7, $0x0;
	s6 =	spop (v2sf)  }
0x1f1: {  	(v2sf) =	vpush v3, $0x8;
	s0 =	smov.u32 @p4 s5;
	p4 =	seq.s32 s6, $0x0;
	s5 =	spop (v2sf)  }
0x1f2: {  	(v2sf) =	vpush v3, $0x9;
	s0 =	smov.u32 @p4 s4;
	p4 =	seq.s32 s5, $0x0;
	s5 =	sadd.s32 $0xFFFFFFFE, s3  }
.Ltmp2:
0x1f3: {  	s4 =	sadd.s32 $0xFFFFFFFF, s3;
	(v2sf) =	vpush v3, $0xA;
	s0 =	smov.u32 @p4 s14;
	(pc) =	sbr.rel @p3 .LBB2_2-.Ltmp2, $4  }
0x1f4: {  	s8 =	sadd.s32 $0xFFFFFFFB, s3;
	s7 =	sadd.s32 $0xFFFFFFFC, s3;
	s6 =	sadd.s32 $0xFFFFFFFD, s3;
	(v2sf) =	vpush v3, $0xB  }
0x1f5: {  	s12 =	sadd.s32 $0xFFFFFFF8, s3;
	s11 =	sadd.s32 $0xFFFFFFF9, s3;
	s10 =	sadd.s32 $0xFFFFFFFA, s3;
	(v2sf) =	vpush v3, $0xC  }
0x1f6: {  	s16 =	sadd.s32 $0xFFFFFFF5, s3;
	s15 =	sadd.s32 $0xFFFFFFF6, s3;
	s13 =	sadd.s32 $0xFFFFFFF7, s3;
	(v2sf) =	vpush v3, $0xD  }
0x1f7: {  	s1 =	sadd.s32 $0x10, s1;
	s18 =	sadd.s32 $0xFFFFFFF3, s3;
	s17 =	sadd.s32 $0xFFFFFFF4, s3;
	v4 =	vld [tilespmem:s9+$0x0];
	(v2sf) =	vpush v3, $0xE  }
0x1f8: {  	_ = 	snop  }
0x1f9: {  	s1 =	sadd.s32 $0xFFFFFFF2, s3;
	s9 =	spop (v2sf)  }
0x1fa: {  	s14 =	sadd.s32 $0xFFFFFFF1, s3;
	p3 =	seq.s32 s9, $0x0;
	s25 =	spop (v2sf)  }
0x1fb: {  	s0 =	smov.u32 @p3 s14;
	p3 =	seq.s32 s25, $0x0;
	s26 =	spop (v2sf)  }
0x1fc: {  	(v2sf) =	vpush v3, $0xF;
	s0 =	smov.u32 @p3 s1;
	p3 =	seq.s32 s26, $0x0;
	s28 =	spop (v2sf);
	v3 =	vadd.s32 $0xFFFFFFD0, v4  }
0x1fd: {  	s0 =	smov.u32 @p3 s18;
	p3 =	seq.s32 s28, $0x0;
	s29 =	spop (v2sf);
	vm2 =	vlt.u32 v3, $0xA  }
0x1fe: {  	s0 =	smov.u32 @p3 s17;
	p3 =	seq.s32 s29, $0x0;
	s30 =	spop (v2sf);
	v3 =	vsel vm2, $0x1, v0  }
0x1ff: {  	s0 =	smov.u32 @p3 s16;
	p3 =	seq.s32 s30, $0x0;
	s31 =	spop (v2sf);
	(v2sf) =	vpush v3, $0x0  }
0x200: {  	s0 =	smov.u32 @p3 s15;
	p3 =	seq.s32 s31, $0x0;
	s9 =	spop (v2sf);
	(v2sf) =	vpush v3, $0x1  }
0x201: {  	s1 =	sadd.s32 $0xFFFFFFFF, s2;
	s0 =	smov.u32 @p3 s13;
	s14 =	spop (v2sf);
	(v2sf) =	vpush v3, $0x2  }
0x202: {  	p3 =	seq.s32 s9, $0x0;
	s9 =	sadd.s32 $0xFFFFFFFA, s2;
	s15 =	spop (v2sf);
	(v2sf) =	vpush v3, $0x3  }
0x203: {  	s13 =	sadd.s32 $0xFFFFFFF3, s2;
	s0 =	smov.u32 @p3 s12;
	s16 =	spop (v2sf);
	(v2sf) =	vpush v3, $0x4  }
0x204: {  	p3 =	seq.s32 s14, $0x0;
	s12 =	sadd.s32 $0xFFFFFFF7, s2;
	s17 =	spop (v2sf);
	(v2sf) =	vpush v3, $0x5  }
0x205: {  	s14 =	sadd.s32 $0xFFFFFFF4, s2;
	s0 =	smov.u32 @p3 s11;
	s18 =	spop (v2sf);
	(v2sf) =	vpush v3, $0x6  }
0x206: {  	p3 =	seq.s32 s15, $0x0;
	s11 =	sadd.s32 $0xFFFFFFF6, s2;
	s19 =	spop (v2sf);
	(v2sf) =	vpush v3, $0x7  }
0x207: {  	s0 =	smov.u32 @p3 s10;
	p3 =	seq.s32 s16, $0x0;
	s20 =	spop (v2sf);
	(v2sf) =	vpush v3, $0x8  }
0x208: {  	s15 =	sadd.s32 $0xFFFFFFF2, s2;
	s10 =	sadd.s32 $0xFFFFFFF5, s2;
	s0 =	smov.u32 @p3 s8;
	(v2sf) =	vpush v3, $0x9  }
0x209: {  	p3 =	seq.s32 s17, $0x0;
	s8 =	sadd.s32 $0xFFFFFFF9, s2;
	s17 =	sadd.s32 $0xFFFFFFF1, s2;
	(v2sf) =	vpush v3, $0xA  }
0x20a: {  	s0 =	smov.u32 @p3 s7;
	p3 =	seq.s32 s18, $0x0;
	s7 =	sadd.s32 $0xFFFFFFF8, s2;
	(v2sf) =	vpush v3, $0xB  }
0x20b: {  	s0 =	smov.u32 @p3 s6;
	p3 =	seq.s32 s19, $0x0;
	s6 =	sadd.s32 $0xFFFFFFFD, s2;
	(v2sf) =	vpush v3, $0xC  }
0x20c: {  	s0 =	smov.u32 @p3 s5;
	p3 =	seq.s32 s20, $0x0;
	s21 =	spop (v2sf);
	(v2sf) =	vpush v3, $0xD  }
0x20d: {  	s5 =	sadd.s32 $0xFFFFFFFC, s2;
	s0 =	smov.u32 @p3 s4;
	p3 =	seq.s32 s21, $0x0;
	(v2sf) =	vpush v3, $0xE  }
0x20e: {  	s4 =	sadd.s32 $0xFFFFFFFE, s2;
	s0 =	smov.u32 @p3 s3;
	s22 =	spop (v2sf);
	(v2sf) =	vpush v3, $0xF  }
0x20f: {  	s3 =	sadd.s32 $0xFFFFFFFB, s2;
	p3 =	seq.s32 s22, $0x0;
	s23 =	spop (v2sf)  }
0x210: {  	s0 =	smov.u32 @p3 s17;
	p3 =	seq.s32 s23, $0x0;
	s24 =	spop (v2sf)  }
0x211: {  	s0 =	smov.u32 @p3 s15;
	p3 =	seq.s32 s24, $0x0;
	s25 =	spop (v2sf)  }
0x212: {  	s0 =	smov.u32 @p3 s13;
	p3 =	seq.s32 s25, $0x0;
	s26 =	spop (v2sf)  }
0x213: {  	s0 =	smov.u32 @p3 s14;
	p3 =	seq.s32 s26, $0x0;
	s28 =	spop (v2sf)  }
0x214: {  	s0 =	smov.u32 @p3 s10;
	p3 =	seq.s32 s28, $0x0;
	s29 =	spop (v2sf)  }
0x215: {  	s0 =	smov.u32 @p3 s11;
	p3 =	seq.s32 s29, $0x0;
	s30 =	spop (v2sf)  }
0x216: {  	s0 =	smov.u32 @p3 s12;
	p3 =	seq.s32 s30, $0x0;
	s31 =	spop (v2sf)  }
0x217: {  	s0 =	smov.u32 @p3 s7;
	p3 =	seq.s32 s31, $0x0;
	s11 =	spop (v2sf)  }
0x218: {  	s0 =	smov.u32 @p3 s8;
	p3 =	seq.s32 s11, $0x0;
	s12 =	spop (v2sf)  }
0x219: {  	s0 =	smov.u32 @p3 s9;
	p3 =	seq.s32 s12, $0x0;
	s13 =	spop (v2sf)  }
0x21a: {  	s0 =	smov.u32 @p3 s3;
	p3 =	seq.s32 s13, $0x0;
	s14 =	spop (v2sf)  }
0x21b: {  	s0 =	smov.u32 @p3 s5;
	p3 =	seq.s32 s14, $0x0;
	s15 =	spop (v2sf)  }
0x21c: {  	s0 =	smov.u32 @p3 s6;
	p3 =	seq.s32 s15, $0x0;
	s16 =	spop (v2sf)  }
0x21d: {  	s0 =	smov.u32 @p3 s4;
	p3 =	seq.s32 s16, $0x0;
	s17 =	spop (v2sf)  }
0x21e: {  	s0 =	smov.u32 @p3 s1;
	p3 =	seq.s32 s17, $0x0  }
0x21f: {  	s0 =	smov.u32 @p3 s2  }
0x220: {  	s0 =	ssub.s32 $0x1FF, s0  }
0x221: {  	v3 =	vmov s0  }
0x222: {  	v3 =	vnsel vm1, $0x0, v3  }
0x223: {  	s18 =	rddreg [dreg:$0x17];
	s19 =	simm.s32 $0x280;
	s20 =	simm.s32 $0x3;
	[tilespmem:$0x280] =	vst v3  }
0x224: {  	[spmem:s18] =	stream.linear.scatter [tilespmem:s19], [sflag:$0x3], $0x80, $0x38;
	[tilespmem:$0x1F10] =	vst v63  }
0x225: {  	_ =	swait.ge [sflag:s20], $0x80  }
0x226: {  	[sflag:s20] =	ssyncset.done $0x0  }
0x227: {  	[sflag:s20] =	ssyncadd.s32 $0xFFFFFF80  }
0x228: {  	[bflag:$0x0] =	sbarrier.arrive $0xFFFF  }
0x229: {  	s22 =	simm.s32 $0x300;
	s21 =	rddreg [dreg:$0x3]  }
0x22a: {  	[tilespmem:s22], [sflag:$0x3] =	stream.linear.gather [spmem:s21], $0x800, $0x38;
	[tilespmem:$0x1F10] =	vst v63  }
0x22b: {  	_ =	swait.ge [sflag:s20], $0x800  }
0x22c: {  	[sflag:s20] =	ssyncset.done $0x0  }
0x22d: {  	[sflag:s20] =	ssyncadd.s32 $0xFFFFF800  }
0x22e: {  	v3 =	vld [tilespmem:$0x300]  }
0x22f: {  	v55 =	vld [tilespmem:$0x380]  }
0x230: {  	v5 =	vld [tilespmem:$0x400]  }
0x231: {  	v6 =	vld [tilespmem:$0x480]  }
0x232: {  	v7 =	vld [tilespmem:$0x500]  }
0x233: {  	(v2sf) =	vpush v3, $0x0;
	v3 =	vld [tilespmem:$0x580]  }
0x234: {  	v56 =	vld [tilespmem:$0x600];
	(v2sf) =	vpush v55, $0x0  }
0x235: {  	v57 =	vld [tilespmem:$0x680];
	(v2sf) =	vpush v5, $0x0  }
0x236: {  	v58 =	vld [tilespmem:$0x700];
	(v2sf) =	vpush v6, $0x0  }
0x237: {  	v59 =	vld [tilespmem:$0x780];
	(v2sf) =	vpush v7, $0x0  }
0x238: {  	(v2sf) =	vpush v3, $0x0;
	v3 =	vld [tilespmem:$0x800]  }
0x239: {  	v60 =	vld [tilespmem:$0x880];
	(v2sf) =	vpush v56, $0x0  }
0x23a: {  	v61 =	vld [tilespmem:$0x900];
	(v2sf) =	vpush v57, $0x0  }
0x23b: {  	v62 =	vld [tilespmem:$0x980];
	(v2sf) =	vpush v58, $0x0  }
0x23c: {  	v63 =	vld [tilespmem:$0xA00];
	(v2sf) =	vpush v59, $0x0  }
0x23d: {  	(v2sf) =	vpush v3, $0x0  }
0x23e: {  	(v2sf) =	vpush v60, $0x0  }
0x23f: {  	(v2sf) =	vpush v61, $0x0  }
0x240: {  	(v2sf) =	vpush v62, $0x0  }
0x241: {  	(v2sf) =	vpush v63, $0x0  }
0x242: {  	s12 =	spop (v2sf)  }
0x243: {  	s13 =	spop (v2sf)  }
0x244: {  	s11 =	spop (v2sf)  }
0x245: {  	s10 =	spop (v2sf)  }
0x246: {  	s9 =	spop (v2sf)  }
0x247: {  	s7 =	spop (v2sf)  }
0x248: {  	s0 =	spop (v2sf)  }
0x249: {  	s3 =	spop (v2sf)  }
0x24a: {  	s2 =	spop (v2sf)  }
0x24b: {  	s6 =	spop (v2sf)  }
0x24c: {  	s14 =	spop (v2sf)  }
0x24d: {  	s15 =	spop (v2sf)  }
0x24e: {  	s16 =	spop (v2sf)  }
0x24f: {  	s17 =	spop (v2sf)  }
0x250: {  	s21 =	simm.s32 $0x2;
	s4 =	spop (v2sf)  }
0x251: {  	_ =	swait.ge [sflag:s21], $0x1000  }
0x252: {  	[sflag:s21] =	ssyncset.done $0x0  }
0x253: {  	[sflag:s21] =	ssyncadd.s32 $0xFFFFF000  }
0x254: {  	_ =	swait.ge [sflag:s21], $0x1000  }
0x255: {  	[sflag:s21] =	ssyncset.done $0x0  }
0x256: {  	[sflag:s21] =	ssyncadd.s32 $0xFFFFF000  }
0x257: {  	_ =	swait.ge [sflag:s21], $0x1000  }
0x258: {  	[sflag:s21] =	ssyncset.done $0x0  }
0x259: {  	[sflag:s21] =	ssyncadd.s32 $0xFFFFF000  }
0x25a: {  	_ =	swait.ge [sflag:s21], $0x1000  }
0x25b: {  	[sflag:s21] =	ssyncset.done $0x0  }
0x25c: {  	[sflag:s21] =	ssyncadd.s32 $0xFFFFF000  }
0x25d: {  	_ =	swait.ge [sflag:s21], $0x1000  }
0x25e: {  	[sflag:s21] =	ssyncset.done $0x0  }
0x25f: {  	[sflag:s21] =	ssyncadd.s32 $0xFFFFF000  }
0x260: {  	_ =	swait.ge [sflag:s21], $0x1000  }
0x261: {  	[sflag:s21] =	ssyncset.done $0x0  }
0x262: {  	[sflag:s21] =	ssyncadd.s32 $0xFFFFF000  }
0x263: {  	_ =	swait.ge [sflag:s21], $0x1000  }
0x264: {  	[sflag:s21] =	ssyncset.done $0x0  }
0x265: {  	[sflag:s21] =	ssyncadd.s32 $0xFFFFF000  }
0x266: {  	_ =	swait.ge [sflag:s21], $0x1000  }
0x267: {  	[sflag:s21] =	ssyncset.done $0x0  }
0x268: {  	[sflag:s21] =	ssyncadd.s32 $0xFFFFF000  }
0x269: {  	_ =	swait.ge [sflag:s21], $0x1000  }
0x26a: {  	[sflag:s21] =	ssyncset.done $0x0  }
0x26b: {  	[sflag:s21] =	ssyncadd.s32 $0xFFFFF000  }
0x26c: {  	_ =	swait.ge [sflag:s21], $0x1000  }
0x26d: {  	[sflag:s21] =	ssyncset.done $0x0  }
0x26e: {  	[sflag:s21] =	ssyncadd.s32 $0xFFFFF000  }
0x26f: {  	_ =	swait.ge [sflag:s21], $0x1000  }
0x270: {  	[sflag:s21] =	ssyncset.done $0x0  }
0x271: {  	[sflag:s21] =	ssyncadd.s32 $0xFFFFF000  }
0x272: {  	_ =	swait.ge [sflag:s21], $0x1000  }
0x273: {  	[sflag:s21] =	ssyncset.done $0x0  }
0x274: {  	[sflag:s21] =	ssyncadd.s32 $0xFFFFF000  }
0x275: {  	_ =	swait.ge [sflag:s21], $0x1000  }
0x276: {  	[sflag:s21] =	ssyncset.done $0x0  }
0x277: {  	[sflag:s21] =	ssyncadd.s32 $0xFFFFF000  }
0x278: {  	_ =	swait.ge [sflag:s21], $0x1000  }
0x279: {  	[sflag:s21] =	ssyncset.done $0x0  }
0x27a: {  	[sflag:s21] =	ssyncadd.s32 $0xFFFFF000  }
0x27b: {  	_ =	swait.ge [sflag:s21], $0x1000  }
0x27c: {  	[sflag:s21] =	ssyncset.done $0x0  }
0x27d: {  	[sflag:s21] =	ssyncadd.s32 $0xFFFFF000  }
0x27e: {  	_ =	swait.ge [sflag:s21], $0x1000  }
0x27f: {  	[sflag:s21] =	ssyncset.done $0x0  }
0x280: {  	[sflag:s21] =	ssyncadd.s32 $0xFFFFF000  }
0x281: {  	_ =	swait.ge [sflag:s21], $0x1000  }
0x282: {  	[sflag:s21] =	ssyncset.done $0x0  }
0x283: {  	[sflag:s21] =	ssyncadd.s32 $0xFFFFF000  }
0x284: {  	_ =	swait.ge [sflag:s21], $0x1000  }
0x285: {  	[sflag:s21] =	ssyncset.done $0x0  }
0x286: {  	[sflag:s21] =	ssyncadd.s32 $0xFFFFF000  }
0x287: {  	_ =	swait.ge [sflag:s21], $0x1000  }
0x288: {  	[sflag:s21] =	ssyncset.done $0x0  }
0x289: {  	[sflag:s21] =	ssyncadd.s32 $0xFFFFF000  }
0x28a: {  	_ =	swait.ge [sflag:s21], $0x1000  }
0x28b: {  	[sflag:s21] =	ssyncset.done $0x0  }
0x28c: {  	[sflag:s21] =	ssyncadd.s32 $0xFFFFF000  }
0x28d: {  	_ =	swait.ge [sflag:s21], $0x1000  }
0x28e: {  	[sflag:s21] =	ssyncset.done $0x0  }
0x28f: {  	[sflag:s21] =	ssyncadd.s32 $0xFFFFF000  }
0x290: {  	_ =	swait.ge [sflag:s21], $0x1000  }
0x291: {  	[sflag:s21] =	ssyncset.done $0x0  }
0x292: {  	[sflag:s21] =	ssyncadd.s32 $0xFFFFF000  }
0x293: {  	_ =	swait.ge [sflag:s21], $0x1000  }
0x294: {  	[sflag:s21] =	ssyncset.done $0x0  }
0x295: {  	[sflag:s21] =	ssyncadd.s32 $0xFFFFF000  }
0x296: {  	_ =	swait.ge [sflag:s21], $0x1000  }
0x297: {  	[sflag:s21] =	ssyncset.done $0x0  }
0x298: {  	[sflag:s21] =	ssyncadd.s32 $0xFFFFF000  }
0x299: {  	_ =	swait.ge [sflag:s21], $0x1000  }
0x29a: {  	[sflag:s21] =	ssyncset.done $0x0  }
0x29b: {  	[sflag:s21] =	ssyncadd.s32 $0xFFFFF000  }
0x29c: {  	_ =	swait.ge [sflag:s21], $0x1000  }
0x29d: {  	[sflag:s21] =	ssyncset.done $0x0  }
0x29e: {  	[sflag:s21] =	ssyncadd.s32 $0xFFFFF000  }
0x29f: {  	_ =	swait.ge [sflag:s21], $0x1000  }
0x2a0: {  	[sflag:s21] =	ssyncset.done $0x0  }
0x2a1: {  	[sflag:s21] =	ssyncadd.s32 $0xFFFFF000  }
0x2a2: {  	_ =	swait.ge [sflag:s21], $0x1000  }
0x2a3: {  	[sflag:s21] =	ssyncset.done $0x0  }
0x2a4: {  	[sflag:s21] =	ssyncadd.s32 $0xFFFFF000  }
0x2a5: {  	_ =	swait.ge [sflag:s21], $0x1000  }
0x2a6: {  	[sflag:s21] =	ssyncset.done $0x0  }
0x2a7: {  	[sflag:s21] =	ssyncadd.s32 $0xFFFFF000  }
0x2a8: {  	_ =	swait.ge [sflag:s21], $0x1000  }
0x2a9: {  	[sflag:s21] =	ssyncset.done $0x0  }
0x2aa: {  	[sflag:s21] =	ssyncadd.s32 $0xFFFFF000  }
0x2ab: {  	_ =	swait.ge [sflag:s21], $0x1000  }
0x2ac: {  	[sflag:s21] =	ssyncset.done $0x0  }
0x2ad: {  	[sflag:s21] =	ssyncadd.s32 $0xFFFFF000  }
0x2ae: {  	_ =	swait.ge [sflag:s21], $0x1000  }
0x2af: {  	[sflag:s21] =	ssyncset.done $0x0  }
0x2b0: {  	[sflag:s21] =	ssyncadd.s32 $0xFFFFF000  }
0x2b1: {  	_ =	swait.ge [sflag:s21], $0x1000  }
0x2b2: {  	[sflag:s21] =	ssyncset.done $0x0  }
0x2b3: {  	[sflag:s21] =	ssyncadd.s32 $0xFFFFF000  }
0x2b4: {  	_ =	swait.ge [sflag:s21], $0x1000  }
0x2b5: {  	[sflag:s21] =	ssyncset.done $0x0  }
0x2b6: {  	[sflag:s21] =	ssyncadd.s32 $0xFFFFF000  }
0x2b7: {  	_ =	swait.ge [sflag:s21], $0x1000  }
0x2b8: {  	[sflag:s21] =	ssyncset.done $0x0  }
0x2b9: {  	[sflag:s21] =	ssyncadd.s32 $0xFFFFF000  }
0x2ba: {  	_ =	swait.ge [sflag:s21], $0x1000  }
0x2bb: {  	[sflag:s21] =	ssyncset.done $0x0  }
0x2bc: {  	[sflag:s21] =	ssyncadd.s32 $0xFFFFF000  }
0x2bd: {  	_ =	swait.ge [sflag:s21], $0x1000  }
0x2be: {  	[sflag:s21] =	ssyncset.done $0x0  }
0x2bf: {  	[sflag:s21] =	ssyncadd.s32 $0xFFFFF000  }
0x2c0: {  	_ =	swait.ge [sflag:s21], $0x1000  }
0x2c1: {  	[sflag:s21] =	ssyncset.done $0x0  }
0x2c2: {  	[sflag:s21] =	ssyncadd.s32 $0xFFFFF000  }
0x2c3: {  	_ =	swait.ge [sflag:s21], $0x1000  }
0x2c4: {  	[sflag:s21] =	ssyncset.done $0x0  }
0x2c5: {  	[sflag:s21] =	ssyncadd.s32 $0xFFFFF000  }
0x2c6: {  	_ =	swait.ge [sflag:s21], $0x1000  }
0x2c7: {  	[sflag:s21] =	ssyncset.done $0x0  }
0x2c8: {  	[sflag:s21] =	ssyncadd.s32 $0xFFFFF000  }
0x2c9: {  	_ =	swait.ge [sflag:s21], $0x1000  }
0x2ca: {  	[sflag:s21] =	ssyncset.done $0x0  }
0x2cb: {  	[sflag:s21] =	ssyncadd.s32 $0xFFFFF000  }
0x2cc: {  	_ =	swait.ge [sflag:s21], $0x1000  }
0x2cd: {  	[sflag:s21] =	ssyncset.done $0x0  }
0x2ce: {  	[sflag:s21] =	ssyncadd.s32 $0xFFFFF000  }
0x2cf: {  	_ =	swait.ge [sflag:s21], $0x1000  }
0x2d0: {  	[sflag:s21] =	ssyncset.done $0x0  }
0x2d1: {  	[sflag:s21] =	ssyncadd.s32 $0xFFFFF000  }
0x2d2: {  	_ =	swait.ge [sflag:s21], $0x1000  }
0x2d3: {  	[sflag:s21] =	ssyncset.done $0x0  }
0x2d4: {  	[sflag:s21] =	ssyncadd.s32 $0xFFFFF000  }
0x2d5: {  	_ =	swait.ge [sflag:s21], $0x1000  }
0x2d6: {  	[sflag:s21] =	ssyncset.done $0x0  }
0x2d7: {  	[sflag:s21] =	ssyncadd.s32 $0xFFFFF000  }
0x2d8: {  	_ =	swait.ge [sflag:s21], $0x1000  }
0x2d9: {  	[sflag:s21] =	ssyncset.done $0x0  }
0x2da: {  	[sflag:s21] =	ssyncadd.s32 $0xFFFFF000  }
0x2db: {  	_ =	swait.ge [sflag:s21], $0x1000  }
0x2dc: {  	[sflag:s21] =	ssyncset.done $0x0  }
0x2dd: {  	[sflag:s21] =	ssyncadd.s32 $0xFFFFF000  }
0x2de: {  	_ =	swait.ge [sflag:s21], $0x1000  }
0x2df: {  	[sflag:s21] =	ssyncset.done $0x0  }
0x2e0: {  	[sflag:s21] =	ssyncadd.s32 $0xFFFFF000  }
0x2e1: {  	_ =	swait.ge [sflag:s21], $0x1000  }
0x2e2: {  	[sflag:s21] =	ssyncset.done $0x0  }
0x2e3: {  	[sflag:s21] =	ssyncadd.s32 $0xFFFFF000  }
0x2e4: {  	_ =	swait.ge [sflag:s21], $0x1000  }
0x2e5: {  	[sflag:s21] =	ssyncset.done $0x0  }
0x2e6: {  	[sflag:s21] =	ssyncadd.s32 $0xFFFFF000  }
0x2e7: {  	_ =	swait.ge [sflag:s21], $0x1000  }
0x2e8: {  	[sflag:s21] =	ssyncset.done $0x0  }
0x2e9: {  	[sflag:s21] =	ssyncadd.s32 $0xFFFFF000  }
0x2ea: {  	_ =	swait.ge [sflag:s21], $0x1000  }
0x2eb: {  	[sflag:s21] =	ssyncset.done $0x0  }
0x2ec: {  	[sflag:s21] =	ssyncadd.s32 $0xFFFFF000  }
0x2ed: {  	_ =	swait.ge [sflag:s21], $0x1000  }
0x2ee: {  	[sflag:s21] =	ssyncset.done $0x0  }
0x2ef: {  	[sflag:s21] =	ssyncadd.s32 $0xFFFFF000  }
0x2f0: {  	_ =	swait.ge [sflag:s21], $0x1000  }
0x2f1: {  	[sflag:s21] =	ssyncset.done $0x0  }
0x2f2: {  	[sflag:s21] =	ssyncadd.s32 $0xFFFFF000  }
0x2f3: {  	_ =	swait.ge [sflag:s21], $0x1000  }
0x2f4: {  	[sflag:s21] =	ssyncset.done $0x0  }
0x2f5: {  	[sflag:s21] =	ssyncadd.s32 $0xFFFFF000  }
0x2f6: {  	_ =	swait.ge [sflag:s21], $0x1000  }
0x2f7: {  	[sflag:s21] =	ssyncset.done $0x0  }
0x2f8: {  	[sflag:s21] =	ssyncadd.s32 $0xFFFFF000  }
0x2f9: {  	_ =	swait.ge [sflag:s21], $0x1000  }
0x2fa: {  	[sflag:s21] =	ssyncset.done $0x0  }
0x2fb: {  	[sflag:s21] =	ssyncadd.s32 $0xFFFFF000  }
0x2fc: {  	_ =	swait.ge [sflag:s21], $0x1000  }
0x2fd: {  	[sflag:s21] =	ssyncset.done $0x0  }
0x2fe: {  	[sflag:s21] =	ssyncadd.s32 $0xFFFFF000  }
0x2ff: {  	_ =	swait.ge [sflag:s21], $0x1000  }
0x300: {  	[sflag:s21] =	ssyncset.done $0x0  }
0x301: {  	[sflag:s21] =	ssyncadd.s32 $0xFFFFF000  }
0x302: {  	_ =	swait.ge [sflag:s21], $0x1000  }
0x303: {  	[sflag:s21] =	ssyncset.done $0x0  }
0x304: {  	[sflag:s21] =	ssyncadd.s32 $0xFFFFF000  }
0x305: {  	_ =	swait.ge [sflag:s21], $0x1000  }
0x306: {  	[sflag:s21] =	ssyncset.done $0x0  }
0x307: {  	[sflag:s21] =	ssyncadd.s32 $0xFFFFF000  }
0x308: {  	_ =	swait.ge [sflag:s21], $0x1000  }
0x309: {  	[sflag:s21] =	ssyncset.done $0x0  }
0x30a: {  	[sflag:s21] =	ssyncadd.s32 $0xFFFFF000  }
0x30b: {  	_ =	swait.ge [sflag:s21], $0x1000  }
0x30c: {  	[sflag:s21] =	ssyncset.done $0x0  }
0x30d: {  	[sflag:s21] =	ssyncadd.s32 $0xFFFFF000  }
0x30e: {  	_ =	swait.ge [sflag:s21], $0x1000  }
0x30f: {  	[sflag:s21] =	ssyncset.done $0x0  }
0x310: {  	[sflag:s21] =	ssyncadd.s32 $0xFFFFF000  }
0x311: {  	_ =	swait.ge [sflag:s21], $0x1000  }
0x312: {  	[sflag:s21] =	ssyncset.done $0x0  }
0x313: {  	[sflag:s21] =	ssyncadd.s32 $0xFFFFF000  }
0x314: {  	_ =	swait.ge [sflag:s21], $0x1000  }
0x315: {  	[sflag:s21] =	ssyncset.done $0x0  }
0x316: {  	[sflag:s21] =	ssyncadd.s32 $0xFFFFF000  }
0x317: {  	_ =	swait.ge [sflag:s21], $0x1000  }
0x318: {  	[sflag:s21] =	ssyncset.done $0x0  }
0x319: {  	[sflag:s21] =	ssyncadd.s32 $0xFFFFF000  }
0x31a: {  	_ =	swait.ge [sflag:s21], $0x1000  }
0x31b: {  	[sflag:s21] =	ssyncset.done $0x0  }
0x31c: {  	[sflag:s21] =	ssyncadd.s32 $0xFFFFF000  }
0x31d: {  	_ =	swait.ge [sflag:s21], $0x1000  }
0x31e: {  	[sflag:s21] =	ssyncset.done $0x0  }
0x31f: {  	[sflag:s21] =	ssyncadd.s32 $0xFFFFF000  }
0x320: {  	_ =	swait.ge [sflag:s21], $0x1000  }
0x321: {  	[sflag:s21] =	ssyncset.done $0x0  }
0x322: {  	[sflag:s21] =	ssyncadd.s32 $0xFFFFF000  }
0x323: {  	_ =	swait.ge [sflag:s21], $0x1000  }
0x324: {  	[sflag:s21] =	ssyncset.done $0x0  }
0x325: {  	[sflag:s21] =	ssyncadd.s32 $0xFFFFF000  }
0x326: {  	_ =	swait.ge [sflag:s21], $0x1000  }
0x327: {  	[sflag:s21] =	ssyncset.done $0x0  }
0x328: {  	[sflag:s21] =	ssyncadd.s32 $0xFFFFF000  }
0x329: {  	_ =	swait.ge [sflag:s21], $0x1000  }
0x32a: {  	[sflag:s21] =	ssyncset.done $0x0  }
0x32b: {  	[sflag:s21] =	ssyncadd.s32 $0xFFFFF000  }
0x32c: {  	_ =	swait.ge [sflag:s21], $0x1000  }
0x32d: {  	[sflag:s21] =	ssyncset.done $0x0  }
0x32e: {  	[sflag:s21] =	ssyncadd.s32 $0xFFFFF000  }
0x32f: {  	_ =	swait.ge [sflag:s21], $0x1000  }
0x330: {  	[sflag:s21] =	ssyncset.done $0x0  }
0x331: {  	[sflag:s21] =	ssyncadd.s32 $0xFFFFF000  }
0x332: {  	_ =	swait.ge [sflag:s21], $0x1000  }
0x333: {  	[sflag:s21] =	ssyncset.done $0x0  }
0x334: {  	[sflag:s21] =	ssyncadd.s32 $0xFFFFF000  }
0x335: {  	_ =	swait.ge [sflag:s21], $0x1000  }
0x336: {  	[sflag:s21] =	ssyncset.done $0x0  }
0x337: {  	[sflag:s21] =	ssyncadd.s32 $0xFFFFF000  }
0x338: {  	_ =	swait.ge [sflag:s21], $0x1000  }
0x339: {  	[sflag:s21] =	ssyncset.done $0x0  }
0x33a: {  	[sflag:s21] =	ssyncadd.s32 $0xFFFFF000  }
0x33b: {  	_ =	swait.ge [sflag:s21], $0x1000  }
0x33c: {  	[sflag:s21] =	ssyncset.done $0x0  }
0x33d: {  	[sflag:s21] =	ssyncadd.s32 $0xFFFFF000  }
0x33e: {  	_ =	swait.ge [sflag:s21], $0x1000  }
0x33f: {  	[sflag:s21] =	ssyncset.done $0x0  }
0x340: {  	[sflag:s21] =	ssyncadd.s32 $0xFFFFF000  }
0x341: {  	_ =	swait.ge [sflag:s21], $0x1000  }
0x342: {  	[sflag:s21] =	ssyncset.done $0x0  }
0x343: {  	[sflag:s21] =	ssyncadd.s32 $0xFFFFF000  }
0x344: {  	_ =	swait.ge [sflag:s21], $0x1000  }
0x345: {  	[sflag:s21] =	ssyncset.done $0x0  }
0x346: {  	[sflag:s21] =	ssyncadd.s32 $0xFFFFF000  }
0x347: {  	_ =	swait.ge [sflag:s21], $0x1000  }
0x348: {  	[sflag:s21] =	ssyncset.done $0x0  }
0x349: {  	[sflag:s21] =	ssyncadd.s32 $0xFFFFF000  }
0x34a: {  	_ =	swait.ge [sflag:s21], $0x1000  }
0x34b: {  	[sflag:s21] =	ssyncset.done $0x0  }
0x34c: {  	[sflag:s21] =	ssyncadd.s32 $0xFFFFF000  }
0x34d: {  	s24 =	stileid.u32;
	s20 =	sld [smem:$0x7FB];
	_ =	swait.ge [sflag:s21], $0x1000  }
0x34e: {  	s1 =	smov.u32 s12;
	s5 =	smov.u32 s13;
	s19 =	sld [smem:$0x7FA]  }
0x34f: {  	s8 =	smov.u32 s11;
	s18 =	smov.u32 s10;
	[sflag:s21] =	ssyncset.done $0x0  }
0x350: {  	p3 =	seq.s32 s20, $0xC;
	p4 =	seq.s32 s20, $0xB;
	[sflag:s21] =	ssyncadd.s32 $0xFFFFF000  }
0x351: {  	_ =	swait.ge [sflag:s21], $0x1000;
	p5 =	seq.s32 s19, $0x0;
	p6 =	seq.s32 s19, $0x1  }
0x352: {  	[sflag:s21] =	ssyncset.done $0x0;
	s1 =	simm.s32 @!p5 $0x0;
	p5 =	seq.s32 s19, $0x2  }
0x353: {  	s5 =	simm.s32 @!p6 $0x0;
	p6 =	seq.s32 s19, $0x3;
	[sflag:s21] =	ssyncadd.s32 $0xFFFFF000  }
0x354: {  	s8 =	simm.s32 @!p5 $0x0;
	p5 =	seq.s32 s19, $0x5;
	s18 =	simm.s32 @!p6 $0x0  }
0x355: {  	p6 =	seq.s32 s19, $0x4;
	s1 =	sadd.s32 s1, s5;
	s5 =	smov.u32 s9  }
0x356: {  	_ =	swait.ge [sflag:s21], $0x1000;
	s1 =	sadd.s32 s8, s1;
	s5 =	simm.s32 @!p6 $0x0  }
0x357: {  	s8 =	smov.u32 s7;
	[sflag:s21] =	ssyncset.done $0x0;
	p6 =	seq.s32 s19, $0x7  }
0x358: {  	s8 =	simm.s32 @!p5 $0x0;
	[sflag:s21] =	ssyncadd.s32 $0xFFFFF000;
	p5 =	seq.s32 s19, $0x6  }
0x359: {  	s1 =	sadd.s32 s18, s1;
	s18 =	smov.u32 s0;
	_ =	swait.ge [sflag:s21], $0x1000  }
0x35a: {  	s1 =	sadd.s32 s5, s1;
	s18 =	simm.s32 @!p5 $0x0;
	s5 =	smov.u32 s3  }
0x35b: {  	p5 =	seq.s32 s19, $0x9;
	[sflag:s21] =	ssyncset.done $0x0;
	s5 =	simm.s32 @!p6 $0x0  }
0x35c: {  	p6 =	seq.s32 s19, $0x8;
	s1 =	sadd.s32 s8, s1;
	s8 =	smov.u32 s2  }
0x35d: {  	[sflag:s21] =	ssyncadd.s32 $0xFFFFF000;
	s1 =	sadd.s32 s18, s1;
	s8 =	simm.s32 @!p6 $0x0  }
0x35e: {  	s18 =	smov.u32 s6;
	p6 =	seq.s32 s20, $0x0;
	_ =	swait.ge [sflag:s21], $0x1000  }
0x35f: {  	s18 =	simm.s32 @!p5 $0x0;
	p5 =	seq.s32 s19, $0xA;
	s1 =	sadd.s32 s5, s1  }
0x360: {  	s5 =	smov.u32 s14;
	[sflag:s21] =	ssyncset.done $0x0;
	s1 =	sadd.s32 s8, s1  }
0x361: {  	s5 =	simm.s32 @!p5 $0x0;
	s8 =	smov.u32 s12;
	p5 =	seq.s32 s20, $0x2  }
0x362: {  	[sflag:s21] =	ssyncadd.s32 $0xFFFFF000;
	s8 =	simm.s32 @!p6 $0x0;
	p6 =	seq.s32 s20, $0x1  }
0x363: {  	s1 =	sadd.s32 s18, s1;
	s18 =	smov.u32 s13;
	_ =	swait.ge [sflag:s21], $0x1000  }
0x364: {  	s1 =	sadd.s32 s5, s1;
	s18 =	simm.s32 @!p6 $0x0;
	s5 =	smov.u32 s11  }
0x365: {  	p6 =	seq.s32 s20, $0x4;
	[sflag:s21] =	ssyncset.done $0x0;
	s5 =	simm.s32 @!p5 $0x0  }
0x366: {  	p5 =	seq.s32 s20, $0x3;
	s8 =	sadd.s32 s8, s18;
	s18 =	smov.u32 s10  }
0x367: {  	[sflag:s21] =	ssyncadd.s32 $0xFFFFF000;
	s5 =	sadd.s32 s5, s8;
	s18 =	simm.s32 @!p5 $0x0  }
0x368: {  	s8 =	smov.u32 s9;
	p5 =	seq.s32 s20, $0x6;
	_ =	swait.ge [sflag:s21], $0x1000  }
0x369: {  	s8 =	simm.s32 @!p6 $0x0;
	p6 =	seq.s32 s20, $0x5;
	s5 =	sadd.s32 s18, s5  }
0x36a: {  	s18 =	smov.u32 s7;
	[sflag:s21] =	ssyncset.done $0x0;
	s5 =	sadd.s32 s8, s5  }
0x36b: {  	s18 =	simm.s32 @!p6 $0x0;
	s8 =	smov.u32 s0;
	[sflag:s21] =	ssyncadd.s32 $0xFFFFF000  }
0x36c: {  	p6 =	seq.s32 s20, $0x8;
	s8 =	simm.s32 @!p5 $0x0;
	_ =	swait.ge [sflag:s21], $0x1000  }
0x36d: {  	p5 =	seq.s32 s20, $0x7;
	s5 =	sadd.s32 s18, s5;
	[sflag:s21] =	ssyncset.done $0x0  }
0x36e: {  	s18 =	smov.u32 s3;
	s5 =	sadd.s32 s8, s5;
	[sflag:s21] =	ssyncadd.s32 $0xFFFFF000  }
0x36f: {  	s18 =	simm.s32 @!p5 $0x0;
	s8 =	smov.u32 s2;
	_ =	swait.ge [sflag:s21], $0x1000  }
0x370: {  	s8 =	simm.s32 @!p6 $0x0;
	p6 =	seq.s32 s19, $0xB;
	[sflag:s21] =	ssyncset.done $0x0  }
0x371: {  	s5 =	sadd.s32 s18, s5;
	s18 =	smov.u32 s15;
	[sflag:s21] =	ssyncadd.s32 $0xFFFFF000  }
0x372: {  	p5 =	seq.s32 s20, $0x9;
	s18 =	simm.s32 @!p6 $0x0;
	_ =	swait.ge [sflag:s21], $0x1000  }
0x373: {  	s5 =	sadd.s32 s8, s5;
	s8 =	smov.u32 s6;
	[sflag:s21] =	ssyncset.done $0x0  }
0x374: {  	p6 =	seq.s32 s20, $0xA;
	s8 =	simm.s32 @!p5 $0x0;
	[sflag:s21] =	ssyncadd.s32 $0xFFFFF000  }
0x375: {  	p5 =	seq.s32 s19, $0xD;
	s1 =	sadd.s32 s18, s1;
	_ =	swait.ge [sflag:s21], $0x1000  }
0x376: {  	s5 =	sadd.s32 s8, s5;
	s8 =	smov.u32 s14;
	[sflag:s21] =	ssyncset.done $0x0  }
0x377: {  	s18 =	smov.u32 s16;
	s8 =	simm.s32 @!p6 $0x0;
	[sflag:s21] =	ssyncadd.s32 $0xFFFFF000  }
0x378: {  	p6 =	seq.s32 s19, $0xC;
	s5 =	sadd.s32 s8, s5;
	_ =	swait.ge [sflag:s21], $0x1000  }
0x379: {  	s8 =	smov.u32 s15;
	s18 =	simm.s32 @!p6 $0x0;
	[sflag:s21] =	ssyncset.done $0x0  }
0x37a: {  	s8 =	simm.s32 @!p4 $0x0;
	s1 =	sadd.s32 s18, s1;
	[sflag:s21] =	ssyncadd.s32 $0xFFFFF000  }
0x37b: {  	s18 =	smov.u32 s17;
	p4 =	seq.s32 s20, $0xD;
	_ =	swait.ge [sflag:s21], $0x1000  }
0x37c: {  	s5 =	sadd.s32 s8, s5;
	s8 =	smov.u32 s16;
	[sflag:s21] =	ssyncset.done $0x0  }
0x37d: {  	s18 =	simm.s32 @!p5 $0x0;
	p5 =	seq.s32 s19, $0xE;
	[sflag:s21] =	ssyncadd.s32 $0xFFFFF000  }
0x37e: {  	s17 =	simm.s32 @!p4 $0x0;
	s8 =	simm.s32 @!p3 $0x0;
	_ =	swait.ge [sflag:s21], $0x1000  }
0x37f: {  	s1 =	sadd.s32 s18, s1;
	s4 =	simm.s32 @!p5 $0x0;
	[sflag:s21] =	ssyncset.done $0x0  }
0x380: {  	s5 =	sadd.s32 s8, s5;
	s1 =	sadd.s32 s4, s1;
	[sflag:s21] =	ssyncadd.s32 $0xFFFFF000  }
0x381: {  	s8 =	smov.u32 s13;
	s23 =	rddreg [dreg:$0x14];
	_ =	swait.ge [sflag:s21], $0x1000  }
0x382: {  	s4 =	sadd.s32 s17, s5;
	p4 =	seq.s32 s1, $0x200;
	[sflag:s21] =	ssyncset.done $0x0  }
0x383: {  	s5 =	smov.u32 s12;
	p5 =	seq.s32 s4, $0x200;
	[sflag:s21] =	ssyncadd.s32 $0xFFFFF000  }
0x384: {  	s4 =	simm.s32 @!p4 $0x0;
	p4 =	por !p5, !p4;
	_ =	swait.ge [sflag:s21], $0x1000  }
0x385: {  	p3 =	sge.s32 s20, s23;
	p6 =	seq.s32 s23, s24;
	s25 =	sld [smem:$0x7FC]  }
0x386: {  	s1 =	simm.s32 @p6 $0x0;
	s4 =	simm.s32 @!p3 $0x0;
	[sflag:s21] =	ssyncset.done $0x0  }
0x387: {  	p4 =	por !p4, !p4;
	s4 =	sadd.s32 s1, s4;
	[sflag:s21] =	ssyncadd.s32 $0xFFFFF000  }
0x388: {  	s1 =	smov.u32 s11;
	_ =	swait.ge [sflag:s21], $0x1000;
	p6 =	seq.s32 s25, $0x0  }
0x389: {  	p3 =	seq.s32 s25, $0x1;
	[sflag:s21] =	ssyncset.done $0x0;
	p0 =	seq.s32 s25, $0xC  }
0x38a: {  	s5 =	simm.s32 @!p6 $0x0;
	p6 =	seq.s32 s25, $0x3;
	s8 =	simm.s32 @!p3 $0x0  }
0x38b: {  	p3 =	seq.s32 s25, $0x2;
	[sflag:s21] =	ssyncadd.s32 $0xFFFFF000;
	s16 =	simm.s32 @!p0 $0x0  }
0x38c: {  	s5 =	sadd.s32 s5, s8;
	s1 =	simm.s32 @!p3 $0x0;
	s8 =	smov.u32 s10  }
0x38d: {  	p3 =	seq.s32 s25, $0x5;
	_ =	swait.ge [sflag:s21], $0x1000;
	s8 =	simm.s32 @!p6 $0x0  }
0x38e: {  	p6 =	seq.s32 s25, $0x4;
	s1 =	sadd.s32 s1, s5;
	s5 =	smov.u32 s9  }
0x38f: {  	[sflag:s21] =	ssyncset.done $0x0;
	s1 =	sadd.s32 s8, s1;
	s5 =	simm.s32 @!p6 $0x0  }
0x390: {  	s8 =	smov.u32 s7;
	[sflag:s21] =	ssyncadd.s32 $0xFFFFF000;
	p6 =	seq.s32 s25, $0x7  }
0x391: {  	s8 =	simm.s32 @!p3 $0x0;
	_ =	swait.ge [sflag:s21], $0x1000;
	p3 =	seq.s32 s25, $0x6  }
0x392: {  	s1 =	sadd.s32 s5, s1;
	s5 =	smov.u32 s0;
	[sflag:s21] =	ssyncset.done $0x0  }
0x393: {  	s1 =	sadd.s32 s8, s1;
	s5 =	simm.s32 @!p3 $0x0;
	s8 =	smov.u32 s3  }
0x394: {  	p3 =	seq.s32 s25, $0x9;
	[sflag:s21] =	ssyncadd.s32 $0xFFFFF000;
	s8 =	simm.s32 @!p6 $0x0  }
0x395: {  	p6 =	seq.s32 s25, $0x8;
	s1 =	sadd.s32 s5, s1;
	s5 =	smov.u32 s2  }
0x396: {  	_ =	swait.ge [sflag:s21], $0x1000;
	s1 =	sadd.s32 s8, s1;
	s5 =	simm.s32 @!p6 $0x0  }
0x397: {  	s8 =	smov.u32 s6;
	p6 =	seq.s32 s25, $0xB;
	[sflag:s21] =	ssyncset.done $0x0  }
0x398: {  	s8 =	simm.s32 @!p3 $0x0;
	p3 =	seq.s32 s25, $0xA;
	s1 =	sadd.s32 s5, s1  }
0x399: {  	s5 =	smov.u32 s14;
	[sflag:s21] =	ssyncadd.s32 $0xFFFFF000;
	s1 =	sadd.s32 s8, s1  }
0x39a: {  	s5 =	simm.s32 @!p3 $0x0;
	s8 =	smov.u32 s15;
	_ =	swait.ge [sflag:s21], $0x1000  }
0x39b: {  	s8 =	simm.s32 @!p6 $0x0;
	p6 =	sge.s32 s25, s23;
	[sflag:s21] =	ssyncset.done $0x0  }
0x39c: {  	s1 =	sadd.s32 s5, s1;
	s5 =	smov.u32 s12;
	[sflag:s21] =	ssyncadd.s32 $0xFFFFF000  }
0x39d: {  	p4 =	por !p4, !p6;
	s1 =	sadd.s32 s8, s1;
	_ =	swait.ge [sflag:s21], $0x1000  }
0x39e: {  	s8 =	smov.u32 s13;
	[sflag:s21] =	ssyncset.done $0x0;
	s28 =	sld [smem:$0x7FD]  }
0x39f: {  	s1 =	sadd.s32 s16, s1;
	s16 =	smov.u32 s11;
	[sflag:s21] =	ssyncadd.s32 $0xFFFFF000  }
0x3a0: {  	p4 =	por !p4, !p4;
	s26 =	rddreg [dreg:$0x16];
	_ =	swait.ge [sflag:s21], $0x1000  }
0x3a1: {  	p3 =	seq.s32 s26, $0x0;
	p0 =	seq.s32 s28, $0x0;
	[sflag:s21] =	ssyncset.done $0x0  }
0x3a2: {  	p5 =	seq.s32 s28, $0x2;
	p6 =	seq.s32 s28, $0x9;
	s5 =	simm.s32 @!p0 $0x0  }
0x3a3: {  	[sflag:s21] =	ssyncadd.s32 $0xFFFFF000;
	p0 =	seq.s32 s28, $0x1;
	s16 =	simm.s32 @!p5 $0x0  }
0x3a4: {  	p5 =	seq.s32 s28, $0x3;
	_ =	swait.ge [sflag:s21], $0x1000;
	s8 =	simm.s32 @!p0 $0x0  }
0x3a5: {  	p0 =	seq.s32 s28, $0x4;
	[sflag:s21] =	ssyncset.done $0x0;
	s5 =	sadd.s32 s5, s8  }
0x3a6: {  	s8 =	smov.u32 s10;
	[sflag:s21] =	ssyncadd.s32 $0xFFFFF000;
	s5 =	sadd.s32 s16, s5  }
0x3a7: {  	s8 =	simm.s32 @!p5 $0x0;
	s16 =	smov.u32 s9;
	p5 =	seq.s32 s28, $0x6  }
0x3a8: {  	_ =	swait.ge [sflag:s21], $0x1000;
	s16 =	simm.s32 @!p0 $0x0;
	p0 =	seq.s32 s28, $0x5  }
0x3a9: {  	s5 =	sadd.s32 s8, s5;
	s8 =	smov.u32 s7;
	[sflag:s21] =	ssyncset.done $0x0  }
0x3aa: {  	s5 =	sadd.s32 s16, s5;
	s8 =	simm.s32 @!p0 $0x0;
	s16 =	smov.u32 s0  }
0x3ab: {  	p0 =	seq.s32 s28, $0x7;
	[sflag:s21] =	ssyncadd.s32 $0xFFFFF000;
	s16 =	simm.s32 @!p5 $0x0  }
0x3ac: {  	s5 =	sadd.s32 s8, s5;
	s8 =	smov.u32 s3;
	p5 =	seq.s32 s1, $0x200  }
0x3ad: {  	s1 =	simm.s32 @!p4 $0x0;
	_ =	swait.ge [sflag:s21], $0x1000;
	s8 =	simm.s32 @!p0 $0x0  }
0x3ae: {  	p0 =	seq.s32 s28, $0x8;
	s5 =	sadd.s32 s16, s5;
	[sflag:s21] =	ssyncset.done $0x0  }
0x3af: {  	s16 =	smov.u32 s2;
	s1 =	sadd.s32 s1, s4;
	[sflag:s21] =	ssyncadd.s32 $0xFFFFF000  }
0x3b0: {  	s5 =	sadd.s32 s8, s5;
	s16 =	simm.s32 @!p0 $0x0;
	_ =	swait.ge [sflag:s21], $0x1000  }
0x3b1: {  	s8 =	smov.u32 s6;
	p0 =	seq.s32 s28, $0xA;
	[sflag:s21] =	ssyncset.done $0x0  }
0x3b2: {  	s8 =	simm.s32 @!p6 $0x0;
	s29 =	sadd.s32 s16, s5;
	[sflag:s21] =	ssyncadd.s32 $0xFFFFF000  }
0x3b3: {  	s5 =	smov.u32 s14;
	s16 =	smov.u32 s12;
	_ =	swait.ge [sflag:s21], $0x1000  }
0x3b4: {  	p6 =	sge.s32 s28, s23;
	s5 =	simm.s32 @!p0 $0x0;
	[sflag:s21] =	ssyncset.done $0x0  }
0x3b5: {  	s16 =	simm.s32 @!p3 $0x0;
	p0 =	seq.s32 s26, $0x1;
	[sflag:s21] =	ssyncadd.s32 $0xFFFFF000  }
0x3b6: {  	s4 =	sadd.s32 s8, s29;
	s8 =	smov.u32 s13;
	_ =	swait.ge [sflag:s21], $0x1000  }
0x3b7: {  	s4 =	sadd.s32 s5, s4;
	s8 =	simm.s32 @!p0 $0x0;
	[sflag:s21] =	ssyncset.done $0x0  }
0x3b8: {  	s5 =	smov.u32 s11;
	s8 =	sadd.s32 s16, s8;
	[sflag:s21] =	ssyncadd.s32 $0xFFFFF000  }
0x3b9: {  	s5 =	simm.s32 @!p2 $0x0;
	s16 =	smov.u32 s10;
	_ =	swait.ge [sflag:s21], $0x1000  }
0x3ba: {  	s5 =	sadd.s32 s5, s8;
	[sflag:s21] =	ssyncset.done $0x0;
	s30 =	sld [smem:$0x78D]  }
0x3bb: {  	s16 =	simm.s32 @!p1 $0x0;
	s8 =	smov.u32 s9;
	[sflag:s21] =	ssyncadd.s32 $0xFFFFF000  }
0x3bc: {  	s5 =	sadd.s32 s16, s5;
	s16 =	smov.u32 s7;
	_ =	swait.ge [sflag:s21], $0x1000  }
0x3bd: {  	p0 =	seq.s32 s30, $0x1;
	s31 =	sld [smem:$0x78C];
	[sflag:s21] =	ssyncset.done $0x0  }
0x3be: {  	s17 =	sld [smem:$0x78B];
	s8 =	simm.s32 @!p0 $0x0;
	[sflag:s21] =	ssyncadd.s32 $0xFFFFF000  }
0x3bf: {  	s5 =	sadd.s32 s8, s5;
	s8 =	smov.u32 s0;
	_ =	swait.ge [sflag:s21], $0x1000  }
0x3c0: {  	p0 =	seq.s32 s31, $0x1;
	s19 =	sld [smem:$0x78A];
	[sflag:s21] =	ssyncset.done $0x0  }
0x3c1: {  	s20 =	sld [smem:$0x789];
	s16 =	simm.s32 @!p0 $0x0;
	p0 =	seq.s32 s17, $0x1  }
0x3c2: {  	[sflag:s21] =	ssyncadd.s32 $0xFFFFF000;
	s5 =	sadd.s32 s16, s5;
	s8 =	simm.s32 @!p0 $0x0  }
0x3c3: {  	p0 =	seq.s32 s28, $0xB;
	_ =	swait.ge [sflag:s21], $0x1000;
	s5 =	sadd.s32 s8, s5  }
0x3c4: {  	s8 =	smov.u32 s3;
	s15 =	simm.s32 @!p0 $0x0;
	p0 =	seq.s32 s19, $0x1  }
0x3c5: {  	p3 =	seq.s32 s20, $0x1;
	[sflag:s21] =	ssyncset.done $0x0;
	s22 =	sld [smem:$0x788]  }
0x3c6: {  	s8 =	simm.s32 @!p0 $0x0;
	s4 =	sadd.s32 s15, s4;
	p0 =	por !p6, !p5  }
0x3c7: {  	[sflag:s21] =	ssyncadd.s32 $0xFFFFF000;
	s5 =	sadd.s32 s8, s5;
	s8 =	smov.u32 s2  }
0x3c8: {  	p0 =	por !p0, !p0;
	_ =	swait.ge [sflag:s21], $0x1000;
	p5 =	seq.s32 s4, $0x200  }
0x3c9: {  	s8 =	simm.s32 @!p3 $0x0;
	p3 =	seq.s32 s22, $0x1;
	s23 =	sld [smem:$0x786]  }
0x3ca: {  	p0 =	por !p0, !p4;
	[sflag:s21] =	ssyncset.done $0x0;
	s24 =	sld [smem:$0x787]  }
0x3cb: {  	s5 =	sadd.s32 s8, s5;
	s8 =	smov.u32 s6;
	p0 =	por !p0, !p0  }
0x3cc: {  	[sflag:s21] =	ssyncadd.s32 $0xFFFFF000;
	s8 =	simm.s32 @!p3 $0x0;
	s4 =	simm.s32 @!p0 $0x0  }
0x3cd: {  	_ =	swait.ge [sflag:s21], $0x1000;
	s5 =	sadd.s32 s8, s5;
	p6 =	seq.s32 s23, $0x1  }
0x3ce: {  	p4 =	seq.s32 s24, $0x1;
	[sflag:s21] =	ssyncset.done $0x0;
	s1 =	sadd.s32 s4, s1  }
0x3cf: {  	s4 =	smov.u32 s12;
	s8 =	smov.u32 s11;
	p3 =	por !p6, !p5  }
0x3d0: {  	s14 =	simm.s32 @!p4 $0x0;
	[sflag:s21] =	ssyncadd.s32 $0xFFFFF000;
	p3 =	por !p3, !p3  }
0x3d1: {  	s5 =	sadd.s32 s14, s5;
	_ =	swait.ge [sflag:s21], $0x1000;
	p0 =	por !p3, !p0  }
0x3d2: {  	p5 =	seq.s32 s5, $0x200;
	[sflag:s21] =	ssyncset.done $0x0;
	s25 =	sld [smem:$0x785]  }
0x3d3: {  	s26 =	sld [smem:$0x784];
	p3 =	por !p0, !p0;
	[sflag:s21] =	ssyncadd.s32 $0xFFFFF000  }
0x3d4: {  	s28 =	sld [smem:$0x783];
	s5 =	simm.s32 @!p3 $0x0;
	_ =	swait.ge [sflag:s21], $0x1000  }
0x3d5: {  	s1 =	sadd.s32 s5, s1;
	s5 =	smov.u32 s13;
	s29 =	sld [smem:$0x782]  }
0x3d6: {  	p0 =	seq.s32 s25, $0x1;
	[sflag:s21] =	ssyncset.done $0x0;
	s30 =	sld [smem:$0x781]  }
0x3d7: {  	s31 =	sld [smem:$0x77A];
	s4 =	simm.s32 @!p0 $0x0;
	p0 =	seq.s32 s26, $0x1  }
0x3d8: {  	s14 =	sld [smem:$0x779];
	[sflag:s21] =	ssyncadd.s32 $0xFFFFF000;
	s5 =	simm.s32 @!p0 $0x0  }
0x3d9: {  	p0 =	seq.s32 s28, $0x1;
	_ =	swait.ge [sflag:s21], $0x1000;
	s4 =	sadd.s32 s4, s5  }
0x3da: {  	s8 =	simm.s32 @!p0 $0x0;
	s5 =	smov.u32 s10;
	s16 =	sld [smem:$0x780]  }
0x3db: {  	p0 =	seq.s32 s29, $0x1;
	[sflag:s21] =	ssyncset.done $0x0;
	s17 =	sld [smem:$0x778]  }
0x3dc: {  	s4 =	sadd.s32 s8, s4;
	s5 =	simm.s32 @!p0 $0x0;
	[sflag:s21] =	ssyncadd.s32 $0xFFFFF000  }
0x3dd: {  	s8 =	smov.u32 s9;
	p0 =	seq.s32 s30, $0x1;
	_ =	swait.ge [sflag:s21], $0x1000  }
0x3de: {  	s8 =	simm.s32 @!p0 $0x0;
	p0 =	seq.s32 s31, $0x1;
	s18 =	sld [smem:$0x77F]  }
0x3df: {  	s4 =	sadd.s32 s5, s4;
	s12 =	simm.s32 @!p0 $0x0;
	s19 =	sld [smem:$0x777]  }
0x3e0: {  	p0 =	seq.s32 s14, $0x1;
	s4 =	sadd.s32 s8, s4;
	s20 =	sld [smem:$0x77E]  }
0x3e1: {  	s8 =	smov.u32 s7;
	[sflag:s21] =	ssyncset.done $0x0;
	s22 =	sld [smem:$0x776]  }
0x3e2: {  	s13 =	simm.s32 @!p0 $0x0;
	p0 =	seq.s32 s16, $0x1;
	[sflag:s21] =	ssyncadd.s32 $0xFFFFF000  }
0x3e3: {  	s15 =	sadd.s32 s12, s13;
	s8 =	simm.s32 @!p0 $0x0;
	p0 =	seq.s32 s17, $0x1  }
0x3e4: {  	_ =	swait.ge [sflag:s21], $0x1000;
	s11 =	simm.s32 @!p0 $0x0;
	s4 =	sadd.s32 s8, s4  }
0x3e5: {  	s8 =	smov.u32 s0;
	p0 =	seq.s32 s18, $0x1;
	s23 =	sld [smem:$0x77D]  }
0x3e6: {  	[sflag:s21] =	ssyncset.done $0x0;
	s24 =	sld [smem:$0x775];
	s5 =	sadd.s32 s11, s15  }
0x3e7: {  	s8 =	simm.s32 @!p0 $0x0;
	p0 =	seq.s32 s19, $0x1;
	[sflag:s21] =	ssyncadd.s32 $0xFFFFF000  }
0x3e8: {  	s10 =	simm.s32 @!p0 $0x0;
	s4 =	sadd.s32 s8, s4;
	_ =	swait.ge [sflag:s21], $0x1000  }
0x3e9: {  	s8 =	smov.u32 s3;
	p0 =	seq.s32 s20, $0x1;
	s25 =	sld [smem:$0x77C]  }
0x3ea: {  	s5 =	sadd.s32 s10, s5;
	s8 =	simm.s32 @!p0 $0x0;
	s26 =	sld [smem:$0x774]  }
0x3eb: {  	p0 =	seq.s32 s22, $0x1;
	[sflag:s21] =	ssyncset.done $0x0;
	s28 =	sld [smem:$0x77B]  }
0x3ec: {  	s29 =	sld [smem:$0x773];
	s9 =	simm.s32 @!p0 $0x0;
	s4 =	sadd.s32 s8, s4  }
0x3ed: {  	s8 =	smov.u32 s2;
	p0 =	seq.s32 s23, $0x1;
	[sflag:s21] =	ssyncadd.s32 $0xFFFFF000  }
0x3ee: {  	s5 =	sadd.s32 s9, s5;
	s8 =	simm.s32 @!p0 $0x0;
	p0 =	seq.s32 s24, $0x1  }
0x3ef: {  	_ =	swait.ge [sflag:s21], $0x1000;
	s7 =	simm.s32 @!p0 $0x0;
	s4 =	sadd.s32 s8, s4  }
0x3f0: {  	p0 =	seq.s32 s25, $0x1;
	p6 =	seq.s32 s28, $0x1;
	p4 =	seq.s32 s29, $0x1  }
0x3f1: {  	[sflag:s21] =	ssyncset.done $0x0;
	s30 =	sld [smem:$0x772];
	s5 =	sadd.s32 s7, s5  }
0x3f2: {  	s6 =	simm.s32 @!p0 $0x0;
	p0 =	seq.s32 s26, $0x1;
	s3 =	simm.s32 @!p4 $0x0  }
0x3f3: {  	[sflag:s21] =	ssyncadd.s32 $0xFFFFF000;
	s0 =	simm.s32 @!p0 $0x0;
	s4 =	sadd.s32 s6, s4  }
0x3f4: {  	p0 =	por !p6, !p5;
	_ =	swait.ge [sflag:s21], $0x1000;
	s0 =	sadd.s32 s0, s5  }
0x3f5: {  	p0 =	por !p0, !p0;
	[sflag:s21] =	ssyncset.done $0x0;
	s31 =	sld [smem:$0x771]  }
0x3f6: {  	s0 =	sadd.s32 s3, s0;
	p0 =	por !p0, !p3;
	p3 =	seq.s32 s30, $0x1  }
0x3f7: {  	[sflag:s21] =	ssyncadd.s32 $0xFFFFF000;
	s2 =	simm.s32 @!p3 $0x0;
	p0 =	por !p0, !p0  }
.Ltmp3:
0x3f8: {  	p3 =	seq.s32 s4, $0x200;
	s0 =	sadd.s32 s2, s0;
	(pc) =	sbr.rel .LBB2_4-.Ltmp3, $4  }
0x3f9: {  	_ =	swait.ge [sflag:s21], $0x1000;
	s4 =	simm.s32 @!p0 $0x0;
	s0 =	simm.s32 @!p0 $0x0  }
0x3fa: {  	[sflag:s21] =	ssyncset.done $0x0;
	p0 =	seq.s32 s31, $0x1;
	s0 =	simm.s32 @!p3 $0x0  }
0x3fb: {  	s2 =	simm.s32 $0x0;
	s1 =	sadd.s32 s4, s1;
	s0 =	simm.s32 @!p0 $0x0  }
0x3fc: {  	[sflag:s21] =	ssyncadd.s32 $0xFFFFF000;
	s10 =	sadd.s32 s0, s1;
	s0 =	simm.s32 $0x0  }
.LBB2_6:
0x3fd: {  	s2 =	sadd.s32 $0x800, s2  }
0x3fe: {  	p0 =	sne.s32 s2, $0x10000  }
.Ltmp4:
0x3ff: {  	_ = 	snop;
	(pc) =	sbr.rel @!p0 .LBB2_7-.Ltmp4, $2  }
0x400: {  	_ =	sdelay $0x2  }
0x401: {  	s0 =	sadd.s32 $0x10, s0  }
.LBB2_4:
0x402: {  	v3 =	vld [tilespmem:s0+$0x0];
	_ =	sdelay $0x4  }
0x403: {  	v3 =	vadd.s32 $0xFFFFFFD0, v3  }
0x404: {  	vm2 =	vlt.u32 v3, $0xA  }
0x405: {  	v3 =	vsel vm2, $0x1, v0  }
0x406: {  	(v2sf) =	vpush v3, $0x0;
	_ =	sdelay $0x2  }
0x407: {  	(v2sf) =	vpush v3, $0x1;
	_ =	sdelay $0x2  }
0x408: {  	(v2sf) =	vpush v3, $0x2;
	_ =	sdelay $0x2  }
0x409: {  	(v2sf) =	vpush v3, $0x3;
	_ =	sdelay $0x2  }
0x40a: {  	(v2sf) =	vpush v3, $0x4;
	_ =	sdelay $0x2  }
0x40b: {  	s1 =	sadd.s32 $0x1, s10;
	s7 =	spop (v2sf);
	(v2sf) =	vpush v3, $0x5  }
0x40c: {  	s4 =	smul.u32 s1, s7;
	_ =	sdelay $0x1  }
0x40d: {  	s3 =	spop (v2sf);
	(v2sf) =	vpush v3, $0x6;
	s1 =	sadd.s32 $0x1, s4  }
0x40e: {  	s22 =	smul.u32 s3, s1;
	_ =	sdelay $0x1  }
0x40f: {  	s30 =	spop (v2sf);
	(v2sf) =	vpush v3, $0x7;
	s1 =	sadd.s32 $0x1, s22  }
0x410: {  	s1 =	smul.u32 s30, s1;
	_ =	sdelay $0x1  }
0x411: {  	s26 =	spop (v2sf);
	(v2sf) =	vpush v3, $0x8;
	s5 =	sadd.s32 $0x1, s1  }
0x412: {  	s25 =	smul.u32 s26, s5;
	_ =	sdelay $0x1  }
0x413: {  	s28 =	spop (v2sf);
	(v2sf) =	vpush v3, $0x9;
	s5 =	sadd.s32 $0x1, s25  }
0x414: {  	s19 =	smul.u32 s28, s5;
	_ =	sdelay $0x1  }
0x415: {  	s18 =	spop (v2sf);
	(v2sf) =	vpush v3, $0xA;
	s5 =	sadd.s32 $0x1, s19  }
0x416: {  	s20 =	smul.u32 s18, s5;
	_ =	sdelay $0x1  }
0x417: {  	s24 =	spop (v2sf);
	(v2sf) =	vpush v3, $0xB;
	s5 =	sadd.s32 $0x1, s20  }
0x418: {  	s31 =	smul.u32 s24, s5;
	_ =	sdelay $0x1  }
0x419: {  	s8 =	spop (v2sf);
	(v2sf) =	vpush v3, $0xC;
	s5 =	sadd.s32 $0x1, s31  }
0x41a: {  	s21 =	smul.u32 s8, s5;
	_ =	sdelay $0x1  }
0x41b: {  	s29 =	spop (v2sf);
	(v2sf) =	vpush v3, $0xD;
	s5 =	sadd.s32 $0x1, s21  }
0x41c: {  	s5 =	smul.u32 s29, s5;
	_ =	sdelay $0x1  }
0x41d: {  	s16 =	spop (v2sf);
	(v2sf) =	vpush v3, $0xE;
	s6 =	sadd.s32 $0x1, s5  }
0x41e: {  	(v2sf) =	vpush v3, $0xF;
	s17 =	smul.u32 s16, s6;
	_ =	sdelay $0x1  }
0x41f: {  	s13 =	sor.u32 s3, s7;
	s14 =	spop (v2sf);
	s9 =	sadd.s32 $0x1, s17  }
0x420: {  	s6 =	sor.u32 s30, s13;
	s15 =	smul.u32 s14, s9  }
0x421: {  	s6 =	sor.u32 s26, s6  }
0x422: {  	s6 =	sor.u32 s28, s6;
	s12 =	spop (v2sf);
	s9 =	sadd.s32 $0x1, s15  }
0x423: {  	s6 =	sor.u32 s18, s6;
	s13 =	smul.u32 s12, s9  }
0x424: {  	s6 =	sor.u32 s24, s6  }
0x425: {  	s10 =	spop (v2sf);
	s6 =	sor.u32 s8, s6;
	s9 =	sadd.s32 $0x1, s13  }
0x426: {  	s6 =	sor.u32 s29, s6;
	s11 =	smul.u32 s10, s9  }
0x427: {  	[smem:$0x76C] =	sst s16;
	s6 =	sor.u32 s16, s6  }
0x428: {  	s23 =	spop (v2sf);
	s6 =	sor.u32 s14, s6;
	s9 =	sadd.s32 $0x1, s11  }
0x429: {  	[smem:$0x76D] =	sst s14;
	s6 =	sor.u32 s12, s6;
	s9 =	smul.u32 s23, s9  }
0x42a: {  	[smem:$0x76E] =	sst s12;
	s6 =	sor.u32 s10, s6  }
0x42b: {  	s16 =	spop (v2sf);
	s6 =	sor.u32 s23, s6;
	s14 =	sadd.s32 $0x1, s9  }
0x42c: {  	s12 =	sor.u32 s16, s6;
	s6 =	smul.u32 s16, s14;
	s14 =	spop (v2sf)  }
0x42d: {  	s12 =	sor.u32 s14, s12  }
0x42e: {  	p0 =	slt.s32 s12, $0x1  }
.Ltmp5:
0x42f: {  	_ = 	snop;
	(pc) =	sbr.rel @p0 .LBB2_6-.Ltmp5, $3  }
0x430: {  	_ =	sdelay $0x1  }
0x431: {  	s12 =	sadd.s32 $0x1, s6  }
0x432: {  	[smem:$0x76F] =	sst s10;
	s10 =	smul.u32 s14, s12  }
0x433: {  	p4 =	seq.s32 s7, $0x0  }
0x434: {  	p0 =	slt.s32 @!p4 s4, $0xFFF  }
0x435: {  	p0 =	por !p0, p4  }
0x436: {  	s4 =	simm.s32 @p0 $0xFFF  }
0x437: {  	s7 =	sshll.u32 @!p4 s4, $0xA;
	s4 =	sshll.u32 @!p4 s4, $0x7  }
0x438: {  	[smem:$0x76A] =	sst s16;
	s7 =	sand.u32 @!p4 $0xFFFFE000, s7;
	s4 =	sand.u32 @!p4 $0x380, s4  }
0x439: {  	s16 =	rddreg [dreg:$0x1];
	s4 =	sor.u32 @!p4 s4, s7  }
0x43a: {  	[smem:$0x768] =	sst s10;
	s10 =	simm.s32 @!p4 $0x400;
	s4 =	sshrl.u32 @!p4 s4, $0x3  }
0x43b: {  	s12 =	simm.s32 @!p4 $0x1B00;
	s7 =	simm.s32 @!p4 $0x80;
	s4 =	sadd.s32 @!p4 s16, s4  }
0x43c: {  	[tilespmem:s12], [sflag:$0x4] =	stream.strided.gather @!p4 [hbm4b:s4+s7], $0x400, s10, s7, $0x38;
	[tilespmem:$0x1F10] =	vst v63  }
0x43d: {  	p3 =	seq.s32 s3, $0x0;
	s4 =	simm.s32 @!p4 $0x4  }
0x43e: {  	p0 =	slt.s32 @!p3 s22, $0xFFF;
	_ =	swait.ge @!p4 [sflag:s4], $0x400  }
0x43f: {  	p0 =	por !p0, p3;
	[smem:$0x769] =	sst s23  }
0x440: {  	s22 =	simm.s32 @p0 $0xFFF;
	[sflag:s4] =	ssyncset.done @!p4 $0x0;
	s23 =	rddreg [dreg:$0x15]  }
0x441: {  	[smem:$0x76B] =	sst s14;
	[sflag:s4] =	ssyncadd.s32 @!p4 $0xFFFFFC00;
	s14 =	sadd.s32 @!p4 s2, s23  }
0x442: {  	[hbm4b:s14+s7] =	stream.strided.scatter @!p4 [tilespmem:s12], [sflag:$0x4], $0x400, s10, s7, $0x38;
	[tilespmem:$0x1F10] =	vst v63  }
0x443: {  	s3 =	sshll.u32 @!p3 s22, $0xA;
	s7 =	sshll.u32 @!p3 s22, $0x7  }
0x444: {  	s3 =	sand.u32 @!p3 $0xFFFFE000, s3;
	s7 =	sand.u32 @!p3 $0x380, s7  }
0x445: {  	s10 =	simm.s32 @!p3 $0x1B00;
	_ =	swait.ge @!p4 [sflag:s4], $0x400;
	s3 =	sor.u32 @!p3 s7, s3  }
0x446: {  	[sflag:s4] =	ssyncset.done @!p4 $0x0;
	s7 =	simm.s32 @!p3 $0x400;
	s3 =	sshrl.u32 @!p3 s3, $0x3  }
0x447: {  	[sflag:s4] =	ssyncadd.s32 @!p4 $0xFFFFFC00;
	s4 =	simm.s32 @!p3 $0x80;
	s3 =	sadd.s32 @!p3 s16, s3  }
0x448: {  	[tilespmem:s10], [sflag:$0x4] =	stream.strided.gather @!p3 [hbm4b:s3+s4], $0x400, s7, s4, $0x38;
	[tilespmem:$0x1F10] =	vst v63  }
0x449: {  	p4 =	seq.s32 s30, $0x0;
	s3 =	simm.s32 @!p3 $0x4  }
0x44a: {  	p0 =	slt.s32 @!p4 s1, $0xFFF;
	_ =	swait.ge @!p3 [sflag:s3], $0x400  }
0x44b: {  	s12 =	sadd.s32 @!p3 s2, s23;
	p0 =	por !p0, p4;
	[sflag:s3] =	ssyncset.done @!p3 $0x0  }
0x44c: {  	s12 =	sadd.s32 @!p3 $0x10, s12;
	s1 =	simm.s32 @p0 $0xFFF;
	[sflag:s3] =	ssyncadd.s32 @!p3 $0xFFFFFC00  }
0x44d: {  	[hbm4b:s12+s4] =	stream.strided.scatter @!p3 [tilespmem:s10], [sflag:$0x4], $0x400, s7, s4, $0x38;
	[tilespmem:$0x1F10] =	vst v63  }
0x44e: {  	s4 =	sshll.u32 @!p4 s1, $0xA;
	s1 =	sshll.u32 @!p4 s1, $0x7  }
0x44f: {  	s4 =	sand.u32 @!p4 $0xFFFFE000, s4;
	s1 =	sand.u32 @!p4 $0x380, s1  }
0x450: {  	s7 =	simm.s32 @!p4 $0x1B00;
	_ =	swait.ge @!p3 [sflag:s3], $0x400;
	s1 =	sor.u32 @!p4 s1, s4  }
0x451: {  	[sflag:s3] =	ssyncset.done @!p3 $0x0;
	s4 =	simm.s32 @!p4 $0x400;
	s1 =	sshrl.u32 @!p4 s1, $0x3  }
0x452: {  	[sflag:s3] =	ssyncadd.s32 @!p3 $0xFFFFFC00;
	s3 =	simm.s32 @!p4 $0x80;
	s1 =	sadd.s32 @!p4 s16, s1  }
0x453: {  	[tilespmem:s7], [sflag:$0x4] =	stream.strided.gather @!p4 [hbm4b:s1+s3], $0x400, s4, s3, $0x38;
	[tilespmem:$0x1F10] =	vst v63  }
0x454: {  	p3 =	seq.s32 s26, $0x0;
	s1 =	simm.s32 @!p4 $0x4  }
0x455: {  	p0 =	slt.s32 @!p3 s25, $0xFFF;
	_ =	swait.ge @!p4 [sflag:s1], $0x400  }
0x456: {  	s10 =	sadd.s32 @!p4 s2, s23;
	p0 =	por !p0, p3;
	[sflag:s1] =	ssyncset.done @!p4 $0x0  }
0x457: {  	s10 =	sadd.s32 @!p4 $0x20, s10;
	s25 =	simm.s32 @p0 $0xFFF;
	[sflag:s1] =	ssyncadd.s32 @!p4 $0xFFFFFC00  }
0x458: {  	[hbm4b:s10+s3] =	stream.strided.scatter @!p4 [tilespmem:s7], [sflag:$0x4], $0x400, s4, s3, $0x38;
	[tilespmem:$0x1F10] =	vst v63  }
0x459: {  	s3 =	sshll.u32 @!p3 s25, $0xA;
	s4 =	sshll.u32 @!p3 s25, $0x7  }
0x45a: {  	s3 =	sand.u32 @!p3 $0xFFFFE000, s3;
	s4 =	sand.u32 @!p3 $0x380, s4  }
0x45b: {  	s7 =	simm.s32 @!p3 $0x1B00;
	_ =	swait.ge @!p4 [sflag:s1], $0x400;
	s3 =	sor.u32 @!p3 s4, s3  }
0x45c: {  	[sflag:s1] =	ssyncset.done @!p4 $0x0;
	s4 =	simm.s32 @!p3 $0x400;
	s3 =	sshrl.u32 @!p3 s3, $0x3  }
0x45d: {  	[sflag:s1] =	ssyncadd.s32 @!p4 $0xFFFFFC00;
	s1 =	sadd.s32 @!p3 s16, s3;
	s3 =	simm.s32 @!p3 $0x80  }
0x45e: {  	[tilespmem:s7], [sflag:$0x4] =	stream.strided.gather @!p3 [hbm4b:s1+s3], $0x400, s4, s3, $0x38;
	[tilespmem:$0x1F10] =	vst v63  }
0x45f: {  	p4 =	seq.s32 s28, $0x0;
	s1 =	simm.s32 @!p3 $0x4  }
0x460: {  	p0 =	slt.s32 @!p4 s19, $0xFFF;
	_ =	swait.ge @!p3 [sflag:s1], $0x400  }
0x461: {  	s10 =	sadd.s32 @!p3 s2, s23;
	p0 =	por !p0, p4;
	[sflag:s1] =	ssyncset.done @!p3 $0x0  }
0x462: {  	s10 =	sadd.s32 @!p3 $0x30, s10;
	s19 =	simm.s32 @p0 $0xFFF;
	[sflag:s1] =	ssyncadd.s32 @!p3 $0xFFFFFC00  }
0x463: {  	[hbm4b:s10+s3] =	stream.strided.scatter @!p3 [tilespmem:s7], [sflag:$0x4], $0x400, s4, s3, $0x38;
	[tilespmem:$0x1F10] =	vst v63  }
0x464: {  	s3 =	sshll.u32 @!p4 s19, $0xA;
	s4 =	sshll.u32 @!p4 s19, $0x7  }
0x465: {  	s3 =	sand.u32 @!p4 $0xFFFFE000, s3;
	s4 =	sand.u32 @!p4 $0x380, s4  }
0x466: {  	s7 =	simm.s32 @!p4 $0x1B00;
	_ =	swait.ge @!p3 [sflag:s1], $0x400;
	s3 =	sor.u32 @!p4 s4, s3  }
0x467: {  	[sflag:s1] =	ssyncset.done @!p3 $0x0;
	s4 =	simm.s32 @!p4 $0x400;
	s3 =	sshrl.u32 @!p4 s3, $0x3  }
0x468: {  	[sflag:s1] =	ssyncadd.s32 @!p3 $0xFFFFFC00;
	s1 =	sadd.s32 @!p4 s16, s3;
	s3 =	simm.s32 @!p4 $0x80  }
0x469: {  	[tilespmem:s7], [sflag:$0x4] =	stream.strided.gather @!p4 [hbm4b:s1+s3], $0x400, s4, s3, $0x38;
	[tilespmem:$0x1F10] =	vst v63  }
0x46a: {  	p3 =	seq.s32 s18, $0x0;
	s1 =	simm.s32 @!p4 $0x4  }
0x46b: {  	p0 =	slt.s32 @!p3 s20, $0xFFF;
	_ =	swait.ge @!p4 [sflag:s1], $0x400  }
0x46c: {  	s10 =	sadd.s32 @!p4 s2, s23;
	p0 =	por !p0, p3;
	[sflag:s1] =	ssyncset.done @!p4 $0x0  }
0x46d: {  	s10 =	sadd.s32 @!p4 $0x40, s10;
	s20 =	simm.s32 @p0 $0xFFF;
	[sflag:s1] =	ssyncadd.s32 @!p4 $0xFFFFFC00  }
0x46e: {  	[hbm4b:s10+s3] =	stream.strided.scatter @!p4 [tilespmem:s7], [sflag:$0x4], $0x400, s4, s3, $0x38;
	[tilespmem:$0x1F10] =	vst v63  }
0x46f: {  	s3 =	sshll.u32 @!p3 s20, $0xA;
	s4 =	sshll.u32 @!p3 s20, $0x7  }
0x470: {  	s3 =	sand.u32 @!p3 $0xFFFFE000, s3;
	s4 =	sand.u32 @!p3 $0x380, s4  }
0x471: {  	s7 =	simm.s32 @!p3 $0x1B00;
	_ =	swait.ge @!p4 [sflag:s1], $0x400;
	s3 =	sor.u32 @!p3 s4, s3  }
0x472: {  	[sflag:s1] =	ssyncset.done @!p4 $0x0;
	s4 =	simm.s32 @!p3 $0x400;
	s3 =	sshrl.u32 @!p3 s3, $0x3  }
0x473: {  	[sflag:s1] =	ssyncadd.s32 @!p4 $0xFFFFFC00;
	s1 =	sadd.s32 @!p3 s16, s3;
	s3 =	simm.s32 @!p3 $0x80  }
0x474: {  	[tilespmem:s7], [sflag:$0x4] =	stream.strided.gather @!p3 [hbm4b:s1+s3], $0x400, s4, s3, $0x38;
	[tilespmem:$0x1F10] =	vst v63  }
0x475: {  	p4 =	seq.s32 s24, $0x0;
	s1 =	simm.s32 @!p3 $0x4  }
0x476: {  	p0 =	slt.s32 @!p4 s31, $0xFFF;
	_ =	swait.ge @!p3 [sflag:s1], $0x400  }
0x477: {  	s10 =	sadd.s32 @!p3 s2, s23;
	p0 =	por !p0, p4;
	[sflag:s1] =	ssyncset.done @!p3 $0x0  }
0x478: {  	s10 =	sadd.s32 @!p3 $0x50, s10;
	s31 =	simm.s32 @p0 $0xFFF;
	[sflag:s1] =	ssyncadd.s32 @!p3 $0xFFFFFC00  }
0x479: {  	[hbm4b:s10+s3] =	stream.strided.scatter @!p3 [tilespmem:s7], [sflag:$0x4], $0x400, s4, s3, $0x38;
	[tilespmem:$0x1F10] =	vst v63  }
0x47a: {  	s3 =	sshll.u32 @!p4 s31, $0xA;
	s4 =	sshll.u32 @!p4 s31, $0x7  }
0x47b: {  	s3 =	sand.u32 @!p4 $0xFFFFE000, s3;
	s4 =	sand.u32 @!p4 $0x380, s4  }
0x47c: {  	s7 =	simm.s32 @!p4 $0x1B00;
	_ =	swait.ge @!p3 [sflag:s1], $0x400;
	s3 =	sor.u32 @!p4 s4, s3  }
0x47d: {  	[sflag:s1] =	ssyncset.done @!p3 $0x0;
	s4 =	simm.s32 @!p4 $0x400;
	s3 =	sshrl.u32 @!p4 s3, $0x3  }
0x47e: {  	[sflag:s1] =	ssyncadd.s32 @!p3 $0xFFFFFC00;
	s1 =	sadd.s32 @!p4 s16, s3;
	s3 =	simm.s32 @!p4 $0x80  }
0x47f: {  	[tilespmem:s7], [sflag:$0x4] =	stream.strided.gather @!p4 [hbm4b:s1+s3], $0x400, s4, s3, $0x38;
	[tilespmem:$0x1F10] =	vst v63  }
0x480: {  	p3 =	seq.s32 s8, $0x0;
	s1 =	simm.s32 @!p4 $0x4  }
0x481: {  	p0 =	slt.s32 @!p3 s21, $0xFFF;
	_ =	swait.ge @!p4 [sflag:s1], $0x400  }
0x482: {  	s10 =	sadd.s32 @!p4 s2, s23;
	p0 =	por !p0, p3;
	[sflag:s1] =	ssyncset.done @!p4 $0x0  }
0x483: {  	s10 =	sadd.s32 @!p4 $0x60, s10;
	s21 =	simm.s32 @p0 $0xFFF;
	[sflag:s1] =	ssyncadd.s32 @!p4 $0xFFFFFC00  }
0x484: {  	[hbm4b:s10+s3] =	stream.strided.scatter @!p4 [tilespmem:s7], [sflag:$0x4], $0x400, s4, s3, $0x38;
	[tilespmem:$0x1F10] =	vst v63  }
0x485: {  	s3 =	sshll.u32 @!p3 s21, $0xA;
	s4 =	sshll.u32 @!p3 s21, $0x7  }
0x486: {  	s10 =	sld [smem:$0x768];
	s3 =	sand.u32 @!p3 $0xFFFFE000, s3;
	s4 =	sand.u32 @!p3 $0x380, s4  }
0x487: {  	s7 =	simm.s32 @!p3 $0x1B00;
	_ =	swait.ge @!p4 [sflag:s1], $0x400;
	s3 =	sor.u32 @!p3 s4, s3  }
0x488: {  	[sflag:s1] =	ssyncset.done @!p4 $0x0;
	s4 =	simm.s32 @!p3 $0x400;
	s3 =	sshrl.u32 @!p3 s3, $0x3  }
0x489: {  	[sflag:s1] =	ssyncadd.s32 @!p4 $0xFFFFFC00;
	s1 =	sadd.s32 @!p3 s16, s3;
	s3 =	simm.s32 @!p3 $0x80  }
0x48a: {  	[tilespmem:s7], [sflag:$0x4] =	stream.strided.gather @!p3 [hbm4b:s1+s3], $0x400, s4, s3, $0x38;
	[tilespmem:$0x1F10] =	vst v63  }
0x48b: {  	p4 =	seq.s32 s29, $0x0;
	s1 =	simm.s32 @!p3 $0x4  }
0x48c: {  	p0 =	slt.s32 @!p4 s5, $0xFFF;
	_ =	swait.ge @!p3 [sflag:s1], $0x400  }
0x48d: {  	s8 =	sadd.s32 @!p3 s2, s23;
	p0 =	por !p0, p4;
	[sflag:s1] =	ssyncset.done @!p3 $0x0  }
0x48e: {  	s8 =	sadd.s32 @!p3 $0x70, s8;
	s5 =	simm.s32 @p0 $0xFFF;
	[sflag:s1] =	ssyncadd.s32 @!p3 $0xFFFFFC00  }
0x48f: {  	[hbm4b:s8+s3] =	stream.strided.scatter @!p3 [tilespmem:s7], [sflag:$0x4], $0x400, s4, s3, $0x38;
	[tilespmem:$0x1F10] =	vst v63  }
0x490: {  	s3 =	sshll.u32 @!p4 s5, $0xA;
	s4 =	sshll.u32 @!p4 s5, $0x7  }
0x491: {  	s3 =	sand.u32 @!p4 $0xFFFFE000, s3;
	s4 =	sand.u32 @!p4 $0x380, s4  }
0x492: {  	s5 =	simm.s32 @!p4 $0x1B00;
	_ =	swait.ge @!p3 [sflag:s1], $0x400;
	s3 =	sor.u32 @!p4 s4, s3  }
0x493: {  	[sflag:s1] =	ssyncset.done @!p3 $0x0;
	s4 =	simm.s32 @!p4 $0x400;
	s3 =	sshrl.u32 @!p4 s3, $0x3  }
0x494: {  	[sflag:s1] =	ssyncadd.s32 @!p3 $0xFFFFFC00;
	s1 =	sadd.s32 @!p4 s16, s3;
	s3 =	simm.s32 @!p4 $0x80  }
0x495: {  	[tilespmem:s5], [sflag:$0x4] =	stream.strided.gather @!p4 [hbm4b:s1+s3], $0x400, s4, s3, $0x38;
	[tilespmem:$0x1F10] =	vst v63  }
0x496: {  	s1 =	simm.s32 @!p4 $0x4  }
0x497: {  	_ =	swait.ge @!p4 [sflag:s1], $0x400  }
0x498: {  	s7 =	sadd.s32 @!p4 s2, s23;
	[sflag:s1] =	ssyncset.done @!p4 $0x0;
	s24 =	sld [smem:$0x76C]  }
0x499: {  	s7 =	sadd.s32 @!p4 $0x400, s7;
	[sflag:s1] =	ssyncadd.s32 @!p4 $0xFFFFFC00  }
0x49a: {  	[hbm4b:s7+s3] =	stream.strided.scatter @!p4 [tilespmem:s5], [sflag:$0x4], $0x400, s4, s3, $0x38;
	[tilespmem:$0x1F10] =	vst v63  }
0x49b: {  	p3 =	seq.s32 s24, $0x0  }
0x49c: {  	p0 =	slt.s32 @!p3 s17, $0xFFF  }
0x49d: {  	p0 =	por !p0, p3  }
0x49e: {  	s17 =	simm.s32 @p0 $0xFFF  }
0x49f: {  	s3 =	sshll.u32 @!p3 s17, $0xA;
	s4 =	sshll.u32 @!p3 s17, $0x7  }
0x4a0: {  	_ =	swait.ge @!p4 [sflag:s1], $0x400;
	s3 =	sand.u32 @!p3 $0xFFFFE000, s3;
	s4 =	sand.u32 @!p3 $0x380, s4  }
0x4a1: {  	[sflag:s1] =	ssyncset.done @!p4 $0x0;
	s3 =	sor.u32 @!p3 s4, s3  }
0x4a2: {  	s5 =	simm.s32 @!p3 $0x1B00;
	[sflag:s1] =	ssyncadd.s32 @!p4 $0xFFFFFC00;
	s3 =	sshrl.u32 @!p3 s3, $0x3  }
0x4a3: {  	s4 =	simm.s32 @!p3 $0x400;
	s1 =	sadd.s32 @!p3 s16, s3;
	s3 =	simm.s32 @!p3 $0x80  }
0x4a4: {  	[tilespmem:s5], [sflag:$0x4] =	stream.strided.gather @!p3 [hbm4b:s1+s3], $0x400, s4, s3, $0x38;
	[tilespmem:$0x1F10] =	vst v63  }
0x4a5: {  	s1 =	simm.s32 @!p3 $0x4  }
0x4a6: {  	_ =	swait.ge @!p3 [sflag:s1], $0x400  }
0x4a7: {  	s7 =	sadd.s32 @!p3 s2, s23;
	[sflag:s1] =	ssyncset.done @!p3 $0x0;
	s25 =	sld [smem:$0x76D]  }
0x4a8: {  	s7 =	sadd.s32 @!p3 $0x410, s7;
	[sflag:s1] =	ssyncadd.s32 @!p3 $0xFFFFFC00  }
0x4a9: {  	[hbm4b:s7+s3] =	stream.strided.scatter @!p3 [tilespmem:s5], [sflag:$0x4], $0x400, s4, s3, $0x38;
	[tilespmem:$0x1F10] =	vst v63  }
0x4aa: {  	p4 =	seq.s32 s25, $0x0  }
0x4ab: {  	p0 =	slt.s32 @!p4 s15, $0xFFF  }
0x4ac: {  	p0 =	por !p0, p4  }
0x4ad: {  	s15 =	simm.s32 @p0 $0xFFF  }
0x4ae: {  	s3 =	sshll.u32 @!p4 s15, $0xA;
	s4 =	sshll.u32 @!p4 s15, $0x7  }
0x4af: {  	_ =	swait.ge @!p3 [sflag:s1], $0x400;
	s3 =	sand.u32 @!p4 $0xFFFFE000, s3;
	s4 =	sand.u32 @!p4 $0x380, s4  }
0x4b0: {  	[sflag:s1] =	ssyncset.done @!p3 $0x0;
	s3 =	sor.u32 @!p4 s4, s3  }
0x4b1: {  	s5 =	simm.s32 @!p4 $0x1B00;
	[sflag:s1] =	ssyncadd.s32 @!p3 $0xFFFFFC00;
	s3 =	sshrl.u32 @!p4 s3, $0x3  }
0x4b2: {  	s4 =	simm.s32 @!p4 $0x400;
	s1 =	sadd.s32 @!p4 s16, s3;
	s3 =	simm.s32 @!p4 $0x80  }
0x4b3: {  	[tilespmem:s5], [sflag:$0x4] =	stream.strided.gather @!p4 [hbm4b:s1+s3], $0x400, s4, s3, $0x38;
	[tilespmem:$0x1F10] =	vst v63  }
0x4b4: {  	s1 =	simm.s32 @!p4 $0x4  }
0x4b5: {  	_ =	swait.ge @!p4 [sflag:s1], $0x400  }
0x4b6: {  	s7 =	sadd.s32 @!p4 s2, s23;
	[sflag:s1] =	ssyncset.done @!p4 $0x0;
	s26 =	sld [smem:$0x76E]  }
0x4b7: {  	s7 =	sadd.s32 @!p4 $0x420, s7;
	[sflag:s1] =	ssyncadd.s32 @!p4 $0xFFFFFC00  }
0x4b8: {  	[hbm4b:s7+s3] =	stream.strided.scatter @!p4 [tilespmem:s5], [sflag:$0x4], $0x400, s4, s3, $0x38;
	[tilespmem:$0x1F10] =	vst v63  }
0x4b9: {  	p3 =	seq.s32 s26, $0x0  }
0x4ba: {  	p0 =	slt.s32 @!p3 s13, $0xFFF  }
0x4bb: {  	p0 =	por !p0, p3  }
0x4bc: {  	s13 =	simm.s32 @p0 $0xFFF  }
0x4bd: {  	s3 =	sshll.u32 @!p3 s13, $0xA;
	s4 =	sshll.u32 @!p3 s13, $0x7  }
0x4be: {  	_ =	swait.ge @!p4 [sflag:s1], $0x400;
	s3 =	sand.u32 @!p3 $0xFFFFE000, s3;
	s4 =	sand.u32 @!p3 $0x380, s4  }
0x4bf: {  	[sflag:s1] =	ssyncset.done @!p4 $0x0;
	s3 =	sor.u32 @!p3 s4, s3  }
0x4c0: {  	s5 =	simm.s32 @!p3 $0x1B00;
	[sflag:s1] =	ssyncadd.s32 @!p4 $0xFFFFFC00;
	s3 =	sshrl.u32 @!p3 s3, $0x3  }
0x4c1: {  	s4 =	simm.s32 @!p3 $0x400;
	s1 =	sadd.s32 @!p3 s16, s3;
	s3 =	simm.s32 @!p3 $0x80  }
0x4c2: {  	[tilespmem:s5], [sflag:$0x4] =	stream.strided.gather @!p3 [hbm4b:s1+s3], $0x400, s4, s3, $0x38;
	[tilespmem:$0x1F10] =	vst v63  }
0x4c3: {  	s1 =	simm.s32 @!p3 $0x4  }
0x4c4: {  	_ =	swait.ge @!p3 [sflag:s1], $0x400  }
0x4c5: {  	s7 =	sadd.s32 @!p3 s2, s23;
	[sflag:s1] =	ssyncset.done @!p3 $0x0;
	s28 =	sld [smem:$0x76F]  }
0x4c6: {  	s7 =	sadd.s32 @!p3 $0x430, s7;
	[sflag:s1] =	ssyncadd.s32 @!p3 $0xFFFFFC00  }
0x4c7: {  	[hbm4b:s7+s3] =	stream.strided.scatter @!p3 [tilespmem:s5], [sflag:$0x4], $0x400, s4, s3, $0x38;
	[tilespmem:$0x1F10] =	vst v63  }
0x4c8: {  	p4 =	seq.s32 s28, $0x0  }
0x4c9: {  	p0 =	slt.s32 @!p4 s11, $0xFFF  }
0x4ca: {  	p0 =	por !p0, p4  }
0x4cb: {  	s11 =	simm.s32 @p0 $0xFFF  }
0x4cc: {  	s3 =	sshll.u32 @!p4 s11, $0xA;
	s4 =	sshll.u32 @!p4 s11, $0x7  }
0x4cd: {  	_ =	swait.ge @!p3 [sflag:s1], $0x400;
	s3 =	sand.u32 @!p4 $0xFFFFE000, s3;
	s4 =	sand.u32 @!p4 $0x380, s4  }
0x4ce: {  	[sflag:s1] =	ssyncset.done @!p3 $0x0;
	s3 =	sor.u32 @!p4 s4, s3  }
0x4cf: {  	s5 =	simm.s32 @!p4 $0x1B00;
	[sflag:s1] =	ssyncadd.s32 @!p3 $0xFFFFFC00;
	s3 =	sshrl.u32 @!p4 s3, $0x3  }
0x4d0: {  	s4 =	simm.s32 @!p4 $0x400;
	s1 =	sadd.s32 @!p4 s16, s3;
	s3 =	simm.s32 @!p4 $0x80  }
0x4d1: {  	[tilespmem:s5], [sflag:$0x4] =	stream.strided.gather @!p4 [hbm4b:s1+s3], $0x400, s4, s3, $0x38;
	[tilespmem:$0x1F10] =	vst v63  }
0x4d2: {  	s1 =	simm.s32 @!p4 $0x4  }
0x4d3: {  	_ =	swait.ge @!p4 [sflag:s1], $0x400  }
0x4d4: {  	s7 =	sadd.s32 @!p4 s2, s23;
	[sflag:s1] =	ssyncset.done @!p4 $0x0;
	s29 =	sld [smem:$0x769]  }
0x4d5: {  	s7 =	sadd.s32 @!p4 $0x440, s7;
	[sflag:s1] =	ssyncadd.s32 @!p4 $0xFFFFFC00  }
0x4d6: {  	[hbm4b:s7+s3] =	stream.strided.scatter @!p4 [tilespmem:s5], [sflag:$0x4], $0x400, s4, s3, $0x38;
	[tilespmem:$0x1F10] =	vst v63  }
0x4d7: {  	p5 =	seq.s32 s29, $0x0  }
0x4d8: {  	p0 =	slt.s32 @!p5 s9, $0xFFF  }
0x4d9: {  	p0 =	por !p0, p5  }
0x4da: {  	s9 =	simm.s32 @p0 $0xFFF  }
0x4db: {  	s3 =	sshll.u32 @!p5 s9, $0xA;
	s4 =	sshll.u32 @!p5 s9, $0x7  }
0x4dc: {  	_ =	swait.ge @!p4 [sflag:s1], $0x400;
	s3 =	sand.u32 @!p5 $0xFFFFE000, s3;
	s4 =	sand.u32 @!p5 $0x380, s4  }
0x4dd: {  	[sflag:s1] =	ssyncset.done @!p4 $0x0;
	s3 =	sor.u32 @!p5 s4, s3  }
0x4de: {  	s5 =	simm.s32 @!p5 $0x1B00;
	[sflag:s1] =	ssyncadd.s32 @!p4 $0xFFFFFC00;
	s3 =	sshrl.u32 @!p5 s3, $0x3  }
0x4df: {  	s4 =	simm.s32 @!p5 $0x400;
	s1 =	sadd.s32 @!p5 s16, s3;
	s3 =	simm.s32 @!p5 $0x80  }
0x4e0: {  	[tilespmem:s5], [sflag:$0x4] =	stream.strided.gather @!p5 [hbm4b:s1+s3], $0x400, s4, s3, $0x38;
	[tilespmem:$0x1F10] =	vst v63  }
0x4e1: {  	s1 =	simm.s32 @!p5 $0x4  }
0x4e2: {  	_ =	swait.ge @!p5 [sflag:s1], $0x400  }
0x4e3: {  	s7 =	sadd.s32 @!p5 s2, s23;
	[sflag:s1] =	ssyncset.done @!p5 $0x0;
	s30 =	sld [smem:$0x76A]  }
0x4e4: {  	s7 =	sadd.s32 @!p5 $0x450, s7;
	[sflag:s1] =	ssyncadd.s32 @!p5 $0xFFFFFC00  }
0x4e5: {  	[hbm4b:s7+s3] =	stream.strided.scatter @!p5 [tilespmem:s5], [sflag:$0x4], $0x400, s4, s3, $0x38;
	[tilespmem:$0x1F10] =	vst v63  }
0x4e6: {  	p3 =	seq.s32 s30, $0x0  }
0x4e7: {  	p0 =	slt.s32 @!p3 s6, $0xFFF  }
0x4e8: {  	p0 =	por !p0, p3  }
0x4e9: {  	s6 =	simm.s32 @p0 $0xFFF  }
0x4ea: {  	s3 =	sshll.u32 @!p3 s6, $0xA;
	s4 =	sshll.u32 @!p3 s6, $0x7  }
0x4eb: {  	_ =	swait.ge @!p5 [sflag:s1], $0x400;
	s3 =	sand.u32 @!p3 $0xFFFFE000, s3;
	s4 =	sand.u32 @!p3 $0x380, s4  }
0x4ec: {  	[sflag:s1] =	ssyncset.done @!p5 $0x0;
	s3 =	sor.u32 @!p3 s4, s3  }
0x4ed: {  	s5 =	simm.s32 @!p3 $0x1B00;
	[sflag:s1] =	ssyncadd.s32 @!p5 $0xFFFFFC00;
	s3 =	sshrl.u32 @!p3 s3, $0x3  }
0x4ee: {  	s4 =	simm.s32 @!p3 $0x400;
	s1 =	sadd.s32 @!p3 s16, s3;
	s3 =	simm.s32 @!p3 $0x80  }
0x4ef: {  	[tilespmem:s5], [sflag:$0x4] =	stream.strided.gather @!p3 [hbm4b:s1+s3], $0x400, s4, s3, $0x38;
	[tilespmem:$0x1F10] =	vst v63  }
0x4f0: {  	s1 =	simm.s32 @!p3 $0x4  }
0x4f1: {  	_ =	swait.ge @!p3 [sflag:s1], $0x400  }
0x4f2: {  	s6 =	sadd.s32 @!p3 s2, s23;
	[sflag:s1] =	ssyncset.done @!p3 $0x0;
	s31 =	sld [smem:$0x76B]  }
0x4f3: {  	s6 =	sadd.s32 @!p3 $0x460, s6;
	[sflag:s1] =	ssyncadd.s32 @!p3 $0xFFFFFC00  }
0x4f4: {  	[hbm4b:s6+s3] =	stream.strided.scatter @!p3 [tilespmem:s5], [sflag:$0x4], $0x400, s4, s3, $0x38;
	[tilespmem:$0x1F10] =	vst v63  }
0x4f5: {  	p4 =	seq.s32 s31, $0x0  }
0x4f6: {  	p0 =	slt.s32 @!p4 s10, $0xFFF  }
0x4f7: {  	s3 =	smov.u32 s10;
	p0 =	por !p0, p4  }
0x4f8: {  	s3 =	simm.s32 @p0 $0xFFF  }
0x4f9: {  	s4 =	sshll.u32 @!p4 s3, $0xA;
	s3 =	sshll.u32 @!p4 s3, $0x7  }
0x4fa: {  	_ =	swait.ge @!p3 [sflag:s1], $0x400;
	s4 =	sand.u32 @!p4 $0xFFFFE000, s4;
	s3 =	sand.u32 @!p4 $0x380, s3  }
0x4fb: {  	[sflag:s1] =	ssyncset.done @!p3 $0x0;
	s3 =	sor.u32 @!p4 s3, s4  }
0x4fc: {  	s5 =	simm.s32 @!p4 $0x1B00;
	[sflag:s1] =	ssyncadd.s32 @!p3 $0xFFFFFC00;
	s3 =	sshrl.u32 @!p4 s3, $0x3  }
0x4fd: {  	s4 =	simm.s32 @!p4 $0x400;
	s1 =	sadd.s32 @!p4 s16, s3;
	s3 =	simm.s32 @!p4 $0x80  }
0x4fe: {  	[tilespmem:s5], [sflag:$0x4] =	stream.strided.gather @!p4 [hbm4b:s1+s3], $0x400, s4, s3, $0x38;
	[tilespmem:$0x1F10] =	vst v63  }
0x4ff: {  	s1 =	simm.s32 @!p4 $0x4  }
0x500: {  	_ =	swait.ge @!p4 [sflag:s1], $0x400  }
0x501: {  	s6 =	sadd.s32 @!p4 s2, s23;
	[sflag:s1] =	ssyncset.done @!p4 $0x0  }
0x502: {  	[sflag:s1] =	ssyncadd.s32 @!p4 $0xFFFFFC00;
	s1 =	sadd.s32 @!p4 $0x470, s6  }
0x503: {  	[hbm4b:s1+s3] =	stream.strided.scatter @!p4 [tilespmem:s5], [sflag:$0x3], $0x400, s4, s3, $0x38;
	[tilespmem:$0x1F10] =	vst v63  }
.Ltmp6:
0x504: {  	_ = 	snop;
	(pc) =	sbr.rel .LBB2_6-.Ltmp6, $4  }
0x505: {  	s1 =	simm.s32 @!p4 $0x3  }
0x506: {  	_ =	swait.ge @!p4 [sflag:s1], $0x400  }
0x507: {  	[sflag:s1] =	ssyncset.done @!p4 $0x0  }
0x508: {  	[sflag:s1] =	ssyncadd.s32 @!p4 $0xFFFFFC00  }
.LBB2_8:
0x509: {  	_ =	sfence.sel $0x180000  }
0x50a: {  	[bflag:$0x0] =	sbarrier.arrive $0xFFFF  }
0x50b: {  	_ =	strace $0x90000047  }
0x50c: {  	s0 =	stileid.u32;
	[bflag:$0x2] =	sbarrier.arrive $0xFFFF  }
0x50d: {  	p0 =	sne.s32 s0, $0x0;
	s0 =	rddreg [dreg:$0x4]  }
0x50e: {  	s0 =	sadd.s32 @!p0 $0x100000, s0  }
0x50f: {  	[sflag:s0] =	ssyncadd.tile.s32 @!p0 $0x1;
	_ =	shalt  }
.Lfunc_end2:
_tile_overlayer_lowered:
.L_overlay_start_2:
0x510: {  	(tag) =	ssettag $0x2  }
0x511: {  	s0 =	rddreg [dreg:$0x0];
	s2 =	stileid.u32  }
0x512: {  	s1 =	rddreg [dreg:$0x1];
	p0 =	sne.s32 s2, $0x0  }
0x513: {  	s3 =	rddreg [dreg:$0x2];
	[bflag:$0x3] =	sbarrier.arrive $0xFFFF;
	s2 =	simm.s32 @!p0 $0x1C03  }
0x514: {  	[timem:s3], [sflag:s2] =	dma.local @!p0 [hbm:s0], s1  }
0x515: {  	s0 =	simm.s32 @!p0 $0x3  }
0x516: {  	_ =	swait.ge @!p0 [sflag:s0], s1  }
0x517: {  	s1 =	ssub.s32 @!p0 $0x0, s1;
	[sflag:s0] =	ssyncset.done @!p0 $0x0  }
0x518: {  	[sflag:s0] =	ssyncadd.s32 @!p0 s1  }
0x519: {  	[bflag:$0x3] =	sbarrier.arrive $0xFFFF  }
0x51a: {  	_ =	shalt  }

</sc_bundles>
